<compile_context>
chip_gen: v7x
topology: tpu7x:2x2x1
jax: 0.10.2.dev20260603
libtpu: 0.0.44.dev20260713+nightly
codegen_flags: <defaults>
</compile_context>

<pallas_src>
import functools

import jax
import jax.numpy as jnp
from jax import lax
from jax.experimental import pallas as pl
from jax.experimental.pallas import tpu as pltpu
from jax.experimental.pallas import tpu_sc as plsc

DIM = 2048
HID = 2816
E = 8
K = 2
T = 4096

BLK = 512
P = 12288
NB = P // BLK
BH = 256
NH = HID // BH

NC = 2
NS = 16
NW = NC * NS
RPW = P // NW
CHG = 24
GBUF = 2
GLOOK = 1
TPW = T // NW
CH2 = 8

@functools.cache
def _sc_mesh():
    return plsc.VectorSubcoreMesh(
        core_axis_name="c", subcore_axis_name="s", num_cores=NC, num_subcores=NS
    )


def _router_body(x_ref, rw_ref, w_ref, i_ref):
    logits = jnp.dot(x_ref[...], rw_ref[...], preferred_element_type=jnp.float32)
    lane = lax.broadcasted_iota(jnp.int32, logits.shape, 1)
    logits = jnp.where(lane < E, logits, jnp.float32(-1e30))
    m = logits - jnp.max(logits, axis=1, keepdims=True)
    ex = jnp.exp(m)
    sm = ex / jnp.sum(ex, axis=1, keepdims=True)
    m1 = jnp.max(sm, axis=1, keepdims=True)
    i1 = jnp.min(jnp.where(sm == m1, lane, E), axis=1, keepdims=True)
    sm2 = jnp.where(lane == i1, jnp.float32(-1.0), sm)
    m2 = jnp.max(sm2, axis=1, keepdims=True)
    i2 = jnp.min(jnp.where(sm2 == m2, lane, E), axis=1, keepdims=True)
    zf = jnp.zeros_like(sm)
    w_ref[...] = jnp.where(lane == 0, m1, jnp.where(lane == 1, m2, zf))
    zi = jnp.zeros_like(lane)
    i_ref[...] = jnp.where(lane == 0, i1, jnp.where(lane == 1, i2, zi))


def _router(xf, router_w):
    BT = 512
    rwt = jnp.zeros((DIM, 128), jnp.float32).at[:, :E].set(router_w.T)
    w_out, i_out = pl.pallas_call(
        _router_body,
        grid=(T // BT,),
        in_specs=[
            pl.BlockSpec((BT, DIM), lambda i: (i, 0)),
            pl.BlockSpec((DIM, 128), lambda i: (0, 0)),
        ],
        out_specs=[
            pl.BlockSpec((BT, 128), lambda i: (i, 0)),
            pl.BlockSpec((BT, 128), lambda i: (i, 0)),
        ],
        out_shape=[
            jax.ShapeDtypeStruct((T, 128), jnp.float32),
            jax.ShapeDtypeStruct((T, 128), jnp.int32),
        ],
    )(xf, rwt)
    return w_out[:, :K], i_out[:, :K]


def _dispatch_maps(idx_top, w_top):
    flat_e = idx_top.reshape(-1)
    onehot = (flat_e[:, None] == jnp.arange(E, dtype=jnp.int32)[None, :])
    onehot = onehot.astype(jnp.int32)
    g = jnp.sum(onehot, axis=0)
    rank_mat = jnp.cumsum(onehot, axis=0) - onehot
    rank = jnp.take_along_axis(rank_mat, flat_e[:, None], axis=1)[:, 0]
    gp = ((g + BLK - 1) // BLK) * BLK
    cum = jnp.cumsum(gp)
    po = cum - gp
    pos = (po[flat_e] + rank).astype(jnp.int32)
    tok = (jnp.arange(T * K, dtype=jnp.int32) // K)
    tok_map = jnp.zeros((P,), jnp.int32).at[pos].set(tok)
    wgt_map = jnp.zeros((P,), jnp.float32).at[pos].set(w_top.reshape(-1))
    starts = jnp.arange(NB, dtype=jnp.int32) * BLK
    block_e = jnp.sum(starts[:, None] >= cum[None, :], axis=1).astype(jnp.int32)
    block_e = jnp.minimum(block_e, E - 1)
    nbu = cum[-1] // BLK
    s_ar = jnp.arange(NB * NH, dtype=jnp.int32)
    active = s_ar < nbu * NH
    im = jnp.where(active, s_ar // NH, nbu - 1)
    jm = jnp.where(active, s_ar % NH, NH - 1)
    em = block_e[im]
    mp = jnp.stack([im, jm, em, active.astype(jnp.int32)])
    pos_kt = pos.reshape(T, K).T
    return tok_map, wgt_map, mp, pos_kt


def _gather_body(xf_hbm, tok_hbm, out_hbm, idx_v, *bufs_and_sems):
    bufs = bufs_and_sems[:GBUF]
    sgs = bufs_and_sems[GBUF:2 * GBUF]
    sss = bufs_and_sems[2 * GBUF:3 * GBUF]
    wid = lax.axis_index("s") * NC + lax.axis_index("c")
    base = wid * RPW
    pltpu.sync_copy(tok_hbm.at[pl.ds(base, RPW)], idx_v)
    n = RPW // CHG
    gh = [None] * GBUF
    sh = [None] * GBUF

    def start_gather(c):
        p = c % GBUF
        if sh[p] is not None:
            sh[p].wait()
            sh[p] = None
        gh[p] = pltpu.async_copy(
            xf_hbm.at[idx_v.at[pl.ds(c * CHG, CHG)]], bufs[p], sgs[p]
        )

    for c in range(min(GLOOK, n)):
        start_gather(c)
    for c in range(n):
        p = c % GBUF
        if c + GLOOK < n:
            start_gather(c + GLOOK)
        gh[p].wait()
        sh[p] = pltpu.async_copy(
            bufs[p], out_hbm.at[pl.ds(base + c * CHG, CHG)], sss[p]
        )
    for p in range(GBUF):
        if sh[p] is not None:
            sh[p].wait()


@functools.cache
def _gather():
    return pl.kernel(
        _gather_body,
        out_type=jax.ShapeDtypeStruct((P, DIM), jnp.float32),
        mesh=_sc_mesh(),
        scratch_types=(
            [pltpu.VMEM((RPW,), jnp.int32)]
            + [pltpu.VMEM((CHG, DIM), jnp.float32)] * GBUF
            + [pltpu.SemaphoreType.DMA] * (2 * GBUF)
        ),
    )


def _gmm_body(mp_ref, wgt_ref, xg_ref, w1_ref, w3_ref, w2_ref, out_ref):
    s = pl.program_id(0)
    jv = mp_ref[1, s]
    act = mp_ref[3, s] > 0

    @pl.when(act)
    def _():
        xb = xg_ref[...]
        a = jnp.dot(xb, w1_ref[0], preferred_element_type=jnp.float32)
        b = jnp.dot(xb, w3_ref[0], preferred_element_type=jnp.float32)
        h = ((a * jax.nn.sigmoid(a)) * b).astype(jnp.bfloat16)
        contrib = jnp.dot(h, w2_ref[0], preferred_element_type=jnp.float32)
        contrib = contrib * wgt_ref[0, 0, :][:, None]

        @pl.when(jv == 0)
        def _():
            out_ref[...] = contrib

        @pl.when(jv > 0)
        def _():
            out_ref[...] += contrib


def _gmm(mp, wgt_map, xg, w1, w2, w3):
    wgt3 = wgt_map.reshape(NB, 1, BLK)
    grid_spec = pltpu.PrefetchScalarGridSpec(
        num_scalar_prefetch=1,
        grid=(NB * NH,),
        in_specs=[
            pl.BlockSpec((1, 1, BLK), lambda s, m: (m[0, s], 0, 0)),
            pl.BlockSpec((BLK, DIM), lambda s, m: (m[0, s], 0)),
            pl.BlockSpec((1, DIM, BH), lambda s, m: (m[2, s], 0, m[1, s])),
            pl.BlockSpec((1, DIM, BH), lambda s, m: (m[2, s], 0, m[1, s])),
            pl.BlockSpec((1, BH, DIM), lambda s, m: (m[2, s], m[1, s], 0)),
        ],
        out_specs=pl.BlockSpec((BLK, DIM), lambda s, m: (m[0, s], 0)),
    )
    return pl.pallas_call(
        _gmm_body,
        grid_spec=grid_spec,
        out_shape=jax.ShapeDtypeStruct((P, DIM), jnp.float32),
        compiler_params=pltpu.CompilerParams(
            dimension_semantics=("arbitrary",),
        ),
    )(mp, wgt3, xg, w1, w3, w2)


def _combine_body(
    y_hbm, pos_hbm, out_hbm,
    i0, i1,
    r0a, r1a, oba, r0b, r1b, obb,
    g0a, g1a, g0b, g1b, sa, sb,
):
    wid = lax.axis_index("s") * NC + lax.axis_index("c")
    tb = wid * TPW
    pltpu.sync_copy(pos_hbm.at[0, pl.ds(tb, TPW)], i0)
    pltpu.sync_copy(pos_hbm.at[1, pl.ds(tb, TPW)], i1)
    r0s = (r0a, r0b)
    r1s = (r1a, r1b)
    obs = (oba, obb)
    g0s = (g0a, g0b)
    g1s = (g1a, g1b)
    sss = (sa, sb)
    n = TPW // CH2
    gh = [None, None]
    sh = [None, None]
    gh[0] = (
        pltpu.async_copy(y_hbm.at[i0.at[pl.ds(0, CH2)]], r0a, g0a),
        pltpu.async_copy(y_hbm.at[i1.at[pl.ds(0, CH2)]], r1a, g1a),
    )
    for c in range(n):
        p = c % 2
        q = (c + 1) % 2
        if c + 1 < n:
            gh[q] = (
                pltpu.async_copy(
                    y_hbm.at[i0.at[pl.ds((c + 1) * CH2, CH2)]], r0s[q], g0s[q]
                ),
                pltpu.async_copy(
                    y_hbm.at[i1.at[pl.ds((c + 1) * CH2, CH2)]], r1s[q], g1s[q]
                ),
            )
        gh[p][0].wait()
        gh[p][1].wait()
        if sh[p] is not None:
            sh[p].wait()
        r0 = r0s[p]
        r1 = r1s[p]
        ob = obs[p]

        @plsc.parallel_loop(0, CH2 * DIM // 16, 1, unroll=8)
        def _add(i):
            r = i // (DIM // 16)
            col = (i % (DIM // 16)) * 16
            ob[r, pl.ds(col, 16)] = r0[r, pl.ds(col, 16)] + r1[r, pl.ds(col, 16)]

        sh[p] = pltpu.async_copy(
            ob, out_hbm.at[pl.ds(tb + c * CH2, CH2)], sss[p]
        )
    for p in range(2):
        if sh[p] is not None:
            sh[p].wait()


@functools.cache
def _combine():
    return pl.kernel(
        _combine_body,
        out_type=jax.ShapeDtypeStruct((T, DIM), jnp.float32),
        mesh=_sc_mesh(),
        scratch_types=[
            pltpu.VMEM((TPW,), jnp.int32),
            pltpu.VMEM((TPW,), jnp.int32),
            pltpu.VMEM((CH2, DIM), jnp.float32),
            pltpu.VMEM((CH2, DIM), jnp.float32),
            pltpu.VMEM((CH2, DIM), jnp.float32),
            pltpu.VMEM((CH2, DIM), jnp.float32),
            pltpu.VMEM((CH2, DIM), jnp.float32),
            pltpu.VMEM((CH2, DIM), jnp.float32),
            pltpu.SemaphoreType.DMA,
            pltpu.SemaphoreType.DMA,
            pltpu.SemaphoreType.DMA,
            pltpu.SemaphoreType.DMA,
            pltpu.SemaphoreType.DMA,
            pltpu.SemaphoreType.DMA,
        ],
    )


def kernel(x, router_w, w1, w2, w3):
    bsz, seqlen, dim = x.shape
    xf = x.reshape(-1, dim)
    w_top, idx_top = _router(xf, router_w)
    tok_map, wgt_map, mp, pos_kt = _dispatch_maps(idx_top, w_top)
    xg = _gather()(xf, tok_map)
    y = _gmm(mp, wgt_map, xg, w1, w2, w3)
    out = _combine()(y, pos_kt)
    return out.reshape(bsz, seqlen, dim)

# --- scband reference (transcript-rebuilt; emitter-appended) ---
"""Pipeline reference for scband-mo-efeed-forward-48189533061800 (READ-ONLY COPY).

The authoritative reference and input builder live on the scoring server;
editing this copy changes nothing except your own understanding.
"""

import jax, jax.numpy as jnp
import numpy as np

DIM = 2048
# hidden_dim derivation: int(2*8192/3)=5461 -> round up to multiple_of=256 -> 5632 -> //num_active_experts(2) -> 2816 (divisible by 8)
HIDDEN = 2816
E = 8
K = 2


def setup_inputs(seed: int = 0) -> dict:
    key = jax.random.key(seed)
    k0, k1, k2, k3, k4 = jax.random.split(key, 5)
    x = jax.random.normal(k0, (2, 2048, DIM), dtype=jnp.float32)
    router_w = jax.random.normal(k1, (E, DIM), dtype=jnp.float32) * 0.02
    w1 = jax.random.normal(k2, (E, DIM, HIDDEN), dtype=jnp.float32) * 0.02
    w2 = jax.random.normal(k3, (E, HIDDEN, DIM), dtype=jnp.float32) * 0.02
    w3 = jax.random.normal(k4, (E, DIM, HIDDEN), dtype=jnp.float32) * 0.02
    return {"x": x, "router_w": router_w, "w1": w1, "w2": w2, "w3": w3}


def reference(x, router_w, w1, w2, w3):
    bsz, seqlen, dim = x.shape
    xf = x.reshape(-1, dim)
    # router (nn.Linear, no bias): logits = x @ W^T, then softmax
    scores = jax.nn.softmax(xf @ router_w.T, axis=-1)
    expert_weights, expert_indices = jax.lax.top_k(scores, K)
    # SwiGLU per expert, masked by router assignment; each token receives
    # exactly its K weighted expert outputs (top_k indices are distinct)
    out = jnp.zeros((xf.shape[0], dim), dtype=x.dtype)
    for e in range(E):
        h = jax.nn.silu(xf @ w1[e]) * (xf @ w3[e])
        y_e = h @ w2[e]
        w_e = jnp.sum(
            jnp.where(expert_indices == e, expert_weights, jnp.zeros_like(expert_weights)),
            axis=-1,
        )
        out = out + w_e[:, None] * y_e
    return out.reshape(bsz, seqlen, dim)

if __name__ == "__main__":
    import jax
    _d = setup_inputs()
    print(jax.jit(kernel)(*tuple(_d.values())))

</pallas_src>

<mosaic_0001>
#map = affine_map<(d0, d1) -> (0, 0)>
#map1 = affine_map<(d0, d1) -> (0)>
module attributes {stable_mosaic.version = 14 : i64} {
  func.func @_gather_body(%arg0: i32, %arg1: i32, %arg2: memref<4096x2048xf32, #tpu.memory_space<hbm>>, %arg3: memref<12288xi32, #tpu.memory_space<hbm>>, %arg4: memref<12288x2048xf32, #tpu.memory_space<hbm>>, %arg5: memref<384xi32, #tpu.memory_space<vmem>>, %arg6: memref<24x2048xf32, #tpu.memory_space<vmem>>, %arg7: memref<24x2048xf32, #tpu.memory_space<vmem>>, %arg8: memref<!tpu.dma_semaphore, #tpu.memory_space<semaphore_mem>>, %arg9: memref<!tpu.dma_semaphore, #tpu.memory_space<semaphore_mem>>, %arg10: memref<!tpu.dma_semaphore, #tpu.memory_space<semaphore_mem>>, %arg11: memref<!tpu.dma_semaphore, #tpu.memory_space<semaphore_mem>>) attributes {dimension_semantics = [#tpu.dimension_semantics<core_parallel>, #tpu.dimension_semantics<subcore_parallel>], iteration_bounds = array<i64: 2, 16>, scalar_prefetch = 0 : i64, scratch_operands = 7 : i64, tpu.core_type = #tpu.core_type<sc_vector_subcore>, window_params = [{transform_indices = #map}, {transform_indices = #map1}, {transform_indices = #map}]} {
    %mul3A = arith.constant 2 : i32
    %mul3A_0 = arith.muli %arg1, %mul3A : i32
    %add3A = arith.addi %mul3A_0, %arg0 : i32
    %mul3A_1 = arith.constant 384 : i32
    %mul3A_2 = arith.muli %add3A, %mul3A_1 : i32
    "tpu.region"() ({
      %run_scoped3A = tpu.sem_alloc : memref<!tpu.dma_semaphore, #tpu.memory_space<semaphore_mem>>
      %dma_start3A_321 = tpu.memref_slice %arg3[%mul3A_2] : memref<12288xi32, #tpu.memory_space<hbm>> -> memref<384xi32, #tpu.memory_space<hbm>>
      %dma_start3A_322 = tpu.memref_slice %arg3[%mul3A_2] : memref<12288xi32, #tpu.memory_space<hbm>> -> memref<384xi32, #tpu.memory_space<hbm>>
      tpu.enqueue_dma source(%dma_start3A_322 : memref<384xi32, #tpu.memory_space<hbm>>) target(%arg5 : memref<384xi32, #tpu.memory_space<vmem>>) target_semaphore(%run_scoped3A : memref<!tpu.dma_semaphore, #tpu.memory_space<semaphore_mem>>)
      %dma_wait3A_323 = tpu.memref_slice %arg3[%mul3A_2] : memref<12288xi32, #tpu.memory_space<hbm>> -> memref<384xi32, #tpu.memory_space<hbm>>
      %dma_wait3A_324 = tpu.memref_slice %arg3[%mul3A_2] : memref<12288xi32, #tpu.memory_space<hbm>> -> memref<384xi32, #tpu.memory_space<hbm>>
      tpu.wait_dma2 semaphore(%run_scoped3A : memref<!tpu.dma_semaphore, #tpu.memory_space<semaphore_mem>>) src(%dma_wait3A_324 : memref<384xi32, #tpu.memory_space<hbm>>) dst(%arg5 : memref<384xi32, #tpu.memory_space<vmem>>)
      tpu.yield
    }) : () -> ()
    %dma_start3A = arith.constant 0 : i32
    %dma_start3A_3 = tpu.memref_slice %arg5[%dma_start3A] : memref<384xi32, #tpu.memory_space<vmem>> -> memref<24xi32, #tpu.memory_space<vmem>>
    %dma_start3A_4 = arith.constant 0 : i32
    %dma_start3A_5 = arith.constant 0 : i32
    %dma_start3A_6 = tpu.memref_slice %arg2[%dma_start3A_4, %dma_start3A_5] : memref<4096x2048xf32, #tpu.memory_space<hbm>> -> memref<4096x2048xf32, #tpu.memory_space<hbm>>
    tpu.enqueue_indirect_dma source(%dma_start3A_6 : memref<4096x2048xf32, #tpu.memory_space<hbm>>) target(%arg6 : memref<24x2048xf32, #tpu.memory_space<vmem>>) offsets(%dma_start3A_3 : memref<24xi32, #tpu.memory_space<vmem>>) semaphore(%arg8 : memref<!tpu.dma_semaphore, #tpu.memory_space<semaphore_mem>>)
    %dma_start3A_7 = arith.constant 24 : i32
    %dma_start3A_8 = tpu.memref_slice %arg5[%dma_start3A_7] : memref<384xi32, #tpu.memory_space<vmem>> -> memref<24xi32, #tpu.memory_space<vmem>>
    %dma_start3A_9 = arith.constant 0 : i32
    %dma_start3A_10 = arith.constant 0 : i32
    %dma_start3A_11 = tpu.memref_slice %arg2[%dma_start3A_9, %dma_start3A_10] : memref<4096x2048xf32, #tpu.memory_space<hbm>> -> memref<4096x2048xf32, #tpu.memory_space<hbm>>
    tpu.enqueue_indirect_dma source(%dma_start3A_11 : memref<4096x2048xf32, #tpu.memory_space<hbm>>) target(%arg7 : memref<24x2048xf32, #tpu.memory_space<vmem>>) offsets(%dma_start3A_8 : memref<24xi32, #tpu.memory_space<vmem>>) semaphore(%arg9 : memref<!tpu.dma_semaphore, #tpu.memory_space<semaphore_mem>>)
    %dma_wait3A = arith.constant 0 : i32
    %dma_wait3A_12 = tpu.memref_slice %arg5[%dma_wait3A] : memref<384xi32, #tpu.memory_space<vmem>> -> memref<24xi32, #tpu.memory_space<vmem>>
    %dma_wait3A_13 = arith.constant 0 : i32
    %dma_wait3A_14 = arith.constant 0 : i32
    %dma_wait3A_15 = tpu.memref_slice %arg2[%dma_wait3A_13, %dma_wait3A_14] : memref<4096x2048xf32, #tpu.memory_space<hbm>> -> memref<4096x2048xf32, #tpu.memory_space<hbm>>
    tpu.wait_indirect_dma semaphore(%arg8 : memref<!tpu.dma_semaphore, #tpu.memory_space<semaphore_mem>>) src(%dma_wait3A_15 : memref<4096x2048xf32, #tpu.memory_space<hbm>>) dst(%arg6 : memref<24x2048xf32, #tpu.memory_space<vmem>>)
    %add3A_16 = arith.constant 0 : i32
    %add3A_17 = arith.addi %mul3A_2, %add3A_16 : i32
    %dma_start3A_18 = arith.constant 0 : i32
    %dma_start3A_19 = tpu.memref_slice %arg4[%add3A_17, %dma_start3A_18] : memref<12288x2048xf32, #tpu.memory_space<hbm>> -> memref<24x2048xf32, #tpu.memory_space<hbm>>
    %dma_start3A_20 = arith.constant 0 : i32
    %dma_start3A_21 = tpu.memref_slice %arg4[%add3A_17, %dma_start3A_20] : memref<12288x2048xf32, #tpu.memory_space<hbm>> -> memref<24x2048xf32, #tpu.memory_space<hbm>>
    tpu.enqueue_dma source(%arg6 : memref<24x2048xf32, #tpu.memory_space<vmem>>) target(%dma_start3A_21 : memref<24x2048xf32, #tpu.memory_space<hbm>>) target_semaphore(%arg10 : memref<!tpu.dma_semaphore, #tpu.memory_space<semaphore_mem>>)
    %dma_wait3A_22 = arith.constant 0 : i32
    %dma_wait3A_23 = tpu.memref_slice %arg4[%add3A_17, %dma_wait3A_22] : memref<12288x2048xf32, #tpu.memory_space<hbm>> -> memref<24x2048xf32, #tpu.memory_space<hbm>>
    %dma_wait3A_24 = arith.constant 0 : i32
    %dma_wait3A_25 = tpu.memref_slice %arg4[%add3A_17, %dma_wait3A_24] : memref<12288x2048xf32, #tpu.memory_space<hbm>> -> memref<24x2048xf32, #tpu.memory_space<hbm>>
    tpu.wait_dma2 semaphore(%arg10 : memref<!tpu.dma_semaphore, #tpu.memory_space<semaphore_mem>>) src(%arg6 : memref<24x2048xf32, #tpu.memory_space<vmem>>) dst(%dma_wait3A_25 : memref<24x2048xf32, #tpu.memory_space<hbm>>)
    %dma_start3A_26 = arith.constant 48 : i32
    %dma_start3A_27 = tpu.memref_slice %arg5[%dma_start3A_26] : memref<384xi32, #tpu.memory_space<vmem>> -> memref<24xi32, #tpu.memory_space<vmem>>
    %dma_start3A_28 = arith.constant 0 : i32
    %dma_start3A_29 = arith.constant 0 : i32
    %dma_start3A_30 = tpu.memref_slice %arg2[%dma_start3A_28, %dma_start3A_29] : memref<4096x2048xf32, #tpu.memory_space<hbm>> -> memref<4096x2048xf32, #tpu.memory_space<hbm>>
    tpu.enqueue_indirect_dma source(%dma_start3A_30 : memref<4096x2048xf32, #tpu.memory_space<hbm>>) target(%arg6 : memref<24x2048xf32, #tpu.memory_space<vmem>>) offsets(%dma_start3A_27 : memref<24xi32, #tpu.memory_space<vmem>>) semaphore(%arg8 : memref<!tpu.dma_semaphore, #tpu.memory_space<semaphore_mem>>)
    %dma_wait3A_31 = arith.constant 24 : i32
    %dma_wait3A_32 = tpu.memref_slice %arg5[%dma_wait3A_31] : memref<384xi32, #tpu.memory_space<vmem>> -> memref<24xi32, #tpu.memory_space<vmem>>
    %dma_wait3A_33 = arith.constant 0 : i32
    %dma_wait3A_34 = arith.constant 0 : i32
    %dma_wait3A_35 = tpu.memref_slice %arg2[%dma_wait3A_33, %dma_wait3A_34] : memref<4096x2048xf32, #tpu.memory_space<hbm>> -> memref<4096x2048xf32, #tpu.memory_space<hbm>>
    tpu.wait_indirect_dma semaphore(%arg9 : memref<!tpu.dma_semaphore, #tpu.memory_space<semaphore_mem>>) src(%dma_wait3A_35 : memref<4096x2048xf32, #tpu.memory_space<hbm>>) dst(%arg7 : memref<24x2048xf32, #tpu.memory_space<vmem>>)
    %add3A_36 = arith.constant 24 : i32
    %add3A_37 = arith.addi %mul3A_2, %add3A_36 : i32
    %dma_start3A_38 = arith.constant 0 : i32
    %dma_start3A_39 = tpu.memref_slice %arg4[%add3A_37, %dma_start3A_38] : memref<12288x2048xf32, #tpu.memory_space<hbm>> -> memref<24x2048xf32, #tpu.memory_space<hbm>>
    %dma_start3A_40 = arith.constant 0 : i32
    %dma_start3A_41 = tpu.memref_slice %arg4[%add3A_37, %dma_start3A_40] : memref<12288x2048xf32, #tpu.memory_space<hbm>> -> memref<24x2048xf32, #tpu.memory_space<hbm>>
    tpu.enqueue_dma source(%arg7 : memref<24x2048xf32, #tpu.memory_space<vmem>>) target(%dma_start3A_41 : memref<24x2048xf32, #tpu.memory_space<hbm>>) target_semaphore(%arg11 : memref<!tpu.dma_semaphore, #tpu.memory_space<semaphore_mem>>)
    %dma_wait3A_42 = arith.constant 0 : i32
    %dma_wait3A_43 = tpu.memref_slice %arg4[%add3A_37, %dma_wait3A_42] : memref<12288x2048xf32, #tpu.memory_space<hbm>> -> memref<24x2048xf32, #tpu.memory_space<hbm>>
    %dma_wait3A_44 = arith.constant 0 : i32
    %dma_wait3A_45 = tpu.memref_slice %arg4[%add3A_37, %dma_wait3A_44] : memref<12288x2048xf32, #tpu.memory_space<hbm>> -> memref<24x2048xf32, #tpu.memory_space<hbm>>
    tpu.wait_dma2 semaphore(%arg11 : memref<!tpu.dma_semaphore, #tpu.memory_space<semaphore_mem>>) src(%arg7 : memref<24x2048xf32, #tpu.memory_space<vmem>>) dst(%dma_wait3A_45 : memref<24x2048xf32, #tpu.memory_space<hbm>>)
    %dma_start3A_46 = arith.constant 72 : i32
    %dma_start3A_47 = tpu.memref_slice %arg5[%dma_start3A_46] : memref<384xi32, #tpu.memory_space<vmem>> -> memref<24xi32, #tpu.memory_space<vmem>>
    %dma_start3A_48 = arith.constant 0 : i32
    %dma_start3A_49 = arith.constant 0 : i32
    %dma_start3A_50 = tpu.memref_slice %arg2[%dma_start3A_48, %dma_start3A_49] : memref<4096x2048xf32, #tpu.memory_space<hbm>> -> memref<4096x2048xf32, #tpu.memory_space<hbm>>
    tpu.enqueue_indirect_dma source(%dma_start3A_50 : memref<4096x2048xf32, #tpu.memory_space<hbm>>) target(%arg7 : memref<24x2048xf32, #tpu.memory_space<vmem>>) offsets(%dma_start3A_47 : memref<24xi32, #tpu.memory_space<vmem>>) semaphore(%arg9 : memref<!tpu.dma_semaphore, #tpu.memory_space<semaphore_mem>>)
    %dma_wait3A_51 = arith.constant 48 : i32
    %dma_wait3A_52 = tpu.memref_slice %arg5[%dma_wait3A_51] : memref<384xi32, #tpu.memory_space<vmem>> -> memref<24xi32, #tpu.memory_space<vmem>>
    %dma_wait3A_53 = arith.constant 0 : i32
    %dma_wait3A_54 = arith.constant 0 : i32
    %dma_wait3A_55 = tpu.memref_slice %arg2[%dma_wait3A_53, %dma_wait3A_54] : memref<4096x2048xf32, #tpu.memory_space<hbm>> -> memref<4096x2048xf32, #tpu.memory_space<hbm>>
    tpu.wait_indirect_dma semaphore(%arg8 : memref<!tpu.dma_semaphore, #tpu.memory_space<semaphore_mem>>) src(%dma_wait3A_55 : memref<4096x2048xf32, #tpu.memory_space<hbm>>) dst(%arg6 : memref<24x2048xf32, #tpu.memory_space<vmem>>)
    %add3A_56 = arith.constant 48 : i32
    %add3A_57 = arith.addi %mul3A_2, %add3A_56 : i32
    %dma_start3A_58 = arith.constant 0 : i32
    %dma_start3A_59 = tpu.memref_slice %arg4[%add3A_57, %dma_start3A_58] : memref<12288x2048xf32, #tpu.memory_space<hbm>> -> memref<24x2048xf32, #tpu.memory_space<hbm>>
    %dma_start3A_60 = arith.constant 0 : i32
    %dma_start3A_61 = tpu.memref_slice %arg4[%add3A_57, %dma_start3A_60] : memref<12288x2048xf32, #tpu.memory_space<hbm>> -> memref<24x2048xf32, #tpu.memory_space<hbm>>
    tpu.enqueue_dma source(%arg6 : memref<24x2048xf32, #tpu.memory_space<vmem>>) target(%dma_start3A_61 : memref<24x2048xf32, #tpu.memory_space<hbm>>) target_semaphore(%arg10 : memref<!tpu.dma_semaphore, #tpu.memory_space<semaphore_mem>>)
    %dma_wait3A_62 = arith.constant 0 : i32
    %dma_wait3A_63 = tpu.memref_slice %arg4[%add3A_57, %dma_wait3A_62] : memref<12288x2048xf32, #tpu.memory_space<hbm>> -> memref<24x2048xf32, #tpu.memory_space<hbm>>
    %dma_wait3A_64 = arith.constant 0 : i32
    %dma_wait3A_65 = tpu.memref_slice %arg4[%add3A_57, %dma_wait3A_64] : memref<12288x2048xf32, #tpu.memory_space<hbm>> -> memref<24x2048xf32, #tpu.memory_space<hbm>>
    tpu.wait_dma2 semaphore(%arg10 : memref<!tpu.dma_semaphore, #tpu.memory_space<semaphore_mem>>) src(%arg6 : memref<24x2048xf32, #tpu.memory_space<vmem>>) dst(%dma_wait3A_65 : memref<24x2048xf32, #tpu.memory_space<hbm>>)
    %dma_start3A_66 = arith.constant 96 : i32
    %dma_start3A_67 = tpu.memref_slice %arg5[%dma_start3A_66] : memref<384xi32, #tpu.memory_space<vmem>> -> memref<24xi32, #tpu.memory_space<vmem>>
    %dma_start3A_68 = arith.constant 0 : i32
    %dma_start3A_69 = arith.constant 0 : i32
    %dma_start3A_70 = tpu.memref_slice %arg2[%dma_start3A_68, %dma_start3A_69] : memref<4096x2048xf32, #tpu.memory_space<hbm>> -> memref<4096x2048xf32, #tpu.memory_space<hbm>>
    tpu.enqueue_indirect_dma source(%dma_start3A_70 : memref<4096x2048xf32, #tpu.memory_space<hbm>>) target(%arg6 : memref<24x2048xf32, #tpu.memory_space<vmem>>) offsets(%dma_start3A_67 : memref<24xi32, #tpu.memory_space<vmem>>) semaphore(%arg8 : memref<!tpu.dma_semaphore, #tpu.memory_space<semaphore_mem>>)
    %dma_wait3A_71 = arith.constant 72 : i32
    %dma_wait3A_72 = tpu.memref_slice %arg5[%dma_wait3A_71] : memref<384xi32, #tpu.memory_space<vmem>> -> memref<24xi32, #tpu.memory_space<vmem>>
    %dma_wait3A_73 = arith.constant 0 : i32
    %dma_wait3A_74 = arith.constant 0 : i32
    %dma_wait3A_75 = tpu.memref_slice %arg2[%dma_wait3A_73, %dma_wait3A_74] : memref<4096x2048xf32, #tpu.memory_space<hbm>> -> memref<4096x2048xf32, #tpu.memory_space<hbm>>
    tpu.wait_indirect_dma semaphore(%arg9 : memref<!tpu.dma_semaphore, #tpu.memory_space<semaphore_mem>>) src(%dma_wait3A_75 : memref<4096x2048xf32, #tpu.memory_space<hbm>>) dst(%arg7 : memref<24x2048xf32, #tpu.memory_space<vmem>>)
    %add3A_76 = arith.constant 72 : i32
    %add3A_77 = arith.addi %mul3A_2, %add3A_76 : i32
    %dma_start3A_78 = arith.constant 0 : i32
    %dma_start3A_79 = tpu.memref_slice %arg4[%add3A_77, %dma_start3A_78] : memref<12288x2048xf32, #tpu.memory_space<hbm>> -> memref<24x2048xf32, #tpu.memory_space<hbm>>
    %dma_start3A_80 = arith.constant 0 : i32
    %dma_start3A_81 = tpu.memref_slice %arg4[%add3A_77, %dma_start3A_80] : memref<12288x2048xf32, #tpu.memory_space<hbm>> -> memref<24x2048xf32, #tpu.memory_space<hbm>>
    tpu.enqueue_dma source(%arg7 : memref<24x2048xf32, #tpu.memory_space<vmem>>) target(%dma_start3A_81 : memref<24x2048xf32, #tpu.memory_space<hbm>>) target_semaphore(%arg11 : memref<!tpu.dma_semaphore, #tpu.memory_space<semaphore_mem>>)
    %dma_wait3A_82 = arith.constant 0 : i32
    %dma_wait3A_83 = tpu.memref_slice %arg4[%add3A_77, %dma_wait3A_82] : memref<12288x2048xf32, #tpu.memory_space<hbm>> -> memref<24x2048xf32, #tpu.memory_space<hbm>>
    %dma_wait3A_84 = arith.constant 0 : i32
    %dma_wait3A_85 = tpu.memref_slice %arg4[%add3A_77, %dma_wait3A_84] : memref<12288x2048xf32, #tpu.memory_space<hbm>> -> memref<24x2048xf32, #tpu.memory_space<hbm>>
    tpu.wait_dma2 semaphore(%arg11 : memref<!tpu.dma_semaphore, #tpu.memory_space<semaphore_mem>>) src(%arg7 : memref<24x2048xf32, #tpu.memory_space<vmem>>) dst(%dma_wait3A_85 : memref<24x2048xf32, #tpu.memory_space<hbm>>)
    %dma_start3A_86 = arith.constant 120 : i32
    %dma_start3A_87 = tpu.memref_slice %arg5[%dma_start3A_86] : memref<384xi32, #tpu.memory_space<vmem>> -> memref<24xi32, #tpu.memory_space<vmem>>
    %dma_start3A_88 = arith.constant 0 : i32
    %dma_start3A_89 = arith.constant 0 : i32
    %dma_start3A_90 = tpu.memref_slice %arg2[%dma_start3A_88, %dma_start3A_89] : memref<4096x2048xf32, #tpu.memory_space<hbm>> -> memref<4096x2048xf32, #tpu.memory_space<hbm>>
    tpu.enqueue_indirect_dma source(%dma_start3A_90 : memref<4096x2048xf32, #tpu.memory_space<hbm>>) target(%arg7 : memref<24x2048xf32, #tpu.memory_space<vmem>>) offsets(%dma_start3A_87 : memref<24xi32, #tpu.memory_space<vmem>>) semaphore(%arg9 : memref<!tpu.dma_semaphore, #tpu.memory_space<semaphore_mem>>)
    %dma_wait3A_91 = arith.constant 96 : i32
    %dma_wait3A_92 = tpu.memref_slice %arg5[%dma_wait3A_91] : memref<384xi32, #tpu.memory_space<vmem>> -> memref<24xi32, #tpu.memory_space<vmem>>
    %dma_wait3A_93 = arith.constant 0 : i32
    %dma_wait3A_94 = arith.constant 0 : i32
    %dma_wait3A_95 = tpu.memref_slice %arg2[%dma_wait3A_93, %dma_wait3A_94] : memref<4096x2048xf32, #tpu.memory_space<hbm>> -> memref<4096x2048xf32, #tpu.memory_space<hbm>>
    tpu.wait_indirect_dma semaphore(%arg8 : memref<!tpu.dma_semaphore, #tpu.memory_space<semaphore_mem>>) src(%dma_wait3A_95 : memref<4096x2048xf32, #tpu.memory_space<hbm>>) dst(%arg6 : memref<24x2048xf32, #tpu.memory_space<vmem>>)
    %add3A_96 = arith.constant 96 : i32
    %add3A_97 = arith.addi %mul3A_2, %add3A_96 : i32
    %dma_start3A_98 = arith.constant 0 : i32
    %dma_start3A_99 = tpu.memref_slice %arg4[%add3A_97, %dma_start3A_98] : memref<12288x2048xf32, #tpu.memory_space<hbm>> -> memref<24x2048xf32, #tpu.memory_space<hbm>>
    %dma_start3A_100 = arith.constant 0 : i32
    %dma_start3A_101 = tpu.memref_slice %arg4[%add3A_97, %dma_start3A_100] : memref<12288x2048xf32, #tpu.memory_space<hbm>> -> memref<24x2048xf32, #tpu.memory_space<hbm>>
    tpu.enqueue_dma source(%arg6 : memref<24x2048xf32, #tpu.memory_space<vmem>>) target(%dma_start3A_101 : memref<24x2048xf32, #tpu.memory_space<hbm>>) target_semaphore(%arg10 : memref<!tpu.dma_semaphore, #tpu.memory_space<semaphore_mem>>)
    %dma_wait3A_102 = arith.constant 0 : i32
    %dma_wait3A_103 = tpu.memref_slice %arg4[%add3A_97, %dma_wait3A_102] : memref<12288x2048xf32, #tpu.memory_space<hbm>> -> memref<24x2048xf32, #tpu.memory_space<hbm>>
    %dma_wait3A_104 = arith.constant 0 : i32
    %dma_wait3A_105 = tpu.memref_slice %arg4[%add3A_97, %dma_wait3A_104] : memref<12288x2048xf32, #tpu.memory_space<hbm>> -> memref<24x2048xf32, #tpu.memory_space<hbm>>
    tpu.wait_dma2 semaphore(%arg10 : memref<!tpu.dma_semaphore, #tpu.memory_space<semaphore_mem>>) src(%arg6 : memref<24x2048xf32, #tpu.memory_space<vmem>>) dst(%dma_wait3A_105 : memref<24x2048xf32, #tpu.memory_space<hbm>>)
    %dma_start3A_106 = arith.constant 144 : i32
    %dma_start3A_107 = tpu.memref_slice %arg5[%dma_start3A_106] : memref<384xi32, #tpu.memory_space<vmem>> -> memref<24xi32, #tpu.memory_space<vmem>>
    %dma_start3A_108 = arith.constant 0 : i32
    %dma_start3A_109 = arith.constant 0 : i32
    %dma_start3A_110 = tpu.memref_slice %arg2[%dma_start3A_108, %dma_start3A_109] : memref<4096x2048xf32, #tpu.memory_space<hbm>> -> memref<4096x2048xf32, #tpu.memory_space<hbm>>
    tpu.enqueue_indirect_dma source(%dma_start3A_110 : memref<4096x2048xf32, #tpu.memory_space<hbm>>) target(%arg6 : memref<24x2048xf32, #tpu.memory_space<vmem>>) offsets(%dma_start3A_107 : memref<24xi32, #tpu.memory_space<vmem>>) semaphore(%arg8 : memref<!tpu.dma_semaphore, #tpu.memory_space<semaphore_mem>>)
    %dma_wait3A_111 = arith.constant 120 : i32
    %dma_wait3A_112 = tpu.memref_slice %arg5[%dma_wait3A_111] : memref<384xi32, #tpu.memory_space<vmem>> -> memref<24xi32, #tpu.memory_space<vmem>>
    %dma_wait3A_113 = arith.constant 0 : i32
    %dma_wait3A_114 = arith.constant 0 : i32
    %dma_wait3A_115 = tpu.memref_slice %arg2[%dma_wait3A_113, %dma_wait3A_114] : memref<4096x2048xf32, #tpu.memory_space<hbm>> -> memref<4096x2048xf32, #tpu.memory_space<hbm>>
    tpu.wait_indirect_dma semaphore(%arg9 : memref<!tpu.dma_semaphore, #tpu.memory_space<semaphore_mem>>) src(%dma_wait3A_115 : memref<4096x2048xf32, #tpu.memory_space<hbm>>) dst(%arg7 : memref<24x2048xf32, #tpu.memory_space<vmem>>)
    %add3A_116 = arith.constant 120 : i32
    %add3A_117 = arith.addi %mul3A_2, %add3A_116 : i32
    %dma_start3A_118 = arith.constant 0 : i32
    %dma_start3A_119 = tpu.memref_slice %arg4[%add3A_117, %dma_start3A_118] : memref<12288x2048xf32, #tpu.memory_space<hbm>> -> memref<24x2048xf32, #tpu.memory_space<hbm>>
    %dma_start3A_120 = arith.constant 0 : i32
    %dma_start3A_121 = tpu.memref_slice %arg4[%add3A_117, %dma_start3A_120] : memref<12288x2048xf32, #tpu.memory_space<hbm>> -> memref<24x2048xf32, #tpu.memory_space<hbm>>
    tpu.enqueue_dma source(%arg7 : memref<24x2048xf32, #tpu.memory_space<vmem>>) target(%dma_start3A_121 : memref<24x2048xf32, #tpu.memory_space<hbm>>) target_semaphore(%arg11 : memref<!tpu.dma_semaphore, #tpu.memory_space<semaphore_mem>>)
    %dma_wait3A_122 = arith.constant 0 : i32
    %dma_wait3A_123 = tpu.memref_slice %arg4[%add3A_117, %dma_wait3A_122] : memref<12288x2048xf32, #tpu.memory_space<hbm>> -> memref<24x2048xf32, #tpu.memory_space<hbm>>
    %dma_wait3A_124 = arith.constant 0 : i32
    %dma_wait3A_125 = tpu.memref_slice %arg4[%add3A_117, %dma_wait3A_124] : memref<12288x2048xf32, #tpu.memory_space<hbm>> -> memref<24x2048xf32, #tpu.memory_space<hbm>>
    tpu.wait_dma2 semaphore(%arg11 : memref<!tpu.dma_semaphore, #tpu.memory_space<semaphore_mem>>) src(%arg7 : memref<24x2048xf32, #tpu.memory_space<vmem>>) dst(%dma_wait3A_125 : memref<24x2048xf32, #tpu.memory_space<hbm>>)
    %dma_start3A_126 = arith.constant 168 : i32
    %dma_start3A_127 = tpu.memref_slice %arg5[%dma_start3A_126] : memref<384xi32, #tpu.memory_space<vmem>> -> memref<24xi32, #tpu.memory_space<vmem>>
    %dma_start3A_128 = arith.constant 0 : i32
    %dma_start3A_129 = arith.constant 0 : i32
    %dma_start3A_130 = tpu.memref_slice %arg2[%dma_start3A_128, %dma_start3A_129] : memref<4096x2048xf32, #tpu.memory_space<hbm>> -> memref<4096x2048xf32, #tpu.memory_space<hbm>>
    tpu.enqueue_indirect_dma source(%dma_start3A_130 : memref<4096x2048xf32, #tpu.memory_space<hbm>>) target(%arg7 : memref<24x2048xf32, #tpu.memory_space<vmem>>) offsets(%dma_start3A_127 : memref<24xi32, #tpu.memory_space<vmem>>) semaphore(%arg9 : memref<!tpu.dma_semaphore, #tpu.memory_space<semaphore_mem>>)
    %dma_wait3A_131 = arith.constant 144 : i32
    %dma_wait3A_132 = tpu.memref_slice %arg5[%dma_wait3A_131] : memref<384xi32, #tpu.memory_space<vmem>> -> memref<24xi32, #tpu.memory_space<vmem>>
    %dma_wait3A_133 = arith.constant 0 : i32
    %dma_wait3A_134 = arith.constant 0 : i32
    %dma_wait3A_135 = tpu.memref_slice %arg2[%dma_wait3A_133, %dma_wait3A_134] : memref<4096x2048xf32, #tpu.memory_space<hbm>> -> memref<4096x2048xf32, #tpu.memory_space<hbm>>
    tpu.wait_indirect_dma semaphore(%arg8 : memref<!tpu.dma_semaphore, #tpu.memory_space<semaphore_mem>>) src(%dma_wait3A_135 : memref<4096x2048xf32, #tpu.memory_space<hbm>>) dst(%arg6 : memref<24x2048xf32, #tpu.memory_space<vmem>>)
    %add3A_136 = arith.constant 144 : i32
    %add3A_137 = arith.addi %mul3A_2, %add3A_136 : i32
    %dma_start3A_138 = arith.constant 0 : i32
    %dma_start3A_139 = tpu.memref_slice %arg4[%add3A_137, %dma_start3A_138] : memref<12288x2048xf32, #tpu.memory_space<hbm>> -> memref<24x2048xf32, #tpu.memory_space<hbm>>
    %dma_start3A_140 = arith.constant 0 : i32
    %dma_start3A_141 = tpu.memref_slice %arg4[%add3A_137, %dma_start3A_140] : memref<12288x2048xf32, #tpu.memory_space<hbm>> -> memref<24x2048xf32, #tpu.memory_space<hbm>>
    tpu.enqueue_dma source(%arg6 : memref<24x2048xf32, #tpu.memory_space<vmem>>) target(%dma_start3A_141 : memref<24x2048xf32, #tpu.memory_space<hbm>>) target_semaphore(%arg10 : memref<!tpu.dma_semaphore, #tpu.memory_space<semaphore_mem>>)
    %dma_wait3A_142 = arith.constant 0 : i32
    %dma_wait3A_143 = tpu.memref_slice %arg4[%add3A_137, %dma_wait3A_142] : memref<12288x2048xf32, #tpu.memory_space<hbm>> -> memref<24x2048xf32, #tpu.memory_space<hbm>>
    %dma_wait3A_144 = arith.constant 0 : i32
    %dma_wait3A_145 = tpu.memref_slice %arg4[%add3A_137, %dma_wait3A_144] : memref<12288x2048xf32, #tpu.memory_space<hbm>> -> memref<24x2048xf32, #tpu.memory_space<hbm>>
    tpu.wait_dma2 semaphore(%arg10 : memref<!tpu.dma_semaphore, #tpu.memory_space<semaphore_mem>>) src(%arg6 : memref<24x2048xf32, #tpu.memory_space<vmem>>) dst(%dma_wait3A_145 : memref<24x2048xf32, #tpu.memory_space<hbm>>)
    %dma_start3A_146 = arith.constant 192 : i32
    %dma_start3A_147 = tpu.memref_slice %arg5[%dma_start3A_146] : memref<384xi32, #tpu.memory_space<vmem>> -> memref<24xi32, #tpu.memory_space<vmem>>
    %dma_start3A_148 = arith.constant 0 : i32
    %dma_start3A_149 = arith.constant 0 : i32
    %dma_start3A_150 = tpu.memref_slice %arg2[%dma_start3A_148, %dma_start3A_149] : memref<4096x2048xf32, #tpu.memory_space<hbm>> -> memref<4096x2048xf32, #tpu.memory_space<hbm>>
    tpu.enqueue_indirect_dma source(%dma_start3A_150 : memref<4096x2048xf32, #tpu.memory_space<hbm>>) target(%arg6 : memref<24x2048xf32, #tpu.memory_space<vmem>>) offsets(%dma_start3A_147 : memref<24xi32, #tpu.memory_space<vmem>>) semaphore(%arg8 : memref<!tpu.dma_semaphore, #tpu.memory_space<semaphore_mem>>)
    %dma_wait3A_151 = arith.constant 168 : i32
    %dma_wait3A_152 = tpu.memref_slice %arg5[%dma_wait3A_151] : memref<384xi32, #tpu.memory_space<vmem>> -> memref<24xi32, #tpu.memory_space<vmem>>
    %dma_wait3A_153 = arith.constant 0 : i32
    %dma_wait3A_154 = arith.constant 0 : i32
    %dma_wait3A_155 = tpu.memref_slice %arg2[%dma_wait3A_153, %dma_wait3A_154] : memref<4096x2048xf32, #tpu.memory_space<hbm>> -> memref<4096x2048xf32, #tpu.memory_space<hbm>>
    tpu.wait_indirect_dma semaphore(%arg9 : memref<!tpu.dma_semaphore, #tpu.memory_space<semaphore_mem>>) src(%dma_wait3A_155 : memref<4096x2048xf32, #tpu.memory_space<hbm>>) dst(%arg7 : memref<24x2048xf32, #tpu.memory_space<vmem>>)
    %add3A_156 = arith.constant 168 : i32
    %add3A_157 = arith.addi %mul3A_2, %add3A_156 : i32
    %dma_start3A_158 = arith.constant 0 : i32
    %dma_start3A_159 = tpu.memref_slice %arg4[%add3A_157, %dma_start3A_158] : memref<12288x2048xf32, #tpu.memory_space<hbm>> -> memref<24x2048xf32, #tpu.memory_space<hbm>>
    %dma_start3A_160 = arith.constant 0 : i32
    %dma_start3A_161 = tpu.memref_slice %arg4[%add3A_157, %dma_start3A_160] : memref<12288x2048xf32, #tpu.memory_space<hbm>> -> memref<24x2048xf32, #tpu.memory_space<hbm>>
    tpu.enqueue_dma source(%arg7 : memref<24x2048xf32, #tpu.memory_space<vmem>>) target(%dma_start3A_161 : memref<24x2048xf32, #tpu.memory_space<hbm>>) target_semaphore(%arg11 : memref<!tpu.dma_semaphore, #tpu.memory_space<semaphore_mem>>)
    %dma_wait3A_162 = arith.constant 0 : i32
    %dma_wait3A_163 = tpu.memref_slice %arg4[%add3A_157, %dma_wait3A_162] : memref<12288x2048xf32, #tpu.memory_space<hbm>> -> memref<24x2048xf32, #tpu.memory_space<hbm>>
    %dma_wait3A_164 = arith.constant 0 : i32
    %dma_wait3A_165 = tpu.memref_slice %arg4[%add3A_157, %dma_wait3A_164] : memref<12288x2048xf32, #tpu.memory_space<hbm>> -> memref<24x2048xf32, #tpu.memory_space<hbm>>
    tpu.wait_dma2 semaphore(%arg11 : memref<!tpu.dma_semaphore, #tpu.memory_space<semaphore_mem>>) src(%arg7 : memref<24x2048xf32, #tpu.memory_space<vmem>>) dst(%dma_wait3A_165 : memref<24x2048xf32, #tpu.memory_space<hbm>>)
    %dma_start3A_166 = arith.constant 216 : i32
    %dma_start3A_167 = tpu.memref_slice %arg5[%dma_start3A_166] : memref<384xi32, #tpu.memory_space<vmem>> -> memref<24xi32, #tpu.memory_space<vmem>>
    %dma_start3A_168 = arith.constant 0 : i32
    %dma_start3A_169 = arith.constant 0 : i32
    %dma_start3A_170 = tpu.memref_slice %arg2[%dma_start3A_168, %dma_start3A_169] : memref<4096x2048xf32, #tpu.memory_space<hbm>> -> memref<4096x2048xf32, #tpu.memory_space<hbm>>
    tpu.enqueue_indirect_dma source(%dma_start3A_170 : memref<4096x2048xf32, #tpu.memory_space<hbm>>) target(%arg7 : memref<24x2048xf32, #tpu.memory_space<vmem>>) offsets(%dma_start3A_167 : memref<24xi32, #tpu.memory_space<vmem>>) semaphore(%arg9 : memref<!tpu.dma_semaphore, #tpu.memory_space<semaphore_mem>>)
    %dma_wait3A_171 = arith.constant 192 : i32
    %dma_wait3A_172 = tpu.memref_slice %arg5[%dma_wait3A_171] : memref<384xi32, #tpu.memory_space<vmem>> -> memref<24xi32, #tpu.memory_space<vmem>>
    %dma_wait3A_173 = arith.constant 0 : i32
    %dma_wait3A_174 = arith.constant 0 : i32
    %dma_wait3A_175 = tpu.memref_slice %arg2[%dma_wait3A_173, %dma_wait3A_174] : memref<4096x2048xf32, #tpu.memory_space<hbm>> -> memref<4096x2048xf32, #tpu.memory_space<hbm>>
    tpu.wait_indirect_dma semaphore(%arg8 : memref<!tpu.dma_semaphore, #tpu.memory_space<semaphore_mem>>) src(%dma_wait3A_175 : memref<4096x2048xf32, #tpu.memory_space<hbm>>) dst(%arg6 : memref<24x2048xf32, #tpu.memory_space<vmem>>)
    %add3A_176 = arith.constant 192 : i32
    %add3A_177 = arith.addi %mul3A_2, %add3A_176 : i32
    %dma_start3A_178 = arith.constant 0 : i32
    %dma_start3A_179 = tpu.memref_slice %arg4[%add3A_177, %dma_start3A_178] : memref<12288x2048xf32, #tpu.memory_space<hbm>> -> memref<24x2048xf32, #tpu.memory_space<hbm>>
    %dma_start3A_180 = arith.constant 0 : i32
    %dma_start3A_181 = tpu.memref_slice %arg4[%add3A_177, %dma_start3A_180] : memref<12288x2048xf32, #tpu.memory_space<hbm>> -> memref<24x2048xf32, #tpu.memory_space<hbm>>
    tpu.enqueue_dma source(%arg6 : memref<24x2048xf32, #tpu.memory_space<vmem>>) target(%dma_start3A_181 : memref<24x2048xf32, #tpu.memory_space<hbm>>) target_semaphore(%arg10 : memref<!tpu.dma_semaphore, #tpu.memory_space<semaphore_mem>>)
    %dma_wait3A_182 = arith.constant 0 : i32
    %dma_wait3A_183 = tpu.memref_slice %arg4[%add3A_177, %dma_wait3A_182] : memref<12288x2048xf32, #tpu.memory_space<hbm>> -> memref<24x2048xf32, #tpu.memory_space<hbm>>
    %dma_wait3A_184 = arith.constant 0 : i32
    %dma_wait3A_185 = tpu.memref_slice %arg4[%add3A_177, %dma_wait3A_184] : memref<12288x2048xf32, #tpu.memory_space<hbm>> -> memref<24x2048xf32, #tpu.memory_space<hbm>>
    tpu.wait_dma2 semaphore(%arg10 : memref<!tpu.dma_semaphore, #tpu.memory_space<semaphore_mem>>) src(%arg6 : memref<24x2048xf32, #tpu.memory_space<vmem>>) dst(%dma_wait3A_185 : memref<24x2048xf32, #tpu.memory_space<hbm>>)
    %dma_start3A_186 = arith.constant 240 : i32
    %dma_start3A_187 = tpu.memref_slice %arg5[%dma_start3A_186] : memref<384xi32, #tpu.memory_space<vmem>> -> memref<24xi32, #tpu.memory_space<vmem>>
    %dma_start3A_188 = arith.constant 0 : i32
    %dma_start3A_189 = arith.constant 0 : i32
    %dma_start3A_190 = tpu.memref_slice %arg2[%dma_start3A_188, %dma_start3A_189] : memref<4096x2048xf32, #tpu.memory_space<hbm>> -> memref<4096x2048xf32, #tpu.memory_space<hbm>>
    tpu.enqueue_indirect_dma source(%dma_start3A_190 : memref<4096x2048xf32, #tpu.memory_space<hbm>>) target(%arg6 : memref<24x2048xf32, #tpu.memory_space<vmem>>) offsets(%dma_start3A_187 : memref<24xi32, #tpu.memory_space<vmem>>) semaphore(%arg8 : memref<!tpu.dma_semaphore, #tpu.memory_space<semaphore_mem>>)
    %dma_wait3A_191 = arith.constant 216 : i32
    %dma_wait3A_192 = tpu.memref_slice %arg5[%dma_wait3A_191] : memref<384xi32, #tpu.memory_space<vmem>> -> memref<24xi32, #tpu.memory_space<vmem>>
    %dma_wait3A_193 = arith.constant 0 : i32
    %dma_wait3A_194 = arith.constant 0 : i32
    %dma_wait3A_195 = tpu.memref_slice %arg2[%dma_wait3A_193, %dma_wait3A_194] : memref<4096x2048xf32, #tpu.memory_space<hbm>> -> memref<4096x2048xf32, #tpu.memory_space<hbm>>
    tpu.wait_indirect_dma semaphore(%arg9 : memref<!tpu.dma_semaphore, #tpu.memory_space<semaphore_mem>>) src(%dma_wait3A_195 : memref<4096x2048xf32, #tpu.memory_space<hbm>>) dst(%arg7 : memref<24x2048xf32, #tpu.memory_space<vmem>>)
    %add3A_196 = arith.constant 216 : i32
    %add3A_197 = arith.addi %mul3A_2, %add3A_196 : i32
    %dma_start3A_198 = arith.constant 0 : i32
    %dma_start3A_199 = tpu.memref_slice %arg4[%add3A_197, %dma_start3A_198] : memref<12288x2048xf32, #tpu.memory_space<hbm>> -> memref<24x2048xf32, #tpu.memory_space<hbm>>
    %dma_start3A_200 = arith.constant 0 : i32
    %dma_start3A_201 = tpu.memref_slice %arg4[%add3A_197, %dma_start3A_200] : memref<12288x2048xf32, #tpu.memory_space<hbm>> -> memref<24x2048xf32, #tpu.memory_space<hbm>>
    tpu.enqueue_dma source(%arg7 : memref<24x2048xf32, #tpu.memory_space<vmem>>) target(%dma_start3A_201 : memref<24x2048xf32, #tpu.memory_space<hbm>>) target_semaphore(%arg11 : memref<!tpu.dma_semaphore, #tpu.memory_space<semaphore_mem>>)
    %dma_wait3A_202 = arith.constant 0 : i32
    %dma_wait3A_203 = tpu.memref_slice %arg4[%add3A_197, %dma_wait3A_202] : memref<12288x2048xf32, #tpu.memory_space<hbm>> -> memref<24x2048xf32, #tpu.memory_space<hbm>>
    %dma_wait3A_204 = arith.constant 0 : i32
    %dma_wait3A_205 = tpu.memref_slice %arg4[%add3A_197, %dma_wait3A_204] : memref<12288x2048xf32, #tpu.memory_space<hbm>> -> memref<24x2048xf32, #tpu.memory_space<hbm>>
    tpu.wait_dma2 semaphore(%arg11 : memref<!tpu.dma_semaphore, #tpu.memory_space<semaphore_mem>>) src(%arg7 : memref<24x2048xf32, #tpu.memory_space<vmem>>) dst(%dma_wait3A_205 : memref<24x2048xf32, #tpu.memory_space<hbm>>)
    %dma_start3A_206 = arith.constant 264 : i32
    %dma_start3A_207 = tpu.memref_slice %arg5[%dma_start3A_206] : memref<384xi32, #tpu.memory_space<vmem>> -> memref<24xi32, #tpu.memory_space<vmem>>
    %dma_start3A_208 = arith.constant 0 : i32
    %dma_start3A_209 = arith.constant 0 : i32
    %dma_start3A_210 = tpu.memref_slice %arg2[%dma_start3A_208, %dma_start3A_209] : memref<4096x2048xf32, #tpu.memory_space<hbm>> -> memref<4096x2048xf32, #tpu.memory_space<hbm>>
    tpu.enqueue_indirect_dma source(%dma_start3A_210 : memref<4096x2048xf32, #tpu.memory_space<hbm>>) target(%arg7 : memref<24x2048xf32, #tpu.memory_space<vmem>>) offsets(%dma_start3A_207 : memref<24xi32, #tpu.memory_space<vmem>>) semaphore(%arg9 : memref<!tpu.dma_semaphore, #tpu.memory_space<semaphore_mem>>)
    %dma_wait3A_211 = arith.constant 240 : i32
    %dma_wait3A_212 = tpu.memref_slice %arg5[%dma_wait3A_211] : memref<384xi32, #tpu.memory_space<vmem>> -> memref<24xi32, #tpu.memory_space<vmem>>
    %dma_wait3A_213 = arith.constant 0 : i32
    %dma_wait3A_214 = arith.constant 0 : i32
    %dma_wait3A_215 = tpu.memref_slice %arg2[%dma_wait3A_213, %dma_wait3A_214] : memref<4096x2048xf32, #tpu.memory_space<hbm>> -> memref<4096x2048xf32, #tpu.memory_space<hbm>>
    tpu.wait_indirect_dma semaphore(%arg8 : memref<!tpu.dma_semaphore, #tpu.memory_space<semaphore_mem>>) src(%dma_wait3A_215 : memref<4096x2048xf32, #tpu.memory_space<hbm>>) dst(%arg6 : memref<24x2048xf32, #tpu.memory_space<vmem>>)
    %add3A_216 = arith.constant 240 : i32
    %add3A_217 = arith.addi %mul3A_2, %add3A_216 : i32
    %dma_start3A_218 = arith.constant 0 : i32
    %dma_start3A_219 = tpu.memref_slice %arg4[%add3A_217, %dma_start3A_218] : memref<12288x2048xf32, #tpu.memory_space<hbm>> -> memref<24x2048xf32, #tpu.memory_space<hbm>>
    %dma_start3A_220 = arith.constant 0 : i32
    %dma_start3A_221 = tpu.memref_slice %arg4[%add3A_217, %dma_start3A_220] : memref<12288x2048xf32, #tpu.memory_space<hbm>> -> memref<24x2048xf32, #tpu.memory_space<hbm>>
    tpu.enqueue_dma source(%arg6 : memref<24x2048xf32, #tpu.memory_space<vmem>>) target(%dma_start3A_221 : memref<24x2048xf32, #tpu.memory_space<hbm>>) target_semaphore(%arg10 : memref<!tpu.dma_semaphore, #tpu.memory_space<semaphore_mem>>)
    %dma_wait3A_222 = arith.constant 0 : i32
    %dma_wait3A_223 = tpu.memref_slice %arg4[%add3A_217, %dma_wait3A_222] : memref<12288x2048xf32, #tpu.memory_space<hbm>> -> memref<24x2048xf32, #tpu.memory_space<hbm>>
    %dma_wait3A_224 = arith.constant 0 : i32
    %dma_wait3A_225 = tpu.memref_slice %arg4[%add3A_217, %dma_wait3A_224] : memref<12288x2048xf32, #tpu.memory_space<hbm>> -> memref<24x2048xf32, #tpu.memory_space<hbm>>
    tpu.wait_dma2 semaphore(%arg10 : memref<!tpu.dma_semaphore, #tpu.memory_space<semaphore_mem>>) src(%arg6 : memref<24x2048xf32, #tpu.memory_space<vmem>>) dst(%dma_wait3A_225 : memref<24x2048xf32, #tpu.memory_space<hbm>>)
    %dma_start3A_226 = arith.constant 288 : i32
    %dma_start3A_227 = tpu.memref_slice %arg5[%dma_start3A_226] : memref<384xi32, #tpu.memory_space<vmem>> -> memref<24xi32, #tpu.memory_space<vmem>>
    %dma_start3A_228 = arith.constant 0 : i32
    %dma_start3A_229 = arith.constant 0 : i32
    %dma_start3A_230 = tpu.memref_slice %arg2[%dma_start3A_228, %dma_start3A_229] : memref<4096x2048xf32, #tpu.memory_space<hbm>> -> memref<4096x2048xf32, #tpu.memory_space<hbm>>
    tpu.enqueue_indirect_dma source(%dma_start3A_230 : memref<4096x2048xf32, #tpu.memory_space<hbm>>) target(%arg6 : memref<24x2048xf32, #tpu.memory_space<vmem>>) offsets(%dma_start3A_227 : memref<24xi32, #tpu.memory_space<vmem>>) semaphore(%arg8 : memref<!tpu.dma_semaphore, #tpu.memory_space<semaphore_mem>>)
    %dma_wait3A_231 = arith.constant 264 : i32
    %dma_wait3A_232 = tpu.memref_slice %arg5[%dma_wait3A_231] : memref<384xi32, #tpu.memory_space<vmem>> -> memref<24xi32, #tpu.memory_space<vmem>>
    %dma_wait3A_233 = arith.constant 0 : i32
    %dma_wait3A_234 = arith.constant 0 : i32
    %dma_wait3A_235 = tpu.memref_slice %arg2[%dma_wait3A_233, %dma_wait3A_234] : memref<4096x2048xf32, #tpu.memory_space<hbm>> -> memref<4096x2048xf32, #tpu.memory_space<hbm>>
    tpu.wait_indirect_dma semaphore(%arg9 : memref<!tpu.dma_semaphore, #tpu.memory_space<semaphore_mem>>) src(%dma_wait3A_235 : memref<4096x2048xf32, #tpu.memory_space<hbm>>) dst(%arg7 : memref<24x2048xf32, #tpu.memory_space<vmem>>)
    %add3A_236 = arith.constant 264 : i32
    %add3A_237 = arith.addi %mul3A_2, %add3A_236 : i32
    %dma_start3A_238 = arith.constant 0 : i32
    %dma_start3A_239 = tpu.memref_slice %arg4[%add3A_237, %dma_start3A_238] : memref<12288x2048xf32, #tpu.memory_space<hbm>> -> memref<24x2048xf32, #tpu.memory_space<hbm>>
    %dma_start3A_240 = arith.constant 0 : i32
    %dma_start3A_241 = tpu.memref_slice %arg4[%add3A_237, %dma_start3A_240] : memref<12288x2048xf32, #tpu.memory_space<hbm>> -> memref<24x2048xf32, #tpu.memory_space<hbm>>
    tpu.enqueue_dma source(%arg7 : memref<24x2048xf32, #tpu.memory_space<vmem>>) target(%dma_start3A_241 : memref<24x2048xf32, #tpu.memory_space<hbm>>) target_semaphore(%arg11 : memref<!tpu.dma_semaphore, #tpu.memory_space<semaphore_mem>>)
    %dma_wait3A_242 = arith.constant 0 : i32
    %dma_wait3A_243 = tpu.memref_slice %arg4[%add3A_237, %dma_wait3A_242] : memref<12288x2048xf32, #tpu.memory_space<hbm>> -> memref<24x2048xf32, #tpu.memory_space<hbm>>
    %dma_wait3A_244 = arith.constant 0 : i32
    %dma_wait3A_245 = tpu.memref_slice %arg4[%add3A_237, %dma_wait3A_244] : memref<12288x2048xf32, #tpu.memory_space<hbm>> -> memref<24x2048xf32, #tpu.memory_space<hbm>>
    tpu.wait_dma2 semaphore(%arg11 : memref<!tpu.dma_semaphore, #tpu.memory_space<semaphore_mem>>) src(%arg7 : memref<24x2048xf32, #tpu.memory_space<vmem>>) dst(%dma_wait3A_245 : memref<24x2048xf32, #tpu.memory_space<hbm>>)
    %dma_start3A_246 = arith.constant 312 : i32
    %dma_start3A_247 = tpu.memref_slice %arg5[%dma_start3A_246] : memref<384xi32, #tpu.memory_space<vmem>> -> memref<24xi32, #tpu.memory_space<vmem>>
    %dma_start3A_248 = arith.constant 0 : i32
    %dma_start3A_249 = arith.constant 0 : i32
    %dma_start3A_250 = tpu.memref_slice %arg2[%dma_start3A_248, %dma_start3A_249] : memref<4096x2048xf32, #tpu.memory_space<hbm>> -> memref<4096x2048xf32, #tpu.memory_space<hbm>>
    tpu.enqueue_indirect_dma source(%dma_start3A_250 : memref<4096x2048xf32, #tpu.memory_space<hbm>>) target(%arg7 : memref<24x2048xf32, #tpu.memory_space<vmem>>) offsets(%dma_start3A_247 : memref<24xi32, #tpu.memory_space<vmem>>) semaphore(%arg9 : memref<!tpu.dma_semaphore, #tpu.memory_space<semaphore_mem>>)
    %dma_wait3A_251 = arith.constant 288 : i32
    %dma_wait3A_252 = tpu.memref_slice %arg5[%dma_wait3A_251] : memref<384xi32, #tpu.memory_space<vmem>> -> memref<24xi32, #tpu.memory_space<vmem>>
    %dma_wait3A_253 = arith.constant 0 : i32
    %dma_wait3A_254 = arith.constant 0 : i32
    %dma_wait3A_255 = tpu.memref_slice %arg2[%dma_wait3A_253, %dma_wait3A_254] : memref<4096x2048xf32, #tpu.memory_space<hbm>> -> memref<4096x2048xf32, #tpu.memory_space<hbm>>
    tpu.wait_indirect_dma semaphore(%arg8 : memref<!tpu.dma_semaphore, #tpu.memory_space<semaphore_mem>>) src(%dma_wait3A_255 : memref<4096x2048xf32, #tpu.memory_space<hbm>>) dst(%arg6 : memref<24x2048xf32, #tpu.memory_space<vmem>>)
    %add3A_256 = arith.constant 288 : i32
    %add3A_257 = arith.addi %mul3A_2, %add3A_256 : i32
    %dma_start3A_258 = arith.constant 0 : i32
    %dma_start3A_259 = tpu.memref_slice %arg4[%add3A_257, %dma_start3A_258] : memref<12288x2048xf32, #tpu.memory_space<hbm>> -> memref<24x2048xf32, #tpu.memory_space<hbm>>
    %dma_start3A_260 = arith.constant 0 : i32
    %dma_start3A_261 = tpu.memref_slice %arg4[%add3A_257, %dma_start3A_260] : memref<12288x2048xf32, #tpu.memory_space<hbm>> -> memref<24x2048xf32, #tpu.memory_space<hbm>>
    tpu.enqueue_dma source(%arg6 : memref<24x2048xf32, #tpu.memory_space<vmem>>) target(%dma_start3A_261 : memref<24x2048xf32, #tpu.memory_space<hbm>>) target_semaphore(%arg10 : memref<!tpu.dma_semaphore, #tpu.memory_space<semaphore_mem>>)
    %dma_wait3A_262 = arith.constant 0 : i32
    %dma_wait3A_263 = tpu.memref_slice %arg4[%add3A_257, %dma_wait3A_262] : memref<12288x2048xf32, #tpu.memory_space<hbm>> -> memref<24x2048xf32, #tpu.memory_space<hbm>>
    %dma_wait3A_264 = arith.constant 0 : i32
    %dma_wait3A_265 = tpu.memref_slice %arg4[%add3A_257, %dma_wait3A_264] : memref<12288x2048xf32, #tpu.memory_space<hbm>> -> memref<24x2048xf32, #tpu.memory_space<hbm>>
    tpu.wait_dma2 semaphore(%arg10 : memref<!tpu.dma_semaphore, #tpu.memory_space<semaphore_mem>>) src(%arg6 : memref<24x2048xf32, #tpu.memory_space<vmem>>) dst(%dma_wait3A_265 : memref<24x2048xf32, #tpu.memory_space<hbm>>)
    %dma_start3A_266 = arith.constant 336 : i32
    %dma_start3A_267 = tpu.memref_slice %arg5[%dma_start3A_266] : memref<384xi32, #tpu.memory_space<vmem>> -> memref<24xi32, #tpu.memory_space<vmem>>
    %dma_start3A_268 = arith.constant 0 : i32
    %dma_start3A_269 = arith.constant 0 : i32
    %dma_start3A_270 = tpu.memref_slice %arg2[%dma_start3A_268, %dma_start3A_269] : memref<4096x2048xf32, #tpu.memory_space<hbm>> -> memref<4096x2048xf32, #tpu.memory_space<hbm>>
    tpu.enqueue_indirect_dma source(%dma_start3A_270 : memref<4096x2048xf32, #tpu.memory_space<hbm>>) target(%arg6 : memref<24x2048xf32, #tpu.memory_space<vmem>>) offsets(%dma_start3A_267 : memref<24xi32, #tpu.memory_space<vmem>>) semaphore(%arg8 : memref<!tpu.dma_semaphore, #tpu.memory_space<semaphore_mem>>)
    %dma_wait3A_271 = arith.constant 312 : i32
    %dma_wait3A_272 = tpu.memref_slice %arg5[%dma_wait3A_271] : memref<384xi32, #tpu.memory_space<vmem>> -> memref<24xi32, #tpu.memory_space<vmem>>
    %dma_wait3A_273 = arith.constant 0 : i32
    %dma_wait3A_274 = arith.constant 0 : i32
    %dma_wait3A_275 = tpu.memref_slice %arg2[%dma_wait3A_273, %dma_wait3A_274] : memref<4096x2048xf32, #tpu.memory_space<hbm>> -> memref<4096x2048xf32, #tpu.memory_space<hbm>>
    tpu.wait_indirect_dma semaphore(%arg9 : memref<!tpu.dma_semaphore, #tpu.memory_space<semaphore_mem>>) src(%dma_wait3A_275 : memref<4096x2048xf32, #tpu.memory_space<hbm>>) dst(%arg7 : memref<24x2048xf32, #tpu.memory_space<vmem>>)
    %add3A_276 = arith.constant 312 : i32
    %add3A_277 = arith.addi %mul3A_2, %add3A_276 : i32
    %dma_start3A_278 = arith.constant 0 : i32
    %dma_start3A_279 = tpu.memref_slice %arg4[%add3A_277, %dma_start3A_278] : memref<12288x2048xf32, #tpu.memory_space<hbm>> -> memref<24x2048xf32, #tpu.memory_space<hbm>>
    %dma_start3A_280 = arith.constant 0 : i32
    %dma_start3A_281 = tpu.memref_slice %arg4[%add3A_277, %dma_start3A_280] : memref<12288x2048xf32, #tpu.memory_space<hbm>> -> memref<24x2048xf32, #tpu.memory_space<hbm>>
    tpu.enqueue_dma source(%arg7 : memref<24x2048xf32, #tpu.memory_space<vmem>>) target(%dma_start3A_281 : memref<24x2048xf32, #tpu.memory_space<hbm>>) target_semaphore(%arg11 : memref<!tpu.dma_semaphore, #tpu.memory_space<semaphore_mem>>)
    %dma_wait3A_282 = arith.constant 0 : i32
    %dma_wait3A_283 = tpu.memref_slice %arg4[%add3A_277, %dma_wait3A_282] : memref<12288x2048xf32, #tpu.memory_space<hbm>> -> memref<24x2048xf32, #tpu.memory_space<hbm>>
    %dma_wait3A_284 = arith.constant 0 : i32
    %dma_wait3A_285 = tpu.memref_slice %arg4[%add3A_277, %dma_wait3A_284] : memref<12288x2048xf32, #tpu.memory_space<hbm>> -> memref<24x2048xf32, #tpu.memory_space<hbm>>
    tpu.wait_dma2 semaphore(%arg11 : memref<!tpu.dma_semaphore, #tpu.memory_space<semaphore_mem>>) src(%arg7 : memref<24x2048xf32, #tpu.memory_space<vmem>>) dst(%dma_wait3A_285 : memref<24x2048xf32, #tpu.memory_space<hbm>>)
    %dma_start3A_286 = arith.constant 360 : i32
    %dma_start3A_287 = tpu.memref_slice %arg5[%dma_start3A_286] : memref<384xi32, #tpu.memory_space<vmem>> -> memref<24xi32, #tpu.memory_space<vmem>>
    %dma_start3A_288 = arith.constant 0 : i32
    %dma_start3A_289 = arith.constant 0 : i32
    %dma_start3A_290 = tpu.memref_slice %arg2[%dma_start3A_288, %dma_start3A_289] : memref<4096x2048xf32, #tpu.memory_space<hbm>> -> memref<4096x2048xf32, #tpu.memory_space<hbm>>
    tpu.enqueue_indirect_dma source(%dma_start3A_290 : memref<4096x2048xf32, #tpu.memory_space<hbm>>) target(%arg7 : memref<24x2048xf32, #tpu.memory_space<vmem>>) offsets(%dma_start3A_287 : memref<24xi32, #tpu.memory_space<vmem>>) semaphore(%arg9 : memref<!tpu.dma_semaphore, #tpu.memory_space<semaphore_mem>>)
    %dma_wait3A_291 = arith.constant 336 : i32
    %dma_wait3A_292 = tpu.memref_slice %arg5[%dma_wait3A_291] : memref<384xi32, #tpu.memory_space<vmem>> -> memref<24xi32, #tpu.memory_space<vmem>>
    %dma_wait3A_293 = arith.constant 0 : i32
    %dma_wait3A_294 = arith.constant 0 : i32
    %dma_wait3A_295 = tpu.memref_slice %arg2[%dma_wait3A_293, %dma_wait3A_294] : memref<4096x2048xf32, #tpu.memory_space<hbm>> -> memref<4096x2048xf32, #tpu.memory_space<hbm>>
    tpu.wait_indirect_dma semaphore(%arg8 : memref<!tpu.dma_semaphore, #tpu.memory_space<semaphore_mem>>) src(%dma_wait3A_295 : memref<4096x2048xf32, #tpu.memory_space<hbm>>) dst(%arg6 : memref<24x2048xf32, #tpu.memory_space<vmem>>)
    %add3A_296 = arith.constant 336 : i32
    %add3A_297 = arith.addi %mul3A_2, %add3A_296 : i32
    %dma_start3A_298 = arith.constant 0 : i32
    %dma_start3A_299 = tpu.memref_slice %arg4[%add3A_297, %dma_start3A_298] : memref<12288x2048xf32, #tpu.memory_space<hbm>> -> memref<24x2048xf32, #tpu.memory_space<hbm>>
    %dma_start3A_300 = arith.constant 0 : i32
    %dma_start3A_301 = tpu.memref_slice %arg4[%add3A_297, %dma_start3A_300] : memref<12288x2048xf32, #tpu.memory_space<hbm>> -> memref<24x2048xf32, #tpu.memory_space<hbm>>
    tpu.enqueue_dma source(%arg6 : memref<24x2048xf32, #tpu.memory_space<vmem>>) target(%dma_start3A_301 : memref<24x2048xf32, #tpu.memory_space<hbm>>) target_semaphore(%arg10 : memref<!tpu.dma_semaphore, #tpu.memory_space<semaphore_mem>>)
    %dma_wait3A_302 = arith.constant 360 : i32
    %dma_wait3A_303 = tpu.memref_slice %arg5[%dma_wait3A_302] : memref<384xi32, #tpu.memory_space<vmem>> -> memref<24xi32, #tpu.memory_space<vmem>>
    %dma_wait3A_304 = arith.constant 0 : i32
    %dma_wait3A_305 = arith.constant 0 : i32
    %dma_wait3A_306 = tpu.memref_slice %arg2[%dma_wait3A_304, %dma_wait3A_305] : memref<4096x2048xf32, #tpu.memory_space<hbm>> -> memref<4096x2048xf32, #tpu.memory_space<hbm>>
    tpu.wait_indirect_dma semaphore(%arg9 : memref<!tpu.dma_semaphore, #tpu.memory_space<semaphore_mem>>) src(%dma_wait3A_306 : memref<4096x2048xf32, #tpu.memory_space<hbm>>) dst(%arg7 : memref<24x2048xf32, #tpu.memory_space<vmem>>)
    %add3A_307 = arith.constant 360 : i32
    %add3A_308 = arith.addi %mul3A_2, %add3A_307 : i32
    %dma_start3A_309 = arith.constant 0 : i32
    %dma_start3A_310 = tpu.memref_slice %arg4[%add3A_308, %dma_start3A_309] : memref<12288x2048xf32, #tpu.memory_space<hbm>> -> memref<24x2048xf32, #tpu.memory_space<hbm>>
    %dma_start3A_311 = arith.constant 0 : i32
    %dma_start3A_312 = tpu.memref_slice %arg4[%add3A_308, %dma_start3A_311] : memref<12288x2048xf32, #tpu.memory_space<hbm>> -> memref<24x2048xf32, #tpu.memory_space<hbm>>
    tpu.enqueue_dma source(%arg7 : memref<24x2048xf32, #tpu.memory_space<vmem>>) target(%dma_start3A_312 : memref<24x2048xf32, #tpu.memory_space<hbm>>) target_semaphore(%arg11 : memref<!tpu.dma_semaphore, #tpu.memory_space<semaphore_mem>>)
    %dma_wait3A_313 = arith.constant 0 : i32
    %dma_wait3A_314 = tpu.memref_slice %arg4[%add3A_297, %dma_wait3A_313] : memref<12288x2048xf32, #tpu.memory_space<hbm>> -> memref<24x2048xf32, #tpu.memory_space<hbm>>
    %dma_wait3A_315 = arith.constant 0 : i32
    %dma_wait3A_316 = tpu.memref_slice %arg4[%add3A_297, %dma_wait3A_315] : memref<12288x2048xf32, #tpu.memory_space<hbm>> -> memref<24x2048xf32, #tpu.memory_space<hbm>>
    tpu.wait_dma2 semaphore(%arg10 : memref<!tpu.dma_semaphore, #tpu.memory_space<semaphore_mem>>) src(%arg6 : memref<24x2048xf32, #tpu.memory_space<vmem>>) dst(%dma_wait3A_316 : memref<24x2048xf32, #tpu.memory_space<hbm>>)
    %dma_wait3A_317 = arith.constant 0 : i32
    %dma_wait3A_318 = tpu.memref_slice %arg4[%add3A_308, %dma_wait3A_317] : memref<12288x2048xf32, #tpu.memory_space<hbm>> -> memref<24x2048xf32, #tpu.memory_space<hbm>>
    %dma_wait3A_319 = arith.constant 0 : i32
    %dma_wait3A_320 = tpu.memref_slice %arg4[%add3A_308, %dma_wait3A_319] : memref<12288x2048xf32, #tpu.memory_space<hbm>> -> memref<24x2048xf32, #tpu.memory_space<hbm>>
    tpu.wait_dma2 semaphore(%arg11 : memref<!tpu.dma_semaphore, #tpu.memory_space<semaphore_mem>>) src(%arg7 : memref<24x2048xf32, #tpu.memory_space<vmem>>) dst(%dma_wait3A_320 : memref<24x2048xf32, #tpu.memory_space<hbm>>)
    return
  }
}

#map = affine_map<(d0, d1) -> (0, 0)>
module attributes {stable_mosaic.version = 14 : i64} {
  func.func @_combine_body(%arg0: i32, %arg1: i32, %arg2: memref<12288x2048xf32, #tpu.memory_space<hbm>>, %arg3: memref<2x4096xi32, #tpu.memory_space<hbm>>, %arg4: memref<4096x2048xf32, #tpu.memory_space<hbm>>, %arg5: memref<128xi32, #tpu.memory_space<vmem>>, %arg6: memref<128xi32, #tpu.memory_space<vmem>>, %arg7: memref<8x2048xf32, #tpu.memory_space<vmem>>, %arg8: memref<8x2048xf32, #tpu.memory_space<vmem>>, %arg9: memref<8x2048xf32, #tpu.memory_space<vmem>>, %arg10: memref<8x2048xf32, #tpu.memory_space<vmem>>, %arg11: memref<8x2048xf32, #tpu.memory_space<vmem>>, %arg12: memref<8x2048xf32, #tpu.memory_space<vmem>>, %arg13: memref<!tpu.dma_semaphore, #tpu.memory_space<semaphore_mem>>, %arg14: memref<!tpu.dma_semaphore, #tpu.memory_space<semaphore_mem>>, %arg15: memref<!tpu.dma_semaphore, #tpu.memory_space<semaphore_mem>>, %arg16: memref<!tpu.dma_semaphore, #tpu.memory_space<semaphore_mem>>, %arg17: memref<!tpu.dma_semaphore, #tpu.memory_space<semaphore_mem>>, %arg18: memref<!tpu.dma_semaphore, #tpu.memory_space<semaphore_mem>>) attributes {dimension_semantics = [#tpu.dimension_semantics<core_parallel>, #tpu.dimension_semantics<subcore_parallel>], iteration_bounds = array<i64: 2, 16>, scalar_prefetch = 0 : i64, scratch_operands = 14 : i64, tpu.core_type = #tpu.core_type<sc_vector_subcore>, window_params = [{transform_indices = #map}, {transform_indices = #map}, {transform_indices = #map}]} {
    %mul3A = arith.constant 2 : i32
    %mul3A_0 = arith.muli %arg1, %mul3A : i32
    %add3A = arith.addi %mul3A_0, %arg0 : i32
    %mul3A_1 = arith.constant 128 : i32
    %mul3A_2 = arith.muli %add3A, %mul3A_1 : i32
    %run_scoped3A = arith.constant 0 : i32
    "tpu.region"() ({
      %run_scoped3A_529 = tpu.sem_alloc : memref<!tpu.dma_semaphore, #tpu.memory_space<semaphore_mem>>
      %dma_start3A_530 = tpu.memref_slice %arg3[%run_scoped3A, %mul3A_2] : memref<2x4096xi32, #tpu.memory_space<hbm>> -> memref<1x128xi32, #tpu.memory_space<hbm>>
      %dma_start3A_531 = tpu.memref_squeeze %dma_start3A_530 : memref<1x128xi32, #tpu.memory_space<hbm>> -> memref<128xi32, #tpu.memory_space<hbm>>
      %dma_start3A_532 = tpu.memref_slice %arg3[%run_scoped3A, %mul3A_2] : memref<2x4096xi32, #tpu.memory_space<hbm>> -> memref<1x128xi32, #tpu.memory_space<hbm>>
      %dma_start3A_533 = tpu.memref_squeeze %dma_start3A_532 : memref<1x128xi32, #tpu.memory_space<hbm>> -> memref<128xi32, #tpu.memory_space<hbm>>
      tpu.enqueue_dma source(%dma_start3A_533 : memref<128xi32, #tpu.memory_space<hbm>>) target(%arg5 : memref<128xi32, #tpu.memory_space<vmem>>) target_semaphore(%run_scoped3A_529 : memref<!tpu.dma_semaphore, #tpu.memory_space<semaphore_mem>>)
      %dma_wait3A_534 = tpu.memref_slice %arg3[%run_scoped3A, %mul3A_2] : memref<2x4096xi32, #tpu.memory_space<hbm>> -> memref<1x128xi32, #tpu.memory_space<hbm>>
      %dma_wait3A_535 = tpu.memref_squeeze %dma_wait3A_534 : memref<1x128xi32, #tpu.memory_space<hbm>> -> memref<128xi32, #tpu.memory_space<hbm>>
      %dma_wait3A_536 = tpu.memref_slice %arg3[%run_scoped3A, %mul3A_2] : memref<2x4096xi32, #tpu.memory_space<hbm>> -> memref<1x128xi32, #tpu.memory_space<hbm>>
      %dma_wait3A_537 = tpu.memref_squeeze %dma_wait3A_536 : memref<1x128xi32, #tpu.memory_space<hbm>> -> memref<128xi32, #tpu.memory_space<hbm>>
      tpu.wait_dma2 semaphore(%run_scoped3A_529 : memref<!tpu.dma_semaphore, #tpu.memory_space<semaphore_mem>>) src(%dma_wait3A_537 : memref<128xi32, #tpu.memory_space<hbm>>) dst(%arg5 : memref<128xi32, #tpu.memory_space<vmem>>)
      tpu.yield
    }) : () -> ()
    %run_scoped3A_3 = arith.constant 1 : i32
    "tpu.region"() ({
      %run_scoped3A_529 = tpu.sem_alloc : memref<!tpu.dma_semaphore, #tpu.memory_space<semaphore_mem>>
      %dma_start3A_530 = tpu.memref_slice %arg3[%run_scoped3A_3, %mul3A_2] : memref<2x4096xi32, #tpu.memory_space<hbm>> -> memref<1x128xi32, #tpu.memory_space<hbm>>
      %dma_start3A_531 = tpu.memref_squeeze %dma_start3A_530 : memref<1x128xi32, #tpu.memory_space<hbm>> -> memref<128xi32, #tpu.memory_space<hbm>>
      %dma_start3A_532 = tpu.memref_slice %arg3[%run_scoped3A_3, %mul3A_2] : memref<2x4096xi32, #tpu.memory_space<hbm>> -> memref<1x128xi32, #tpu.memory_space<hbm>>
      %dma_start3A_533 = tpu.memref_squeeze %dma_start3A_532 : memref<1x128xi32, #tpu.memory_space<hbm>> -> memref<128xi32, #tpu.memory_space<hbm>>
      tpu.enqueue_dma source(%dma_start3A_533 : memref<128xi32, #tpu.memory_space<hbm>>) target(%arg6 : memref<128xi32, #tpu.memory_space<vmem>>) target_semaphore(%run_scoped3A_529 : memref<!tpu.dma_semaphore, #tpu.memory_space<semaphore_mem>>)
      %dma_wait3A_534 = tpu.memref_slice %arg3[%run_scoped3A_3, %mul3A_2] : memref<2x4096xi32, #tpu.memory_space<hbm>> -> memref<1x128xi32, #tpu.memory_space<hbm>>
      %dma_wait3A_535 = tpu.memref_squeeze %dma_wait3A_534 : memref<1x128xi32, #tpu.memory_space<hbm>> -> memref<128xi32, #tpu.memory_space<hbm>>
      %dma_wait3A_536 = tpu.memref_slice %arg3[%run_scoped3A_3, %mul3A_2] : memref<2x4096xi32, #tpu.memory_space<hbm>> -> memref<1x128xi32, #tpu.memory_space<hbm>>
      %dma_wait3A_537 = tpu.memref_squeeze %dma_wait3A_536 : memref<1x128xi32, #tpu.memory_space<hbm>> -> memref<128xi32, #tpu.memory_space<hbm>>
      tpu.wait_dma2 semaphore(%run_scoped3A_529 : memref<!tpu.dma_semaphore, #tpu.memory_space<semaphore_mem>>) src(%dma_wait3A_537 : memref<128xi32, #tpu.memory_space<hbm>>) dst(%arg6 : memref<128xi32, #tpu.memory_space<vmem>>)
      tpu.yield
    }) : () -> ()
    %dma_start3A = arith.constant 0 : i32
    %dma_start3A_4 = tpu.memref_slice %arg5[%dma_start3A] : memref<128xi32, #tpu.memory_space<vmem>> -> memref<8xi32, #tpu.memory_space<vmem>>
    %dma_start3A_5 = arith.constant 0 : i32
    %dma_start3A_6 = arith.constant 0 : i32
    %dma_start3A_7 = tpu.memref_slice %arg2[%dma_start3A_5, %dma_start3A_6] : memref<12288x2048xf32, #tpu.memory_space<hbm>> -> memref<12288x2048xf32, #tpu.memory_space<hbm>>
    tpu.enqueue_indirect_dma source(%dma_start3A_7 : memref<12288x2048xf32, #tpu.memory_space<hbm>>) target(%arg7 : memref<8x2048xf32, #tpu.memory_space<vmem>>) offsets(%dma_start3A_4 : memref<8xi32, #tpu.memory_space<vmem>>) semaphore(%arg13 : memref<!tpu.dma_semaphore, #tpu.memory_space<semaphore_mem>>)
    %dma_start3A_8 = arith.constant 0 : i32
    %dma_start3A_9 = tpu.memref_slice %arg6[%dma_start3A_8] : memref<128xi32, #tpu.memory_space<vmem>> -> memref<8xi32, #tpu.memory_space<vmem>>
    %dma_start3A_10 = arith.constant 0 : i32
    %dma_start3A_11 = arith.constant 0 : i32
    %dma_start3A_12 = tpu.memref_slice %arg2[%dma_start3A_10, %dma_start3A_11] : memref<12288x2048xf32, #tpu.memory_space<hbm>> -> memref<12288x2048xf32, #tpu.memory_space<hbm>>
    tpu.enqueue_indirect_dma source(%dma_start3A_12 : memref<12288x2048xf32, #tpu.memory_space<hbm>>) target(%arg8 : memref<8x2048xf32, #tpu.memory_space<vmem>>) offsets(%dma_start3A_9 : memref<8xi32, #tpu.memory_space<vmem>>) semaphore(%arg14 : memref<!tpu.dma_semaphore, #tpu.memory_space<semaphore_mem>>)
    %dma_start3A_13 = arith.constant 8 : i32
    %dma_start3A_14 = tpu.memref_slice %arg5[%dma_start3A_13] : memref<128xi32, #tpu.memory_space<vmem>> -> memref<8xi32, #tpu.memory_space<vmem>>
    %dma_start3A_15 = arith.constant 0 : i32
    %dma_start3A_16 = arith.constant 0 : i32
    %dma_start3A_17 = tpu.memref_slice %arg2[%dma_start3A_15, %dma_start3A_16] : memref<12288x2048xf32, #tpu.memory_space<hbm>> -> memref<12288x2048xf32, #tpu.memory_space<hbm>>
    tpu.enqueue_indirect_dma source(%dma_start3A_17 : memref<12288x2048xf32, #tpu.memory_space<hbm>>) target(%arg10 : memref<8x2048xf32, #tpu.memory_space<vmem>>) offsets(%dma_start3A_14 : memref<8xi32, #tpu.memory_space<vmem>>) semaphore(%arg15 : memref<!tpu.dma_semaphore, #tpu.memory_space<semaphore_mem>>)
    %dma_start3A_18 = arith.constant 8 : i32
    %dma_start3A_19 = tpu.memref_slice %arg6[%dma_start3A_18] : memref<128xi32, #tpu.memory_space<vmem>> -> memref<8xi32, #tpu.memory_space<vmem>>
    %dma_start3A_20 = arith.constant 0 : i32
    %dma_start3A_21 = arith.constant 0 : i32
    %dma_start3A_22 = tpu.memref_slice %arg2[%dma_start3A_20, %dma_start3A_21] : memref<12288x2048xf32, #tpu.memory_space<hbm>> -> memref<12288x2048xf32, #tpu.memory_space<hbm>>
    tpu.enqueue_indirect_dma source(%dma_start3A_22 : memref<12288x2048xf32, #tpu.memory_space<hbm>>) target(%arg11 : memref<8x2048xf32, #tpu.memory_space<vmem>>) offsets(%dma_start3A_19 : memref<8xi32, #tpu.memory_space<vmem>>) semaphore(%arg16 : memref<!tpu.dma_semaphore, #tpu.memory_space<semaphore_mem>>)
    %dma_wait3A = arith.constant 0 : i32
    %dma_wait3A_23 = tpu.memref_slice %arg5[%dma_wait3A] : memref<128xi32, #tpu.memory_space<vmem>> -> memref<8xi32, #tpu.memory_space<vmem>>
    %dma_wait3A_24 = arith.constant 0 : i32
    %dma_wait3A_25 = arith.constant 0 : i32
    %dma_wait3A_26 = tpu.memref_slice %arg2[%dma_wait3A_24, %dma_wait3A_25] : memref<12288x2048xf32, #tpu.memory_space<hbm>> -> memref<12288x2048xf32, #tpu.memory_space<hbm>>
    tpu.wait_indirect_dma semaphore(%arg13 : memref<!tpu.dma_semaphore, #tpu.memory_space<semaphore_mem>>) src(%dma_wait3A_26 : memref<12288x2048xf32, #tpu.memory_space<hbm>>) dst(%arg7 : memref<8x2048xf32, #tpu.memory_space<vmem>>)
    %dma_wait3A_27 = arith.constant 0 : i32
    %dma_wait3A_28 = tpu.memref_slice %arg6[%dma_wait3A_27] : memref<128xi32, #tpu.memory_space<vmem>> -> memref<8xi32, #tpu.memory_space<vmem>>
    %dma_wait3A_29 = arith.constant 0 : i32
    %dma_wait3A_30 = arith.constant 0 : i32
    %dma_wait3A_31 = tpu.memref_slice %arg2[%dma_wait3A_29, %dma_wait3A_30] : memref<12288x2048xf32, #tpu.memory_space<hbm>> -> memref<12288x2048xf32, #tpu.memory_space<hbm>>
    tpu.wait_indirect_dma semaphore(%arg14 : memref<!tpu.dma_semaphore, #tpu.memory_space<semaphore_mem>>) src(%dma_wait3A_31 : memref<12288x2048xf32, #tpu.memory_space<hbm>>) dst(%arg8 : memref<8x2048xf32, #tpu.memory_space<vmem>>)
    %parallel_loop3A = arith.constant 0 : i32
    %parallel_loop3A_32 = arith.constant 1024 : i32
    %parallel_loop3A_33 = arith.constant 1 : i32
    scf.for %parallel_loop3A_529 = %parallel_loop3A to %parallel_loop3A_32 step %parallel_loop3A_33  : i32 {
      %parallel_loop3A_530 = arith.constant 128 : i32
      %parallel_loop3A_531 = arith.divsi %parallel_loop3A_529, %parallel_loop3A_530 : i32
      %parallel_loop3A_532 = arith.constant 0 : i32
      %parallel_loop3A_533 = arith.cmpi sgt, %parallel_loop3A_529, %parallel_loop3A_532 : i32
      %parallel_loop3A_534 = arith.extui %parallel_loop3A_533 : i1 to i32
      %parallel_loop3A_535 = arith.constant 0 : i32
      %parallel_loop3A_536 = arith.cmpi slt, %parallel_loop3A_529, %parallel_loop3A_535 : i32
      %parallel_loop3A_537 = arith.extui %parallel_loop3A_536 : i1 to i32
      %parallel_loop3A_538 = arith.subi %parallel_loop3A_534, %parallel_loop3A_537 : i32
      %parallel_loop3A_539 = arith.constant 0 : i32
      %parallel_loop3A_540 = arith.cmpi sgt, %parallel_loop3A_530, %parallel_loop3A_539 : i32
      %parallel_loop3A_541 = arith.extui %parallel_loop3A_540 : i1 to i32
      %parallel_loop3A_542 = arith.constant 0 : i32
      %parallel_loop3A_543 = arith.cmpi slt, %parallel_loop3A_530, %parallel_loop3A_542 : i32
      %parallel_loop3A_544 = arith.extui %parallel_loop3A_543 : i1 to i32
      %parallel_loop3A_545 = arith.subi %parallel_loop3A_541, %parallel_loop3A_544 : i32
      %parallel_loop3A_546 = arith.cmpi ne, %parallel_loop3A_538, %parallel_loop3A_545 : i32
      %parallel_loop3A_547 = arith.remsi %parallel_loop3A_529, %parallel_loop3A_530 : i32
      %parallel_loop3A_548 = arith.constant 0 : i32
      %parallel_loop3A_549 = arith.cmpi ne, %parallel_loop3A_547, %parallel_loop3A_548 : i32
      %parallel_loop3A_550 = arith.andi %parallel_loop3A_546, %parallel_loop3A_549 : i1
      %parallel_loop3A_551 = arith.constant 1 : i32
      %parallel_loop3A_552 = arith.subi %parallel_loop3A_531, %parallel_loop3A_551 : i32
      %parallel_loop3A_553 = arith.select %parallel_loop3A_550, %parallel_loop3A_552, %parallel_loop3A_531 : i32
      %parallel_loop3A_554 = arith.constant 128 : i32
      %parallel_loop3A_555 = arith.constant 0 : i32
      %parallel_loop3A_556 = arith.cmpi eq, %parallel_loop3A_554, %parallel_loop3A_555 : i32
      %parallel_loop3A_557 = arith.constant 1 : i32
      %parallel_loop3A_558 = arith.select %parallel_loop3A_556, %parallel_loop3A_557, %parallel_loop3A_554 : i32
      %parallel_loop3A_559 = arith.remsi %parallel_loop3A_529, %parallel_loop3A_558 : i32
      %parallel_loop3A_560 = arith.constant 0 : i32
      %parallel_loop3A_561 = arith.cmpi ne, %parallel_loop3A_559, %parallel_loop3A_560 : i32
      %parallel_loop3A_562 = arith.constant 0 : i32
      %parallel_loop3A_563 = arith.cmpi slt, %parallel_loop3A_559, %parallel_loop3A_562 : i32
      %parallel_loop3A_564 = arith.constant 0 : i32
      %parallel_loop3A_565 = arith.cmpi slt, %parallel_loop3A_558, %parallel_loop3A_564 : i32
      %parallel_loop3A_566 = arith.xori %parallel_loop3A_563, %parallel_loop3A_565 : i1
      %parallel_loop3A_567 = arith.andi %parallel_loop3A_566, %parallel_loop3A_561 : i1
      %parallel_loop3A_568 = arith.addi %parallel_loop3A_559, %parallel_loop3A_558 : i32
      %parallel_loop3A_569 = arith.select %parallel_loop3A_567, %parallel_loop3A_568, %parallel_loop3A_559 : i32
      %parallel_loop3A_570 = arith.constant 16 : i32
      %parallel_loop3A_571 = arith.muli %parallel_loop3A_569, %parallel_loop3A_570 : i32
      %parallel_loop3A_572 = arith.index_cast %parallel_loop3A_553 : i32 to index
      %parallel_loop3A_573 = arith.index_cast %parallel_loop3A_571 : i32 to index
      %parallel_loop3A_574 = tpu.vector_load %arg7[%parallel_loop3A_572, %parallel_loop3A_573] {strides = array<i32>} : memref<8x2048xf32, #tpu.memory_space<vmem>>, vector<1x16xf32>,
      %parallel_loop3A_575 = vector.shape_cast %parallel_loop3A_574 : vector<1x16xf32> to vector<16xf32>
      %parallel_loop3A_576 = arith.index_cast %parallel_loop3A_553 : i32 to index
      %parallel_loop3A_577 = arith.index_cast %parallel_loop3A_571 : i32 to index
      %parallel_loop3A_578 = tpu.vector_load %arg8[%parallel_loop3A_576, %parallel_loop3A_577] {strides = array<i32>} : memref<8x2048xf32, #tpu.memory_space<vmem>>, vector<1x16xf32>,
      %parallel_loop3A_579 = vector.shape_cast %parallel_loop3A_578 : vector<1x16xf32> to vector<16xf32>
      %parallel_loop3A_580 = arith.addf %parallel_loop3A_575, %parallel_loop3A_579 : vector<16xf32>
      %parallel_loop3A_581 = arith.index_cast %parallel_loop3A_553 : i32 to index
      %parallel_loop3A_582 = arith.index_cast %parallel_loop3A_571 : i32 to index
      %parallel_loop3A_583 = tpu.vector_load %arg9[%parallel_loop3A_581, %parallel_loop3A_582] {strides = array<i32>} : memref<8x2048xf32, #tpu.memory_space<vmem>>, vector<1x16xf32>,
      %parallel_loop3A_584 = vector.shape_cast %parallel_loop3A_583 : vector<1x16xf32> to vector<16xf32>
      %parallel_loop3A_585 = vector.shape_cast %parallel_loop3A_580 : vector<16xf32> to vector<1x16xf32>
      tpu.vector_store %arg9[%parallel_loop3A_581, %parallel_loop3A_582], %parallel_loop3A_585 {strides = array<i32>} : memref<8x2048xf32, #tpu.memory_space<vmem>>, vector<1x16xf32>,
    } {sc.loop_unroll_factor = 8 : i64, sc.parallel_access}
    %add3A_34 = arith.constant 0 : i32
    %add3A_35 = arith.addi %mul3A_2, %add3A_34 : i32
    %dma_start3A_36 = arith.constant 0 : i32
    %dma_start3A_37 = tpu.memref_slice %arg4[%add3A_35, %dma_start3A_36] : memref<4096x2048xf32, #tpu.memory_space<hbm>> -> memref<8x2048xf32, #tpu.memory_space<hbm>>
    %dma_start3A_38 = arith.constant 0 : i32
    %dma_start3A_39 = tpu.memref_slice %arg4[%add3A_35, %dma_start3A_38] : memref<4096x2048xf32, #tpu.memory_space<hbm>> -> memref<8x2048xf32, #tpu.memory_space<hbm>>
    tpu.enqueue_dma source(%arg9 : memref<8x2048xf32, #tpu.memory_space<vmem>>) target(%dma_start3A_39 : memref<8x2048xf32, #tpu.memory_space<hbm>>) target_semaphore(%arg17 : memref<!tpu.dma_semaphore, #tpu.memory_space<semaphore_mem>>)
    %dma_start3A_40 = arith.constant 16 : i32
    %dma_start3A_41 = tpu.memref_slice %arg5[%dma_start3A_40] : memref<128xi32, #tpu.memory_space<vmem>> -> memref<8xi32, #tpu.memory_space<vmem>>
    %dma_start3A_42 = arith.constant 0 : i32
    %dma_start3A_43 = arith.constant 0 : i32
    %dma_start3A_44 = tpu.memref_slice %arg2[%dma_start3A_42, %dma_start3A_43] : memref<12288x2048xf32, #tpu.memory_space<hbm>> -> memref<12288x2048xf32, #tpu.memory_space<hbm>>
    tpu.enqueue_indirect_dma source(%dma_start3A_44 : memref<12288x2048xf32, #tpu.memory_space<hbm>>) target(%arg7 : memref<8x2048xf32, #tpu.memory_space<vmem>>) offsets(%dma_start3A_41 : memref<8xi32, #tpu.memory_space<vmem>>) semaphore(%arg13 : memref<!tpu.dma_semaphore, #tpu.memory_space<semaphore_mem>>)
    %dma_start3A_45 = arith.constant 16 : i32
    %dma_start3A_46 = tpu.memref_slice %arg6[%dma_start3A_45] : memref<128xi32, #tpu.memory_space<vmem>> -> memref<8xi32, #tpu.memory_space<vmem>>
    %dma_start3A_47 = arith.constant 0 : i32
    %dma_start3A_48 = arith.constant 0 : i32
    %dma_start3A_49 = tpu.memref_slice %arg2[%dma_start3A_47, %dma_start3A_48] : memref<12288x2048xf32, #tpu.memory_space<hbm>> -> memref<12288x2048xf32, #tpu.memory_space<hbm>>
    tpu.enqueue_indirect_dma source(%dma_start3A_49 : memref<12288x2048xf32, #tpu.memory_space<hbm>>) target(%arg8 : memref<8x2048xf32, #tpu.memory_space<vmem>>) offsets(%dma_start3A_46 : memref<8xi32, #tpu.memory_space<vmem>>) semaphore(%arg14 : memref<!tpu.dma_semaphore, #tpu.memory_space<semaphore_mem>>)
    %dma_wait3A_50 = arith.constant 8 : i32
    %dma_wait3A_51 = tpu.memref_slice %arg5[%dma_wait3A_50] : memref<128xi32, #tpu.memory_space<vmem>> -> memref<8xi32, #tpu.memory_space<vmem>>
    %dma_wait3A_52 = arith.constant 0 : i32
    %dma_wait3A_53 = arith.constant 0 : i32
    %dma_wait3A_54 = tpu.memref_slice %arg2[%dma_wait3A_52, %dma_wait3A_53] : memref<12288x2048xf32, #tpu.memory_space<hbm>> -> memref<12288x2048xf32, #tpu.memory_space<hbm>>
    tpu.wait_indirect_dma semaphore(%arg15 : memref<!tpu.dma_semaphore, #tpu.memory_space<semaphore_mem>>) src(%dma_wait3A_54 : memref<12288x2048xf32, #tpu.memory_space<hbm>>) dst(%arg10 : memref<8x2048xf32, #tpu.memory_space<vmem>>)
    %dma_wait3A_55 = arith.constant 8 : i32
    %dma_wait3A_56 = tpu.memref_slice %arg6[%dma_wait3A_55] : memref<128xi32, #tpu.memory_space<vmem>> -> memref<8xi32, #tpu.memory_space<vmem>>
    %dma_wait3A_57 = arith.constant 0 : i32
    %dma_wait3A_58 = arith.constant 0 : i32
    %dma_wait3A_59 = tpu.memref_slice %arg2[%dma_wait3A_57, %dma_wait3A_58] : memref<12288x2048xf32, #tpu.memory_space<hbm>> -> memref<12288x2048xf32, #tpu.memory_space<hbm>>
    tpu.wait_indirect_dma semaphore(%arg16 : memref<!tpu.dma_semaphore, #tpu.memory_space<semaphore_mem>>) src(%dma_wait3A_59 : memref<12288x2048xf32, #tpu.memory_space<hbm>>) dst(%arg11 : memref<8x2048xf32, #tpu.memory_space<vmem>>)
    %parallel_loop3A_60 = arith.constant 0 : i32
    %parallel_loop3A_61 = arith.constant 1024 : i32
    %parallel_loop3A_62 = arith.constant 1 : i32
    scf.for %parallel_loop3A_529 = %parallel_loop3A_60 to %parallel_loop3A_61 step %parallel_loop3A_62  : i32 {
      %parallel_loop3A_530 = arith.constant 128 : i32
      %parallel_loop3A_531 = arith.divsi %parallel_loop3A_529, %parallel_loop3A_530 : i32
      %parallel_loop3A_532 = arith.constant 0 : i32
      %parallel_loop3A_533 = arith.cmpi sgt, %parallel_loop3A_529, %parallel_loop3A_532 : i32
      %parallel_loop3A_534 = arith.extui %parallel_loop3A_533 : i1 to i32
      %parallel_loop3A_535 = arith.constant 0 : i32
      %parallel_loop3A_536 = arith.cmpi slt, %parallel_loop3A_529, %parallel_loop3A_535 : i32
      %parallel_loop3A_537 = arith.extui %parallel_loop3A_536 : i1 to i32
      %parallel_loop3A_538 = arith.subi %parallel_loop3A_534, %parallel_loop3A_537 : i32
      %parallel_loop3A_539 = arith.constant 0 : i32
      %parallel_loop3A_540 = arith.cmpi sgt, %parallel_loop3A_530, %parallel_loop3A_539 : i32
      %parallel_loop3A_541 = arith.extui %parallel_loop3A_540 : i1 to i32
      %parallel_loop3A_542 = arith.constant 0 : i32
      %parallel_loop3A_543 = arith.cmpi slt, %parallel_loop3A_530, %parallel_loop3A_542 : i32
      %parallel_loop3A_544 = arith.extui %parallel_loop3A_543 : i1 to i32
      %parallel_loop3A_545 = arith.subi %parallel_loop3A_541, %parallel_loop3A_544 : i32
      %parallel_loop3A_546 = arith.cmpi ne, %parallel_loop3A_538, %parallel_loop3A_545 : i32
      %parallel_loop3A_547 = arith.remsi %parallel_loop3A_529, %parallel_loop3A_530 : i32
      %parallel_loop3A_548 = arith.constant 0 : i32
      %parallel_loop3A_549 = arith.cmpi ne, %parallel_loop3A_547, %parallel_loop3A_548 : i32
      %parallel_loop3A_550 = arith.andi %parallel_loop3A_546, %parallel_loop3A_549 : i1
      %parallel_loop3A_551 = arith.constant 1 : i32
      %parallel_loop3A_552 = arith.subi %parallel_loop3A_531, %parallel_loop3A_551 : i32
      %parallel_loop3A_553 = arith.select %parallel_loop3A_550, %parallel_loop3A_552, %parallel_loop3A_531 : i32
      %parallel_loop3A_554 = arith.constant 128 : i32
      %parallel_loop3A_555 = arith.constant 0 : i32
      %parallel_loop3A_556 = arith.cmpi eq, %parallel_loop3A_554, %parallel_loop3A_555 : i32
      %parallel_loop3A_557 = arith.constant 1 : i32
      %parallel_loop3A_558 = arith.select %parallel_loop3A_556, %parallel_loop3A_557, %parallel_loop3A_554 : i32
      %parallel_loop3A_559 = arith.remsi %parallel_loop3A_529, %parallel_loop3A_558 : i32
      %parallel_loop3A_560 = arith.constant 0 : i32
      %parallel_loop3A_561 = arith.cmpi ne, %parallel_loop3A_559, %parallel_loop3A_560 : i32
      %parallel_loop3A_562 = arith.constant 0 : i32
      %parallel_loop3A_563 = arith.cmpi slt, %parallel_loop3A_559, %parallel_loop3A_562 : i32
      %parallel_loop3A_564 = arith.constant 0 : i32
      %parallel_loop3A_565 = arith.cmpi slt, %parallel_loop3A_558, %parallel_loop3A_564 : i32
      %parallel_loop3A_566 = arith.xori %parallel_loop3A_563, %parallel_loop3A_565 : i1
      %parallel_loop3A_567 = arith.andi %parallel_loop3A_566, %parallel_loop3A_561 : i1
      %parallel_loop3A_568 = arith.addi %parallel_loop3A_559, %parallel_loop3A_558 : i32
      %parallel_loop3A_569 = arith.select %parallel_loop3A_567, %parallel_loop3A_568, %parallel_loop3A_559 : i32
      %parallel_loop3A_570 = arith.constant 16 : i32
      %parallel_loop3A_571 = arith.muli %parallel_loop3A_569, %parallel_loop3A_570 : i32
      %parallel_loop3A_572 = arith.index_cast %parallel_loop3A_553 : i32 to index
      %parallel_loop3A_573 = arith.index_cast %parallel_loop3A_571 : i32 to index
      %parallel_loop3A_574 = tpu.vector_load %arg10[%parallel_loop3A_572, %parallel_loop3A_573] {strides = array<i32>} : memref<8x2048xf32, #tpu.memory_space<vmem>>, vector<1x16xf32>,
      %parallel_loop3A_575 = vector.shape_cast %parallel_loop3A_574 : vector<1x16xf32> to vector<16xf32>
      %parallel_loop3A_576 = arith.index_cast %parallel_loop3A_553 : i32 to index
      %parallel_loop3A_577 = arith.index_cast %parallel_loop3A_571 : i32 to index
      %parallel_loop3A_578 = tpu.vector_load %arg11[%parallel_loop3A_576, %parallel_loop3A_577] {strides = array<i32>} : memref<8x2048xf32, #tpu.memory_space<vmem>>, vector<1x16xf32>,
      %parallel_loop3A_579 = vector.shape_cast %parallel_loop3A_578 : vector<1x16xf32> to vector<16xf32>
      %parallel_loop3A_580 = arith.addf %parallel_loop3A_575, %parallel_loop3A_579 : vector<16xf32>
      %parallel_loop3A_581 = arith.index_cast %parallel_loop3A_553 : i32 to index
      %parallel_loop3A_582 = arith.index_cast %parallel_loop3A_571 : i32 to index
      %parallel_loop3A_583 = tpu.vector_load %arg12[%parallel_loop3A_581, %parallel_loop3A_582] {strides = array<i32>} : memref<8x2048xf32, #tpu.memory_space<vmem>>, vector<1x16xf32>,
      %parallel_loop3A_584 = vector.shape_cast %parallel_loop3A_583 : vector<1x16xf32> to vector<16xf32>
      %parallel_loop3A_585 = vector.shape_cast %parallel_loop3A_580 : vector<16xf32> to vector<1x16xf32>
      tpu.vector_store %arg12[%parallel_loop3A_581, %parallel_loop3A_582], %parallel_loop3A_585 {strides = array<i32>} : memref<8x2048xf32, #tpu.memory_space<vmem>>, vector<1x16xf32>,
    } {sc.loop_unroll_factor = 8 : i64, sc.parallel_access}
    %add3A_63 = arith.constant 8 : i32
    %add3A_64 = arith.addi %mul3A_2, %add3A_63 : i32
    %dma_start3A_65 = arith.constant 0 : i32
    %dma_start3A_66 = tpu.memref_slice %arg4[%add3A_64, %dma_start3A_65] : memref<4096x2048xf32, #tpu.memory_space<hbm>> -> memref<8x2048xf32, #tpu.memory_space<hbm>>
    %dma_start3A_67 = arith.constant 0 : i32
    %dma_start3A_68 = tpu.memref_slice %arg4[%add3A_64, %dma_start3A_67] : memref<4096x2048xf32, #tpu.memory_space<hbm>> -> memref<8x2048xf32, #tpu.memory_space<hbm>>
    tpu.enqueue_dma source(%arg12 : memref<8x2048xf32, #tpu.memory_space<vmem>>) target(%dma_start3A_68 : memref<8x2048xf32, #tpu.memory_space<hbm>>) target_semaphore(%arg18 : memref<!tpu.dma_semaphore, #tpu.memory_space<semaphore_mem>>)
    %dma_start3A_69 = arith.constant 24 : i32
    %dma_start3A_70 = tpu.memref_slice %arg5[%dma_start3A_69] : memref<128xi32, #tpu.memory_space<vmem>> -> memref<8xi32, #tpu.memory_space<vmem>>
    %dma_start3A_71 = arith.constant 0 : i32
    %dma_start3A_72 = arith.constant 0 : i32
    %dma_start3A_73 = tpu.memref_slice %arg2[%dma_start3A_71, %dma_start3A_72] : memref<12288x2048xf32, #tpu.memory_space<hbm>> -> memref<12288x2048xf32, #tpu.memory_space<hbm>>
    tpu.enqueue_indirect_dma source(%dma_start3A_73 : memref<12288x2048xf32, #tpu.memory_space<hbm>>) target(%arg10 : memref<8x2048xf32, #tpu.memory_space<vmem>>) offsets(%dma_start3A_70 : memref<8xi32, #tpu.memory_space<vmem>>) semaphore(%arg15 : memref<!tpu.dma_semaphore, #tpu.memory_space<semaphore_mem>>)
    %dma_start3A_74 = arith.constant 24 : i32
    %dma_start3A_75 = tpu.memref_slice %arg6[%dma_start3A_74] : memref<128xi32, #tpu.memory_space<vmem>> -> memref<8xi32, #tpu.memory_space<vmem>>
    %dma_start3A_76 = arith.constant 0 : i32
    %dma_start3A_77 = arith.constant 0 : i32
    %dma_start3A_78 = tpu.memref_slice %arg2[%dma_start3A_76, %dma_start3A_77] : memref<12288x2048xf32, #tpu.memory_space<hbm>> -> memref<12288x2048xf32, #tpu.memory_space<hbm>>
    tpu.enqueue_indirect_dma source(%dma_start3A_78 : memref<12288x2048xf32, #tpu.memory_space<hbm>>) target(%arg11 : memref<8x2048xf32, #tpu.memory_space<vmem>>) offsets(%dma_start3A_75 : memref<8xi32, #tpu.memory_space<vmem>>) semaphore(%arg16 : memref<!tpu.dma_semaphore, #tpu.memory_space<semaphore_mem>>)
    %dma_wait3A_79 = arith.constant 16 : i32
    %dma_wait3A_80 = tpu.memref_slice %arg5[%dma_wait3A_79] : memref<128xi32, #tpu.memory_space<vmem>> -> memref<8xi32, #tpu.memory_space<vmem>>
    %dma_wait3A_81 = arith.constant 0 : i32
    %dma_wait3A_82 = arith.constant 0 : i32
    %dma_wait3A_83 = tpu.memref_slice %arg2[%dma_wait3A_81, %dma_wait3A_82] : memref<12288x2048xf32, #tpu.memory_space<hbm>> -> memref<12288x2048xf32, #tpu.memory_space<hbm>>
    tpu.wait_indirect_dma semaphore(%arg13 : memref<!tpu.dma_semaphore, #tpu.memory_space<semaphore_mem>>) src(%dma_wait3A_83 : memref<12288x2048xf32, #tpu.memory_space<hbm>>) dst(%arg7 : memref<8x2048xf32, #tpu.memory_space<vmem>>)
    %dma_wait3A_84 = arith.constant 16 : i32
    %dma_wait3A_85 = tpu.memref_slice %arg6[%dma_wait3A_84] : memref<128xi32, #tpu.memory_space<vmem>> -> memref<8xi32, #tpu.memory_space<vmem>>
    %dma_wait3A_86 = arith.constant 0 : i32
    %dma_wait3A_87 = arith.constant 0 : i32
    %dma_wait3A_88 = tpu.memref_slice %arg2[%dma_wait3A_86, %dma_wait3A_87] : memref<12288x2048xf32, #tpu.memory_space<hbm>> -> memref<12288x2048xf32, #tpu.memory_space<hbm>>
    tpu.wait_indirect_dma semaphore(%arg14 : memref<!tpu.dma_semaphore, #tpu.memory_space<semaphore_mem>>) src(%dma_wait3A_88 : memref<12288x2048xf32, #tpu.memory_space<hbm>>) dst(%arg8 : memref<8x2048xf32, #tpu.memory_space<vmem>>)
    %dma_wait3A_89 = arith.constant 0 : i32
    %dma_wait3A_90 = tpu.memref_slice %arg4[%add3A_35, %dma_wait3A_89] : memref<4096x2048xf32, #tpu.memory_space<hbm>> -> memref<8x2048xf32, #tpu.memory_space<hbm>>
    %dma_wait3A_91 = arith.constant 0 : i32
    %dma_wait3A_92 = tpu.memref_slice %arg4[%add3A_35, %dma_wait3A_91] : memref<4096x2048xf32, #tpu.memory_space<hbm>> -> memref<8x2048xf32, #tpu.memory_space<hbm>>
    tpu.wait_dma2 semaphore(%arg17 : memref<!tpu.dma_semaphore, #tpu.memory_space<semaphore_mem>>) src(%arg9 : memref<8x2048xf32, #tpu.memory_space<vmem>>) dst(%dma_wait3A_92 : memref<8x2048xf32, #tpu.memory_space<hbm>>)
    %parallel_loop3A_93 = arith.constant 0 : i32
    %parallel_loop3A_94 = arith.constant 1024 : i32
    %parallel_loop3A_95 = arith.constant 1 : i32
    scf.for %parallel_loop3A_529 = %parallel_loop3A_93 to %parallel_loop3A_94 step %parallel_loop3A_95  : i32 {
      %parallel_loop3A_530 = arith.constant 128 : i32
      %parallel_loop3A_531 = arith.divsi %parallel_loop3A_529, %parallel_loop3A_530 : i32
      %parallel_loop3A_532 = arith.constant 0 : i32
      %parallel_loop3A_533 = arith.cmpi sgt, %parallel_loop3A_529, %parallel_loop3A_532 : i32
      %parallel_loop3A_534 = arith.extui %parallel_loop3A_533 : i1 to i32
      %parallel_loop3A_535 = arith.constant 0 : i32
      %parallel_loop3A_536 = arith.cmpi slt, %parallel_loop3A_529, %parallel_loop3A_535 : i32
      %parallel_loop3A_537 = arith.extui %parallel_loop3A_536 : i1 to i32
      %parallel_loop3A_538 = arith.subi %parallel_loop3A_534, %parallel_loop3A_537 : i32
      %parallel_loop3A_539 = arith.constant 0 : i32
      %parallel_loop3A_540 = arith.cmpi sgt, %parallel_loop3A_530, %parallel_loop3A_539 : i32
      %parallel_loop3A_541 = arith.extui %parallel_loop3A_540 : i1 to i32
      %parallel_loop3A_542 = arith.constant 0 : i32
      %parallel_loop3A_543 = arith.cmpi slt, %parallel_loop3A_530, %parallel_loop3A_542 : i32
      %parallel_loop3A_544 = arith.extui %parallel_loop3A_543 : i1 to i32
      %parallel_loop3A_545 = arith.subi %parallel_loop3A_541, %parallel_loop3A_544 : i32
      %parallel_loop3A_546 = arith.cmpi ne, %parallel_loop3A_538, %parallel_loop3A_545 : i32
      %parallel_loop3A_547 = arith.remsi %parallel_loop3A_529, %parallel_loop3A_530 : i32
      %parallel_loop3A_548 = arith.constant 0 : i32
      %parallel_loop3A_549 = arith.cmpi ne, %parallel_loop3A_547, %parallel_loop3A_548 : i32
      %parallel_loop3A_550 = arith.andi %parallel_loop3A_546, %parallel_loop3A_549 : i1
      %parallel_loop3A_551 = arith.constant 1 : i32
      %parallel_loop3A_552 = arith.subi %parallel_loop3A_531, %parallel_loop3A_551 : i32
      %parallel_loop3A_553 = arith.select %parallel_loop3A_550, %parallel_loop3A_552, %parallel_loop3A_531 : i32
      %parallel_loop3A_554 = arith.constant 128 : i32
      %parallel_loop3A_555 = arith.constant 0 : i32
      %parallel_loop3A_556 = arith.cmpi eq, %parallel_loop3A_554, %parallel_loop3A_555 : i32
      %parallel_loop3A_557 = arith.constant 1 : i32
      %parallel_loop3A_558 = arith.select %parallel_loop3A_556, %parallel_loop3A_557, %parallel_loop3A_554 : i32
      %parallel_loop3A_559 = arith.remsi %parallel_loop3A_529, %parallel_loop3A_558 : i32
      %parallel_loop3A_560 = arith.constant 0 : i32
      %parallel_loop3A_561 = arith.cmpi ne, %parallel_loop3A_559, %parallel_loop3A_560 : i32
      %parallel_loop3A_562 = arith.constant 0 : i32
      %parallel_loop3A_563 = arith.cmpi slt, %parallel_loop3A_559, %parallel_loop3A_562 : i32
      %parallel_loop3A_564 = arith.constant 0 : i32
      %parallel_loop3A_565 = arith.cmpi slt, %parallel_loop3A_558, %parallel_loop3A_564 : i32
      %parallel_loop3A_566 = arith.xori %parallel_loop3A_563, %parallel_loop3A_565 : i1
      %parallel_loop3A_567 = arith.andi %parallel_loop3A_566, %parallel_loop3A_561 : i1
      %parallel_loop3A_568 = arith.addi %parallel_loop3A_559, %parallel_loop3A_558 : i32
      %parallel_loop3A_569 = arith.select %parallel_loop3A_567, %parallel_loop3A_568, %parallel_loop3A_559 : i32
      %parallel_loop3A_570 = arith.constant 16 : i32
      %parallel_loop3A_571 = arith.muli %parallel_loop3A_569, %parallel_loop3A_570 : i32
      %parallel_loop3A_572 = arith.index_cast %parallel_loop3A_553 : i32 to index
      %parallel_loop3A_573 = arith.index_cast %parallel_loop3A_571 : i32 to index
      %parallel_loop3A_574 = tpu.vector_load %arg7[%parallel_loop3A_572, %parallel_loop3A_573] {strides = array<i32>} : memref<8x2048xf32, #tpu.memory_space<vmem>>, vector<1x16xf32>,
      %parallel_loop3A_575 = vector.shape_cast %parallel_loop3A_574 : vector<1x16xf32> to vector<16xf32>
      %parallel_loop3A_576 = arith.index_cast %parallel_loop3A_553 : i32 to index
      %parallel_loop3A_577 = arith.index_cast %parallel_loop3A_571 : i32 to index
      %parallel_loop3A_578 = tpu.vector_load %arg8[%parallel_loop3A_576, %parallel_loop3A_577] {strides = array<i32>} : memref<8x2048xf32, #tpu.memory_space<vmem>>, vector<1x16xf32>,
      %parallel_loop3A_579 = vector.shape_cast %parallel_loop3A_578 : vector<1x16xf32> to vector<16xf32>
      %parallel_loop3A_580 = arith.addf %parallel_loop3A_575, %parallel_loop3A_579 : vector<16xf32>
      %parallel_loop3A_581 = arith.index_cast %parallel_loop3A_553 : i32 to index
      %parallel_loop3A_582 = arith.index_cast %parallel_loop3A_571 : i32 to index
      %parallel_loop3A_583 = tpu.vector_load %arg9[%parallel_loop3A_581, %parallel_loop3A_582] {strides = array<i32>} : memref<8x2048xf32, #tpu.memory_space<vmem>>, vector<1x16xf32>,
      %parallel_loop3A_584 = vector.shape_cast %parallel_loop3A_583 : vector<1x16xf32> to vector<16xf32>
      %parallel_loop3A_585 = vector.shape_cast %parallel_loop3A_580 : vector<16xf32> to vector<1x16xf32>
      tpu.vector_store %arg9[%parallel_loop3A_581, %parallel_loop3A_582], %parallel_loop3A_585 {strides = array<i32>} : memref<8x2048xf32, #tpu.memory_space<vmem>>, vector<1x16xf32>,
    } {sc.loop_unroll_factor = 8 : i64, sc.parallel_access}
    %add3A_96 = arith.constant 16 : i32
    %add3A_97 = arith.addi %mul3A_2, %add3A_96 : i32
    %dma_start3A_98 = arith.constant 0 : i32
    %dma_start3A_99 = tpu.memref_slice %arg4[%add3A_97, %dma_start3A_98] : memref<4096x2048xf32, #tpu.memory_space<hbm>> -> memref<8x2048xf32, #tpu.memory_space<hbm>>
    %dma_start3A_100 = arith.constant 0 : i32
    %dma_start3A_101 = tpu.memref_slice %arg4[%add3A_97, %dma_start3A_100] : memref<4096x2048xf32, #tpu.memory_space<hbm>> -> memref<8x2048xf32, #tpu.memory_space<hbm>>
    tpu.enqueue_dma source(%arg9 : memref<8x2048xf32, #tpu.memory_space<vmem>>) target(%dma_start3A_101 : memref<8x2048xf32, #tpu.memory_space<hbm>>) target_semaphore(%arg17 : memref<!tpu.dma_semaphore, #tpu.memory_space<semaphore_mem>>)
    %dma_start3A_102 = arith.constant 32 : i32
    %dma_start3A_103 = tpu.memref_slice %arg5[%dma_start3A_102] : memref<128xi32, #tpu.memory_space<vmem>> -> memref<8xi32, #tpu.memory_space<vmem>>
    %dma_start3A_104 = arith.constant 0 : i32
    %dma_start3A_105 = arith.constant 0 : i32
    %dma_start3A_106 = tpu.memref_slice %arg2[%dma_start3A_104, %dma_start3A_105] : memref<12288x2048xf32, #tpu.memory_space<hbm>> -> memref<12288x2048xf32, #tpu.memory_space<hbm>>
    tpu.enqueue_indirect_dma source(%dma_start3A_106 : memref<12288x2048xf32, #tpu.memory_space<hbm>>) target(%arg7 : memref<8x2048xf32, #tpu.memory_space<vmem>>) offsets(%dma_start3A_103 : memref<8xi32, #tpu.memory_space<vmem>>) semaphore(%arg13 : memref<!tpu.dma_semaphore, #tpu.memory_space<semaphore_mem>>)
    %dma_start3A_107 = arith.constant 32 : i32
    %dma_start3A_108 = tpu.memref_slice %arg6[%dma_start3A_107] : memref<128xi32, #tpu.memory_space<vmem>> -> memref<8xi32, #tpu.memory_space<vmem>>
    %dma_start3A_109 = arith.constant 0 : i32
    %dma_start3A_110 = arith.constant 0 : i32
    %dma_start3A_111 = tpu.memref_slice %arg2[%dma_start3A_109, %dma_start3A_110] : memref<12288x2048xf32, #tpu.memory_space<hbm>> -> memref<12288x2048xf32, #tpu.memory_space<hbm>>
    tpu.enqueue_indirect_dma source(%dma_start3A_111 : memref<12288x2048xf32, #tpu.memory_space<hbm>>) target(%arg8 : memref<8x2048xf32, #tpu.memory_space<vmem>>) offsets(%dma_start3A_108 : memref<8xi32, #tpu.memory_space<vmem>>) semaphore(%arg14 : memref<!tpu.dma_semaphore, #tpu.memory_space<semaphore_mem>>)
    %dma_wait3A_112 = arith.constant 24 : i32
    %dma_wait3A_113 = tpu.memref_slice %arg5[%dma_wait3A_112] : memref<128xi32, #tpu.memory_space<vmem>> -> memref<8xi32, #tpu.memory_space<vmem>>
    %dma_wait3A_114 = arith.constant 0 : i32
    %dma_wait3A_115 = arith.constant 0 : i32
    %dma_wait3A_116 = tpu.memref_slice %arg2[%dma_wait3A_114, %dma_wait3A_115] : memref<12288x2048xf32, #tpu.memory_space<hbm>> -> memref<12288x2048xf32, #tpu.memory_space<hbm>>
    tpu.wait_indirect_dma semaphore(%arg15 : memref<!tpu.dma_semaphore, #tpu.memory_space<semaphore_mem>>) src(%dma_wait3A_116 : memref<12288x2048xf32, #tpu.memory_space<hbm>>) dst(%arg10 : memref<8x2048xf32, #tpu.memory_space<vmem>>)
    %dma_wait3A_117 = arith.constant 24 : i32
    %dma_wait3A_118 = tpu.memref_slice %arg6[%dma_wait3A_117] : memref<128xi32, #tpu.memory_space<vmem>> -> memref<8xi32, #tpu.memory_space<vmem>>
    %dma_wait3A_119 = arith.constant 0 : i32
    %dma_wait3A_120 = arith.constant 0 : i32
    %dma_wait3A_121 = tpu.memref_slice %arg2[%dma_wait3A_119, %dma_wait3A_120] : memref<12288x2048xf32, #tpu.memory_space<hbm>> -> memref<12288x2048xf32, #tpu.memory_space<hbm>>
    tpu.wait_indirect_dma semaphore(%arg16 : memref<!tpu.dma_semaphore, #tpu.memory_space<semaphore_mem>>) src(%dma_wait3A_121 : memref<12288x2048xf32, #tpu.memory_space<hbm>>) dst(%arg11 : memref<8x2048xf32, #tpu.memory_space<vmem>>)
    %dma_wait3A_122 = arith.constant 0 : i32
    %dma_wait3A_123 = tpu.memref_slice %arg4[%add3A_64, %dma_wait3A_122] : memref<4096x2048xf32, #tpu.memory_space<hbm>> -> memref<8x2048xf32, #tpu.memory_space<hbm>>
    %dma_wait3A_124 = arith.constant 0 : i32
    %dma_wait3A_125 = tpu.memref_slice %arg4[%add3A_64, %dma_wait3A_124] : memref<4096x2048xf32, #tpu.memory_space<hbm>> -> memref<8x2048xf32, #tpu.memory_space<hbm>>
    tpu.wait_dma2 semaphore(%arg18 : memref<!tpu.dma_semaphore, #tpu.memory_space<semaphore_mem>>) src(%arg12 : memref<8x2048xf32, #tpu.memory_space<vmem>>) dst(%dma_wait3A_125 : memref<8x2048xf32, #tpu.memory_space<hbm>>)
    %parallel_loop3A_126 = arith.constant 0 : i32
    %parallel_loop3A_127 = arith.constant 1024 : i32
    %parallel_loop3A_128 = arith.constant 1 : i32
    scf.for %parallel_loop3A_529 = %parallel_loop3A_126 to %parallel_loop3A_127 step %parallel_loop3A_128  : i32 {
      %parallel_loop3A_530 = arith.constant 128 : i32
      %parallel_loop3A_531 = arith.divsi %parallel_loop3A_529, %parallel_loop3A_530 : i32
      %parallel_loop3A_532 = arith.constant 0 : i32
      %parallel_loop3A_533 = arith.cmpi sgt, %parallel_loop3A_529, %parallel_loop3A_532 : i32
      %parallel_loop3A_534 = arith.extui %parallel_loop3A_533 : i1 to i32
      %parallel_loop3A_535 = arith.constant 0 : i32
      %parallel_loop3A_536 = arith.cmpi slt, %parallel_loop3A_529, %parallel_loop3A_535 : i32
      %parallel_loop3A_537 = arith.extui %parallel_loop3A_536 : i1 to i32
      %parallel_loop3A_538 = arith.subi %parallel_loop3A_534, %parallel_loop3A_537 : i32
      %parallel_loop3A_539 = arith.constant 0 : i32
      %parallel_loop3A_540 = arith.cmpi sgt, %parallel_loop3A_530, %parallel_loop3A_539 : i32
      %parallel_loop3A_541 = arith.extui %parallel_loop3A_540 : i1 to i32
      %parallel_loop3A_542 = arith.constant 0 : i32
      %parallel_loop3A_543 = arith.cmpi slt, %parallel_loop3A_530, %parallel_loop3A_542 : i32
      %parallel_loop3A_544 = arith.extui %parallel_loop3A_543 : i1 to i32
      %parallel_loop3A_545 = arith.subi %parallel_loop3A_541, %parallel_loop3A_544 : i32
      %parallel_loop3A_546 = arith.cmpi ne, %parallel_loop3A_538, %parallel_loop3A_545 : i32
      %parallel_loop3A_547 = arith.remsi %parallel_loop3A_529, %parallel_loop3A_530 : i32
      %parallel_loop3A_548 = arith.constant 0 : i32
      %parallel_loop3A_549 = arith.cmpi ne, %parallel_loop3A_547, %parallel_loop3A_548 : i32
      %parallel_loop3A_550 = arith.andi %parallel_loop3A_546, %parallel_loop3A_549 : i1
      %parallel_loop3A_551 = arith.constant 1 : i32
      %parallel_loop3A_552 = arith.subi %parallel_loop3A_531, %parallel_loop3A_551 : i32
      %parallel_loop3A_553 = arith.select %parallel_loop3A_550, %parallel_loop3A_552, %parallel_loop3A_531 : i32
      %parallel_loop3A_554 = arith.constant 128 : i32
      %parallel_loop3A_555 = arith.constant 0 : i32
      %parallel_loop3A_556 = arith.cmpi eq, %parallel_loop3A_554, %parallel_loop3A_555 : i32
      %parallel_loop3A_557 = arith.constant 1 : i32
      %parallel_loop3A_558 = arith.select %parallel_loop3A_556, %parallel_loop3A_557, %parallel_loop3A_554 : i32
      %parallel_loop3A_559 = arith.remsi %parallel_loop3A_529, %parallel_loop3A_558 : i32
      %parallel_loop3A_560 = arith.constant 0 : i32
      %parallel_loop3A_561 = arith.cmpi ne, %parallel_loop3A_559, %parallel_loop3A_560 : i32
      %parallel_loop3A_562 = arith.constant 0 : i32
      %parallel_loop3A_563 = arith.cmpi slt, %parallel_loop3A_559, %parallel_loop3A_562 : i32
      %parallel_loop3A_564 = arith.constant 0 : i32
      %parallel_loop3A_565 = arith.cmpi slt, %parallel_loop3A_558, %parallel_loop3A_564 : i32
      %parallel_loop3A_566 = arith.xori %parallel_loop3A_563, %parallel_loop3A_565 : i1
      %parallel_loop3A_567 = arith.andi %parallel_loop3A_566, %parallel_loop3A_561 : i1
      %parallel_loop3A_568 = arith.addi %parallel_loop3A_559, %parallel_loop3A_558 : i32
      %parallel_loop3A_569 = arith.select %parallel_loop3A_567, %parallel_loop3A_568, %parallel_loop3A_559 : i32
      %parallel_loop3A_570 = arith.constant 16 : i32
      %parallel_loop3A_571 = arith.muli %parallel_loop3A_569, %parallel_loop3A_570 : i32
      %parallel_loop3A_572 = arith.index_cast %parallel_loop3A_553 : i32 to index
      %parallel_loop3A_573 = arith.index_cast %parallel_loop3A_571 : i32 to index
      %parallel_loop3A_574 = tpu.vector_load %arg10[%parallel_loop3A_572, %parallel_loop3A_573] {strides = array<i32>} : memref<8x2048xf32, #tpu.memory_space<vmem>>, vector<1x16xf32>,
      %parallel_loop3A_575 = vector.shape_cast %parallel_loop3A_574 : vector<1x16xf32> to vector<16xf32>
      %parallel_loop3A_576 = arith.index_cast %parallel_loop3A_553 : i32 to index
      %parallel_loop3A_577 = arith.index_cast %parallel_loop3A_571 : i32 to index
      %parallel_loop3A_578 = tpu.vector_load %arg11[%parallel_loop3A_576, %parallel_loop3A_577] {strides = array<i32>} : memref<8x2048xf32, #tpu.memory_space<vmem>>, vector<1x16xf32>,
      %parallel_loop3A_579 = vector.shape_cast %parallel_loop3A_578 : vector<1x16xf32> to vector<16xf32>
      %parallel_loop3A_580 = arith.addf %parallel_loop3A_575, %parallel_loop3A_579 : vector<16xf32>
      %parallel_loop3A_581 = arith.index_cast %parallel_loop3A_553 : i32 to index
      %parallel_loop3A_582 = arith.index_cast %parallel_loop3A_571 : i32 to index
      %parallel_loop3A_583 = tpu.vector_load %arg12[%parallel_loop3A_581, %parallel_loop3A_582] {strides = array<i32>} : memref<8x2048xf32, #tpu.memory_space<vmem>>, vector<1x16xf32>,
      %parallel_loop3A_584 = vector.shape_cast %parallel_loop3A_583 : vector<1x16xf32> to vector<16xf32>
      %parallel_loop3A_585 = vector.shape_cast %parallel_loop3A_580 : vector<16xf32> to vector<1x16xf32>
      tpu.vector_store %arg12[%parallel_loop3A_581, %parallel_loop3A_582], %parallel_loop3A_585 {strides = array<i32>} : memref<8x2048xf32, #tpu.memory_space<vmem>>, vector<1x16xf32>,
    } {sc.loop_unroll_factor = 8 : i64, sc.parallel_access}
    %add3A_129 = arith.constant 24 : i32
    %add3A_130 = arith.addi %mul3A_2, %add3A_129 : i32
    %dma_start3A_131 = arith.constant 0 : i32
    %dma_start3A_132 = tpu.memref_slice %arg4[%add3A_130, %dma_start3A_131] : memref<4096x2048xf32, #tpu.memory_space<hbm>> -> memref<8x2048xf32, #tpu.memory_space<hbm>>
    %dma_start3A_133 = arith.constant 0 : i32
    %dma_start3A_134 = tpu.memref_slice %arg4[%add3A_130, %dma_start3A_133] : memref<4096x2048xf32, #tpu.memory_space<hbm>> -> memref<8x2048xf32, #tpu.memory_space<hbm>>
    tpu.enqueue_dma source(%arg12 : memref<8x2048xf32, #tpu.memory_space<vmem>>) target(%dma_start3A_134 : memref<8x2048xf32, #tpu.memory_space<hbm>>) target_semaphore(%arg18 : memref<!tpu.dma_semaphore, #tpu.memory_space<semaphore_mem>>)
    %dma_start3A_135 = arith.constant 40 : i32
    %dma_start3A_136 = tpu.memref_slice %arg5[%dma_start3A_135] : memref<128xi32, #tpu.memory_space<vmem>> -> memref<8xi32, #tpu.memory_space<vmem>>
    %dma_start3A_137 = arith.constant 0 : i32
    %dma_start3A_138 = arith.constant 0 : i32
    %dma_start3A_139 = tpu.memref_slice %arg2[%dma_start3A_137, %dma_start3A_138] : memref<12288x2048xf32, #tpu.memory_space<hbm>> -> memref<12288x2048xf32, #tpu.memory_space<hbm>>
    tpu.enqueue_indirect_dma source(%dma_start3A_139 : memref<12288x2048xf32, #tpu.memory_space<hbm>>) target(%arg10 : memref<8x2048xf32, #tpu.memory_space<vmem>>) offsets(%dma_start3A_136 : memref<8xi32, #tpu.memory_space<vmem>>) semaphore(%arg15 : memref<!tpu.dma_semaphore, #tpu.memory_space<semaphore_mem>>)
    %dma_start3A_140 = arith.constant 40 : i32
    %dma_start3A_141 = tpu.memref_slice %arg6[%dma_start3A_140] : memref<128xi32, #tpu.memory_space<vmem>> -> memref<8xi32, #tpu.memory_space<vmem>>
    %dma_start3A_142 = arith.constant 0 : i32
    %dma_start3A_143 = arith.constant 0 : i32
    %dma_start3A_144 = tpu.memref_slice %arg2[%dma_start3A_142, %dma_start3A_143] : memref<12288x2048xf32, #tpu.memory_space<hbm>> -> memref<12288x2048xf32, #tpu.memory_space<hbm>>
    tpu.enqueue_indirect_dma source(%dma_start3A_144 : memref<12288x2048xf32, #tpu.memory_space<hbm>>) target(%arg11 : memref<8x2048xf32, #tpu.memory_space<vmem>>) offsets(%dma_start3A_141 : memref<8xi32, #tpu.memory_space<vmem>>) semaphore(%arg16 : memref<!tpu.dma_semaphore, #tpu.memory_space<semaphore_mem>>)
    %dma_wait3A_145 = arith.constant 32 : i32
    %dma_wait3A_146 = tpu.memref_slice %arg5[%dma_wait3A_145] : memref<128xi32, #tpu.memory_space<vmem>> -> memref<8xi32, #tpu.memory_space<vmem>>
    %dma_wait3A_147 = arith.constant 0 : i32
    %dma_wait3A_148 = arith.constant 0 : i32
    %dma_wait3A_149 = tpu.memref_slice %arg2[%dma_wait3A_147, %dma_wait3A_148] : memref<12288x2048xf32, #tpu.memory_space<hbm>> -> memref<12288x2048xf32, #tpu.memory_space<hbm>>
    tpu.wait_indirect_dma semaphore(%arg13 : memref<!tpu.dma_semaphore, #tpu.memory_space<semaphore_mem>>) src(%dma_wait3A_149 : memref<12288x2048xf32, #tpu.memory_space<hbm>>) dst(%arg7 : memref<8x2048xf32, #tpu.memory_space<vmem>>)
    %dma_wait3A_150 = arith.constant 32 : i32
    %dma_wait3A_151 = tpu.memref_slice %arg6[%dma_wait3A_150] : memref<128xi32, #tpu.memory_space<vmem>> -> memref<8xi32, #tpu.memory_space<vmem>>
    %dma_wait3A_152 = arith.constant 0 : i32
    %dma_wait3A_153 = arith.constant 0 : i32
    %dma_wait3A_154 = tpu.memref_slice %arg2[%dma_wait3A_152, %dma_wait3A_153] : memref<12288x2048xf32, #tpu.memory_space<hbm>> -> memref<12288x2048xf32, #tpu.memory_space<hbm>>
    tpu.wait_indirect_dma semaphore(%arg14 : memref<!tpu.dma_semaphore, #tpu.memory_space<semaphore_mem>>) src(%dma_wait3A_154 : memref<12288x2048xf32, #tpu.memory_space<hbm>>) dst(%arg8 : memref<8x2048xf32, #tpu.memory_space<vmem>>)
    %dma_wait3A_155 = arith.constant 0 : i32
    %dma_wait3A_156 = tpu.memref_slice %arg4[%add3A_97, %dma_wait3A_155] : memref<4096x2048xf32, #tpu.memory_space<hbm>> -> memref<8x2048xf32, #tpu.memory_space<hbm>>
    %dma_wait3A_157 = arith.constant 0 : i32
    %dma_wait3A_158 = tpu.memref_slice %arg4[%add3A_97, %dma_wait3A_157] : memref<4096x2048xf32, #tpu.memory_space<hbm>> -> memref<8x2048xf32, #tpu.memory_space<hbm>>
    tpu.wait_dma2 semaphore(%arg17 : memref<!tpu.dma_semaphore, #tpu.memory_space<semaphore_mem>>) src(%arg9 : memref<8x2048xf32, #tpu.memory_space<vmem>>) dst(%dma_wait3A_158 : memref<8x2048xf32, #tpu.memory_space<hbm>>)
    %parallel_loop3A_159 = arith.constant 0 : i32
    %parallel_loop3A_160 = arith.constant 1024 : i32
    %parallel_loop3A_161 = arith.constant 1 : i32
    scf.for %parallel_loop3A_529 = %parallel_loop3A_159 to %parallel_loop3A_160 step %parallel_loop3A_161  : i32 {
      %parallel_loop3A_530 = arith.constant 128 : i32
      %parallel_loop3A_531 = arith.divsi %parallel_loop3A_529, %parallel_loop3A_530 : i32
      %parallel_loop3A_532 = arith.constant 0 : i32
      %parallel_loop3A_533 = arith.cmpi sgt, %parallel_loop3A_529, %parallel_loop3A_532 : i32
      %parallel_loop3A_534 = arith.extui %parallel_loop3A_533 : i1 to i32
      %parallel_loop3A_535 = arith.constant 0 : i32
      %parallel_loop3A_536 = arith.cmpi slt, %parallel_loop3A_529, %parallel_loop3A_535 : i32
      %parallel_loop3A_537 = arith.extui %parallel_loop3A_536 : i1 to i32
      %parallel_loop3A_538 = arith.subi %parallel_loop3A_534, %parallel_loop3A_537 : i32
      %parallel_loop3A_539 = arith.constant 0 : i32
      %parallel_loop3A_540 = arith.cmpi sgt, %parallel_loop3A_530, %parallel_loop3A_539 : i32
      %parallel_loop3A_541 = arith.extui %parallel_loop3A_540 : i1 to i32
      %parallel_loop3A_542 = arith.constant 0 : i32
      %parallel_loop3A_543 = arith.cmpi slt, %parallel_loop3A_530, %parallel_loop3A_542 : i32
      %parallel_loop3A_544 = arith.extui %parallel_loop3A_543 : i1 to i32
      %parallel_loop3A_545 = arith.subi %parallel_loop3A_541, %parallel_loop3A_544 : i32
      %parallel_loop3A_546 = arith.cmpi ne, %parallel_loop3A_538, %parallel_loop3A_545 : i32
      %parallel_loop3A_547 = arith.remsi %parallel_loop3A_529, %parallel_loop3A_530 : i32
      %parallel_loop3A_548 = arith.constant 0 : i32
      %parallel_loop3A_549 = arith.cmpi ne, %parallel_loop3A_547, %parallel_loop3A_548 : i32
      %parallel_loop3A_550 = arith.andi %parallel_loop3A_546, %parallel_loop3A_549 : i1
      %parallel_loop3A_551 = arith.constant 1 : i32
      %parallel_loop3A_552 = arith.subi %parallel_loop3A_531, %parallel_loop3A_551 : i32
      %parallel_loop3A_553 = arith.select %parallel_loop3A_550, %parallel_loop3A_552, %parallel_loop3A_531 : i32
      %parallel_loop3A_554 = arith.constant 128 : i32
      %parallel_loop3A_555 = arith.constant 0 : i32
      %parallel_loop3A_556 = arith.cmpi eq, %parallel_loop3A_554, %parallel_loop3A_555 : i32
      %parallel_loop3A_557 = arith.constant 1 : i32
      %parallel_loop3A_558 = arith.select %parallel_loop3A_556, %parallel_loop3A_557, %parallel_loop3A_554 : i32
      %parallel_loop3A_559 = arith.remsi %parallel_loop3A_529, %parallel_loop3A_558 : i32
      %parallel_loop3A_560 = arith.constant 0 : i32
      %parallel_loop3A_561 = arith.cmpi ne, %parallel_loop3A_559, %parallel_loop3A_560 : i32
      %parallel_loop3A_562 = arith.constant 0 : i32
      %parallel_loop3A_563 = arith.cmpi slt, %parallel_loop3A_559, %parallel_loop3A_562 : i32
      %parallel_loop3A_564 = arith.constant 0 : i32
      %parallel_loop3A_565 = arith.cmpi slt, %parallel_loop3A_558, %parallel_loop3A_564 : i32
      %parallel_loop3A_566 = arith.xori %parallel_loop3A_563, %parallel_loop3A_565 : i1
      %parallel_loop3A_567 = arith.andi %parallel_loop3A_566, %parallel_loop3A_561 : i1
      %parallel_loop3A_568 = arith.addi %parallel_loop3A_559, %parallel_loop3A_558 : i32
      %parallel_loop3A_569 = arith.select %parallel_loop3A_567, %parallel_loop3A_568, %parallel_loop3A_559 : i32
      %parallel_loop3A_570 = arith.constant 16 : i32
      %parallel_loop3A_571 = arith.muli %parallel_loop3A_569, %parallel_loop3A_570 : i32
      %parallel_loop3A_572 = arith.index_cast %parallel_loop3A_553 : i32 to index
      %parallel_loop3A_573 = arith.index_cast %parallel_loop3A_571 : i32 to index
      %parallel_loop3A_574 = tpu.vector_load %arg7[%parallel_loop3A_572, %parallel_loop3A_573] {strides = array<i32>} : memref<8x2048xf32, #tpu.memory_space<vmem>>, vector<1x16xf32>,
      %parallel_loop3A_575 = vector.shape_cast %parallel_loop3A_574 : vector<1x16xf32> to vector<16xf32>
      %parallel_loop3A_576 = arith.index_cast %parallel_loop3A_553 : i32 to index
      %parallel_loop3A_577 = arith.index_cast %parallel_loop3A_571 : i32 to index
      %parallel_loop3A_578 = tpu.vector_load %arg8[%parallel_loop3A_576, %parallel_loop3A_577] {strides = array<i32>} : memref<8x2048xf32, #tpu.memory_space<vmem>>, vector<1x16xf32>,
      %parallel_loop3A_579 = vector.shape_cast %parallel_loop3A_578 : vector<1x16xf32> to vector<16xf32>
      %parallel_loop3A_580 = arith.addf %parallel_loop3A_575, %parallel_loop3A_579 : vector<16xf32>
      %parallel_loop3A_581 = arith.index_cast %parallel_loop3A_553 : i32 to index
      %parallel_loop3A_582 = arith.index_cast %parallel_loop3A_571 : i32 to index
      %parallel_loop3A_583 = tpu.vector_load %arg9[%parallel_loop3A_581, %parallel_loop3A_582] {strides = array<i32>} : memref<8x2048xf32, #tpu.memory_space<vmem>>, vector<1x16xf32>,
      %parallel_loop3A_584 = vector.shape_cast %parallel_loop3A_583 : vector<1x16xf32> to vector<16xf32>
      %parallel_loop3A_585 = vector.shape_cast %parallel_loop3A_580 : vector<16xf32> to vector<1x16xf32>
      tpu.vector_store %arg9[%parallel_loop3A_581, %parallel_loop3A_582], %parallel_loop3A_585 {strides = array<i32>} : memref<8x2048xf32, #tpu.memory_space<vmem>>, vector<1x16xf32>,
    } {sc.loop_unroll_factor = 8 : i64, sc.parallel_access}
    %add3A_162 = arith.constant 32 : i32
    %add3A_163 = arith.addi %mul3A_2, %add3A_162 : i32
    %dma_start3A_164 = arith.constant 0 : i32
    %dma_start3A_165 = tpu.memref_slice %arg4[%add3A_163, %dma_start3A_164] : memref<4096x2048xf32, #tpu.memory_space<hbm>> -> memref<8x2048xf32, #tpu.memory_space<hbm>>
    %dma_start3A_166 = arith.constant 0 : i32
    %dma_start3A_167 = tpu.memref_slice %arg4[%add3A_163, %dma_start3A_166] : memref<4096x2048xf32, #tpu.memory_space<hbm>> -> memref<8x2048xf32, #tpu.memory_space<hbm>>
    tpu.enqueue_dma source(%arg9 : memref<8x2048xf32, #tpu.memory_space<vmem>>) target(%dma_start3A_167 : memref<8x2048xf32, #tpu.memory_space<hbm>>) target_semaphore(%arg17 : memref<!tpu.dma_semaphore, #tpu.memory_space<semaphore_mem>>)
    %dma_start3A_168 = arith.constant 48 : i32
    %dma_start3A_169 = tpu.memref_slice %arg5[%dma_start3A_168] : memref<128xi32, #tpu.memory_space<vmem>> -> memref<8xi32, #tpu.memory_space<vmem>>
    %dma_start3A_170 = arith.constant 0 : i32
    %dma_start3A_171 = arith.constant 0 : i32
    %dma_start3A_172 = tpu.memref_slice %arg2[%dma_start3A_170, %dma_start3A_171] : memref<12288x2048xf32, #tpu.memory_space<hbm>> -> memref<12288x2048xf32, #tpu.memory_space<hbm>>
    tpu.enqueue_indirect_dma source(%dma_start3A_172 : memref<12288x2048xf32, #tpu.memory_space<hbm>>) target(%arg7 : memref<8x2048xf32, #tpu.memory_space<vmem>>) offsets(%dma_start3A_169 : memref<8xi32, #tpu.memory_space<vmem>>) semaphore(%arg13 : memref<!tpu.dma_semaphore, #tpu.memory_space<semaphore_mem>>)
    %dma_start3A_173 = arith.constant 48 : i32
    %dma_start3A_174 = tpu.memref_slice %arg6[%dma_start3A_173] : memref<128xi32, #tpu.memory_space<vmem>> -> memref<8xi32, #tpu.memory_space<vmem>>
    %dma_start3A_175 = arith.constant 0 : i32
    %dma_start3A_176 = arith.constant 0 : i32
    %dma_start3A_177 = tpu.memref_slice %arg2[%dma_start3A_175, %dma_start3A_176] : memref<12288x2048xf32, #tpu.memory_space<hbm>> -> memref<12288x2048xf32, #tpu.memory_space<hbm>>
    tpu.enqueue_indirect_dma source(%dma_start3A_177 : memref<12288x2048xf32, #tpu.memory_space<hbm>>) target(%arg8 : memref<8x2048xf32, #tpu.memory_space<vmem>>) offsets(%dma_start3A_174 : memref<8xi32, #tpu.memory_space<vmem>>) semaphore(%arg14 : memref<!tpu.dma_semaphore, #tpu.memory_space<semaphore_mem>>)
    %dma_wait3A_178 = arith.constant 40 : i32
    %dma_wait3A_179 = tpu.memref_slice %arg5[%dma_wait3A_178] : memref<128xi32, #tpu.memory_space<vmem>> -> memref<8xi32, #tpu.memory_space<vmem>>
    %dma_wait3A_180 = arith.constant 0 : i32
    %dma_wait3A_181 = arith.constant 0 : i32
    %dma_wait3A_182 = tpu.memref_slice %arg2[%dma_wait3A_180, %dma_wait3A_181] : memref<12288x2048xf32, #tpu.memory_space<hbm>> -> memref<12288x2048xf32, #tpu.memory_space<hbm>>
    tpu.wait_indirect_dma semaphore(%arg15 : memref<!tpu.dma_semaphore, #tpu.memory_space<semaphore_mem>>) src(%dma_wait3A_182 : memref<12288x2048xf32, #tpu.memory_space<hbm>>) dst(%arg10 : memref<8x2048xf32, #tpu.memory_space<vmem>>)
    %dma_wait3A_183 = arith.constant 40 : i32
    %dma_wait3A_184 = tpu.memref_slice %arg6[%dma_wait3A_183] : memref<128xi32, #tpu.memory_space<vmem>> -> memref<8xi32, #tpu.memory_space<vmem>>
    %dma_wait3A_185 = arith.constant 0 : i32
    %dma_wait3A_186 = arith.constant 0 : i32
    %dma_wait3A_187 = tpu.memref_slice %arg2[%dma_wait3A_185, %dma_wait3A_186] : memref<12288x2048xf32, #tpu.memory_space<hbm>> -> memref<12288x2048xf32, #tpu.memory_space<hbm>>
    tpu.wait_indirect_dma semaphore(%arg16 : memref<!tpu.dma_semaphore, #tpu.memory_space<semaphore_mem>>) src(%dma_wait3A_187 : memref<12288x2048xf32, #tpu.memory_space<hbm>>) dst(%arg11 : memref<8x2048xf32, #tpu.memory_space<vmem>>)
    %dma_wait3A_188 = arith.constant 0 : i32
    %dma_wait3A_189 = tpu.memref_slice %arg4[%add3A_130, %dma_wait3A_188] : memref<4096x2048xf32, #tpu.memory_space<hbm>> -> memref<8x2048xf32, #tpu.memory_space<hbm>>
    %dma_wait3A_190 = arith.constant 0 : i32
    %dma_wait3A_191 = tpu.memref_slice %arg4[%add3A_130, %dma_wait3A_190] : memref<4096x2048xf32, #tpu.memory_space<hbm>> -> memref<8x2048xf32, #tpu.memory_space<hbm>>
    tpu.wait_dma2 semaphore(%arg18 : memref<!tpu.dma_semaphore, #tpu.memory_space<semaphore_mem>>) src(%arg12 : memref<8x2048xf32, #tpu.memory_space<vmem>>) dst(%dma_wait3A_191 : memref<8x2048xf32, #tpu.memory_space<hbm>>)
    %parallel_loop3A_192 = arith.constant 0 : i32
    %parallel_loop3A_193 = arith.constant 1024 : i32
    %parallel_loop3A_194 = arith.constant 1 : i32
    scf.for %parallel_loop3A_529 = %parallel_loop3A_192 to %parallel_loop3A_193 step %parallel_loop3A_194  : i32 {
      %parallel_loop3A_530 = arith.constant 128 : i32
      %parallel_loop3A_531 = arith.divsi %parallel_loop3A_529, %parallel_loop3A_530 : i32
      %parallel_loop3A_532 = arith.constant 0 : i32
      %parallel_loop3A_533 = arith.cmpi sgt, %parallel_loop3A_529, %parallel_loop3A_532 : i32
      %parallel_loop3A_534 = arith.extui %parallel_loop3A_533 : i1 to i32
      %parallel_loop3A_535 = arith.constant 0 : i32
      %parallel_loop3A_536 = arith.cmpi slt, %parallel_loop3A_529, %parallel_loop3A_535 : i32
      %parallel_loop3A_537 = arith.extui %parallel_loop3A_536 : i1 to i32
      %parallel_loop3A_538 = arith.subi %parallel_loop3A_534, %parallel_loop3A_537 : i32
      %parallel_loop3A_539 = arith.constant 0 : i32
      %parallel_loop3A_540 = arith.cmpi sgt, %parallel_loop3A_530, %parallel_loop3A_539 : i32
      %parallel_loop3A_541 = arith.extui %parallel_loop3A_540 : i1 to i32
      %parallel_loop3A_542 = arith.constant 0 : i32
      %parallel_loop3A_543 = arith.cmpi slt, %parallel_loop3A_530, %parallel_loop3A_542 : i32
      %parallel_loop3A_544 = arith.extui %parallel_loop3A_543 : i1 to i32
      %parallel_loop3A_545 = arith.subi %parallel_loop3A_541, %parallel_loop3A_544 : i32
      %parallel_loop3A_546 = arith.cmpi ne, %parallel_loop3A_538, %parallel_loop3A_545 : i32
      %parallel_loop3A_547 = arith.remsi %parallel_loop3A_529, %parallel_loop3A_530 : i32
      %parallel_loop3A_548 = arith.constant 0 : i32
      %parallel_loop3A_549 = arith.cmpi ne, %parallel_loop3A_547, %parallel_loop3A_548 : i32
      %parallel_loop3A_550 = arith.andi %parallel_loop3A_546, %parallel_loop3A_549 : i1
      %parallel_loop3A_551 = arith.constant 1 : i32
      %parallel_loop3A_552 = arith.subi %parallel_loop3A_531, %parallel_loop3A_551 : i32
      %parallel_loop3A_553 = arith.select %parallel_loop3A_550, %parallel_loop3A_552, %parallel_loop3A_531 : i32
      %parallel_loop3A_554 = arith.constant 128 : i32
      %parallel_loop3A_555 = arith.constant 0 : i32
      %parallel_loop3A_556 = arith.cmpi eq, %parallel_loop3A_554, %parallel_loop3A_555 : i32
      %parallel_loop3A_557 = arith.constant 1 : i32
      %parallel_loop3A_558 = arith.select %parallel_loop3A_556, %parallel_loop3A_557, %parallel_loop3A_554 : i32
      %parallel_loop3A_559 = arith.remsi %parallel_loop3A_529, %parallel_loop3A_558 : i32
      %parallel_loop3A_560 = arith.constant 0 : i32
      %parallel_loop3A_561 = arith.cmpi ne, %parallel_loop3A_559, %parallel_loop3A_560 : i32
      %parallel_loop3A_562 = arith.constant 0 : i32
      %parallel_loop3A_563 = arith.cmpi slt, %parallel_loop3A_559, %parallel_loop3A_562 : i32
      %parallel_loop3A_564 = arith.constant 0 : i32
      %parallel_loop3A_565 = arith.cmpi slt, %parallel_loop3A_558, %parallel_loop3A_564 : i32
      %parallel_loop3A_566 = arith.xori %parallel_loop3A_563, %parallel_loop3A_565 : i1
      %parallel_loop3A_567 = arith.andi %parallel_loop3A_566, %parallel_loop3A_561 : i1
      %parallel_loop3A_568 = arith.addi %parallel_loop3A_559, %parallel_loop3A_558 : i32
      %parallel_loop3A_569 = arith.select %parallel_loop3A_567, %parallel_loop3A_568, %parallel_loop3A_559 : i32
      %parallel_loop3A_570 = arith.constant 16 : i32
      %parallel_loop3A_571 = arith.muli %parallel_loop3A_569, %parallel_loop3A_570 : i32
      %parallel_loop3A_572 = arith.index_cast %parallel_loop3A_553 : i32 to index
      %parallel_loop3A_573 = arith.index_cast %parallel_loop3A_571 : i32 to index
      %parallel_loop3A_574 = tpu.vector_load %arg10[%parallel_loop3A_572, %parallel_loop3A_573] {strides = array<i32>} : memref<8x2048xf32, #tpu.memory_space<vmem>>, vector<1x16xf32>,
      %parallel_loop3A_575 = vector.shape_cast %parallel_loop3A_574 : vector<1x16xf32> to vector<16xf32>
      %parallel_loop3A_576 = arith.index_cast %parallel_loop3A_553 : i32 to index
      %parallel_loop3A_577 = arith.index_cast %parallel_loop3A_571 : i32 to index
      %parallel_loop3A_578 = tpu.vector_load %arg11[%parallel_loop3A_576, %parallel_loop3A_577] {strides = array<i32>} : memref<8x2048xf32, #tpu.memory_space<vmem>>, vector<1x16xf32>,
      %parallel_loop3A_579 = vector.shape_cast %parallel_loop3A_578 : vector<1x16xf32> to vector<16xf32>
      %parallel_loop3A_580 = arith.addf %parallel_loop3A_575, %parallel_loop3A_579 : vector<16xf32>
      %parallel_loop3A_581 = arith.index_cast %parallel_loop3A_553 : i32 to index
      %parallel_loop3A_582 = arith.index_cast %parallel_loop3A_571 : i32 to index
      %parallel_loop3A_583 = tpu.vector_load %arg12[%parallel_loop3A_581, %parallel_loop3A_582] {strides = array<i32>} : memref<8x2048xf32, #tpu.memory_space<vmem>>, vector<1x16xf32>,
      %parallel_loop3A_584 = vector.shape_cast %parallel_loop3A_583 : vector<1x16xf32> to vector<16xf32>
      %parallel_loop3A_585 = vector.shape_cast %parallel_loop3A_580 : vector<16xf32> to vector<1x16xf32>
      tpu.vector_store %arg12[%parallel_loop3A_581, %parallel_loop3A_582], %parallel_loop3A_585 {strides = array<i32>} : memref<8x2048xf32, #tpu.memory_space<vmem>>, vector<1x16xf32>,
    } {sc.loop_unroll_factor = 8 : i64, sc.parallel_access}
    %add3A_195 = arith.constant 40 : i32
    %add3A_196 = arith.addi %mul3A_2, %add3A_195 : i32
    %dma_start3A_197 = arith.constant 0 : i32
    %dma_start3A_198 = tpu.memref_slice %arg4[%add3A_196, %dma_start3A_197] : memref<4096x2048xf32, #tpu.memory_space<hbm>> -> memref<8x2048xf32, #tpu.memory_space<hbm>>
    %dma_start3A_199 = arith.constant 0 : i32
    %dma_start3A_200 = tpu.memref_slice %arg4[%add3A_196, %dma_start3A_199] : memref<4096x2048xf32, #tpu.memory_space<hbm>> -> memref<8x2048xf32, #tpu.memory_space<hbm>>
    tpu.enqueue_dma source(%arg12 : memref<8x2048xf32, #tpu.memory_space<vmem>>) target(%dma_start3A_200 : memref<8x2048xf32, #tpu.memory_space<hbm>>) target_semaphore(%arg18 : memref<!tpu.dma_semaphore, #tpu.memory_space<semaphore_mem>>)
    %dma_start3A_201 = arith.constant 56 : i32
    %dma_start3A_202 = tpu.memref_slice %arg5[%dma_start3A_201] : memref<128xi32, #tpu.memory_space<vmem>> -> memref<8xi32, #tpu.memory_space<vmem>>
    %dma_start3A_203 = arith.constant 0 : i32
    %dma_start3A_204 = arith.constant 0 : i32
    %dma_start3A_205 = tpu.memref_slice %arg2[%dma_start3A_203, %dma_start3A_204] : memref<12288x2048xf32, #tpu.memory_space<hbm>> -> memref<12288x2048xf32, #tpu.memory_space<hbm>>
    tpu.enqueue_indirect_dma source(%dma_start3A_205 : memref<12288x2048xf32, #tpu.memory_space<hbm>>) target(%arg10 : memref<8x2048xf32, #tpu.memory_space<vmem>>) offsets(%dma_start3A_202 : memref<8xi32, #tpu.memory_space<vmem>>) semaphore(%arg15 : memref<!tpu.dma_semaphore, #tpu.memory_space<semaphore_mem>>)
    %dma_start3A_206 = arith.constant 56 : i32
    %dma_start3A_207 = tpu.memref_slice %arg6[%dma_start3A_206] : memref<128xi32, #tpu.memory_space<vmem>> -> memref<8xi32, #tpu.memory_space<vmem>>
    %dma_start3A_208 = arith.constant 0 : i32
    %dma_start3A_209 = arith.constant 0 : i32
    %dma_start3A_210 = tpu.memref_slice %arg2[%dma_start3A_208, %dma_start3A_209] : memref<12288x2048xf32, #tpu.memory_space<hbm>> -> memref<12288x2048xf32, #tpu.memory_space<hbm>>
    tpu.enqueue_indirect_dma source(%dma_start3A_210 : memref<12288x2048xf32, #tpu.memory_space<hbm>>) target(%arg11 : memref<8x2048xf32, #tpu.memory_space<vmem>>) offsets(%dma_start3A_207 : memref<8xi32, #tpu.memory_space<vmem>>) semaphore(%arg16 : memref<!tpu.dma_semaphore, #tpu.memory_space<semaphore_mem>>)
    %dma_wait3A_211 = arith.constant 48 : i32
    %dma_wait3A_212 = tpu.memref_slice %arg5[%dma_wait3A_211] : memref<128xi32, #tpu.memory_space<vmem>> -> memref<8xi32, #tpu.memory_space<vmem>>
    %dma_wait3A_213 = arith.constant 0 : i32
    %dma_wait3A_214 = arith.constant 0 : i32
    %dma_wait3A_215 = tpu.memref_slice %arg2[%dma_wait3A_213, %dma_wait3A_214] : memref<12288x2048xf32, #tpu.memory_space<hbm>> -> memref<12288x2048xf32, #tpu.memory_space<hbm>>
    tpu.wait_indirect_dma semaphore(%arg13 : memref<!tpu.dma_semaphore, #tpu.memory_space<semaphore_mem>>) src(%dma_wait3A_215 : memref<12288x2048xf32, #tpu.memory_space<hbm>>) dst(%arg7 : memref<8x2048xf32, #tpu.memory_space<vmem>>)
    %dma_wait3A_216 = arith.constant 48 : i32
    %dma_wait3A_217 = tpu.memref_slice %arg6[%dma_wait3A_216] : memref<128xi32, #tpu.memory_space<vmem>> -> memref<8xi32, #tpu.memory_space<vmem>>
    %dma_wait3A_218 = arith.constant 0 : i32
    %dma_wait3A_219 = arith.constant 0 : i32
    %dma_wait3A_220 = tpu.memref_slice %arg2[%dma_wait3A_218, %dma_wait3A_219] : memref<12288x2048xf32, #tpu.memory_space<hbm>> -> memref<12288x2048xf32, #tpu.memory_space<hbm>>
    tpu.wait_indirect_dma semaphore(%arg14 : memref<!tpu.dma_semaphore, #tpu.memory_space<semaphore_mem>>) src(%dma_wait3A_220 : memref<12288x2048xf32, #tpu.memory_space<hbm>>) dst(%arg8 : memref<8x2048xf32, #tpu.memory_space<vmem>>)
    %dma_wait3A_221 = arith.constant 0 : i32
    %dma_wait3A_222 = tpu.memref_slice %arg4[%add3A_163, %dma_wait3A_221] : memref<4096x2048xf32, #tpu.memory_space<hbm>> -> memref<8x2048xf32, #tpu.memory_space<hbm>>
    %dma_wait3A_223 = arith.constant 0 : i32
    %dma_wait3A_224 = tpu.memref_slice %arg4[%add3A_163, %dma_wait3A_223] : memref<4096x2048xf32, #tpu.memory_space<hbm>> -> memref<8x2048xf32, #tpu.memory_space<hbm>>
    tpu.wait_dma2 semaphore(%arg17 : memref<!tpu.dma_semaphore, #tpu.memory_space<semaphore_mem>>) src(%arg9 : memref<8x2048xf32, #tpu.memory_space<vmem>>) dst(%dma_wait3A_224 : memref<8x2048xf32, #tpu.memory_space<hbm>>)
    %parallel_loop3A_225 = arith.constant 0 : i32
    %parallel_loop3A_226 = arith.constant 1024 : i32
    %parallel_loop3A_227 = arith.constant 1 : i32
    scf.for %parallel_loop3A_529 = %parallel_loop3A_225 to %parallel_loop3A_226 step %parallel_loop3A_227  : i32 {
      %parallel_loop3A_530 = arith.constant 128 : i32
      %parallel_loop3A_531 = arith.divsi %parallel_loop3A_529, %parallel_loop3A_530 : i32
      %parallel_loop3A_532 = arith.constant 0 : i32
      %parallel_loop3A_533 = arith.cmpi sgt, %parallel_loop3A_529, %parallel_loop3A_532 : i32
      %parallel_loop3A_534 = arith.extui %parallel_loop3A_533 : i1 to i32
      %parallel_loop3A_535 = arith.constant 0 : i32
      %parallel_loop3A_536 = arith.cmpi slt, %parallel_loop3A_529, %parallel_loop3A_535 : i32
      %parallel_loop3A_537 = arith.extui %parallel_loop3A_536 : i1 to i32
      %parallel_loop3A_538 = arith.subi %parallel_loop3A_534, %parallel_loop3A_537 : i32
      %parallel_loop3A_539 = arith.constant 0 : i32
      %parallel_loop3A_540 = arith.cmpi sgt, %parallel_loop3A_530, %parallel_loop3A_539 : i32
      %parallel_loop3A_541 = arith.extui %parallel_loop3A_540 : i1 to i32
      %parallel_loop3A_542 = arith.constant 0 : i32
      %parallel_loop3A_543 = arith.cmpi slt, %parallel_loop3A_530, %parallel_loop3A_542 : i32
      %parallel_loop3A_544 = arith.extui %parallel_loop3A_543 : i1 to i32
      %parallel_loop3A_545 = arith.subi %parallel_loop3A_541, %parallel_loop3A_544 : i32
      %parallel_loop3A_546 = arith.cmpi ne, %parallel_loop3A_538, %parallel_loop3A_545 : i32
      %parallel_loop3A_547 = arith.remsi %parallel_loop3A_529, %parallel_loop3A_530 : i32
      %parallel_loop3A_548 = arith.constant 0 : i32
      %parallel_loop3A_549 = arith.cmpi ne, %parallel_loop3A_547, %parallel_loop3A_548 : i32
      %parallel_loop3A_550 = arith.andi %parallel_loop3A_546, %parallel_loop3A_549 : i1
      %parallel_loop3A_551 = arith.constant 1 : i32
      %parallel_loop3A_552 = arith.subi %parallel_loop3A_531, %parallel_loop3A_551 : i32
      %parallel_loop3A_553 = arith.select %parallel_loop3A_550, %parallel_loop3A_552, %parallel_loop3A_531 : i32
      %parallel_loop3A_554 = arith.constant 128 : i32
      %parallel_loop3A_555 = arith.constant 0 : i32
      %parallel_loop3A_556 = arith.cmpi eq, %parallel_loop3A_554, %parallel_loop3A_555 : i32
      %parallel_loop3A_557 = arith.constant 1 : i32
      %parallel_loop3A_558 = arith.select %parallel_loop3A_556, %parallel_loop3A_557, %parallel_loop3A_554 : i32
      %parallel_loop3A_559 = arith.remsi %parallel_loop3A_529, %parallel_loop3A_558 : i32
      %parallel_loop3A_560 = arith.constant 0 : i32
      %parallel_loop3A_561 = arith.cmpi ne, %parallel_loop3A_559, %parallel_loop3A_560 : i32
      %parallel_loop3A_562 = arith.constant 0 : i32
      %parallel_loop3A_563 = arith.cmpi slt, %parallel_loop3A_559, %parallel_loop3A_562 : i32
      %parallel_loop3A_564 = arith.constant 0 : i32
      %parallel_loop3A_565 = arith.cmpi slt, %parallel_loop3A_558, %parallel_loop3A_564 : i32
      %parallel_loop3A_566 = arith.xori %parallel_loop3A_563, %parallel_loop3A_565 : i1
      %parallel_loop3A_567 = arith.andi %parallel_loop3A_566, %parallel_loop3A_561 : i1
      %parallel_loop3A_568 = arith.addi %parallel_loop3A_559, %parallel_loop3A_558 : i32
      %parallel_loop3A_569 = arith.select %parallel_loop3A_567, %parallel_loop3A_568, %parallel_loop3A_559 : i32
      %parallel_loop3A_570 = arith.constant 16 : i32
      %parallel_loop3A_571 = arith.muli %parallel_loop3A_569, %parallel_loop3A_570 : i32
      %parallel_loop3A_572 = arith.index_cast %parallel_loop3A_553 : i32 to index
      %parallel_loop3A_573 = arith.index_cast %parallel_loop3A_571 : i32 to index
      %parallel_loop3A_574 = tpu.vector_load %arg7[%parallel_loop3A_572, %parallel_loop3A_573] {strides = array<i32>} : memref<8x2048xf32, #tpu.memory_space<vmem>>, vector<1x16xf32>,
      %parallel_loop3A_575 = vector.shape_cast %parallel_loop3A_574 : vector<1x16xf32> to vector<16xf32>
      %parallel_loop3A_576 = arith.index_cast %parallel_loop3A_553 : i32 to index
      %parallel_loop3A_577 = arith.index_cast %parallel_loop3A_571 : i32 to index
      %parallel_loop3A_578 = tpu.vector_load %arg8[%parallel_loop3A_576, %parallel_loop3A_577] {strides = array<i32>} : memref<8x2048xf32, #tpu.memory_space<vmem>>, vector<1x16xf32>,
      %parallel_loop3A_579 = vector.shape_cast %parallel_loop3A_578 : vector<1x16xf32> to vector<16xf32>
      %parallel_loop3A_580 = arith.addf %parallel_loop3A_575, %parallel_loop3A_579 : vector<16xf32>
      %parallel_loop3A_581 = arith.index_cast %parallel_loop3A_553 : i32 to index
      %parallel_loop3A_582 = arith.index_cast %parallel_loop3A_571 : i32 to index
      %parallel_loop3A_583 = tpu.vector_load %arg9[%parallel_loop3A_581, %parallel_loop3A_582] {strides = array<i32>} : memref<8x2048xf32, #tpu.memory_space<vmem>>, vector<1x16xf32>,
      %parallel_loop3A_584 = vector.shape_cast %parallel_loop3A_583 : vector<1x16xf32> to vector<16xf32>
      %parallel_loop3A_585 = vector.shape_cast %parallel_loop3A_580 : vector<16xf32> to vector<1x16xf32>
      tpu.vector_store %arg9[%parallel_loop3A_581, %parallel_loop3A_582], %parallel_loop3A_585 {strides = array<i32>} : memref<8x2048xf32, #tpu.memory_space<vmem>>, vector<1x16xf32>,
    } {sc.loop_unroll_factor = 8 : i64, sc.parallel_access}
    %add3A_228 = arith.constant 48 : i32
    %add3A_229 = arith.addi %mul3A_2, %add3A_228 : i32
    %dma_start3A_230 = arith.constant 0 : i32
    %dma_start3A_231 = tpu.memref_slice %arg4[%add3A_229, %dma_start3A_230] : memref<4096x2048xf32, #tpu.memory_space<hbm>> -> memref<8x2048xf32, #tpu.memory_space<hbm>>
    %dma_start3A_232 = arith.constant 0 : i32
    %dma_start3A_233 = tpu.memref_slice %arg4[%add3A_229, %dma_start3A_232] : memref<4096x2048xf32, #tpu.memory_space<hbm>> -> memref<8x2048xf32, #tpu.memory_space<hbm>>
    tpu.enqueue_dma source(%arg9 : memref<8x2048xf32, #tpu.memory_space<vmem>>) target(%dma_start3A_233 : memref<8x2048xf32, #tpu.memory_space<hbm>>) target_semaphore(%arg17 : memref<!tpu.dma_semaphore, #tpu.memory_space<semaphore_mem>>)
    %dma_start3A_234 = arith.constant 64 : i32
    %dma_start3A_235 = tpu.memref_slice %arg5[%dma_start3A_234] : memref<128xi32, #tpu.memory_space<vmem>> -> memref<8xi32, #tpu.memory_space<vmem>>
    %dma_start3A_236 = arith.constant 0 : i32
    %dma_start3A_237 = arith.constant 0 : i32
    %dma_start3A_238 = tpu.memref_slice %arg2[%dma_start3A_236, %dma_start3A_237] : memref<12288x2048xf32, #tpu.memory_space<hbm>> -> memref<12288x2048xf32, #tpu.memory_space<hbm>>
    tpu.enqueue_indirect_dma source(%dma_start3A_238 : memref<12288x2048xf32, #tpu.memory_space<hbm>>) target(%arg7 : memref<8x2048xf32, #tpu.memory_space<vmem>>) offsets(%dma_start3A_235 : memref<8xi32, #tpu.memory_space<vmem>>) semaphore(%arg13 : memref<!tpu.dma_semaphore, #tpu.memory_space<semaphore_mem>>)
    %dma_start3A_239 = arith.constant 64 : i32
    %dma_start3A_240 = tpu.memref_slice %arg6[%dma_start3A_239] : memref<128xi32, #tpu.memory_space<vmem>> -> memref<8xi32, #tpu.memory_space<vmem>>
    %dma_start3A_241 = arith.constant 0 : i32
    %dma_start3A_242 = arith.constant 0 : i32
    %dma_start3A_243 = tpu.memref_slice %arg2[%dma_start3A_241, %dma_start3A_242] : memref<12288x2048xf32, #tpu.memory_space<hbm>> -> memref<12288x2048xf32, #tpu.memory_space<hbm>>
    tpu.enqueue_indirect_dma source(%dma_start3A_243 : memref<12288x2048xf32, #tpu.memory_space<hbm>>) target(%arg8 : memref<8x2048xf32, #tpu.memory_space<vmem>>) offsets(%dma_start3A_240 : memref<8xi32, #tpu.memory_space<vmem>>) semaphore(%arg14 : memref<!tpu.dma_semaphore, #tpu.memory_space<semaphore_mem>>)
    %dma_wait3A_244 = arith.constant 56 : i32
    %dma_wait3A_245 = tpu.memref_slice %arg5[%dma_wait3A_244] : memref<128xi32, #tpu.memory_space<vmem>> -> memref<8xi32, #tpu.memory_space<vmem>>
    %dma_wait3A_246 = arith.constant 0 : i32
    %dma_wait3A_247 = arith.constant 0 : i32
    %dma_wait3A_248 = tpu.memref_slice %arg2[%dma_wait3A_246, %dma_wait3A_247] : memref<12288x2048xf32, #tpu.memory_space<hbm>> -> memref<12288x2048xf32, #tpu.memory_space<hbm>>
    tpu.wait_indirect_dma semaphore(%arg15 : memref<!tpu.dma_semaphore, #tpu.memory_space<semaphore_mem>>) src(%dma_wait3A_248 : memref<12288x2048xf32, #tpu.memory_space<hbm>>) dst(%arg10 : memref<8x2048xf32, #tpu.memory_space<vmem>>)
    %dma_wait3A_249 = arith.constant 56 : i32
    %dma_wait3A_250 = tpu.memref_slice %arg6[%dma_wait3A_249] : memref<128xi32, #tpu.memory_space<vmem>> -> memref<8xi32, #tpu.memory_space<vmem>>
    %dma_wait3A_251 = arith.constant 0 : i32
    %dma_wait3A_252 = arith.constant 0 : i32
    %dma_wait3A_253 = tpu.memref_slice %arg2[%dma_wait3A_251, %dma_wait3A_252] : memref<12288x2048xf32, #tpu.memory_space<hbm>> -> memref<12288x2048xf32, #tpu.memory_space<hbm>>
    tpu.wait_indirect_dma semaphore(%arg16 : memref<!tpu.dma_semaphore, #tpu.memory_space<semaphore_mem>>) src(%dma_wait3A_253 : memref<12288x2048xf32, #tpu.memory_space<hbm>>) dst(%arg11 : memref<8x2048xf32, #tpu.memory_space<vmem>>)
    %dma_wait3A_254 = arith.constant 0 : i32
    %dma_wait3A_255 = tpu.memref_slice %arg4[%add3A_196, %dma_wait3A_254] : memref<4096x2048xf32, #tpu.memory_space<hbm>> -> memref<8x2048xf32, #tpu.memory_space<hbm>>
    %dma_wait3A_256 = arith.constant 0 : i32
    %dma_wait3A_257 = tpu.memref_slice %arg4[%add3A_196, %dma_wait3A_256] : memref<4096x2048xf32, #tpu.memory_space<hbm>> -> memref<8x2048xf32, #tpu.memory_space<hbm>>
    tpu.wait_dma2 semaphore(%arg18 : memref<!tpu.dma_semaphore, #tpu.memory_space<semaphore_mem>>) src(%arg12 : memref<8x2048xf32, #tpu.memory_space<vmem>>) dst(%dma_wait3A_257 : memref<8x2048xf32, #tpu.memory_space<hbm>>)
    %parallel_loop3A_258 = arith.constant 0 : i32
    %parallel_loop3A_259 = arith.constant 1024 : i32
    %parallel_loop3A_260 = arith.constant 1 : i32
    scf.for %parallel_loop3A_529 = %parallel_loop3A_258 to %parallel_loop3A_259 step %parallel_loop3A_260  : i32 {
      %parallel_loop3A_530 = arith.constant 128 : i32
      %parallel_loop3A_531 = arith.divsi %parallel_loop3A_529, %parallel_loop3A_530 : i32
      %parallel_loop3A_532 = arith.constant 0 : i32
      %parallel_loop3A_533 = arith.cmpi sgt, %parallel_loop3A_529, %parallel_loop3A_532 : i32
      %parallel_loop3A_534 = arith.extui %parallel_loop3A_533 : i1 to i32
      %parallel_loop3A_535 = arith.constant 0 : i32
      %parallel_loop3A_536 = arith.cmpi slt, %parallel_loop3A_529, %parallel_loop3A_535 : i32
      %parallel_loop3A_537 = arith.extui %parallel_loop3A_536 : i1 to i32
      %parallel_loop3A_538 = arith.subi %parallel_loop3A_534, %parallel_loop3A_537 : i32
      %parallel_loop3A_539 = arith.constant 0 : i32
      %parallel_loop3A_540 = arith.cmpi sgt, %parallel_loop3A_530, %parallel_loop3A_539 : i32
      %parallel_loop3A_541 = arith.extui %parallel_loop3A_540 : i1 to i32
      %parallel_loop3A_542 = arith.constant 0 : i32
      %parallel_loop3A_543 = arith.cmpi slt, %parallel_loop3A_530, %parallel_loop3A_542 : i32
      %parallel_loop3A_544 = arith.extui %parallel_loop3A_543 : i1 to i32
      %parallel_loop3A_545 = arith.subi %parallel_loop3A_541, %parallel_loop3A_544 : i32
      %parallel_loop3A_546 = arith.cmpi ne, %parallel_loop3A_538, %parallel_loop3A_545 : i32
      %parallel_loop3A_547 = arith.remsi %parallel_loop3A_529, %parallel_loop3A_530 : i32
      %parallel_loop3A_548 = arith.constant 0 : i32
      %parallel_loop3A_549 = arith.cmpi ne, %parallel_loop3A_547, %parallel_loop3A_548 : i32
      %parallel_loop3A_550 = arith.andi %parallel_loop3A_546, %parallel_loop3A_549 : i1
      %parallel_loop3A_551 = arith.constant 1 : i32
      %parallel_loop3A_552 = arith.subi %parallel_loop3A_531, %parallel_loop3A_551 : i32
      %parallel_loop3A_553 = arith.select %parallel_loop3A_550, %parallel_loop3A_552, %parallel_loop3A_531 : i32
      %parallel_loop3A_554 = arith.constant 128 : i32
      %parallel_loop3A_555 = arith.constant 0 : i32
      %parallel_loop3A_556 = arith.cmpi eq, %parallel_loop3A_554, %parallel_loop3A_555 : i32
      %parallel_loop3A_557 = arith.constant 1 : i32
      %parallel_loop3A_558 = arith.select %parallel_loop3A_556, %parallel_loop3A_557, %parallel_loop3A_554 : i32
      %parallel_loop3A_559 = arith.remsi %parallel_loop3A_529, %parallel_loop3A_558 : i32
      %parallel_loop3A_560 = arith.constant 0 : i32
      %parallel_loop3A_561 = arith.cmpi ne, %parallel_loop3A_559, %parallel_loop3A_560 : i32
      %parallel_loop3A_562 = arith.constant 0 : i32
      %parallel_loop3A_563 = arith.cmpi slt, %parallel_loop3A_559, %parallel_loop3A_562 : i32
      %parallel_loop3A_564 = arith.constant 0 : i32
      %parallel_loop3A_565 = arith.cmpi slt, %parallel_loop3A_558, %parallel_loop3A_564 : i32
      %parallel_loop3A_566 = arith.xori %parallel_loop3A_563, %parallel_loop3A_565 : i1
      %parallel_loop3A_567 = arith.andi %parallel_loop3A_566, %parallel_loop3A_561 : i1
      %parallel_loop3A_568 = arith.addi %parallel_loop3A_559, %parallel_loop3A_558 : i32
      %parallel_loop3A_569 = arith.select %parallel_loop3A_567, %parallel_loop3A_568, %parallel_loop3A_559 : i32
      %parallel_loop3A_570 = arith.constant 16 : i32
      %parallel_loop3A_571 = arith.muli %parallel_loop3A_569, %parallel_loop3A_570 : i32
      %parallel_loop3A_572 = arith.index_cast %parallel_loop3A_553 : i32 to index
      %parallel_loop3A_573 = arith.index_cast %parallel_loop3A_571 : i32 to index
      %parallel_loop3A_574 = tpu.vector_load %arg10[%parallel_loop3A_572, %parallel_loop3A_573] {strides = array<i32>} : memref<8x2048xf32, #tpu.memory_space<vmem>>, vector<1x16xf32>,
      %parallel_loop3A_575 = vector.shape_cast %parallel_loop3A_574 : vector<1x16xf32> to vector<16xf32>
      %parallel_loop3A_576 = arith.index_cast %parallel_loop3A_553 : i32 to index
      %parallel_loop3A_577 = arith.index_cast %parallel_loop3A_571 : i32 to index
      %parallel_loop3A_578 = tpu.vector_load %arg11[%parallel_loop3A_576, %parallel_loop3A_577] {strides = array<i32>} : memref<8x2048xf32, #tpu.memory_space<vmem>>, vector<1x16xf32>,
      %parallel_loop3A_579 = vector.shape_cast %parallel_loop3A_578 : vector<1x16xf32> to vector<16xf32>
      %parallel_loop3A_580 = arith.addf %parallel_loop3A_575, %parallel_loop3A_579 : vector<16xf32>
      %parallel_loop3A_581 = arith.index_cast %parallel_loop3A_553 : i32 to index
      %parallel_loop3A_582 = arith.index_cast %parallel_loop3A_571 : i32 to index
      %parallel_loop3A_583 = tpu.vector_load %arg12[%parallel_loop3A_581, %parallel_loop3A_582] {strides = array<i32>} : memref<8x2048xf32, #tpu.memory_space<vmem>>, vector<1x16xf32>,
      %parallel_loop3A_584 = vector.shape_cast %parallel_loop3A_583 : vector<1x16xf32> to vector<16xf32>
      %parallel_loop3A_585 = vector.shape_cast %parallel_loop3A_580 : vector<16xf32> to vector<1x16xf32>
      tpu.vector_store %arg12[%parallel_loop3A_581, %parallel_loop3A_582], %parallel_loop3A_585 {strides = array<i32>} : memref<8x2048xf32, #tpu.memory_space<vmem>>, vector<1x16xf32>,
    } {sc.loop_unroll_factor = 8 : i64, sc.parallel_access}
    %add3A_261 = arith.constant 56 : i32
    %add3A_262 = arith.addi %mul3A_2, %add3A_261 : i32
    %dma_start3A_263 = arith.constant 0 : i32
    %dma_start3A_264 = tpu.memref_slice %arg4[%add3A_262, %dma_start3A_263] : memref<4096x2048xf32, #tpu.memory_space<hbm>> -> memref<8x2048xf32, #tpu.memory_space<hbm>>
    %dma_start3A_265 = arith.constant 0 : i32
    %dma_start3A_266 = tpu.memref_slice %arg4[%add3A_262, %dma_start3A_265] : memref<4096x2048xf32, #tpu.memory_space<hbm>> -> memref<8x2048xf32, #tpu.memory_space<hbm>>
    tpu.enqueue_dma source(%arg12 : memref<8x2048xf32, #tpu.memory_space<vmem>>) target(%dma_start3A_266 : memref<8x2048xf32, #tpu.memory_space<hbm>>) target_semaphore(%arg18 : memref<!tpu.dma_semaphore, #tpu.memory_space<semaphore_mem>>)
    %dma_start3A_267 = arith.constant 72 : i32
    %dma_start3A_268 = tpu.memref_slice %arg5[%dma_start3A_267] : memref<128xi32, #tpu.memory_space<vmem>> -> memref<8xi32, #tpu.memory_space<vmem>>
    %dma_start3A_269 = arith.constant 0 : i32
    %dma_start3A_270 = arith.constant 0 : i32
    %dma_start3A_271 = tpu.memref_slice %arg2[%dma_start3A_269, %dma_start3A_270] : memref<12288x2048xf32, #tpu.memory_space<hbm>> -> memref<12288x2048xf32, #tpu.memory_space<hbm>>
    tpu.enqueue_indirect_dma source(%dma_start3A_271 : memref<12288x2048xf32, #tpu.memory_space<hbm>>) target(%arg10 : memref<8x2048xf32, #tpu.memory_space<vmem>>) offsets(%dma_start3A_268 : memref<8xi32, #tpu.memory_space<vmem>>) semaphore(%arg15 : memref<!tpu.dma_semaphore, #tpu.memory_space<semaphore_mem>>)
    %dma_start3A_272 = arith.constant 72 : i32
    %dma_start3A_273 = tpu.memref_slice %arg6[%dma_start3A_272] : memref<128xi32, #tpu.memory_space<vmem>> -> memref<8xi32, #tpu.memory_space<vmem>>
    %dma_start3A_274 = arith.constant 0 : i32
    %dma_start3A_275 = arith.constant 0 : i32
    %dma_start3A_276 = tpu.memref_slice %arg2[%dma_start3A_274, %dma_start3A_275] : memref<12288x2048xf32, #tpu.memory_space<hbm>> -> memref<12288x2048xf32, #tpu.memory_space<hbm>>
    tpu.enqueue_indirect_dma source(%dma_start3A_276 : memref<12288x2048xf32, #tpu.memory_space<hbm>>) target(%arg11 : memref<8x2048xf32, #tpu.memory_space<vmem>>) offsets(%dma_start3A_273 : memref<8xi32, #tpu.memory_space<vmem>>) semaphore(%arg16 : memref<!tpu.dma_semaphore, #tpu.memory_space<semaphore_mem>>)
    %dma_wait3A_277 = arith.constant 64 : i32
    %dma_wait3A_278 = tpu.memref_slice %arg5[%dma_wait3A_277] : memref<128xi32, #tpu.memory_space<vmem>> -> memref<8xi32, #tpu.memory_space<vmem>>
    %dma_wait3A_279 = arith.constant 0 : i32
    %dma_wait3A_280 = arith.constant 0 : i32
    %dma_wait3A_281 = tpu.memref_slice %arg2[%dma_wait3A_279, %dma_wait3A_280] : memref<12288x2048xf32, #tpu.memory_space<hbm>> -> memref<12288x2048xf32, #tpu.memory_space<hbm>>
    tpu.wait_indirect_dma semaphore(%arg13 : memref<!tpu.dma_semaphore, #tpu.memory_space<semaphore_mem>>) src(%dma_wait3A_281 : memref<12288x2048xf32, #tpu.memory_space<hbm>>) dst(%arg7 : memref<8x2048xf32, #tpu.memory_space<vmem>>)
    %dma_wait3A_282 = arith.constant 64 : i32
    %dma_wait3A_283 = tpu.memref_slice %arg6[%dma_wait3A_282] : memref<128xi32, #tpu.memory_space<vmem>> -> memref<8xi32, #tpu.memory_space<vmem>>
    %dma_wait3A_284 = arith.constant 0 : i32
    %dma_wait3A_285 = arith.constant 0 : i32
    %dma_wait3A_286 = tpu.memref_slice %arg2[%dma_wait3A_284, %dma_wait3A_285] : memref<12288x2048xf32, #tpu.memory_space<hbm>> -> memref<12288x2048xf32, #tpu.memory_space<hbm>>
    tpu.wait_indirect_dma semaphore(%arg14 : memref<!tpu.dma_semaphore, #tpu.memory_space<semaphore_mem>>) src(%dma_wait3A_286 : memref<12288x2048xf32, #tpu.memory_space<hbm>>) dst(%arg8 : memref<8x2048xf32, #tpu.memory_space<vmem>>)
    %dma_wait3A_287 = arith.constant 0 : i32
    %dma_wait3A_288 = tpu.memref_slice %arg4[%add3A_229, %dma_wait3A_287] : memref<4096x2048xf32, #tpu.memory_space<hbm>> -> memref<8x2048xf32, #tpu.memory_space<hbm>>
    %dma_wait3A_289 = arith.constant 0 : i32
    %dma_wait3A_290 = tpu.memref_slice %arg4[%add3A_229, %dma_wait3A_289] : memref<4096x2048xf32, #tpu.memory_space<hbm>> -> memref<8x2048xf32, #tpu.memory_space<hbm>>
    tpu.wait_dma2 semaphore(%arg17 : memref<!tpu.dma_semaphore, #tpu.memory_space<semaphore_mem>>) src(%arg9 : memref<8x2048xf32, #tpu.memory_space<vmem>>) dst(%dma_wait3A_290 : memref<8x2048xf32, #tpu.memory_space<hbm>>)
    %parallel_loop3A_291 = arith.constant 0 : i32
    %parallel_loop3A_292 = arith.constant 1024 : i32
    %parallel_loop3A_293 = arith.constant 1 : i32
    scf.for %parallel_loop3A_529 = %parallel_loop3A_291 to %parallel_loop3A_292 step %parallel_loop3A_293  : i32 {
      %parallel_loop3A_530 = arith.constant 128 : i32
      %parallel_loop3A_531 = arith.divsi %parallel_loop3A_529, %parallel_loop3A_530 : i32
      %parallel_loop3A_532 = arith.constant 0 : i32
      %parallel_loop3A_533 = arith.cmpi sgt, %parallel_loop3A_529, %parallel_loop3A_532 : i32
      %parallel_loop3A_534 = arith.extui %parallel_loop3A_533 : i1 to i32
      %parallel_loop3A_535 = arith.constant 0 : i32
      %parallel_loop3A_536 = arith.cmpi slt, %parallel_loop3A_529, %parallel_loop3A_535 : i32
      %parallel_loop3A_537 = arith.extui %parallel_loop3A_536 : i1 to i32
      %parallel_loop3A_538 = arith.subi %parallel_loop3A_534, %parallel_loop3A_537 : i32
      %parallel_loop3A_539 = arith.constant 0 : i32
      %parallel_loop3A_540 = arith.cmpi sgt, %parallel_loop3A_530, %parallel_loop3A_539 : i32
      %parallel_loop3A_541 = arith.extui %parallel_loop3A_540 : i1 to i32
      %parallel_loop3A_542 = arith.constant 0 : i32
      %parallel_loop3A_543 = arith.cmpi slt, %parallel_loop3A_530, %parallel_loop3A_542 : i32
      %parallel_loop3A_544 = arith.extui %parallel_loop3A_543 : i1 to i32
      %parallel_loop3A_545 = arith.subi %parallel_loop3A_541, %parallel_loop3A_544 : i32
      %parallel_loop3A_546 = arith.cmpi ne, %parallel_loop3A_538, %parallel_loop3A_545 : i32
      %parallel_loop3A_547 = arith.remsi %parallel_loop3A_529, %parallel_loop3A_530 : i32
      %parallel_loop3A_548 = arith.constant 0 : i32
      %parallel_loop3A_549 = arith.cmpi ne, %parallel_loop3A_547, %parallel_loop3A_548 : i32
      %parallel_loop3A_550 = arith.andi %parallel_loop3A_546, %parallel_loop3A_549 : i1
      %parallel_loop3A_551 = arith.constant 1 : i32
      %parallel_loop3A_552 = arith.subi %parallel_loop3A_531, %parallel_loop3A_551 : i32
      %parallel_loop3A_553 = arith.select %parallel_loop3A_550, %parallel_loop3A_552, %parallel_loop3A_531 : i32
      %parallel_loop3A_554 = arith.constant 128 : i32
      %parallel_loop3A_555 = arith.constant 0 : i32
      %parallel_loop3A_556 = arith.cmpi eq, %parallel_loop3A_554, %parallel_loop3A_555 : i32
      %parallel_loop3A_557 = arith.constant 1 : i32
      %parallel_loop3A_558 = arith.select %parallel_loop3A_556, %parallel_loop3A_557, %parallel_loop3A_554 : i32
      %parallel_loop3A_559 = arith.remsi %parallel_loop3A_529, %parallel_loop3A_558 : i32
      %parallel_loop3A_560 = arith.constant 0 : i32
      %parallel_loop3A_561 = arith.cmpi ne, %parallel_loop3A_559, %parallel_loop3A_560 : i32
      %parallel_loop3A_562 = arith.constant 0 : i32
      %parallel_loop3A_563 = arith.cmpi slt, %parallel_loop3A_559, %parallel_loop3A_562 : i32
      %parallel_loop3A_564 = arith.constant 0 : i32
      %parallel_loop3A_565 = arith.cmpi slt, %parallel_loop3A_558, %parallel_loop3A_564 : i32
      %parallel_loop3A_566 = arith.xori %parallel_loop3A_563, %parallel_loop3A_565 : i1
      %parallel_loop3A_567 = arith.andi %parallel_loop3A_566, %parallel_loop3A_561 : i1
      %parallel_loop3A_568 = arith.addi %parallel_loop3A_559, %parallel_loop3A_558 : i32
      %parallel_loop3A_569 = arith.select %parallel_loop3A_567, %parallel_loop3A_568, %parallel_loop3A_559 : i32
      %parallel_loop3A_570 = arith.constant 16 : i32
      %parallel_loop3A_571 = arith.muli %parallel_loop3A_569, %parallel_loop3A_570 : i32
      %parallel_loop3A_572 = arith.index_cast %parallel_loop3A_553 : i32 to index
      %parallel_loop3A_573 = arith.index_cast %parallel_loop3A_571 : i32 to index
      %parallel_loop3A_574 = tpu.vector_load %arg7[%parallel_loop3A_572, %parallel_loop3A_573] {strides = array<i32>} : memref<8x2048xf32, #tpu.memory_space<vmem>>, vector<1x16xf32>,
      %parallel_loop3A_575 = vector.shape_cast %parallel_loop3A_574 : vector<1x16xf32> to vector<16xf32>
      %parallel_loop3A_576 = arith.index_cast %parallel_loop3A_553 : i32 to index
      %parallel_loop3A_577 = arith.index_cast %parallel_loop3A_571 : i32 to index
      %parallel_loop3A_578 = tpu.vector_load %arg8[%parallel_loop3A_576, %parallel_loop3A_577] {strides = array<i32>} : memref<8x2048xf32, #tpu.memory_space<vmem>>, vector<1x16xf32>,
      %parallel_loop3A_579 = vector.shape_cast %parallel_loop3A_578 : vector<1x16xf32> to vector<16xf32>
      %parallel_loop3A_580 = arith.addf %parallel_loop3A_575, %parallel_loop3A_579 : vector<16xf32>
      %parallel_loop3A_581 = arith.index_cast %parallel_loop3A_553 : i32 to index
      %parallel_loop3A_582 = arith.index_cast %parallel_loop3A_571 : i32 to index
      %parallel_loop3A_583 = tpu.vector_load %arg9[%parallel_loop3A_581, %parallel_loop3A_582] {strides = array<i32>} : memref<8x2048xf32, #tpu.memory_space<vmem>>, vector<1x16xf32>,
      %parallel_loop3A_584 = vector.shape_cast %parallel_loop3A_583 : vector<1x16xf32> to vector<16xf32>
      %parallel_loop3A_585 = vector.shape_cast %parallel_loop3A_580 : vector<16xf32> to vector<1x16xf32>
      tpu.vector_store %arg9[%parallel_loop3A_581, %parallel_loop3A_582], %parallel_loop3A_585 {strides = array<i32>} : memref<8x2048xf32, #tpu.memory_space<vmem>>, vector<1x16xf32>,
    } {sc.loop_unroll_factor = 8 : i64, sc.parallel_access}
    %add3A_294 = arith.constant 64 : i32
    %add3A_295 = arith.addi %mul3A_2, %add3A_294 : i32
    %dma_start3A_296 = arith.constant 0 : i32
    %dma_start3A_297 = tpu.memref_slice %arg4[%add3A_295, %dma_start3A_296] : memref<4096x2048xf32, #tpu.memory_space<hbm>> -> memref<8x2048xf32, #tpu.memory_space<hbm>>
    %dma_start3A_298 = arith.constant 0 : i32
    %dma_start3A_299 = tpu.memref_slice %arg4[%add3A_295, %dma_start3A_298] : memref<4096x2048xf32, #tpu.memory_space<hbm>> -> memref<8x2048xf32, #tpu.memory_space<hbm>>
    tpu.enqueue_dma source(%arg9 : memref<8x2048xf32, #tpu.memory_space<vmem>>) target(%dma_start3A_299 : memref<8x2048xf32, #tpu.memory_space<hbm>>) target_semaphore(%arg17 : memref<!tpu.dma_semaphore, #tpu.memory_space<semaphore_mem>>)
    %dma_start3A_300 = arith.constant 80 : i32
    %dma_start3A_301 = tpu.memref_slice %arg5[%dma_start3A_300] : memref<128xi32, #tpu.memory_space<vmem>> -> memref<8xi32, #tpu.memory_space<vmem>>
    %dma_start3A_302 = arith.constant 0 : i32
    %dma_start3A_303 = arith.constant 0 : i32
    %dma_start3A_304 = tpu.memref_slice %arg2[%dma_start3A_302, %dma_start3A_303] : memref<12288x2048xf32, #tpu.memory_space<hbm>> -> memref<12288x2048xf32, #tpu.memory_space<hbm>>
    tpu.enqueue_indirect_dma source(%dma_start3A_304 : memref<12288x2048xf32, #tpu.memory_space<hbm>>) target(%arg7 : memref<8x2048xf32, #tpu.memory_space<vmem>>) offsets(%dma_start3A_301 : memref<8xi32, #tpu.memory_space<vmem>>) semaphore(%arg13 : memref<!tpu.dma_semaphore, #tpu.memory_space<semaphore_mem>>)
    %dma_start3A_305 = arith.constant 80 : i32
    %dma_start3A_306 = tpu.memref_slice %arg6[%dma_start3A_305] : memref<128xi32, #tpu.memory_space<vmem>> -> memref<8xi32, #tpu.memory_space<vmem>>
    %dma_start3A_307 = arith.constant 0 : i32
    %dma_start3A_308 = arith.constant 0 : i32
    %dma_start3A_309 = tpu.memref_slice %arg2[%dma_start3A_307, %dma_start3A_308] : memref<12288x2048xf32, #tpu.memory_space<hbm>> -> memref<12288x2048xf32, #tpu.memory_space<hbm>>
    tpu.enqueue_indirect_dma source(%dma_start3A_309 : memref<12288x2048xf32, #tpu.memory_space<hbm>>) target(%arg8 : memref<8x2048xf32, #tpu.memory_space<vmem>>) offsets(%dma_start3A_306 : memref<8xi32, #tpu.memory_space<vmem>>) semaphore(%arg14 : memref<!tpu.dma_semaphore, #tpu.memory_space<semaphore_mem>>)
    %dma_wait3A_310 = arith.constant 72 : i32
    %dma_wait3A_311 = tpu.memref_slice %arg5[%dma_wait3A_310] : memref<128xi32, #tpu.memory_space<vmem>> -> memref<8xi32, #tpu.memory_space<vmem>>
    %dma_wait3A_312 = arith.constant 0 : i32
    %dma_wait3A_313 = arith.constant 0 : i32
    %dma_wait3A_314 = tpu.memref_slice %arg2[%dma_wait3A_312, %dma_wait3A_313] : memref<12288x2048xf32, #tpu.memory_space<hbm>> -> memref<12288x2048xf32, #tpu.memory_space<hbm>>
    tpu.wait_indirect_dma semaphore(%arg15 : memref<!tpu.dma_semaphore, #tpu.memory_space<semaphore_mem>>) src(%dma_wait3A_314 : memref<12288x2048xf32, #tpu.memory_space<hbm>>) dst(%arg10 : memref<8x2048xf32, #tpu.memory_space<vmem>>)
    %dma_wait3A_315 = arith.constant 72 : i32
    %dma_wait3A_316 = tpu.memref_slice %arg6[%dma_wait3A_315] : memref<128xi32, #tpu.memory_space<vmem>> -> memref<8xi32, #tpu.memory_space<vmem>>
    %dma_wait3A_317 = arith.constant 0 : i32
    %dma_wait3A_318 = arith.constant 0 : i32
    %dma_wait3A_319 = tpu.memref_slice %arg2[%dma_wait3A_317, %dma_wait3A_318] : memref<12288x2048xf32, #tpu.memory_space<hbm>> -> memref<12288x2048xf32, #tpu.memory_space<hbm>>
    tpu.wait_indirect_dma semaphore(%arg16 : memref<!tpu.dma_semaphore, #tpu.memory_space<semaphore_mem>>) src(%dma_wait3A_319 : memref<12288x2048xf32, #tpu.memory_space<hbm>>) dst(%arg11 : memref<8x2048xf32, #tpu.memory_space<vmem>>)
    %dma_wait3A_320 = arith.constant 0 : i32
    %dma_wait3A_321 = tpu.memref_slice %arg4[%add3A_262, %dma_wait3A_320] : memref<4096x2048xf32, #tpu.memory_space<hbm>> -> memref<8x2048xf32, #tpu.memory_space<hbm>>
    %dma_wait3A_322 = arith.constant 0 : i32
    %dma_wait3A_323 = tpu.memref_slice %arg4[%add3A_262, %dma_wait3A_322] : memref<4096x2048xf32, #tpu.memory_space<hbm>> -> memref<8x2048xf32, #tpu.memory_space<hbm>>
    tpu.wait_dma2 semaphore(%arg18 : memref<!tpu.dma_semaphore, #tpu.memory_space<semaphore_mem>>) src(%arg12 : memref<8x2048xf32, #tpu.memory_space<vmem>>) dst(%dma_wait3A_323 : memref<8x2048xf32, #tpu.memory_space<hbm>>)
    %parallel_loop3A_324 = arith.constant 0 : i32
    %parallel_loop3A_325 = arith.constant 1024 : i32
    %parallel_loop3A_326 = arith.constant 1 : i32
    scf.for %parallel_loop3A_529 = %parallel_loop3A_324 to %parallel_loop3A_325 step %parallel_loop3A_326  : i32 {
      %parallel_loop3A_530 = arith.constant 128 : i32
      %parallel_loop3A_531 = arith.divsi %parallel_loop3A_529, %parallel_loop3A_530 : i32
      %parallel_loop3A_532 = arith.constant 0 : i32
      %parallel_loop3A_533 = arith.cmpi sgt, %parallel_loop3A_529, %parallel_loop3A_532 : i32
      %parallel_loop3A_534 = arith.extui %parallel_loop3A_533 : i1 to i32
      %parallel_loop3A_535 = arith.constant 0 : i32
      %parallel_loop3A_536 = arith.cmpi slt, %parallel_loop3A_529, %parallel_loop3A_535 : i32
      %parallel_loop3A_537 = arith.extui %parallel_loop3A_536 : i1 to i32
      %parallel_loop3A_538 = arith.subi %parallel_loop3A_534, %parallel_loop3A_537 : i32
      %parallel_loop3A_539 = arith.constant 0 : i32
      %parallel_loop3A_540 = arith.cmpi sgt, %parallel_loop3A_530, %parallel_loop3A_539 : i32
      %parallel_loop3A_541 = arith.extui %parallel_loop3A_540 : i1 to i32
      %parallel_loop3A_542 = arith.constant 0 : i32
      %parallel_loop3A_543 = arith.cmpi slt, %parallel_loop3A_530, %parallel_loop3A_542 : i32
      %parallel_loop3A_544 = arith.extui %parallel_loop3A_543 : i1 to i32
      %parallel_loop3A_545 = arith.subi %parallel_loop3A_541, %parallel_loop3A_544 : i32
      %parallel_loop3A_546 = arith.cmpi ne, %parallel_loop3A_538, %parallel_loop3A_545 : i32
      %parallel_loop3A_547 = arith.remsi %parallel_loop3A_529, %parallel_loop3A_530 : i32
      %parallel_loop3A_548 = arith.constant 0 : i32
      %parallel_loop3A_549 = arith.cmpi ne, %parallel_loop3A_547, %parallel_loop3A_548 : i32
      %parallel_loop3A_550 = arith.andi %parallel_loop3A_546, %parallel_loop3A_549 : i1
      %parallel_loop3A_551 = arith.constant 1 : i32
      %parallel_loop3A_552 = arith.subi %parallel_loop3A_531, %parallel_loop3A_551 : i32
      %parallel_loop3A_553 = arith.select %parallel_loop3A_550, %parallel_loop3A_552, %parallel_loop3A_531 : i32
      %parallel_loop3A_554 = arith.constant 128 : i32
      %parallel_loop3A_555 = arith.constant 0 : i32
      %parallel_loop3A_556 = arith.cmpi eq, %parallel_loop3A_554, %parallel_loop3A_555 : i32
      %parallel_loop3A_557 = arith.constant 1 : i32
      %parallel_loop3A_558 = arith.select %parallel_loop3A_556, %parallel_loop3A_557, %parallel_loop3A_554 : i32
      %parallel_loop3A_559 = arith.remsi %parallel_loop3A_529, %parallel_loop3A_558 : i32
      %parallel_loop3A_560 = arith.constant 0 : i32
      %parallel_loop3A_561 = arith.cmpi ne, %parallel_loop3A_559, %parallel_loop3A_560 : i32
      %parallel_loop3A_562 = arith.constant 0 : i32
      %parallel_loop3A_563 = arith.cmpi slt, %parallel_loop3A_559, %parallel_loop3A_562 : i32
      %parallel_loop3A_564 = arith.constant 0 : i32
      %parallel_loop3A_565 = arith.cmpi slt, %parallel_loop3A_558, %parallel_loop3A_564 : i32
      %parallel_loop3A_566 = arith.xori %parallel_loop3A_563, %parallel_loop3A_565 : i1
      %parallel_loop3A_567 = arith.andi %parallel_loop3A_566, %parallel_loop3A_561 : i1
      %parallel_loop3A_568 = arith.addi %parallel_loop3A_559, %parallel_loop3A_558 : i32
      %parallel_loop3A_569 = arith.select %parallel_loop3A_567, %parallel_loop3A_568, %parallel_loop3A_559 : i32
      %parallel_loop3A_570 = arith.constant 16 : i32
      %parallel_loop3A_571 = arith.muli %parallel_loop3A_569, %parallel_loop3A_570 : i32
      %parallel_loop3A_572 = arith.index_cast %parallel_loop3A_553 : i32 to index
      %parallel_loop3A_573 = arith.index_cast %parallel_loop3A_571 : i32 to index
      %parallel_loop3A_574 = tpu.vector_load %arg10[%parallel_loop3A_572, %parallel_loop3A_573] {strides = array<i32>} : memref<8x2048xf32, #tpu.memory_space<vmem>>, vector<1x16xf32>,
      %parallel_loop3A_575 = vector.shape_cast %parallel_loop3A_574 : vector<1x16xf32> to vector<16xf32>
      %parallel_loop3A_576 = arith.index_cast %parallel_loop3A_553 : i32 to index
      %parallel_loop3A_577 = arith.index_cast %parallel_loop3A_571 : i32 to index
      %parallel_loop3A_578 = tpu.vector_load %arg11[%parallel_loop3A_576, %parallel_loop3A_577] {strides = array<i32>} : memref<8x2048xf32, #tpu.memory_space<vmem>>, vector<1x16xf32>,
      %parallel_loop3A_579 = vector.shape_cast %parallel_loop3A_578 : vector<1x16xf32> to vector<16xf32>
      %parallel_loop3A_580 = arith.addf %parallel_loop3A_575, %parallel_loop3A_579 : vector<16xf32>
      %parallel_loop3A_581 = arith.index_cast %parallel_loop3A_553 : i32 to index
      %parallel_loop3A_582 = arith.index_cast %parallel_loop3A_571 : i32 to index
      %parallel_loop3A_583 = tpu.vector_load %arg12[%parallel_loop3A_581, %parallel_loop3A_582] {strides = array<i32>} : memref<8x2048xf32, #tpu.memory_space<vmem>>, vector<1x16xf32>,
      %parallel_loop3A_584 = vector.shape_cast %parallel_loop3A_583 : vector<1x16xf32> to vector<16xf32>
      %parallel_loop3A_585 = vector.shape_cast %parallel_loop3A_580 : vector<16xf32> to vector<1x16xf32>
      tpu.vector_store %arg12[%parallel_loop3A_581, %parallel_loop3A_582], %parallel_loop3A_585 {strides = array<i32>} : memref<8x2048xf32, #tpu.memory_space<vmem>>, vector<1x16xf32>,
    } {sc.loop_unroll_factor = 8 : i64, sc.parallel_access}
    %add3A_327 = arith.constant 72 : i32
    %add3A_328 = arith.addi %mul3A_2, %add3A_327 : i32
    %dma_start3A_329 = arith.constant 0 : i32
    %dma_start3A_330 = tpu.memref_slice %arg4[%add3A_328, %dma_start3A_329] : memref<4096x2048xf32, #tpu.memory_space<hbm>> -> memref<8x2048xf32, #tpu.memory_space<hbm>>
    %dma_start3A_331 = arith.constant 0 : i32
    %dma_start3A_332 = tpu.memref_slice %arg4[%add3A_328, %dma_start3A_331] : memref<4096x2048xf32, #tpu.memory_space<hbm>> -> memref<8x2048xf32, #tpu.memory_space<hbm>>
    tpu.enqueue_dma source(%arg12 : memref<8x2048xf32, #tpu.memory_space<vmem>>) target(%dma_start3A_332 : memref<8x2048xf32, #tpu.memory_space<hbm>>) target_semaphore(%arg18 : memref<!tpu.dma_semaphore, #tpu.memory_space<semaphore_mem>>)
    %dma_start3A_333 = arith.constant 88 : i32
    %dma_start3A_334 = tpu.memref_slice %arg5[%dma_start3A_333] : memref<128xi32, #tpu.memory_space<vmem>> -> memref<8xi32, #tpu.memory_space<vmem>>
    %dma_start3A_335 = arith.constant 0 : i32
    %dma_start3A_336 = arith.constant 0 : i32
    %dma_start3A_337 = tpu.memref_slice %arg2[%dma_start3A_335, %dma_start3A_336] : memref<12288x2048xf32, #tpu.memory_space<hbm>> -> memref<12288x2048xf32, #tpu.memory_space<hbm>>
    tpu.enqueue_indirect_dma source(%dma_start3A_337 : memref<12288x2048xf32, #tpu.memory_space<hbm>>) target(%arg10 : memref<8x2048xf32, #tpu.memory_space<vmem>>) offsets(%dma_start3A_334 : memref<8xi32, #tpu.memory_space<vmem>>) semaphore(%arg15 : memref<!tpu.dma_semaphore, #tpu.memory_space<semaphore_mem>>)
    %dma_start3A_338 = arith.constant 88 : i32
    %dma_start3A_339 = tpu.memref_slice %arg6[%dma_start3A_338] : memref<128xi32, #tpu.memory_space<vmem>> -> memref<8xi32, #tpu.memory_space<vmem>>
    %dma_start3A_340 = arith.constant 0 : i32
    %dma_start3A_341 = arith.constant 0 : i32
    %dma_start3A_342 = tpu.memref_slice %arg2[%dma_start3A_340, %dma_start3A_341] : memref<12288x2048xf32, #tpu.memory_space<hbm>> -> memref<12288x2048xf32, #tpu.memory_space<hbm>>
    tpu.enqueue_indirect_dma source(%dma_start3A_342 : memref<12288x2048xf32, #tpu.memory_space<hbm>>) target(%arg11 : memref<8x2048xf32, #tpu.memory_space<vmem>>) offsets(%dma_start3A_339 : memref<8xi32, #tpu.memory_space<vmem>>) semaphore(%arg16 : memref<!tpu.dma_semaphore, #tpu.memory_space<semaphore_mem>>)
    %dma_wait3A_343 = arith.constant 80 : i32
    %dma_wait3A_344 = tpu.memref_slice %arg5[%dma_wait3A_343] : memref<128xi32, #tpu.memory_space<vmem>> -> memref<8xi32, #tpu.memory_space<vmem>>
    %dma_wait3A_345 = arith.constant 0 : i32
    %dma_wait3A_346 = arith.constant 0 : i32
    %dma_wait3A_347 = tpu.memref_slice %arg2[%dma_wait3A_345, %dma_wait3A_346] : memref<12288x2048xf32, #tpu.memory_space<hbm>> -> memref<12288x2048xf32, #tpu.memory_space<hbm>>
    tpu.wait_indirect_dma semaphore(%arg13 : memref<!tpu.dma_semaphore, #tpu.memory_space<semaphore_mem>>) src(%dma_wait3A_347 : memref<12288x2048xf32, #tpu.memory_space<hbm>>) dst(%arg7 : memref<8x2048xf32, #tpu.memory_space<vmem>>)
    %dma_wait3A_348 = arith.constant 80 : i32
    %dma_wait3A_349 = tpu.memref_slice %arg6[%dma_wait3A_348] : memref<128xi32, #tpu.memory_space<vmem>> -> memref<8xi32, #tpu.memory_space<vmem>>
    %dma_wait3A_350 = arith.constant 0 : i32
    %dma_wait3A_351 = arith.constant 0 : i32
    %dma_wait3A_352 = tpu.memref_slice %arg2[%dma_wait3A_350, %dma_wait3A_351] : memref<12288x2048xf32, #tpu.memory_space<hbm>> -> memref<12288x2048xf32, #tpu.memory_space<hbm>>
    tpu.wait_indirect_dma semaphore(%arg14 : memref<!tpu.dma_semaphore, #tpu.memory_space<semaphore_mem>>) src(%dma_wait3A_352 : memref<12288x2048xf32, #tpu.memory_space<hbm>>) dst(%arg8 : memref<8x2048xf32, #tpu.memory_space<vmem>>)
    %dma_wait3A_353 = arith.constant 0 : i32
    %dma_wait3A_354 = tpu.memref_slice %arg4[%add3A_295, %dma_wait3A_353] : memref<4096x2048xf32, #tpu.memory_space<hbm>> -> memref<8x2048xf32, #tpu.memory_space<hbm>>
    %dma_wait3A_355 = arith.constant 0 : i32
    %dma_wait3A_356 = tpu.memref_slice %arg4[%add3A_295, %dma_wait3A_355] : memref<4096x2048xf32, #tpu.memory_space<hbm>> -> memref<8x2048xf32, #tpu.memory_space<hbm>>
    tpu.wait_dma2 semaphore(%arg17 : memref<!tpu.dma_semaphore, #tpu.memory_space<semaphore_mem>>) src(%arg9 : memref<8x2048xf32, #tpu.memory_space<vmem>>) dst(%dma_wait3A_356 : memref<8x2048xf32, #tpu.memory_space<hbm>>)
    %parallel_loop3A_357 = arith.constant 0 : i32
    %parallel_loop3A_358 = arith.constant 1024 : i32
    %parallel_loop3A_359 = arith.constant 1 : i32
    scf.for %parallel_loop3A_529 = %parallel_loop3A_357 to %parallel_loop3A_358 step %parallel_loop3A_359  : i32 {
      %parallel_loop3A_530 = arith.constant 128 : i32
      %parallel_loop3A_531 = arith.divsi %parallel_loop3A_529, %parallel_loop3A_530 : i32
      %parallel_loop3A_532 = arith.constant 0 : i32
      %parallel_loop3A_533 = arith.cmpi sgt, %parallel_loop3A_529, %parallel_loop3A_532 : i32
      %parallel_loop3A_534 = arith.extui %parallel_loop3A_533 : i1 to i32
      %parallel_loop3A_535 = arith.constant 0 : i32
      %parallel_loop3A_536 = arith.cmpi slt, %parallel_loop3A_529, %parallel_loop3A_535 : i32
      %parallel_loop3A_537 = arith.extui %parallel_loop3A_536 : i1 to i32
      %parallel_loop3A_538 = arith.subi %parallel_loop3A_534, %parallel_loop3A_537 : i32
      %parallel_loop3A_539 = arith.constant 0 : i32
      %parallel_loop3A_540 = arith.cmpi sgt, %parallel_loop3A_530, %parallel_loop3A_539 : i32
      %parallel_loop3A_541 = arith.extui %parallel_loop3A_540 : i1 to i32
      %parallel_loop3A_542 = arith.constant 0 : i32
      %parallel_loop3A_543 = arith.cmpi slt, %parallel_loop3A_530, %parallel_loop3A_542 : i32
      %parallel_loop3A_544 = arith.extui %parallel_loop3A_543 : i1 to i32
      %parallel_loop3A_545 = arith.subi %parallel_loop3A_541, %parallel_loop3A_544 : i32
      %parallel_loop3A_546 = arith.cmpi ne, %parallel_loop3A_538, %parallel_loop3A_545 : i32
      %parallel_loop3A_547 = arith.remsi %parallel_loop3A_529, %parallel_loop3A_530 : i32
      %parallel_loop3A_548 = arith.constant 0 : i32
      %parallel_loop3A_549 = arith.cmpi ne, %parallel_loop3A_547, %parallel_loop3A_548 : i32
      %parallel_loop3A_550 = arith.andi %parallel_loop3A_546, %parallel_loop3A_549 : i1
      %parallel_loop3A_551 = arith.constant 1 : i32
      %parallel_loop3A_552 = arith.subi %parallel_loop3A_531, %parallel_loop3A_551 : i32
      %parallel_loop3A_553 = arith.select %parallel_loop3A_550, %parallel_loop3A_552, %parallel_loop3A_531 : i32
      %parallel_loop3A_554 = arith.constant 128 : i32
      %parallel_loop3A_555 = arith.constant 0 : i32
      %parallel_loop3A_556 = arith.cmpi eq, %parallel_loop3A_554, %parallel_loop3A_555 : i32
      %parallel_loop3A_557 = arith.constant 1 : i32
      %parallel_loop3A_558 = arith.select %parallel_loop3A_556, %parallel_loop3A_557, %parallel_loop3A_554 : i32
      %parallel_loop3A_559 = arith.remsi %parallel_loop3A_529, %parallel_loop3A_558 : i32
      %parallel_loop3A_560 = arith.constant 0 : i32
      %parallel_loop3A_561 = arith.cmpi ne, %parallel_loop3A_559, %parallel_loop3A_560 : i32
      %parallel_loop3A_562 = arith.constant 0 : i32
      %parallel_loop3A_563 = arith.cmpi slt, %parallel_loop3A_559, %parallel_loop3A_562 : i32
      %parallel_loop3A_564 = arith.constant 0 : i32
      %parallel_loop3A_565 = arith.cmpi slt, %parallel_loop3A_558, %parallel_loop3A_564 : i32
      %parallel_loop3A_566 = arith.xori %parallel_loop3A_563, %parallel_loop3A_565 : i1
      %parallel_loop3A_567 = arith.andi %parallel_loop3A_566, %parallel_loop3A_561 : i1
      %parallel_loop3A_568 = arith.addi %parallel_loop3A_559, %parallel_loop3A_558 : i32
      %parallel_loop3A_569 = arith.select %parallel_loop3A_567, %parallel_loop3A_568, %parallel_loop3A_559 : i32
      %parallel_loop3A_570 = arith.constant 16 : i32
      %parallel_loop3A_571 = arith.muli %parallel_loop3A_569, %parallel_loop3A_570 : i32
      %parallel_loop3A_572 = arith.index_cast %parallel_loop3A_553 : i32 to index
      %parallel_loop3A_573 = arith.index_cast %parallel_loop3A_571 : i32 to index
      %parallel_loop3A_574 = tpu.vector_load %arg7[%parallel_loop3A_572, %parallel_loop3A_573] {strides = array<i32>} : memref<8x2048xf32, #tpu.memory_space<vmem>>, vector<1x16xf32>,
      %parallel_loop3A_575 = vector.shape_cast %parallel_loop3A_574 : vector<1x16xf32> to vector<16xf32>
      %parallel_loop3A_576 = arith.index_cast %parallel_loop3A_553 : i32 to index
      %parallel_loop3A_577 = arith.index_cast %parallel_loop3A_571 : i32 to index
      %parallel_loop3A_578 = tpu.vector_load %arg8[%parallel_loop3A_576, %parallel_loop3A_577] {strides = array<i32>} : memref<8x2048xf32, #tpu.memory_space<vmem>>, vector<1x16xf32>,
      %parallel_loop3A_579 = vector.shape_cast %parallel_loop3A_578 : vector<1x16xf32> to vector<16xf32>
      %parallel_loop3A_580 = arith.addf %parallel_loop3A_575, %parallel_loop3A_579 : vector<16xf32>
      %parallel_loop3A_581 = arith.index_cast %parallel_loop3A_553 : i32 to index
      %parallel_loop3A_582 = arith.index_cast %parallel_loop3A_571 : i32 to index
      %parallel_loop3A_583 = tpu.vector_load %arg9[%parallel_loop3A_581, %parallel_loop3A_582] {strides = array<i32>} : memref<8x2048xf32, #tpu.memory_space<vmem>>, vector<1x16xf32>,
      %parallel_loop3A_584 = vector.shape_cast %parallel_loop3A_583 : vector<1x16xf32> to vector<16xf32>
      %parallel_loop3A_585 = vector.shape_cast %parallel_loop3A_580 : vector<16xf32> to vector<1x16xf32>
      tpu.vector_store %arg9[%parallel_loop3A_581, %parallel_loop3A_582], %parallel_loop3A_585 {strides = array<i32>} : memref<8x2048xf32, #tpu.memory_space<vmem>>, vector<1x16xf32>,
    } {sc.loop_unroll_factor = 8 : i64, sc.parallel_access}
    %add3A_360 = arith.constant 80 : i32
    %add3A_361 = arith.addi %mul3A_2, %add3A_360 : i32
    %dma_start3A_362 = arith.constant 0 : i32
    %dma_start3A_363 = tpu.memref_slice %arg4[%add3A_361, %dma_start3A_362] : memref<4096x2048xf32, #tpu.memory_space<hbm>> -> memref<8x2048xf32, #tpu.memory_space<hbm>>
    %dma_start3A_364 = arith.constant 0 : i32
    %dma_start3A_365 = tpu.memref_slice %arg4[%add3A_361, %dma_start3A_364] : memref<4096x2048xf32, #tpu.memory_space<hbm>> -> memref<8x2048xf32, #tpu.memory_space<hbm>>
    tpu.enqueue_dma source(%arg9 : memref<8x2048xf32, #tpu.memory_space<vmem>>) target(%dma_start3A_365 : memref<8x2048xf32, #tpu.memory_space<hbm>>) target_semaphore(%arg17 : memref<!tpu.dma_semaphore, #tpu.memory_space<semaphore_mem>>)
    %dma_start3A_366 = arith.constant 96 : i32
    %dma_start3A_367 = tpu.memref_slice %arg5[%dma_start3A_366] : memref<128xi32, #tpu.memory_space<vmem>> -> memref<8xi32, #tpu.memory_space<vmem>>
    %dma_start3A_368 = arith.constant 0 : i32
    %dma_start3A_369 = arith.constant 0 : i32
    %dma_start3A_370 = tpu.memref_slice %arg2[%dma_start3A_368, %dma_start3A_369] : memref<12288x2048xf32, #tpu.memory_space<hbm>> -> memref<12288x2048xf32, #tpu.memory_space<hbm>>
    tpu.enqueue_indirect_dma source(%dma_start3A_370 : memref<12288x2048xf32, #tpu.memory_space<hbm>>) target(%arg7 : memref<8x2048xf32, #tpu.memory_space<vmem>>) offsets(%dma_start3A_367 : memref<8xi32, #tpu.memory_space<vmem>>) semaphore(%arg13 : memref<!tpu.dma_semaphore, #tpu.memory_space<semaphore_mem>>)
    %dma_start3A_371 = arith.constant 96 : i32
    %dma_start3A_372 = tpu.memref_slice %arg6[%dma_start3A_371] : memref<128xi32, #tpu.memory_space<vmem>> -> memref<8xi32, #tpu.memory_space<vmem>>
    %dma_start3A_373 = arith.constant 0 : i32
    %dma_start3A_374 = arith.constant 0 : i32
    %dma_start3A_375 = tpu.memref_slice %arg2[%dma_start3A_373, %dma_start3A_374] : memref<12288x2048xf32, #tpu.memory_space<hbm>> -> memref<12288x2048xf32, #tpu.memory_space<hbm>>
    tpu.enqueue_indirect_dma source(%dma_start3A_375 : memref<12288x2048xf32, #tpu.memory_space<hbm>>) target(%arg8 : memref<8x2048xf32, #tpu.memory_space<vmem>>) offsets(%dma_start3A_372 : memref<8xi32, #tpu.memory_space<vmem>>) semaphore(%arg14 : memref<!tpu.dma_semaphore, #tpu.memory_space<semaphore_mem>>)
    %dma_wait3A_376 = arith.constant 88 : i32
    %dma_wait3A_377 = tpu.memref_slice %arg5[%dma_wait3A_376] : memref<128xi32, #tpu.memory_space<vmem>> -> memref<8xi32, #tpu.memory_space<vmem>>
    %dma_wait3A_378 = arith.constant 0 : i32
    %dma_wait3A_379 = arith.constant 0 : i32
    %dma_wait3A_380 = tpu.memref_slice %arg2[%dma_wait3A_378, %dma_wait3A_379] : memref<12288x2048xf32, #tpu.memory_space<hbm>> -> memref<12288x2048xf32, #tpu.memory_space<hbm>>
    tpu.wait_indirect_dma semaphore(%arg15 : memref<!tpu.dma_semaphore, #tpu.memory_space<semaphore_mem>>) src(%dma_wait3A_380 : memref<12288x2048xf32, #tpu.memory_space<hbm>>) dst(%arg10 : memref<8x2048xf32, #tpu.memory_space<vmem>>)
    %dma_wait3A_381 = arith.constant 88 : i32
    %dma_wait3A_382 = tpu.memref_slice %arg6[%dma_wait3A_381] : memref<128xi32, #tpu.memory_space<vmem>> -> memref<8xi32, #tpu.memory_space<vmem>>
    %dma_wait3A_383 = arith.constant 0 : i32
    %dma_wait3A_384 = arith.constant 0 : i32
    %dma_wait3A_385 = tpu.memref_slice %arg2[%dma_wait3A_383, %dma_wait3A_384] : memref<12288x2048xf32, #tpu.memory_space<hbm>> -> memref<12288x2048xf32, #tpu.memory_space<hbm>>
    tpu.wait_indirect_dma semaphore(%arg16 : memref<!tpu.dma_semaphore, #tpu.memory_space<semaphore_mem>>) src(%dma_wait3A_385 : memref<12288x2048xf32, #tpu.memory_space<hbm>>) dst(%arg11 : memref<8x2048xf32, #tpu.memory_space<vmem>>)
    %dma_wait3A_386 = arith.constant 0 : i32
    %dma_wait3A_387 = tpu.memref_slice %arg4[%add3A_328, %dma_wait3A_386] : memref<4096x2048xf32, #tpu.memory_space<hbm>> -> memref<8x2048xf32, #tpu.memory_space<hbm>>
    %dma_wait3A_388 = arith.constant 0 : i32
    %dma_wait3A_389 = tpu.memref_slice %arg4[%add3A_328, %dma_wait3A_388] : memref<4096x2048xf32, #tpu.memory_space<hbm>> -> memref<8x2048xf32, #tpu.memory_space<hbm>>
    tpu.wait_dma2 semaphore(%arg18 : memref<!tpu.dma_semaphore, #tpu.memory_space<semaphore_mem>>) src(%arg12 : memref<8x2048xf32, #tpu.memory_space<vmem>>) dst(%dma_wait3A_389 : memref<8x2048xf32, #tpu.memory_space<hbm>>)
    %parallel_loop3A_390 = arith.constant 0 : i32
    %parallel_loop3A_391 = arith.constant 1024 : i32
    %parallel_loop3A_392 = arith.constant 1 : i32
    scf.for %parallel_loop3A_529 = %parallel_loop3A_390 to %parallel_loop3A_391 step %parallel_loop3A_392  : i32 {
      %parallel_loop3A_530 = arith.constant 128 : i32
      %parallel_loop3A_531 = arith.divsi %parallel_loop3A_529, %parallel_loop3A_530 : i32
      %parallel_loop3A_532 = arith.constant 0 : i32
      %parallel_loop3A_533 = arith.cmpi sgt, %parallel_loop3A_529, %parallel_loop3A_532 : i32
      %parallel_loop3A_534 = arith.extui %parallel_loop3A_533 : i1 to i32
      %parallel_loop3A_535 = arith.constant 0 : i32
      %parallel_loop3A_536 = arith.cmpi slt, %parallel_loop3A_529, %parallel_loop3A_535 : i32
      %parallel_loop3A_537 = arith.extui %parallel_loop3A_536 : i1 to i32
      %parallel_loop3A_538 = arith.subi %parallel_loop3A_534, %parallel_loop3A_537 : i32
      %parallel_loop3A_539 = arith.constant 0 : i32
      %parallel_loop3A_540 = arith.cmpi sgt, %parallel_loop3A_530, %parallel_loop3A_539 : i32
      %parallel_loop3A_541 = arith.extui %parallel_loop3A_540 : i1 to i32
      %parallel_loop3A_542 = arith.constant 0 : i32
      %parallel_loop3A_543 = arith.cmpi slt, %parallel_loop3A_530, %parallel_loop3A_542 : i32
      %parallel_loop3A_544 = arith.extui %parallel_loop3A_543 : i1 to i32
      %parallel_loop3A_545 = arith.subi %parallel_loop3A_541, %parallel_loop3A_544 : i32
      %parallel_loop3A_546 = arith.cmpi ne, %parallel_loop3A_538, %parallel_loop3A_545 : i32
      %parallel_loop3A_547 = arith.remsi %parallel_loop3A_529, %parallel_loop3A_530 : i32
      %parallel_loop3A_548 = arith.constant 0 : i32
      %parallel_loop3A_549 = arith.cmpi ne, %parallel_loop3A_547, %parallel_loop3A_548 : i32
      %parallel_loop3A_550 = arith.andi %parallel_loop3A_546, %parallel_loop3A_549 : i1
      %parallel_loop3A_551 = arith.constant 1 : i32
      %parallel_loop3A_552 = arith.subi %parallel_loop3A_531, %parallel_loop3A_551 : i32
      %parallel_loop3A_553 = arith.select %parallel_loop3A_550, %parallel_loop3A_552, %parallel_loop3A_531 : i32
      %parallel_loop3A_554 = arith.constant 128 : i32
      %parallel_loop3A_555 = arith.constant 0 : i32
      %parallel_loop3A_556 = arith.cmpi eq, %parallel_loop3A_554, %parallel_loop3A_555 : i32
      %parallel_loop3A_557 = arith.constant 1 : i32
      %parallel_loop3A_558 = arith.select %parallel_loop3A_556, %parallel_loop3A_557, %parallel_loop3A_554 : i32
      %parallel_loop3A_559 = arith.remsi %parallel_loop3A_529, %parallel_loop3A_558 : i32
      %parallel_loop3A_560 = arith.constant 0 : i32
      %parallel_loop3A_561 = arith.cmpi ne, %parallel_loop3A_559, %parallel_loop3A_560 : i32
      %parallel_loop3A_562 = arith.constant 0 : i32
      %parallel_loop3A_563 = arith.cmpi slt, %parallel_loop3A_559, %parallel_loop3A_562 : i32
      %parallel_loop3A_564 = arith.constant 0 : i32
      %parallel_loop3A_565 = arith.cmpi slt, %parallel_loop3A_558, %parallel_loop3A_564 : i32
      %parallel_loop3A_566 = arith.xori %parallel_loop3A_563, %parallel_loop3A_565 : i1
      %parallel_loop3A_567 = arith.andi %parallel_loop3A_566, %parallel_loop3A_561 : i1
      %parallel_loop3A_568 = arith.addi %parallel_loop3A_559, %parallel_loop3A_558 : i32
      %parallel_loop3A_569 = arith.select %parallel_loop3A_567, %parallel_loop3A_568, %parallel_loop3A_559 : i32
      %parallel_loop3A_570 = arith.constant 16 : i32
      %parallel_loop3A_571 = arith.muli %parallel_loop3A_569, %parallel_loop3A_570 : i32
      %parallel_loop3A_572 = arith.index_cast %parallel_loop3A_553 : i32 to index
      %parallel_loop3A_573 = arith.index_cast %parallel_loop3A_571 : i32 to index
      %parallel_loop3A_574 = tpu.vector_load %arg10[%parallel_loop3A_572, %parallel_loop3A_573] {strides = array<i32>} : memref<8x2048xf32, #tpu.memory_space<vmem>>, vector<1x16xf32>,
      %parallel_loop3A_575 = vector.shape_cast %parallel_loop3A_574 : vector<1x16xf32> to vector<16xf32>
      %parallel_loop3A_576 = arith.index_cast %parallel_loop3A_553 : i32 to index
      %parallel_loop3A_577 = arith.index_cast %parallel_loop3A_571 : i32 to index
      %parallel_loop3A_578 = tpu.vector_load %arg11[%parallel_loop3A_576, %parallel_loop3A_577] {strides = array<i32>} : memref<8x2048xf32, #tpu.memory_space<vmem>>, vector<1x16xf32>,
      %parallel_loop3A_579 = vector.shape_cast %parallel_loop3A_578 : vector<1x16xf32> to vector<16xf32>
      %parallel_loop3A_580 = arith.addf %parallel_loop3A_575, %parallel_loop3A_579 : vector<16xf32>
      %parallel_loop3A_581 = arith.index_cast %parallel_loop3A_553 : i32 to index
      %parallel_loop3A_582 = arith.index_cast %parallel_loop3A_571 : i32 to index
      %parallel_loop3A_583 = tpu.vector_load %arg12[%parallel_loop3A_581, %parallel_loop3A_582] {strides = array<i32>} : memref<8x2048xf32, #tpu.memory_space<vmem>>, vector<1x16xf32>,
      %parallel_loop3A_584 = vector.shape_cast %parallel_loop3A_583 : vector<1x16xf32> to vector<16xf32>
      %parallel_loop3A_585 = vector.shape_cast %parallel_loop3A_580 : vector<16xf32> to vector<1x16xf32>
      tpu.vector_store %arg12[%parallel_loop3A_581, %parallel_loop3A_582], %parallel_loop3A_585 {strides = array<i32>} : memref<8x2048xf32, #tpu.memory_space<vmem>>, vector<1x16xf32>,
    } {sc.loop_unroll_factor = 8 : i64, sc.parallel_access}
    %add3A_393 = arith.constant 88 : i32
    %add3A_394 = arith.addi %mul3A_2, %add3A_393 : i32
    %dma_start3A_395 = arith.constant 0 : i32
    %dma_start3A_396 = tpu.memref_slice %arg4[%add3A_394, %dma_start3A_395] : memref<4096x2048xf32, #tpu.memory_space<hbm>> -> memref<8x2048xf32, #tpu.memory_space<hbm>>
    %dma_start3A_397 = arith.constant 0 : i32
    %dma_start3A_398 = tpu.memref_slice %arg4[%add3A_394, %dma_start3A_397] : memref<4096x2048xf32, #tpu.memory_space<hbm>> -> memref<8x2048xf32, #tpu.memory_space<hbm>>
    tpu.enqueue_dma source(%arg12 : memref<8x2048xf32, #tpu.memory_space<vmem>>) target(%dma_start3A_398 : memref<8x2048xf32, #tpu.memory_space<hbm>>) target_semaphore(%arg18 : memref<!tpu.dma_semaphore, #tpu.memory_space<semaphore_mem>>)
    %dma_start3A_399 = arith.constant 104 : i32
    %dma_start3A_400 = tpu.memref_slice %arg5[%dma_start3A_399] : memref<128xi32, #tpu.memory_space<vmem>> -> memref<8xi32, #tpu.memory_space<vmem>>
    %dma_start3A_401 = arith.constant 0 : i32
    %dma_start3A_402 = arith.constant 0 : i32
    %dma_start3A_403 = tpu.memref_slice %arg2[%dma_start3A_401, %dma_start3A_402] : memref<12288x2048xf32, #tpu.memory_space<hbm>> -> memref<12288x2048xf32, #tpu.memory_space<hbm>>
    tpu.enqueue_indirect_dma source(%dma_start3A_403 : memref<12288x2048xf32, #tpu.memory_space<hbm>>) target(%arg10 : memref<8x2048xf32, #tpu.memory_space<vmem>>) offsets(%dma_start3A_400 : memref<8xi32, #tpu.memory_space<vmem>>) semaphore(%arg15 : memref<!tpu.dma_semaphore, #tpu.memory_space<semaphore_mem>>)
    %dma_start3A_404 = arith.constant 104 : i32
    %dma_start3A_405 = tpu.memref_slice %arg6[%dma_start3A_404] : memref<128xi32, #tpu.memory_space<vmem>> -> memref<8xi32, #tpu.memory_space<vmem>>
    %dma_start3A_406 = arith.constant 0 : i32
    %dma_start3A_407 = arith.constant 0 : i32
    %dma_start3A_408 = tpu.memref_slice %arg2[%dma_start3A_406, %dma_start3A_407] : memref<12288x2048xf32, #tpu.memory_space<hbm>> -> memref<12288x2048xf32, #tpu.memory_space<hbm>>
    tpu.enqueue_indirect_dma source(%dma_start3A_408 : memref<12288x2048xf32, #tpu.memory_space<hbm>>) target(%arg11 : memref<8x2048xf32, #tpu.memory_space<vmem>>) offsets(%dma_start3A_405 : memref<8xi32, #tpu.memory_space<vmem>>) semaphore(%arg16 : memref<!tpu.dma_semaphore, #tpu.memory_space<semaphore_mem>>)
    %dma_wait3A_409 = arith.constant 96 : i32
    %dma_wait3A_410 = tpu.memref_slice %arg5[%dma_wait3A_409] : memref<128xi32, #tpu.memory_space<vmem>> -> memref<8xi32, #tpu.memory_space<vmem>>
    %dma_wait3A_411 = arith.constant 0 : i32
    %dma_wait3A_412 = arith.constant 0 : i32
    %dma_wait3A_413 = tpu.memref_slice %arg2[%dma_wait3A_411, %dma_wait3A_412] : memref<12288x2048xf32, #tpu.memory_space<hbm>> -> memref<12288x2048xf32, #tpu.memory_space<hbm>>
    tpu.wait_indirect_dma semaphore(%arg13 : memref<!tpu.dma_semaphore, #tpu.memory_space<semaphore_mem>>) src(%dma_wait3A_413 : memref<12288x2048xf32, #tpu.memory_space<hbm>>) dst(%arg7 : memref<8x2048xf32, #tpu.memory_space<vmem>>)
    %dma_wait3A_414 = arith.constant 96 : i32
    %dma_wait3A_415 = tpu.memref_slice %arg6[%dma_wait3A_414] : memref<128xi32, #tpu.memory_space<vmem>> -> memref<8xi32, #tpu.memory_space<vmem>>
    %dma_wait3A_416 = arith.constant 0 : i32
    %dma_wait3A_417 = arith.constant 0 : i32
    %dma_wait3A_418 = tpu.memref_slice %arg2[%dma_wait3A_416, %dma_wait3A_417] : memref<12288x2048xf32, #tpu.memory_space<hbm>> -> memref<12288x2048xf32, #tpu.memory_space<hbm>>
    tpu.wait_indirect_dma semaphore(%arg14 : memref<!tpu.dma_semaphore, #tpu.memory_space<semaphore_mem>>) src(%dma_wait3A_418 : memref<12288x2048xf32, #tpu.memory_space<hbm>>) dst(%arg8 : memref<8x2048xf32, #tpu.memory_space<vmem>>)
    %dma_wait3A_419 = arith.constant 0 : i32
    %dma_wait3A_420 = tpu.memref_slice %arg4[%add3A_361, %dma_wait3A_419] : memref<4096x2048xf32, #tpu.memory_space<hbm>> -> memref<8x2048xf32, #tpu.memory_space<hbm>>
    %dma_wait3A_421 = arith.constant 0 : i32
    %dma_wait3A_422 = tpu.memref_slice %arg4[%add3A_361, %dma_wait3A_421] : memref<4096x2048xf32, #tpu.memory_space<hbm>> -> memref<8x2048xf32, #tpu.memory_space<hbm>>
    tpu.wait_dma2 semaphore(%arg17 : memref<!tpu.dma_semaphore, #tpu.memory_space<semaphore_mem>>) src(%arg9 : memref<8x2048xf32, #tpu.memory_space<vmem>>) dst(%dma_wait3A_422 : memref<8x2048xf32, #tpu.memory_space<hbm>>)
    %parallel_loop3A_423 = arith.constant 0 : i32
    %parallel_loop3A_424 = arith.constant 1024 : i32
    %parallel_loop3A_425 = arith.constant 1 : i32
    scf.for %parallel_loop3A_529 = %parallel_loop3A_423 to %parallel_loop3A_424 step %parallel_loop3A_425  : i32 {
      %parallel_loop3A_530 = arith.constant 128 : i32
      %parallel_loop3A_531 = arith.divsi %parallel_loop3A_529, %parallel_loop3A_530 : i32
      %parallel_loop3A_532 = arith.constant 0 : i32
      %parallel_loop3A_533 = arith.cmpi sgt, %parallel_loop3A_529, %parallel_loop3A_532 : i32
      %parallel_loop3A_534 = arith.extui %parallel_loop3A_533 : i1 to i32
      %parallel_loop3A_535 = arith.constant 0 : i32
      %parallel_loop3A_536 = arith.cmpi slt, %parallel_loop3A_529, %parallel_loop3A_535 : i32
      %parallel_loop3A_537 = arith.extui %parallel_loop3A_536 : i1 to i32
      %parallel_loop3A_538 = arith.subi %parallel_loop3A_534, %parallel_loop3A_537 : i32
      %parallel_loop3A_539 = arith.constant 0 : i32
      %parallel_loop3A_540 = arith.cmpi sgt, %parallel_loop3A_530, %parallel_loop3A_539 : i32
      %parallel_loop3A_541 = arith.extui %parallel_loop3A_540 : i1 to i32
      %parallel_loop3A_542 = arith.constant 0 : i32
      %parallel_loop3A_543 = arith.cmpi slt, %parallel_loop3A_530, %parallel_loop3A_542 : i32
      %parallel_loop3A_544 = arith.extui %parallel_loop3A_543 : i1 to i32
      %parallel_loop3A_545 = arith.subi %parallel_loop3A_541, %parallel_loop3A_544 : i32
      %parallel_loop3A_546 = arith.cmpi ne, %parallel_loop3A_538, %parallel_loop3A_545 : i32
      %parallel_loop3A_547 = arith.remsi %parallel_loop3A_529, %parallel_loop3A_530 : i32
      %parallel_loop3A_548 = arith.constant 0 : i32
      %parallel_loop3A_549 = arith.cmpi ne, %parallel_loop3A_547, %parallel_loop3A_548 : i32
      %parallel_loop3A_550 = arith.andi %parallel_loop3A_546, %parallel_loop3A_549 : i1
      %parallel_loop3A_551 = arith.constant 1 : i32
      %parallel_loop3A_552 = arith.subi %parallel_loop3A_531, %parallel_loop3A_551 : i32
      %parallel_loop3A_553 = arith.select %parallel_loop3A_550, %parallel_loop3A_552, %parallel_loop3A_531 : i32
      %parallel_loop3A_554 = arith.constant 128 : i32
      %parallel_loop3A_555 = arith.constant 0 : i32
      %parallel_loop3A_556 = arith.cmpi eq, %parallel_loop3A_554, %parallel_loop3A_555 : i32
      %parallel_loop3A_557 = arith.constant 1 : i32
      %parallel_loop3A_558 = arith.select %parallel_loop3A_556, %parallel_loop3A_557, %parallel_loop3A_554 : i32
      %parallel_loop3A_559 = arith.remsi %parallel_loop3A_529, %parallel_loop3A_558 : i32
      %parallel_loop3A_560 = arith.constant 0 : i32
      %parallel_loop3A_561 = arith.cmpi ne, %parallel_loop3A_559, %parallel_loop3A_560 : i32
      %parallel_loop3A_562 = arith.constant 0 : i32
      %parallel_loop3A_563 = arith.cmpi slt, %parallel_loop3A_559, %parallel_loop3A_562 : i32
      %parallel_loop3A_564 = arith.constant 0 : i32
      %parallel_loop3A_565 = arith.cmpi slt, %parallel_loop3A_558, %parallel_loop3A_564 : i32
      %parallel_loop3A_566 = arith.xori %parallel_loop3A_563, %parallel_loop3A_565 : i1
      %parallel_loop3A_567 = arith.andi %parallel_loop3A_566, %parallel_loop3A_561 : i1
      %parallel_loop3A_568 = arith.addi %parallel_loop3A_559, %parallel_loop3A_558 : i32
      %parallel_loop3A_569 = arith.select %parallel_loop3A_567, %parallel_loop3A_568, %parallel_loop3A_559 : i32
      %parallel_loop3A_570 = arith.constant 16 : i32
      %parallel_loop3A_571 = arith.muli %parallel_loop3A_569, %parallel_loop3A_570 : i32
      %parallel_loop3A_572 = arith.index_cast %parallel_loop3A_553 : i32 to index
      %parallel_loop3A_573 = arith.index_cast %parallel_loop3A_571 : i32 to index
      %parallel_loop3A_574 = tpu.vector_load %arg7[%parallel_loop3A_572, %parallel_loop3A_573] {strides = array<i32>} : memref<8x2048xf32, #tpu.memory_space<vmem>>, vector<1x16xf32>,
      %parallel_loop3A_575 = vector.shape_cast %parallel_loop3A_574 : vector<1x16xf32> to vector<16xf32>
      %parallel_loop3A_576 = arith.index_cast %parallel_loop3A_553 : i32 to index
      %parallel_loop3A_577 = arith.index_cast %parallel_loop3A_571 : i32 to index
      %parallel_loop3A_578 = tpu.vector_load %arg8[%parallel_loop3A_576, %parallel_loop3A_577] {strides = array<i32>} : memref<8x2048xf32, #tpu.memory_space<vmem>>, vector<1x16xf32>,
      %parallel_loop3A_579 = vector.shape_cast %parallel_loop3A_578 : vector<1x16xf32> to vector<16xf32>
      %parallel_loop3A_580 = arith.addf %parallel_loop3A_575, %parallel_loop3A_579 : vector<16xf32>
      %parallel_loop3A_581 = arith.index_cast %parallel_loop3A_553 : i32 to index
      %parallel_loop3A_582 = arith.index_cast %parallel_loop3A_571 : i32 to index
      %parallel_loop3A_583 = tpu.vector_load %arg9[%parallel_loop3A_581, %parallel_loop3A_582] {strides = array<i32>} : memref<8x2048xf32, #tpu.memory_space<vmem>>, vector<1x16xf32>,
      %parallel_loop3A_584 = vector.shape_cast %parallel_loop3A_583 : vector<1x16xf32> to vector<16xf32>
      %parallel_loop3A_585 = vector.shape_cast %parallel_loop3A_580 : vector<16xf32> to vector<1x16xf32>
      tpu.vector_store %arg9[%parallel_loop3A_581, %parallel_loop3A_582], %parallel_loop3A_585 {strides = array<i32>} : memref<8x2048xf32, #tpu.memory_space<vmem>>, vector<1x16xf32>,
    } {sc.loop_unroll_factor = 8 : i64, sc.parallel_access}
    %add3A_426 = arith.constant 96 : i32
    %add3A_427 = arith.addi %mul3A_2, %add3A_426 : i32
    %dma_start3A_428 = arith.constant 0 : i32
    %dma_start3A_429 = tpu.memref_slice %arg4[%add3A_427, %dma_start3A_428] : memref<4096x2048xf32, #tpu.memory_space<hbm>> -> memref<8x2048xf32, #tpu.memory_space<hbm>>
    %dma_start3A_430 = arith.constant 0 : i32
    %dma_start3A_431 = tpu.memref_slice %arg4[%add3A_427, %dma_start3A_430] : memref<4096x2048xf32, #tpu.memory_space<hbm>> -> memref<8x2048xf32, #tpu.memory_space<hbm>>
    tpu.enqueue_dma source(%arg9 : memref<8x2048xf32, #tpu.memory_space<vmem>>) target(%dma_start3A_431 : memref<8x2048xf32, #tpu.memory_space<hbm>>) target_semaphore(%arg17 : memref<!tpu.dma_semaphore, #tpu.memory_space<semaphore_mem>>)
    %dma_start3A_432 = arith.constant 112 : i32
    %dma_start3A_433 = tpu.memref_slice %arg5[%dma_start3A_432] : memref<128xi32, #tpu.memory_space<vmem>> -> memref<8xi32, #tpu.memory_space<vmem>>
    %dma_start3A_434 = arith.constant 0 : i32
    %dma_start3A_435 = arith.constant 0 : i32
    %dma_start3A_436 = tpu.memref_slice %arg2[%dma_start3A_434, %dma_start3A_435] : memref<12288x2048xf32, #tpu.memory_space<hbm>> -> memref<12288x2048xf32, #tpu.memory_space<hbm>>
    tpu.enqueue_indirect_dma source(%dma_start3A_436 : memref<12288x2048xf32, #tpu.memory_space<hbm>>) target(%arg7 : memref<8x2048xf32, #tpu.memory_space<vmem>>) offsets(%dma_start3A_433 : memref<8xi32, #tpu.memory_space<vmem>>) semaphore(%arg13 : memref<!tpu.dma_semaphore, #tpu.memory_space<semaphore_mem>>)
    %dma_start3A_437 = arith.constant 112 : i32
    %dma_start3A_438 = tpu.memref_slice %arg6[%dma_start3A_437] : memref<128xi32, #tpu.memory_space<vmem>> -> memref<8xi32, #tpu.memory_space<vmem>>
    %dma_start3A_439 = arith.constant 0 : i32
    %dma_start3A_440 = arith.constant 0 : i32
    %dma_start3A_441 = tpu.memref_slice %arg2[%dma_start3A_439, %dma_start3A_440] : memref<12288x2048xf32, #tpu.memory_space<hbm>> -> memref<12288x2048xf32, #tpu.memory_space<hbm>>
    tpu.enqueue_indirect_dma source(%dma_start3A_441 : memref<12288x2048xf32, #tpu.memory_space<hbm>>) target(%arg8 : memref<8x2048xf32, #tpu.memory_space<vmem>>) offsets(%dma_start3A_438 : memref<8xi32, #tpu.memory_space<vmem>>) semaphore(%arg14 : memref<!tpu.dma_semaphore, #tpu.memory_space<semaphore_mem>>)
    %dma_wait3A_442 = arith.constant 104 : i32
    %dma_wait3A_443 = tpu.memref_slice %arg5[%dma_wait3A_442] : memref<128xi32, #tpu.memory_space<vmem>> -> memref<8xi32, #tpu.memory_space<vmem>>
    %dma_wait3A_444 = arith.constant 0 : i32
    %dma_wait3A_445 = arith.constant 0 : i32
    %dma_wait3A_446 = tpu.memref_slice %arg2[%dma_wait3A_444, %dma_wait3A_445] : memref<12288x2048xf32, #tpu.memory_space<hbm>> -> memref<12288x2048xf32, #tpu.memory_space<hbm>>
    tpu.wait_indirect_dma semaphore(%arg15 : memref<!tpu.dma_semaphore, #tpu.memory_space<semaphore_mem>>) src(%dma_wait3A_446 : memref<12288x2048xf32, #tpu.memory_space<hbm>>) dst(%arg10 : memref<8x2048xf32, #tpu.memory_space<vmem>>)
    %dma_wait3A_447 = arith.constant 104 : i32
    %dma_wait3A_448 = tpu.memref_slice %arg6[%dma_wait3A_447] : memref<128xi32, #tpu.memory_space<vmem>> -> memref<8xi32, #tpu.memory_space<vmem>>
    %dma_wait3A_449 = arith.constant 0 : i32
    %dma_wait3A_450 = arith.constant 0 : i32
    %dma_wait3A_451 = tpu.memref_slice %arg2[%dma_wait3A_449, %dma_wait3A_450] : memref<12288x2048xf32, #tpu.memory_space<hbm>> -> memref<12288x2048xf32, #tpu.memory_space<hbm>>
    tpu.wait_indirect_dma semaphore(%arg16 : memref<!tpu.dma_semaphore, #tpu.memory_space<semaphore_mem>>) src(%dma_wait3A_451 : memref<12288x2048xf32, #tpu.memory_space<hbm>>) dst(%arg11 : memref<8x2048xf32, #tpu.memory_space<vmem>>)
    %dma_wait3A_452 = arith.constant 0 : i32
    %dma_wait3A_453 = tpu.memref_slice %arg4[%add3A_394, %dma_wait3A_452] : memref<4096x2048xf32, #tpu.memory_space<hbm>> -> memref<8x2048xf32, #tpu.memory_space<hbm>>
    %dma_wait3A_454 = arith.constant 0 : i32
    %dma_wait3A_455 = tpu.memref_slice %arg4[%add3A_394, %dma_wait3A_454] : memref<4096x2048xf32, #tpu.memory_space<hbm>> -> memref<8x2048xf32, #tpu.memory_space<hbm>>
    tpu.wait_dma2 semaphore(%arg18 : memref<!tpu.dma_semaphore, #tpu.memory_space<semaphore_mem>>) src(%arg12 : memref<8x2048xf32, #tpu.memory_space<vmem>>) dst(%dma_wait3A_455 : memref<8x2048xf32, #tpu.memory_space<hbm>>)
    %parallel_loop3A_456 = arith.constant 0 : i32
    %parallel_loop3A_457 = arith.constant 1024 : i32
    %parallel_loop3A_458 = arith.constant 1 : i32
    scf.for %parallel_loop3A_529 = %parallel_loop3A_456 to %parallel_loop3A_457 step %parallel_loop3A_458  : i32 {
      %parallel_loop3A_530 = arith.constant 128 : i32
      %parallel_loop3A_531 = arith.divsi %parallel_loop3A_529, %parallel_loop3A_530 : i32
      %parallel_loop3A_532 = arith.constant 0 : i32
      %parallel_loop3A_533 = arith.cmpi sgt, %parallel_loop3A_529, %parallel_loop3A_532 : i32
      %parallel_loop3A_534 = arith.extui %parallel_loop3A_533 : i1 to i32
      %parallel_loop3A_535 = arith.constant 0 : i32
      %parallel_loop3A_536 = arith.cmpi slt, %parallel_loop3A_529, %parallel_loop3A_535 : i32
      %parallel_loop3A_537 = arith.extui %parallel_loop3A_536 : i1 to i32
      %parallel_loop3A_538 = arith.subi %parallel_loop3A_534, %parallel_loop3A_537 : i32
      %parallel_loop3A_539 = arith.constant 0 : i32
      %parallel_loop3A_540 = arith.cmpi sgt, %parallel_loop3A_530, %parallel_loop3A_539 : i32
      %parallel_loop3A_541 = arith.extui %parallel_loop3A_540 : i1 to i32
      %parallel_loop3A_542 = arith.constant 0 : i32
      %parallel_loop3A_543 = arith.cmpi slt, %parallel_loop3A_530, %parallel_loop3A_542 : i32
      %parallel_loop3A_544 = arith.extui %parallel_loop3A_543 : i1 to i32
      %parallel_loop3A_545 = arith.subi %parallel_loop3A_541, %parallel_loop3A_544 : i32
      %parallel_loop3A_546 = arith.cmpi ne, %parallel_loop3A_538, %parallel_loop3A_545 : i32
      %parallel_loop3A_547 = arith.remsi %parallel_loop3A_529, %parallel_loop3A_530 : i32
      %parallel_loop3A_548 = arith.constant 0 : i32
      %parallel_loop3A_549 = arith.cmpi ne, %parallel_loop3A_547, %parallel_loop3A_548 : i32
      %parallel_loop3A_550 = arith.andi %parallel_loop3A_546, %parallel_loop3A_549 : i1
      %parallel_loop3A_551 = arith.constant 1 : i32
      %parallel_loop3A_552 = arith.subi %parallel_loop3A_531, %parallel_loop3A_551 : i32
      %parallel_loop3A_553 = arith.select %parallel_loop3A_550, %parallel_loop3A_552, %parallel_loop3A_531 : i32
      %parallel_loop3A_554 = arith.constant 128 : i32
      %parallel_loop3A_555 = arith.constant 0 : i32
      %parallel_loop3A_556 = arith.cmpi eq, %parallel_loop3A_554, %parallel_loop3A_555 : i32
      %parallel_loop3A_557 = arith.constant 1 : i32
      %parallel_loop3A_558 = arith.select %parallel_loop3A_556, %parallel_loop3A_557, %parallel_loop3A_554 : i32
      %parallel_loop3A_559 = arith.remsi %parallel_loop3A_529, %parallel_loop3A_558 : i32
      %parallel_loop3A_560 = arith.constant 0 : i32
      %parallel_loop3A_561 = arith.cmpi ne, %parallel_loop3A_559, %parallel_loop3A_560 : i32
      %parallel_loop3A_562 = arith.constant 0 : i32
      %parallel_loop3A_563 = arith.cmpi slt, %parallel_loop3A_559, %parallel_loop3A_562 : i32
      %parallel_loop3A_564 = arith.constant 0 : i32
      %parallel_loop3A_565 = arith.cmpi slt, %parallel_loop3A_558, %parallel_loop3A_564 : i32
      %parallel_loop3A_566 = arith.xori %parallel_loop3A_563, %parallel_loop3A_565 : i1
      %parallel_loop3A_567 = arith.andi %parallel_loop3A_566, %parallel_loop3A_561 : i1
      %parallel_loop3A_568 = arith.addi %parallel_loop3A_559, %parallel_loop3A_558 : i32
      %parallel_loop3A_569 = arith.select %parallel_loop3A_567, %parallel_loop3A_568, %parallel_loop3A_559 : i32
      %parallel_loop3A_570 = arith.constant 16 : i32
      %parallel_loop3A_571 = arith.muli %parallel_loop3A_569, %parallel_loop3A_570 : i32
      %parallel_loop3A_572 = arith.index_cast %parallel_loop3A_553 : i32 to index
      %parallel_loop3A_573 = arith.index_cast %parallel_loop3A_571 : i32 to index
      %parallel_loop3A_574 = tpu.vector_load %arg10[%parallel_loop3A_572, %parallel_loop3A_573] {strides = array<i32>} : memref<8x2048xf32, #tpu.memory_space<vmem>>, vector<1x16xf32>,
      %parallel_loop3A_575 = vector.shape_cast %parallel_loop3A_574 : vector<1x16xf32> to vector<16xf32>
      %parallel_loop3A_576 = arith.index_cast %parallel_loop3A_553 : i32 to index
      %parallel_loop3A_577 = arith.index_cast %parallel_loop3A_571 : i32 to index
      %parallel_loop3A_578 = tpu.vector_load %arg11[%parallel_loop3A_576, %parallel_loop3A_577] {strides = array<i32>} : memref<8x2048xf32, #tpu.memory_space<vmem>>, vector<1x16xf32>,
      %parallel_loop3A_579 = vector.shape_cast %parallel_loop3A_578 : vector<1x16xf32> to vector<16xf32>
      %parallel_loop3A_580 = arith.addf %parallel_loop3A_575, %parallel_loop3A_579 : vector<16xf32>
      %parallel_loop3A_581 = arith.index_cast %parallel_loop3A_553 : i32 to index
      %parallel_loop3A_582 = arith.index_cast %parallel_loop3A_571 : i32 to index
      %parallel_loop3A_583 = tpu.vector_load %arg12[%parallel_loop3A_581, %parallel_loop3A_582] {strides = array<i32>} : memref<8x2048xf32, #tpu.memory_space<vmem>>, vector<1x16xf32>,
      %parallel_loop3A_584 = vector.shape_cast %parallel_loop3A_583 : vector<1x16xf32> to vector<16xf32>
      %parallel_loop3A_585 = vector.shape_cast %parallel_loop3A_580 : vector<16xf32> to vector<1x16xf32>
      tpu.vector_store %arg12[%parallel_loop3A_581, %parallel_loop3A_582], %parallel_loop3A_585 {strides = array<i32>} : memref<8x2048xf32, #tpu.memory_space<vmem>>, vector<1x16xf32>,
    } {sc.loop_unroll_factor = 8 : i64, sc.parallel_access}
    %add3A_459 = arith.constant 104 : i32
    %add3A_460 = arith.addi %mul3A_2, %add3A_459 : i32
    %dma_start3A_461 = arith.constant 0 : i32
    %dma_start3A_462 = tpu.memref_slice %arg4[%add3A_460, %dma_start3A_461] : memref<4096x2048xf32, #tpu.memory_space<hbm>> -> memref<8x2048xf32, #tpu.memory_space<hbm>>
    %dma_start3A_463 = arith.constant 0 : i32
    %dma_start3A_464 = tpu.memref_slice %arg4[%add3A_460, %dma_start3A_463] : memref<4096x2048xf32, #tpu.memory_space<hbm>> -> memref<8x2048xf32, #tpu.memory_space<hbm>>
    tpu.enqueue_dma source(%arg12 : memref<8x2048xf32, #tpu.memory_space<vmem>>) target(%dma_start3A_464 : memref<8x2048xf32, #tpu.memory_space<hbm>>) target_semaphore(%arg18 : memref<!tpu.dma_semaphore, #tpu.memory_space<semaphore_mem>>)
    %dma_start3A_465 = arith.constant 120 : i32
    %dma_start3A_466 = tpu.memref_slice %arg5[%dma_start3A_465] : memref<128xi32, #tpu.memory_space<vmem>> -> memref<8xi32, #tpu.memory_space<vmem>>
    %dma_start3A_467 = arith.constant 0 : i32
    %dma_start3A_468 = arith.constant 0 : i32
    %dma_start3A_469 = tpu.memref_slice %arg2[%dma_start3A_467, %dma_start3A_468] : memref<12288x2048xf32, #tpu.memory_space<hbm>> -> memref<12288x2048xf32, #tpu.memory_space<hbm>>
    tpu.enqueue_indirect_dma source(%dma_start3A_469 : memref<12288x2048xf32, #tpu.memory_space<hbm>>) target(%arg10 : memref<8x2048xf32, #tpu.memory_space<vmem>>) offsets(%dma_start3A_466 : memref<8xi32, #tpu.memory_space<vmem>>) semaphore(%arg15 : memref<!tpu.dma_semaphore, #tpu.memory_space<semaphore_mem>>)
    %dma_start3A_470 = arith.constant 120 : i32
    %dma_start3A_471 = tpu.memref_slice %arg6[%dma_start3A_470] : memref<128xi32, #tpu.memory_space<vmem>> -> memref<8xi32, #tpu.memory_space<vmem>>
    %dma_start3A_472 = arith.constant 0 : i32
    %dma_start3A_473 = arith.constant 0 : i32
    %dma_start3A_474 = tpu.memref_slice %arg2[%dma_start3A_472, %dma_start3A_473] : memref<12288x2048xf32, #tpu.memory_space<hbm>> -> memref<12288x2048xf32, #tpu.memory_space<hbm>>
    tpu.enqueue_indirect_dma source(%dma_start3A_474 : memref<12288x2048xf32, #tpu.memory_space<hbm>>) target(%arg11 : memref<8x2048xf32, #tpu.memory_space<vmem>>) offsets(%dma_start3A_471 : memref<8xi32, #tpu.memory_space<vmem>>) semaphore(%arg16 : memref<!tpu.dma_semaphore, #tpu.memory_space<semaphore_mem>>)
    %dma_wait3A_475 = arith.constant 112 : i32
    %dma_wait3A_476 = tpu.memref_slice %arg5[%dma_wait3A_475] : memref<128xi32, #tpu.memory_space<vmem>> -> memref<8xi32, #tpu.memory_space<vmem>>
    %dma_wait3A_477 = arith.constant 0 : i32
    %dma_wait3A_478 = arith.constant 0 : i32
    %dma_wait3A_479 = tpu.memref_slice %arg2[%dma_wait3A_477, %dma_wait3A_478] : memref<12288x2048xf32, #tpu.memory_space<hbm>> -> memref<12288x2048xf32, #tpu.memory_space<hbm>>
    tpu.wait_indirect_dma semaphore(%arg13 : memref<!tpu.dma_semaphore, #tpu.memory_space<semaphore_mem>>) src(%dma_wait3A_479 : memref<12288x2048xf32, #tpu.memory_space<hbm>>) dst(%arg7 : memref<8x2048xf32, #tpu.memory_space<vmem>>)
    %dma_wait3A_480 = arith.constant 112 : i32
    %dma_wait3A_481 = tpu.memref_slice %arg6[%dma_wait3A_480] : memref<128xi32, #tpu.memory_space<vmem>> -> memref<8xi32, #tpu.memory_space<vmem>>
    %dma_wait3A_482 = arith.constant 0 : i32
    %dma_wait3A_483 = arith.constant 0 : i32
    %dma_wait3A_484 = tpu.memref_slice %arg2[%dma_wait3A_482, %dma_wait3A_483] : memref<12288x2048xf32, #tpu.memory_space<hbm>> -> memref<12288x2048xf32, #tpu.memory_space<hbm>>
    tpu.wait_indirect_dma semaphore(%arg14 : memref<!tpu.dma_semaphore, #tpu.memory_space<semaphore_mem>>) src(%dma_wait3A_484 : memref<12288x2048xf32, #tpu.memory_space<hbm>>) dst(%arg8 : memref<8x2048xf32, #tpu.memory_space<vmem>>)
    %dma_wait3A_485 = arith.constant 0 : i32
    %dma_wait3A_486 = tpu.memref_slice %arg4[%add3A_427, %dma_wait3A_485] : memref<4096x2048xf32, #tpu.memory_space<hbm>> -> memref<8x2048xf32, #tpu.memory_space<hbm>>
    %dma_wait3A_487 = arith.constant 0 : i32
    %dma_wait3A_488 = tpu.memref_slice %arg4[%add3A_427, %dma_wait3A_487] : memref<4096x2048xf32, #tpu.memory_space<hbm>> -> memref<8x2048xf32, #tpu.memory_space<hbm>>
    tpu.wait_dma2 semaphore(%arg17 : memref<!tpu.dma_semaphore, #tpu.memory_space<semaphore_mem>>) src(%arg9 : memref<8x2048xf32, #tpu.memory_space<vmem>>) dst(%dma_wait3A_488 : memref<8x2048xf32, #tpu.memory_space<hbm>>)
    %parallel_loop3A_489 = arith.constant 0 : i32
    %parallel_loop3A_490 = arith.constant 1024 : i32
    %parallel_loop3A_491 = arith.constant 1 : i32
    scf.for %parallel_loop3A_529 = %parallel_loop3A_489 to %parallel_loop3A_490 step %parallel_loop3A_491  : i32 {
      %parallel_loop3A_530 = arith.constant 128 : i32
      %parallel_loop3A_531 = arith.divsi %parallel_loop3A_529, %parallel_loop3A_530 : i32
      %parallel_loop3A_532 = arith.constant 0 : i32
      %parallel_loop3A_533 = arith.cmpi sgt, %parallel_loop3A_529, %parallel_loop3A_532 : i32
      %parallel_loop3A_534 = arith.extui %parallel_loop3A_533 : i1 to i32
      %parallel_loop3A_535 = arith.constant 0 : i32
      %parallel_loop3A_536 = arith.cmpi slt, %parallel_loop3A_529, %parallel_loop3A_535 : i32
      %parallel_loop3A_537 = arith.extui %parallel_loop3A_536 : i1 to i32
      %parallel_loop3A_538 = arith.subi %parallel_loop3A_534, %parallel_loop3A_537 : i32
      %parallel_loop3A_539 = arith.constant 0 : i32
      %parallel_loop3A_540 = arith.cmpi sgt, %parallel_loop3A_530, %parallel_loop3A_539 : i32
      %parallel_loop3A_541 = arith.extui %parallel_loop3A_540 : i1 to i32
      %parallel_loop3A_542 = arith.constant 0 : i32
      %parallel_loop3A_543 = arith.cmpi slt, %parallel_loop3A_530, %parallel_loop3A_542 : i32
      %parallel_loop3A_544 = arith.extui %parallel_loop3A_543 : i1 to i32
      %parallel_loop3A_545 = arith.subi %parallel_loop3A_541, %parallel_loop3A_544 : i32
      %parallel_loop3A_546 = arith.cmpi ne, %parallel_loop3A_538, %parallel_loop3A_545 : i32
      %parallel_loop3A_547 = arith.remsi %parallel_loop3A_529, %parallel_loop3A_530 : i32
      %parallel_loop3A_548 = arith.constant 0 : i32
      %parallel_loop3A_549 = arith.cmpi ne, %parallel_loop3A_547, %parallel_loop3A_548 : i32
      %parallel_loop3A_550 = arith.andi %parallel_loop3A_546, %parallel_loop3A_549 : i1
      %parallel_loop3A_551 = arith.constant 1 : i32
      %parallel_loop3A_552 = arith.subi %parallel_loop3A_531, %parallel_loop3A_551 : i32
      %parallel_loop3A_553 = arith.select %parallel_loop3A_550, %parallel_loop3A_552, %parallel_loop3A_531 : i32
      %parallel_loop3A_554 = arith.constant 128 : i32
      %parallel_loop3A_555 = arith.constant 0 : i32
      %parallel_loop3A_556 = arith.cmpi eq, %parallel_loop3A_554, %parallel_loop3A_555 : i32
      %parallel_loop3A_557 = arith.constant 1 : i32
      %parallel_loop3A_558 = arith.select %parallel_loop3A_556, %parallel_loop3A_557, %parallel_loop3A_554 : i32
      %parallel_loop3A_559 = arith.remsi %parallel_loop3A_529, %parallel_loop3A_558 : i32
      %parallel_loop3A_560 = arith.constant 0 : i32
      %parallel_loop3A_561 = arith.cmpi ne, %parallel_loop3A_559, %parallel_loop3A_560 : i32
      %parallel_loop3A_562 = arith.constant 0 : i32
      %parallel_loop3A_563 = arith.cmpi slt, %parallel_loop3A_559, %parallel_loop3A_562 : i32
      %parallel_loop3A_564 = arith.constant 0 : i32
      %parallel_loop3A_565 = arith.cmpi slt, %parallel_loop3A_558, %parallel_loop3A_564 : i32
      %parallel_loop3A_566 = arith.xori %parallel_loop3A_563, %parallel_loop3A_565 : i1
      %parallel_loop3A_567 = arith.andi %parallel_loop3A_566, %parallel_loop3A_561 : i1
      %parallel_loop3A_568 = arith.addi %parallel_loop3A_559, %parallel_loop3A_558 : i32
      %parallel_loop3A_569 = arith.select %parallel_loop3A_567, %parallel_loop3A_568, %parallel_loop3A_559 : i32
      %parallel_loop3A_570 = arith.constant 16 : i32
      %parallel_loop3A_571 = arith.muli %parallel_loop3A_569, %parallel_loop3A_570 : i32
      %parallel_loop3A_572 = arith.index_cast %parallel_loop3A_553 : i32 to index
      %parallel_loop3A_573 = arith.index_cast %parallel_loop3A_571 : i32 to index
      %parallel_loop3A_574 = tpu.vector_load %arg7[%parallel_loop3A_572, %parallel_loop3A_573] {strides = array<i32>} : memref<8x2048xf32, #tpu.memory_space<vmem>>, vector<1x16xf32>,
      %parallel_loop3A_575 = vector.shape_cast %parallel_loop3A_574 : vector<1x16xf32> to vector<16xf32>
      %parallel_loop3A_576 = arith.index_cast %parallel_loop3A_553 : i32 to index
      %parallel_loop3A_577 = arith.index_cast %parallel_loop3A_571 : i32 to index
      %parallel_loop3A_578 = tpu.vector_load %arg8[%parallel_loop3A_576, %parallel_loop3A_577] {strides = array<i32>} : memref<8x2048xf32, #tpu.memory_space<vmem>>, vector<1x16xf32>,
      %parallel_loop3A_579 = vector.shape_cast %parallel_loop3A_578 : vector<1x16xf32> to vector<16xf32>
      %parallel_loop3A_580 = arith.addf %parallel_loop3A_575, %parallel_loop3A_579 : vector<16xf32>
      %parallel_loop3A_581 = arith.index_cast %parallel_loop3A_553 : i32 to index
      %parallel_loop3A_582 = arith.index_cast %parallel_loop3A_571 : i32 to index
      %parallel_loop3A_583 = tpu.vector_load %arg9[%parallel_loop3A_581, %parallel_loop3A_582] {strides = array<i32>} : memref<8x2048xf32, #tpu.memory_space<vmem>>, vector<1x16xf32>,
      %parallel_loop3A_584 = vector.shape_cast %parallel_loop3A_583 : vector<1x16xf32> to vector<16xf32>
      %parallel_loop3A_585 = vector.shape_cast %parallel_loop3A_580 : vector<16xf32> to vector<1x16xf32>
      tpu.vector_store %arg9[%parallel_loop3A_581, %parallel_loop3A_582], %parallel_loop3A_585 {strides = array<i32>} : memref<8x2048xf32, #tpu.memory_space<vmem>>, vector<1x16xf32>,
    } {sc.loop_unroll_factor = 8 : i64, sc.parallel_access}
    %add3A_492 = arith.constant 112 : i32
    %add3A_493 = arith.addi %mul3A_2, %add3A_492 : i32
    %dma_start3A_494 = arith.constant 0 : i32
    %dma_start3A_495 = tpu.memref_slice %arg4[%add3A_493, %dma_start3A_494] : memref<4096x2048xf32, #tpu.memory_space<hbm>> -> memref<8x2048xf32, #tpu.memory_space<hbm>>
    %dma_start3A_496 = arith.constant 0 : i32
    %dma_start3A_497 = tpu.memref_slice %arg4[%add3A_493, %dma_start3A_496] : memref<4096x2048xf32, #tpu.memory_space<hbm>> -> memref<8x2048xf32, #tpu.memory_space<hbm>>
    tpu.enqueue_dma source(%arg9 : memref<8x2048xf32, #tpu.memory_space<vmem>>) target(%dma_start3A_497 : memref<8x2048xf32, #tpu.memory_space<hbm>>) target_semaphore(%arg17 : memref<!tpu.dma_semaphore, #tpu.memory_space<semaphore_mem>>)
    %dma_wait3A_498 = arith.constant 120 : i32
    %dma_wait3A_499 = tpu.memref_slice %arg5[%dma_wait3A_498] : memref<128xi32, #tpu.memory_space<vmem>> -> memref<8xi32, #tpu.memory_space<vmem>>
    %dma_wait3A_500 = arith.constant 0 : i32
    %dma_wait3A_501 = arith.constant 0 : i32
    %dma_wait3A_502 = tpu.memref_slice %arg2[%dma_wait3A_500, %dma_wait3A_501] : memref<12288x2048xf32, #tpu.memory_space<hbm>> -> memref<12288x2048xf32, #tpu.memory_space<hbm>>
    tpu.wait_indirect_dma semaphore(%arg15 : memref<!tpu.dma_semaphore, #tpu.memory_space<semaphore_mem>>) src(%dma_wait3A_502 : memref<12288x2048xf32, #tpu.memory_space<hbm>>) dst(%arg10 : memref<8x2048xf32, #tpu.memory_space<vmem>>)
    %dma_wait3A_503 = arith.constant 120 : i32
    %dma_wait3A_504 = tpu.memref_slice %arg6[%dma_wait3A_503] : memref<128xi32, #tpu.memory_space<vmem>> -> memref<8xi32, #tpu.memory_space<vmem>>
    %dma_wait3A_505 = arith.constant 0 : i32
    %dma_wait3A_506 = arith.constant 0 : i32
    %dma_wait3A_507 = tpu.memref_slice %arg2[%dma_wait3A_505, %dma_wait3A_506] : memref<12288x2048xf32, #tpu.memory_space<hbm>> -> memref<12288x2048xf32, #tpu.memory_space<hbm>>
    tpu.wait_indirect_dma semaphore(%arg16 : memref<!tpu.dma_semaphore, #tpu.memory_space<semaphore_mem>>) src(%dma_wait3A_507 : memref<12288x2048xf32, #tpu.memory_space<hbm>>) dst(%arg11 : memref<8x2048xf32, #tpu.memory_space<vmem>>)
    %dma_wait3A_508 = arith.constant 0 : i32
    %dma_wait3A_509 = tpu.memref_slice %arg4[%add3A_460, %dma_wait3A_508] : memref<4096x2048xf32, #tpu.memory_space<hbm>> -> memref<8x2048xf32, #tpu.memory_space<hbm>>
    %dma_wait3A_510 = arith.constant 0 : i32
    %dma_wait3A_511 = tpu.memref_slice %arg4[%add3A_460, %dma_wait3A_510] : memref<4096x2048xf32, #tpu.memory_space<hbm>> -> memref<8x2048xf32, #tpu.memory_space<hbm>>
    tpu.wait_dma2 semaphore(%arg18 : memref<!tpu.dma_semaphore, #tpu.memory_space<semaphore_mem>>) src(%arg12 : memref<8x2048xf32, #tpu.memory_space<vmem>>) dst(%dma_wait3A_511 : memref<8x2048xf32, #tpu.memory_space<hbm>>)
    %parallel_loop3A_512 = arith.constant 0 : i32
    %parallel_loop3A_513 = arith.constant 1024 : i32
    %parallel_loop3A_514 = arith.constant 1 : i32
    scf.for %parallel_loop3A_529 = %parallel_loop3A_512 to %parallel_loop3A_513 step %parallel_loop3A_514  : i32 {
      %parallel_loop3A_530 = arith.constant 128 : i32
      %parallel_loop3A_531 = arith.divsi %parallel_loop3A_529, %parallel_loop3A_530 : i32
      %parallel_loop3A_532 = arith.constant 0 : i32
      %parallel_loop3A_533 = arith.cmpi sgt, %parallel_loop3A_529, %parallel_loop3A_532 : i32
      %parallel_loop3A_534 = arith.extui %parallel_loop3A_533 : i1 to i32
      %parallel_loop3A_535 = arith.constant 0 : i32
      %parallel_loop3A_536 = arith.cmpi slt, %parallel_loop3A_529, %parallel_loop3A_535 : i32
      %parallel_loop3A_537 = arith.extui %parallel_loop3A_536 : i1 to i32
      %parallel_loop3A_538 = arith.subi %parallel_loop3A_534, %parallel_loop3A_537 : i32
      %parallel_loop3A_539 = arith.constant 0 : i32
      %parallel_loop3A_540 = arith.cmpi sgt, %parallel_loop3A_530, %parallel_loop3A_539 : i32
      %parallel_loop3A_541 = arith.extui %parallel_loop3A_540 : i1 to i32
      %parallel_loop3A_542 = arith.constant 0 : i32
      %parallel_loop3A_543 = arith.cmpi slt, %parallel_loop3A_530, %parallel_loop3A_542 : i32
      %parallel_loop3A_544 = arith.extui %parallel_loop3A_543 : i1 to i32
      %parallel_loop3A_545 = arith.subi %parallel_loop3A_541, %parallel_loop3A_544 : i32
      %parallel_loop3A_546 = arith.cmpi ne, %parallel_loop3A_538, %parallel_loop3A_545 : i32
      %parallel_loop3A_547 = arith.remsi %parallel_loop3A_529, %parallel_loop3A_530 : i32
      %parallel_loop3A_548 = arith.constant 0 : i32
      %parallel_loop3A_549 = arith.cmpi ne, %parallel_loop3A_547, %parallel_loop3A_548 : i32
      %parallel_loop3A_550 = arith.andi %parallel_loop3A_546, %parallel_loop3A_549 : i1
      %parallel_loop3A_551 = arith.constant 1 : i32
      %parallel_loop3A_552 = arith.subi %parallel_loop3A_531, %parallel_loop3A_551 : i32
      %parallel_loop3A_553 = arith.select %parallel_loop3A_550, %parallel_loop3A_552, %parallel_loop3A_531 : i32
      %parallel_loop3A_554 = arith.constant 128 : i32
      %parallel_loop3A_555 = arith.constant 0 : i32
      %parallel_loop3A_556 = arith.cmpi eq, %parallel_loop3A_554, %parallel_loop3A_555 : i32
      %parallel_loop3A_557 = arith.constant 1 : i32
      %parallel_loop3A_558 = arith.select %parallel_loop3A_556, %parallel_loop3A_557, %parallel_loop3A_554 : i32
      %parallel_loop3A_559 = arith.remsi %parallel_loop3A_529, %parallel_loop3A_558 : i32
      %parallel_loop3A_560 = arith.constant 0 : i32
      %parallel_loop3A_561 = arith.cmpi ne, %parallel_loop3A_559, %parallel_loop3A_560 : i32
      %parallel_loop3A_562 = arith.constant 0 : i32
      %parallel_loop3A_563 = arith.cmpi slt, %parallel_loop3A_559, %parallel_loop3A_562 : i32
      %parallel_loop3A_564 = arith.constant 0 : i32
      %parallel_loop3A_565 = arith.cmpi slt, %parallel_loop3A_558, %parallel_loop3A_564 : i32
      %parallel_loop3A_566 = arith.xori %parallel_loop3A_563, %parallel_loop3A_565 : i1
      %parallel_loop3A_567 = arith.andi %parallel_loop3A_566, %parallel_loop3A_561 : i1
      %parallel_loop3A_568 = arith.addi %parallel_loop3A_559, %parallel_loop3A_558 : i32
      %parallel_loop3A_569 = arith.select %parallel_loop3A_567, %parallel_loop3A_568, %parallel_loop3A_559 : i32
      %parallel_loop3A_570 = arith.constant 16 : i32
      %parallel_loop3A_571 = arith.muli %parallel_loop3A_569, %parallel_loop3A_570 : i32
      %parallel_loop3A_572 = arith.index_cast %parallel_loop3A_553 : i32 to index
      %parallel_loop3A_573 = arith.index_cast %parallel_loop3A_571 : i32 to index
      %parallel_loop3A_574 = tpu.vector_load %arg10[%parallel_loop3A_572, %parallel_loop3A_573] {strides = array<i32>} : memref<8x2048xf32, #tpu.memory_space<vmem>>, vector<1x16xf32>,
      %parallel_loop3A_575 = vector.shape_cast %parallel_loop3A_574 : vector<1x16xf32> to vector<16xf32>
      %parallel_loop3A_576 = arith.index_cast %parallel_loop3A_553 : i32 to index
      %parallel_loop3A_577 = arith.index_cast %parallel_loop3A_571 : i32 to index
      %parallel_loop3A_578 = tpu.vector_load %arg11[%parallel_loop3A_576, %parallel_loop3A_577] {strides = array<i32>} : memref<8x2048xf32, #tpu.memory_space<vmem>>, vector<1x16xf32>,
      %parallel_loop3A_579 = vector.shape_cast %parallel_loop3A_578 : vector<1x16xf32> to vector<16xf32>
      %parallel_loop3A_580 = arith.addf %parallel_loop3A_575, %parallel_loop3A_579 : vector<16xf32>
      %parallel_loop3A_581 = arith.index_cast %parallel_loop3A_553 : i32 to index
      %parallel_loop3A_582 = arith.index_cast %parallel_loop3A_571 : i32 to index
      %parallel_loop3A_583 = tpu.vector_load %arg12[%parallel_loop3A_581, %parallel_loop3A_582] {strides = array<i32>} : memref<8x2048xf32, #tpu.memory_space<vmem>>, vector<1x16xf32>,
      %parallel_loop3A_584 = vector.shape_cast %parallel_loop3A_583 : vector<1x16xf32> to vector<16xf32>
      %parallel_loop3A_585 = vector.shape_cast %parallel_loop3A_580 : vector<16xf32> to vector<1x16xf32>
      tpu.vector_store %arg12[%parallel_loop3A_581, %parallel_loop3A_582], %parallel_loop3A_585 {strides = array<i32>} : memref<8x2048xf32, #tpu.memory_space<vmem>>, vector<1x16xf32>,
    } {sc.loop_unroll_factor = 8 : i64, sc.parallel_access}
    %add3A_515 = arith.constant 120 : i32
    %add3A_516 = arith.addi %mul3A_2, %add3A_515 : i32
    %dma_start3A_517 = arith.constant 0 : i32
    %dma_start3A_518 = tpu.memref_slice %arg4[%add3A_516, %dma_start3A_517] : memref<4096x2048xf32, #tpu.memory_space<hbm>> -> memref<8x2048xf32, #tpu.memory_space<hbm>>
    %dma_start3A_519 = arith.constant 0 : i32
    %dma_start3A_520 = tpu.memref_slice %arg4[%add3A_516, %dma_start3A_519] : memref<4096x2048xf32, #tpu.memory_space<hbm>> -> memref<8x2048xf32, #tpu.memory_space<hbm>>
    tpu.enqueue_dma source(%arg12 : memref<8x2048xf32, #tpu.memory_space<vmem>>) target(%dma_start3A_520 : memref<8x2048xf32, #tpu.memory_space<hbm>>) target_semaphore(%arg18 : memref<!tpu.dma_semaphore, #tpu.memory_space<semaphore_mem>>)
    %dma_wait3A_521 = arith.constant 0 : i32
    %dma_wait3A_522 = tpu.memref_slice %arg4[%add3A_493, %dma_wait3A_521] : memref<4096x2048xf32, #tpu.memory_space<hbm>> -> memref<8x2048xf32, #tpu.memory_space<hbm>>
    %dma_wait3A_523 = arith.constant 0 : i32
    %dma_wait3A_524 = tpu.memref_slice %arg4[%add3A_493, %dma_wait3A_523] : memref<4096x2048xf32, #tpu.memory_space<hbm>> -> memref<8x2048xf32, #tpu.memory_space<hbm>>
    tpu.wait_dma2 semaphore(%arg17 : memref<!tpu.dma_semaphore, #tpu.memory_space<semaphore_mem>>) src(%arg9 : memref<8x2048xf32, #tpu.memory_space<vmem>>) dst(%dma_wait3A_524 : memref<8x2048xf32, #tpu.memory_space<hbm>>)
    %dma_wait3A_525 = arith.constant 0 : i32
    %dma_wait3A_526 = tpu.memref_slice %arg4[%add3A_516, %dma_wait3A_525] : memref<4096x2048xf32, #tpu.memory_space<hbm>> -> memref<8x2048xf32, #tpu.memory_space<hbm>>
    %dma_wait3A_527 = arith.constant 0 : i32
    %dma_wait3A_528 = tpu.memref_slice %arg4[%add3A_516, %dma_wait3A_527] : memref<4096x2048xf32, #tpu.memory_space<hbm>> -> memref<8x2048xf32, #tpu.memory_space<hbm>>
    tpu.wait_dma2 semaphore(%arg18 : memref<!tpu.dma_semaphore, #tpu.memory_space<semaphore_mem>>) src(%arg12 : memref<8x2048xf32, #tpu.memory_space<vmem>>) dst(%dma_wait3A_528 : memref<8x2048xf32, #tpu.memory_space<hbm>>)
    return
  }
}

module attributes {stable_mosaic.version = 14 : i64} {
  func.func @_router_body(%arg0: i32, %arg1: memref<512x2048xf32, #tpu.memory_space<vmem>>, %arg2: memref<2048x128xf32, #tpu.memory_space<vmem>>, %arg3: memref<512x128xf32, #tpu.memory_space<vmem>>, %arg4: memref<512x128xi32, #tpu.memory_space<vmem>>) attributes {dimension_semantics = [#tpu.dimension_semantics<arbitrary>], iteration_bounds = array<i64: 8>, scalar_prefetch = 0 : i64, scratch_operands = 0 : i64, tpu.core_type = #tpu.core_type<tc>, window_params = [{transform_indices = @transform_0, window_bounds = array<i64: 512, 2048>}, {pipeline_mode = #tpu.pipeline_mode<synchronous>, transform_indices = @transform_1, window_bounds = array<i64: 2048, 128>}, {transform_indices = @transform_2, window_bounds = array<i64: 512, 128>}, {transform_indices = @transform_3, window_bounds = array<i64: 512, 128>}]} {
    %get3A = arith.constant 0 : index
    %get3A_0 = arith.constant 0 : index
    %get3A_1 = vector.load %arg1[%get3A, %get3A_0] : memref<512x2048xf32, #tpu.memory_space<vmem>>, vector<512x2048xf32>
    %get3A_2 = arith.constant 0 : index
    %get3A_3 = arith.constant 0 : index
    %get3A_4 = vector.load %arg2[%get3A_2, %get3A_3] : memref<2048x128xf32, #tpu.memory_space<vmem>>, vector<2048x128xf32>
    %dot_general3A = arith.constant dense<0.000000e+00> : vector<512x128xf32>
    %dot_general3A_5 = tpu.matmul %get3A_1, %get3A_4, %dot_general3A {dimension_numbers = #tpu.dot_dimension_numbers<[1], [0], [0], [1], [0, 0, 1, 1], [], []>, transpose_lhs_hint = false} : vector<512x2048xf32>, vector<2048x128xf32>, vector<512x128xf32> -> vector<512x128xf32>
    %iota3A = tpu.iota {dimensions = array<i32: 1>} : vector<512x128xi32>
    %lt3A = arith.constant 8 : i32
    %lt3A_6 = vector.broadcast %lt3A : i32 to vector<512x128xi32>
    %lt3A_7 = arith.cmpi slt, %iota3A, %lt3A_6 : vector<512x128xi32>
    %jit3A = arith.constant -1.000000e+30 : f32
    %broadcast_in_dim3A = vector.broadcast %jit3A : f32 to vector<512x128xf32>
    %select_n3A = arith.select %lt3A_7, %dot_general3A_5, %broadcast_in_dim3A : vector<512x128xi1>, vector<512x128xf32>
    %reduce_max3A = arith.constant dense<0xFF800000> : vector<512xf32>
    %reduce_max3A_8 = vector.multi_reduction <maximumf>, %select_n3A, %reduce_max3A [1] : vector<512x128xf32> to vector<512xf32>
    %broadcast_in_dim3A_9 = vector.shape_cast %reduce_max3A_8 : vector<512xf32> to vector<512x1xf32>
    %sub3A = vector.broadcast %broadcast_in_dim3A_9 : vector<512x1xf32> to vector<512x128xf32>
    %sub3A_10 = arith.subf %select_n3A, %sub3A : vector<512x128xf32>
    %exp3A = math.exp %sub3A_10 : vector<512x128xf32>
    %reduce_sum3A = arith.constant dense<0.000000e+00> : vector<512xf32>
    %reduce_sum3A_11 = vector.multi_reduction <add>, %exp3A, %reduce_sum3A [1] : vector<512x128xf32> to vector<512xf32>
    %broadcast_in_dim3A_12 = vector.shape_cast %reduce_sum3A_11 : vector<512xf32> to vector<512x1xf32>
    %div3A = vector.broadcast %broadcast_in_dim3A_12 : vector<512x1xf32> to vector<512x128xf32>
    %div3A_13 = arith.divf %exp3A, %div3A : vector<512x128xf32>
    %reduce_max3A_14 = arith.constant dense<0xFF800000> : vector<512xf32>
    %reduce_max3A_15 = vector.multi_reduction <maximumf>, %div3A_13, %reduce_max3A_14 [1] : vector<512x128xf32> to vector<512xf32>
    %broadcast_in_dim3A_16 = vector.shape_cast %reduce_max3A_15 : vector<512xf32> to vector<512x1xf32>
    %eq3A = vector.broadcast %broadcast_in_dim3A_16 : vector<512x1xf32> to vector<512x128xf32>
    %eq3A_17 = arith.cmpf oeq, %div3A_13, %eq3A : vector<512x128xf32>
    %jit3A_18 = arith.constant 8 : i32
    %broadcast_in_dim3A_19 = vector.broadcast %jit3A_18 : i32 to vector<512x128xi32>
    %select_n3A_20 = arith.select %eq3A_17, %iota3A, %broadcast_in_dim3A_19 : vector<512x128xi1>, vector<512x128xi32>
    %reduce_min3A = arith.constant dense<2147483647> : vector<512xi32>
    %reduce_min3A_21 = vector.multi_reduction <minsi>, %select_n3A_20, %reduce_min3A [1] : vector<512x128xi32> to vector<512xi32>
    %broadcast_in_dim3A_22 = vector.shape_cast %reduce_min3A_21 : vector<512xi32> to vector<512x1xi32>
    %eq3A_23 = vector.broadcast %broadcast_in_dim3A_22 : vector<512x1xi32> to vector<512x128xi32>
    %eq3A_24 = arith.cmpi eq, %iota3A, %eq3A_23 : vector<512x128xi32>
    %jit3A_25 = arith.constant -1.000000e+00 : f32
    %broadcast_in_dim3A_26 = vector.broadcast %jit3A_25 : f32 to vector<512x128xf32>
    %select_n3A_27 = arith.select %eq3A_24, %broadcast_in_dim3A_26, %div3A_13 : vector<512x128xi1>, vector<512x128xf32>
    %reduce_max3A_28 = arith.constant dense<0xFF800000> : vector<512xf32>
    %reduce_max3A_29 = vector.multi_reduction <maximumf>, %select_n3A_27, %reduce_max3A_28 [1] : vector<512x128xf32> to vector<512xf32>
    %broadcast_in_dim3A_30 = vector.shape_cast %reduce_max3A_29 : vector<512xf32> to vector<512x1xf32>
    %eq3A_31 = vector.broadcast %broadcast_in_dim3A_30 : vector<512x1xf32> to vector<512x128xf32>
    %eq3A_32 = arith.cmpf oeq, %select_n3A_27, %eq3A_31 : vector<512x128xf32>
    %jit3A_33 = arith.constant 8 : i32
    %broadcast_in_dim3A_34 = vector.broadcast %jit3A_33 : i32 to vector<512x128xi32>
    %select_n3A_35 = arith.select %eq3A_32, %iota3A, %broadcast_in_dim3A_34 : vector<512x128xi1>, vector<512x128xi32>
    %reduce_min3A_36 = arith.constant dense<2147483647> : vector<512xi32>
    %reduce_min3A_37 = vector.multi_reduction <minsi>, %select_n3A_35, %reduce_min3A_36 [1] : vector<512x128xi32> to vector<512xi32>
    %broadcast_in_dim3A_38 = vector.shape_cast %reduce_min3A_37 : vector<512xi32> to vector<512x1xi32>
    %broadcast_in_dim3A_39 = arith.constant 0.000000e+00 : f32
    %broadcast_in_dim3A_40 = vector.broadcast %broadcast_in_dim3A_39 : f32 to vector<512x128xf32>
    %eq3A_41 = arith.constant 0 : i32
    %eq3A_42 = vector.broadcast %eq3A_41 : i32 to vector<512x128xi32>
    %eq3A_43 = arith.cmpi eq, %iota3A, %eq3A_42 : vector<512x128xi32>
    %eq3A_44 = arith.constant 1 : i32
    %eq3A_45 = vector.broadcast %eq3A_44 : i32 to vector<512x128xi32>
    %eq3A_46 = arith.cmpi eq, %iota3A, %eq3A_45 : vector<512x128xi32>
    %broadcast_in_dim3A_47 = vector.shape_cast %broadcast_in_dim3A_30 : vector<512x1xf32> to vector<512x1xf32>
    %broadcast_in_dim3A_48 = vector.broadcast %broadcast_in_dim3A_47 : vector<512x1xf32> to vector<512x128xf32>
    %select_n3A_49 = arith.select %eq3A_46, %broadcast_in_dim3A_48, %broadcast_in_dim3A_40 : vector<512x128xi1>, vector<512x128xf32>
    %broadcast_in_dim3A_50 = vector.shape_cast %broadcast_in_dim3A_16 : vector<512x1xf32> to vector<512x1xf32>
    %broadcast_in_dim3A_51 = vector.broadcast %broadcast_in_dim3A_50 : vector<512x1xf32> to vector<512x128xf32>
    %select_n3A_52 = arith.select %eq3A_43, %broadcast_in_dim3A_51, %select_n3A_49 : vector<512x128xi1>, vector<512x128xf32>
    %swap3A = arith.constant 0 : index
    %swap3A_53 = arith.constant 0 : index
    %swap3A_54 = vector.load %arg3[%swap3A, %swap3A_53] : memref<512x128xf32, #tpu.memory_space<vmem>>, vector<512x128xf32>
    tpu.vector_store %arg3[%swap3A, %swap3A_53], %select_n3A_52 {strides = array<i32>} : memref<512x128xf32, #tpu.memory_space<vmem>>, vector<512x128xf32>,
    %broadcast_in_dim3A_55 = arith.constant 0 : i32
    %broadcast_in_dim3A_56 = vector.broadcast %broadcast_in_dim3A_55 : i32 to vector<512x128xi32>
    %eq3A_57 = arith.constant 0 : i32
    %eq3A_58 = vector.broadcast %eq3A_57 : i32 to vector<512x128xi32>
    %eq3A_59 = arith.cmpi eq, %iota3A, %eq3A_58 : vector<512x128xi32>
    %eq3A_60 = arith.constant 1 : i32
    %eq3A_61 = vector.broadcast %eq3A_60 : i32 to vector<512x128xi32>
    %eq3A_62 = arith.cmpi eq, %iota3A, %eq3A_61 : vector<512x128xi32>
    %broadcast_in_dim3A_63 = vector.shape_cast %broadcast_in_dim3A_38 : vector<512x1xi32> to vector<512x1xi32>
    %broadcast_in_dim3A_64 = vector.broadcast %broadcast_in_dim3A_63 : vector<512x1xi32> to vector<512x128xi32>
    %select_n3A_65 = arith.select %eq3A_62, %broadcast_in_dim3A_64, %broadcast_in_dim3A_56 : vector<512x128xi1>, vector<512x128xi32>
    %broadcast_in_dim3A_66 = vector.shape_cast %broadcast_in_dim3A_22 : vector<512x1xi32> to vector<512x1xi32>
    %broadcast_in_dim3A_67 = vector.broadcast %broadcast_in_dim3A_66 : vector<512x1xi32> to vector<512x128xi32>
    %select_n3A_68 = arith.select %eq3A_59, %broadcast_in_dim3A_67, %select_n3A_65 : vector<512x128xi1>, vector<512x128xi32>
    %swap3A_69 = arith.constant 0 : index
    %swap3A_70 = arith.constant 0 : index
    %swap3A_71 = vector.load %arg4[%swap3A_69, %swap3A_70] : memref<512x128xi32, #tpu.memory_space<vmem>>, vector<512x128xi32>
    tpu.vector_store %arg4[%swap3A_69, %swap3A_70], %select_n3A_68 {strides = array<i32>} : memref<512x128xi32, #tpu.memory_space<vmem>>, vector<512x128xi32>,
    return
  }
  func.func @transform_0(%arg0: i32) -> (i32, i32) {
    %c0_i32 = arith.constant 0 : i32
    %c0_i32_0 = arith.constant 0 : i32
    return %arg0, %c0_i32 : i32, i32
  }
  func.func @transform_1(%arg0: i32) -> (i32, i32) {
    %c0_i32 = arith.constant 0 : i32
    %c0_i32_0 = arith.constant 0 : i32
    %c0_i32_1 = arith.constant 0 : i32
    return %c0_i32, %c0_i32_0 : i32, i32
  }
  func.func @transform_2(%arg0: i32) -> (i32, i32) {
    %c0_i32 = arith.constant 0 : i32
    %c0_i32_0 = arith.constant 0 : i32
    return %arg0, %c0_i32 : i32, i32
  }
  func.func @transform_3(%arg0: i32) -> (i32, i32) {
    %c0_i32 = arith.constant 0 : i32
    %c0_i32_0 = arith.constant 0 : i32
    return %arg0, %c0_i32 : i32, i32
  }
}

module attributes {stable_mosaic.version = 14 : i64} {
  func.func @_gmm_body(%arg0: i32, %arg1: memref<4x264xi32, #tpu.memory_space<smem>>, %arg2: memref<1x1x512xf32, #tpu.memory_space<vmem>>, %arg3: memref<512x2048xf32, #tpu.memory_space<vmem>>, %arg4: memref<1x2048x256xf32, #tpu.memory_space<vmem>>, %arg5: memref<1x2048x256xf32, #tpu.memory_space<vmem>>, %arg6: memref<1x256x2048xf32, #tpu.memory_space<vmem>>, %arg7: memref<512x2048xf32, #tpu.memory_space<vmem>>) attributes {dimension_semantics = [#tpu.dimension_semantics<arbitrary>], iteration_bounds = array<i64: 264>, scalar_prefetch = 1 : i64, scratch_operands = 0 : i64, tpu.core_type = #tpu.core_type<tc>, window_params = [{transform_indices = @transform_0, window_bounds = array<i64: 1, 1, 512>}, {transform_indices = @transform_1, window_bounds = array<i64: 512, 2048>}, {transform_indices = @transform_2, window_bounds = array<i64: 1, 2048, 256>}, {transform_indices = @transform_3, window_bounds = array<i64: 1, 2048, 256>}, {transform_indices = @transform_4, window_bounds = array<i64: 1, 256, 2048>}, {transform_indices = @transform_5, window_bounds = array<i64: 512, 2048>}]} {
    %get3A = arith.constant 1 : index
    %get3A_0 = arith.index_cast %arg0 : i32 to index
    %get3A_1 = memref.load %arg1[%get3A, %get3A_0] : memref<4x264xi32, #tpu.memory_space<smem>>
    %get3A_2 = arith.constant 3 : index
    %get3A_3 = arith.index_cast %arg0 : i32 to index
    %get3A_4 = memref.load %arg1[%get3A_2, %get3A_3] : memref<4x264xi32, #tpu.memory_space<smem>>
    %gt3A = arith.constant 0 : i32
    %gt3A_5 = arith.cmpi sgt, %get3A_4, %gt3A : i32
    %convert_element_type3A = arith.extui %gt3A_5 : i1 to i32
    %cond3A = arith.constant 0 : i32
    %cond3A_6 = arith.cmpi ne, %convert_element_type3A, %cond3A : i32
    scf.if %cond3A_6 {
      %get3A_7 = arith.constant 0 : index
      %get3A_8 = arith.constant 0 : index
      %get3A_9 = vector.load %arg3[%get3A_7, %get3A_8] : memref<512x2048xf32, #tpu.memory_space<vmem>>, vector<512x2048xf32>
      %get3A_10 = arith.constant 0 : index
      %get3A_11 = arith.constant 0 : index
      %get3A_12 = arith.constant 0 : index
      %get3A_13 = vector.load %arg4[%get3A_10, %get3A_11, %get3A_12] : memref<1x2048x256xf32, #tpu.memory_space<vmem>>, vector<1x2048x256xf32>
      %get3A_14 = vector.shape_cast %get3A_13 : vector<1x2048x256xf32> to vector<2048x256xf32>
      %dot_general3A = arith.constant dense<0.000000e+00> : vector<512x256xf32>
      %dot_general3A_15 = tpu.matmul %get3A_9, %get3A_14, %dot_general3A {dimension_numbers = #tpu.dot_dimension_numbers<[1], [0], [0], [1], [0, 0, 1, 1], [], []>, transpose_lhs_hint = false} : vector<512x2048xf32>, vector<2048x256xf32>, vector<512x256xf32> -> vector<512x256xf32>
      %get3A_16 = arith.constant 0 : index
      %get3A_17 = arith.constant 0 : index
      %get3A_18 = arith.constant 0 : index
      %get3A_19 = vector.load %arg5[%get3A_16, %get3A_17, %get3A_18] : memref<1x2048x256xf32, #tpu.memory_space<vmem>>, vector<1x2048x256xf32>
      %get3A_20 = vector.shape_cast %get3A_19 : vector<1x2048x256xf32> to vector<2048x256xf32>
      %dot_general3A_21 = arith.constant dense<0.000000e+00> : vector<512x256xf32>
      %dot_general3A_22 = tpu.matmul %get3A_9, %get3A_20, %dot_general3A_21 {dimension_numbers = #tpu.dot_dimension_numbers<[1], [0], [0], [1], [0, 0, 1, 1], [], []>, transpose_lhs_hint = false} : vector<512x2048xf32>, vector<2048x256xf32>, vector<512x256xf32> -> vector<512x256xf32>
      %logistic3A = arith.negf %dot_general3A_15 : vector<512x256xf32>
      %logistic3A_23 = math.exp %logistic3A : vector<512x256xf32>
      %logistic3A_24 = arith.constant 1.000000e+00 : f32
      %logistic3A_25 = vector.broadcast %logistic3A_24 : f32 to vector<512x256xf32>
      %logistic3A_26 = arith.addf %logistic3A_25, %logistic3A_23 : vector<512x256xf32>
      %logistic3A_27 = arith.divf %logistic3A_25, %logistic3A_26 : vector<512x256xf32>
      %mul3A = arith.mulf %dot_general3A_15, %logistic3A_27 : vector<512x256xf32>
      %mul3A_28 = arith.mulf %mul3A, %dot_general3A_22 : vector<512x256xf32>
      %convert_element_type3A_29 = arith.truncf %mul3A_28 : vector<512x256xf32> to vector<512x256xbf16>
      %get3A_30 = arith.constant 0 : index
      %get3A_31 = arith.constant 0 : index
      %get3A_32 = arith.constant 0 : index
      %get3A_33 = vector.load %arg6[%get3A_30, %get3A_31, %get3A_32] : memref<1x256x2048xf32, #tpu.memory_space<vmem>>, vector<1x256x2048xf32>
      %get3A_34 = vector.shape_cast %get3A_33 : vector<1x256x2048xf32> to vector<256x2048xf32>
      %dot_general3A_35 = arith.constant dense<0.000000e+00> : vector<512x2048xf32>
      %dot_general3A_36 = tpu.matmul %convert_element_type3A_29, %get3A_34, %dot_general3A_35 {dimension_numbers = #tpu.dot_dimension_numbers<[1], [0], [0], [1], [0, 0, 1, 1], [], []>, transpose_lhs_hint = false} : vector<512x256xbf16>, vector<256x2048xf32>, vector<512x2048xf32> -> vector<512x2048xf32>
      %get3A_37 = arith.constant 0 : index
      %get3A_38 = arith.constant 0 : index
      %get3A_39 = arith.constant 0 : index
      %get3A_40 = vector.load %arg2[%get3A_37, %get3A_38, %get3A_39] : memref<1x1x512xf32, #tpu.memory_space<vmem>>, vector<1x1x512xf32>
      %get3A_41 = vector.shape_cast %get3A_40 : vector<1x1x512xf32> to vector<512xf32>
      %broadcast_in_dim3A = vector.shape_cast %get3A_41 : vector<512xf32> to vector<512x1xf32>
      %mul3A_42 = vector.broadcast %broadcast_in_dim3A : vector<512x1xf32> to vector<512x2048xf32>
      %mul3A_43 = arith.mulf %dot_general3A_36, %mul3A_42 : vector<512x2048xf32>
      %eq3A = arith.constant 0 : i32
      %eq3A_44 = arith.cmpi eq, %get3A_1, %eq3A : i32
      %convert_element_type3A_45 = arith.extui %eq3A_44 : i1 to i32
      %cond3A_46 = arith.constant 0 : i32
      %cond3A_47 = arith.cmpi ne, %convert_element_type3A_45, %cond3A_46 : i32
      scf.if %cond3A_47 {
        %swap3A = arith.constant 0 : index
        %swap3A_53 = arith.constant 0 : index
        %swap3A_54 = vector.load %arg7[%swap3A, %swap3A_53] : memref<512x2048xf32, #tpu.memory_space<vmem>>, vector<512x2048xf32>
        tpu.vector_store %arg7[%swap3A, %swap3A_53], %mul3A_43 {strides = array<i32>} : memref<512x2048xf32, #tpu.memory_space<vmem>>, vector<512x2048xf32>,
      } else {
      }
      %gt3A_48 = arith.constant 0 : i32
      %gt3A_49 = arith.cmpi sgt, %get3A_1, %gt3A_48 : i32
      %convert_element_type3A_50 = arith.extui %gt3A_49 : i1 to i32
      %cond3A_51 = arith.constant 0 : i32
      %cond3A_52 = arith.cmpi ne, %convert_element_type3A_50, %cond3A_51 : i32
      scf.if %cond3A_52 {
        %get3A_53 = arith.constant 0 : index
        %get3A_54 = arith.constant 0 : index
        %get3A_55 = vector.load %arg7[%get3A_53, %get3A_54] : memref<512x2048xf32, #tpu.memory_space<vmem>>, vector<512x2048xf32>
        %add3A = arith.addf %get3A_55, %mul3A_43 : vector<512x2048xf32>
        %swap3A = arith.constant 0 : index
        %swap3A_56 = arith.constant 0 : index
        %swap3A_57 = vector.load %arg7[%swap3A, %swap3A_56] : memref<512x2048xf32, #tpu.memory_space<vmem>>, vector<512x2048xf32>
        tpu.vector_store %arg7[%swap3A, %swap3A_56], %add3A {strides = array<i32>} : memref<512x2048xf32, #tpu.memory_space<vmem>>, vector<512x2048xf32>,
      } else {
      }
    } else {
    }
    return
  }
  func.func @transform_0(%arg0: i32, %arg1: memref<4x264xi32, #tpu.memory_space<smem>>) -> (i32, i32, i32) {
    %get3A = arith.constant 0 : index
    %get3A_0 = arith.index_cast %arg0 : i32 to index
    %get3A_1 = memref.load %arg1[%get3A, %get3A_0] : memref<4x264xi32, #tpu.memory_space<smem>>
    %c0_i32 = arith.constant 0 : i32
    %c0_i32_2 = arith.constant 0 : i32
    %c0_i32_3 = arith.constant 0 : i32
    return %get3A_1, %c0_i32, %c0_i32_2 : i32, i32, i32
  }
  func.func @transform_1(%arg0: i32, %arg1: memref<4x264xi32, #tpu.memory_space<smem>>) -> (i32, i32) {
    %get3A = arith.constant 0 : index
    %get3A_0 = arith.index_cast %arg0 : i32 to index
    %get3A_1 = memref.load %arg1[%get3A, %get3A_0] : memref<4x264xi32, #tpu.memory_space<smem>>
    %c0_i32 = arith.constant 0 : i32
    %c0_i32_2 = arith.constant 0 : i32
    return %get3A_1, %c0_i32 : i32, i32
  }
  func.func @transform_2(%arg0: i32, %arg1: memref<4x264xi32, #tpu.memory_space<smem>>) -> (i32, i32, i32) {
    %get3A = arith.constant 2 : index
    %get3A_0 = arith.index_cast %arg0 : i32 to index
    %get3A_1 = memref.load %arg1[%get3A, %get3A_0] : memref<4x264xi32, #tpu.memory_space<smem>>
    %get3A_2 = arith.constant 1 : index
    %get3A_3 = arith.index_cast %arg0 : i32 to index
    %get3A_4 = memref.load %arg1[%get3A_2, %get3A_3] : memref<4x264xi32, #tpu.memory_space<smem>>
    %c0_i32 = arith.constant 0 : i32
    %c0_i32_5 = arith.constant 0 : i32
    return %get3A_1, %c0_i32, %get3A_4 : i32, i32, i32
  }
  func.func @transform_3(%arg0: i32, %arg1: memref<4x264xi32, #tpu.memory_space<smem>>) -> (i32, i32, i32) {
    %get3A = arith.constant 2 : index
    %get3A_0 = arith.index_cast %arg0 : i32 to index
    %get3A_1 = memref.load %arg1[%get3A, %get3A_0] : memref<4x264xi32, #tpu.memory_space<smem>>
    %get3A_2 = arith.constant 1 : index
    %get3A_3 = arith.index_cast %arg0 : i32 to index
    %get3A_4 = memref.load %arg1[%get3A_2, %get3A_3] : memref<4x264xi32, #tpu.memory_space<smem>>
    %c0_i32 = arith.constant 0 : i32
    %c0_i32_5 = arith.constant 0 : i32
    return %get3A_1, %c0_i32, %get3A_4 : i32, i32, i32
  }
  func.func @transform_4(%arg0: i32, %arg1: memref<4x264xi32, #tpu.memory_space<smem>>) -> (i32, i32, i32) {
    %get3A = arith.constant 2 : index
    %get3A_0 = arith.index_cast %arg0 : i32 to index
    %get3A_1 = memref.load %arg1[%get3A, %get3A_0] : memref<4x264xi32, #tpu.memory_space<smem>>
    %get3A_2 = arith.constant 1 : index
    %get3A_3 = arith.index_cast %arg0 : i32 to index
    %get3A_4 = memref.load %arg1[%get3A_2, %get3A_3] : memref<4x264xi32, #tpu.memory_space<smem>>
    %c0_i32 = arith.constant 0 : i32
    %c0_i32_5 = arith.constant 0 : i32
    return %get3A_1, %get3A_4, %c0_i32 : i32, i32, i32
  }
  func.func @transform_5(%arg0: i32, %arg1: memref<4x264xi32, #tpu.memory_space<smem>>) -> (i32, i32) {
    %get3A = arith.constant 0 : index
    %get3A_0 = arith.index_cast %arg0 : i32 to index
    %get3A_1 = memref.load %arg1[%get3A, %get3A_0] : memref<4x264xi32, #tpu.memory_space<smem>>
    %c0_i32 = arith.constant 0 : i32
    %c0_i32_2 = arith.constant 0 : i32
    return %get3A_1, %c0_i32 : i32, i32
  }
}

</mosaic_0001>

<sc_bundles>
// kernel: gather_offload_async_start
scs
__scs_entry_jumppad:
0x0: {  	(pc) =	sbr.rel $0x88, $3  }
0x1: {  	(tag) =	ssettag $0x0;
	lr =	simm.s32 $0x1  }
0x2: {  	[smem:$0x3F9C] =	sst lr;
	_ =	strace $0xD0000000  }
0x3: {  	_ = 	snop  }
0x4: {  	_ = 	snop  }
0x5: {  	_ = 	snop  }
0x6: {  	_ = 	snop  }
0x7: {  	_ = 	snop  }
__scs_overlays_trampoline_lowered:
0x8: {  	[smem:$0x3FAB] =	sst s0  }
0x9: {  	[smem:$0x3FAC] =	sst s1  }
0xa: {  	[smem:$0x3FAD] =	sst s2  }
0xb: {  	[smem:$0x3FAE] =	sst s3  }
0xc: {  	[smem:$0x3FAF] =	sst s4  }
0xd: {  	[smem:$0x3FB0] =	sst s5  }
0xe: {  	[smem:$0x3FB1] =	sst s6  }
0xf: {  	[smem:$0x3FB2] =	sst s7  }
0x10: {  	[smem:$0x3FB3] =	sst s8  }
0x11: {  	[smem:$0x3FB4] =	sst s9;
	s0 =	simm.s32 @!p0 $0x0  }
0x12: {  	s1 =	sld [smem:$0x3F9A];
	s0 =	simm.s32 @p0 $0x1  }
0x13: {  	[smem:$0x3FB5] =	sst s0;
	s0 =	simm.s32 @!p1 $0x0  }
0x14: {  	s2 =	sld [smem:$0x3F99];
	s0 =	simm.s32 @p1 $0x1  }
0x15: {  	[smem:$0x3FB6] =	sst s0;
	s0 =	simm.s32 @!p2 $0x0  }
0x16: {  	s3 =	sld [smem:$0x3FDB];
	s0 =	simm.s32 @p2 $0x1  }
0x17: {  	s4 =	simm.s32 $0x1BF5;
	[smem:$0x3FB8] =	sst s0  }
0x18: {  	s0 =	sld [smem:$0x3F9B];
	_ =	swait.ge [sflag:s4], $0x0  }
0x19: {  	s7 =	sld [smem:$0x3F9C]  }
0x1a: {  	s8 =	sadd.s32 $0xFFFFE003, lr  }
0x1b: {  	s9 =	sadd.s32 $0xFFFFFEF7, lr;
	s5 =	simm.s32 $0xFFFFFFFF;
	p2 =	slt.u32 s8, $0xFFFFF086  }
0x1c: {  	p1 =	slt.u32 s9, $0xF7A;
	s5 =	simm.s32 @!p2 $0x0  }
0x1d: {  	s5 =	simm.s32 @p1 $0x1;
	p0 =	seq.s32 s7, s2  }
0x1e: {  	s7 =	smul.u32 @!p0 $0xF7A, s2;
	p2 =	seq.s32 @!p0 s5, $0x0  }
0x1f: {  	s9 =	smul.u32 $0xF7A, s1;
	s8 =	simm.s32 @!p0 $0x1BF5;
	p2 =	por !p2, p0  }
0x20: {  	[sflag:s8] =	ssyncset.s32 @!p0 $0xFFFFF086;
	s6 =	sadd.s32 @!p0 s3, s7;
	s7 =	simm.s32 @!p0 $0x108  }
0x21: {  	s3 =	sadd.s32 s3, s9;
	s6 =	sadd.s32 @!p0 $0x88, s6;
	s7 =	simm.s32 @p2 $0x1082  }
0x22: {  	[simem:s7], [sflag:s8] =	dma.local @!p0 [hbm:s6], $0xF7A  }
0x23: {  	s9 =	sor.u32 $0xD0000000, s2;
	s6 =	simm.s32 $0x108;
	_ =	swait.ge @!p0 [sflag:s8], $0x0  }
0x24: {  	s3 =	sadd.s32 $0x88, s3;
	s6 =	simm.s32 @!p1 $0x1082;
	[sflag:s4] =	ssyncset.s32 $0xFFFFF086  }
0x25: {  	[simem:s6], [sflag:s4] =	dma.local [hbm:s3], $0xF7A  }
0x26: {  	[smem:$0x3F9C] =	sst s1;
	(tag) =	ssettag s2;
	_ =	strace s9  }
0x27: {  	s1 =	sld [smem:$0x3FAC]  }
0x28: {  	s2 =	sld [smem:$0x3FAD]  }
0x29: {  	s4 =	sld [smem:$0x3FAF]  }
0x2a: {  	p0 =	seq.s32 s5, $0x0;
	s5 =	sld [smem:$0x3FB0]  }
0x2b: {  	s6 =	sld [smem:$0x3FB1]  }
0x2c: {  	s7 =	sld [smem:$0x3FB2]  }
0x2d: {  	s3 =	simm.s32 $0x108;
	s8 =	sld [smem:$0x3FB3]  }
0x2e: {  	s3 =	simm.s32 @!p0 $0x1082;
	s9 =	sld [smem:$0x3FB4]  }
0x2f: {  	lr =	sadd.s32 s0, s3;
	s0 =	sld [smem:$0x3FAB]  }
0x30: {  	s3 =	sld [smem:$0x3FAE]  }
0x31: {  	[smem:$0x3FB7] =	sst s10  }
0x32: {  	s10 =	sld [smem:$0x3FB5];
	_ =	sdelay $0x3  }
0x33: {  	p0 =	seq.s32 s10, $0x1;
	s10 =	sld [smem:$0x3FB7];
	_ =	sdelay $0x3  }
0x34: {  	[smem:$0x3FB7] =	sst s10  }
0x35: {  	s10 =	sld [smem:$0x3FB6];
	_ =	sdelay $0x3  }
0x36: {  	p1 =	seq.s32 s10, $0x1;
	s10 =	sld [smem:$0x3FB7];
	_ =	sdelay $0x3  }
0x37: {  	[smem:$0x3FB7] =	sst s10  }
0x38: {  	s10 =	sld [smem:$0x3FB8]  }
0x39: {  	_ = 	snop;
	(pc) =	sbr.ind lr, $3  }
0x3a: {  	_ = 	snop  }
0x3b: {  	_ = 	snop  }
0x3c: {  	p2 =	seq.s32 s10, $0x1;
	s10 =	sld [smem:$0x3FB7]  }
0x3d: {  	_ =	shalt  }
0x3e: {  	_ =	shalt  }
0x3f: {  	_ =	shalt  }
0x40: {  	_ =	shalt  }
0x41: {  	_ =	shalt  }
0x42: {  	_ =	shalt  }
0x43: {  	_ =	shalt  }
0x44: {  	_ =	shalt  }
0x45: {  	_ =	shalt  }
0x46: {  	_ =	shalt  }
0x47: {  	_ =	shalt  }
0x48: {  	_ =	shalt  }
0x49: {  	_ =	shalt  }
0x4a: {  	_ =	shalt  }
0x4b: {  	_ =	shalt  }
0x4c: {  	_ =	shalt  }
0x4d: {  	_ =	shalt  }
0x4e: {  	_ =	shalt  }
0x4f: {  	_ =	shalt  }
0x50: {  	_ =	shalt  }
0x51: {  	_ =	shalt  }
0x52: {  	_ =	shalt  }
0x53: {  	_ =	shalt  }
0x54: {  	_ =	shalt  }
0x55: {  	_ =	shalt  }
0x56: {  	_ =	shalt  }
0x57: {  	_ =	shalt  }
0x58: {  	_ =	shalt  }
0x59: {  	_ =	shalt  }
0x5a: {  	_ =	shalt  }
0x5b: {  	_ =	shalt  }
0x5c: {  	_ =	shalt  }
0x5d: {  	_ =	shalt  }
0x5e: {  	_ =	shalt  }
0x5f: {  	_ =	shalt  }
0x60: {  	_ =	shalt  }
0x61: {  	_ =	shalt  }
0x62: {  	_ =	shalt  }
0x63: {  	_ =	shalt  }
0x64: {  	_ =	shalt  }
0x65: {  	_ =	shalt  }
0x66: {  	_ =	shalt  }
0x67: {  	_ =	shalt  }
0x68: {  	_ =	shalt  }
0x69: {  	_ =	shalt  }
0x6a: {  	_ =	shalt  }
0x6b: {  	_ =	shalt  }
0x6c: {  	_ =	shalt  }
0x6d: {  	_ =	shalt  }
0x6e: {  	_ =	shalt  }
0x6f: {  	_ =	shalt  }
0x70: {  	_ =	shalt  }
0x71: {  	_ =	shalt  }
0x72: {  	_ =	shalt  }
0x73: {  	_ =	shalt  }
0x74: {  	_ =	shalt  }
0x75: {  	_ =	shalt  }
0x76: {  	_ =	shalt  }
0x77: {  	_ =	shalt  }
0x78: {  	_ =	shalt  }
0x79: {  	_ =	shalt  }
0x7a: {  	_ =	shalt  }
0x7b: {  	_ =	shalt  }
0x7c: {  	_ =	shalt  }
0x7d: {  	_ =	shalt  }
0x7e: {  	_ =	shalt  }
0x7f: {  	_ =	shalt  }
0x80: {  	_ =	shalt  }
0x81: {  	_ =	shalt  }
0x82: {  	_ =	shalt  }
0x83: {  	_ =	shalt  }
0x84: {  	_ =	shalt  }
0x85: {  	_ =	shalt  }
0x86: {  	_ =	shalt  }
0x87: {  	_ =	shalt  }
.Lfunc_end0:
.L_simem_size_0:
called_computation_lowered:
.L_overlay_start_0:
0x88: {  	s2 =	sld [smem:$0x3FD9]  }
0x89: {  	s3 =	sld [smem:$0x3FFE];
	_ =	sdelay $0x1  }
0x8a: {  	s1 =	srdreg.scid  }
0x8b: {  	s0 =	sand.u32 $0x1, s1  }
0x8c: {  	s16 =	sshll.u32 s0, $0xA;
	s2 =	sadd.s32 s3, s2  }
0x8d: {  	s2 =	sadd.s32 s2, s16  }
0x8e: {  	[smem:$0x3FC3] =	sst s2  }
0x8f: {  	_ = 	snop  }
0x90: {  	(tm) =	ssettm $0x1  }
0x91: {  	s17 =	sld [smem:$0x3FFB];
	_ =	sdelay $0x3  }
0x92: {  	_ =	strace s17  }
0x93: {  	s2 =	sld [smem:$0x3FFC];
	_ =	sdelay $0x3  }
0x94: {  	_ =	strace s2  }
0x95: {  	s2 =	sld [smem:$0x3FFD];
	_ =	sdelay $0x3  }
0x96: {  	_ =	strace s2  }
0x97: {  	_ =	strace $0x8FFFFFFF  }
0x98: {  	s18 =	sld [smem:$0x3FDB];
	_ =	sdelay $0x1  }
0x99: {  	s19 =	simm.s32 $_scs_section_size  }
0x9a: {  	s4 =	simm.s32 $_size__tile_overlayer_lowered;
	s5 =	simm.s32 $_tile_overlayer_lowered  }
0x9b: {  	s22 =	simm.s32 $0x1BFF;
	s21 =	sshll.u32 s5, $0x1;
	s2 =	sadd.s32 s19, s18  }
0x9c: {  	s6 =	simm.s32 $0x0;
	s20 =	sshll.u32 s4, $0x1;
	s4 =	sadd.s32 s21, s2  }
0x9d: {  	[timem:s6], [sflag:s22] =	dma.local [hbm:s4], s20  }
0x9e: {  	_ =	swait.ge [sflag:s22], s20  }
0x9f: {  	s3 =	ssub.s32 $0x0, s20;
	[sflag:s22] =	ssyncset.done $0x0  }
0xa0: {  	[sflag:s22] =	ssyncadd.s32 s3;
	_ =	sdelay $0x1  }
0xa1: {  	s23 =	simm.s32 $0x1B8B  }
0xa2: {  	_ =	swait.ge [sflag:s23], $0x1  }
0xa3: {  	[sflag:s23] =	ssyncset.done $0x0  }
0xa4: {  	s25 =	simm.s32 $0x1B8E;
	s24 =	sld [smem:$0x3FFE];
	[sflag:s23] =	ssyncadd.s32 $0xFFFFFFFF  }
0xa5: {  	s26 =	simm.s32 $execute0_lowered;
	[smem:$0x3FD2] =	sst s25  }
0xa6: {  	s4 =	sshll.u32 s26, $0x1;
	_ =	strace $0x80000046;
	[dreg:$0x1] =	wrdreg $0xFFFFFFFF  }
0xa7: {  	s28 =	simm.s32 $_size_execute0_lowered;
	s2 =	sadd.s32 s2, s4;
	[dreg:$0x0] =	wrdreg $0x0  }
0xa8: {  	s4 =	sshll.u32 s28, $0x1;
	[dreg:$0x2] =	wrdreg s2  }
0xa9: {  	[dreg:$0x3] =	wrdreg s4  }
0xaa: {  	[dreg:$0x4] =	wrdreg $0xC0  }
0xab: {  	_ =	task [dreg:s6], $0x5FFFF  }
0xac: {  	[dreg:$0x1] =	wrdreg $0xFFFFFFFF  }
0xad: {  	[dreg:$0x0] =	wrdreg $0x60  }
0xae: {  	[dreg:$0x2] =	wrdreg s24  }
0xaf: {  	[dreg:$0x3] =	wrdreg $0x9  }
0xb0: {  	_ =	task.clear_ibuf [dreg:s6], $0x4FFFF;
	_ =	strace $0x90000046  }
0xb1: {  	s29 =	simm.s32 $0x9;
	_ =	strace $0x80000048  }
0xb2: {  	_ =	swait.ge [sflag:s29], $0x1  }
0xb3: {  	[sflag:s29] =	ssyncadd.s32 $0xFFFFFFFF  }
0xb4: {  	_ =	strace $0x90000048  }
0xb5: {  	_ =	sfence  }
0xb6: {  	s30 =	sld [smem:$0x0];
	_ =	sdelay $0x2  }
0xb7: {  	s31 =	sshll.u32 s1, $0xD;
	s1 =	sshrl.u32 s1, $0x2  }
0xb8: {  	s3 =	sand.u32 $0x4000, s31;
	s1 =	sadd.s32 s1, s30  }
0xb9: {  	s0 =	sor.u32 s3, s0;
	s1 =	sshll.u32 s1, $0x11  }
0xba: {  	s0 =	sor.u32 s1, s0  }
0xbb: {  	s0 =	sadd.s32 $0x8F2B, s0  }
0xbc: {  	[sflag:s0] =	ssyncadd.remote.s32 $0x1  }
0xbd: {  	_ =	sfence.sel $0xFFFF  }
0xbe: {  	[dreg:$0x0] =	wrdreg $0xFFFFFFFF;
	(pc) =	sbr.abs _section_cstart, $3  }
0xbf: {  	[dreg:$0x1] =	wrdreg $0xFFFFFFFF  }
0xc0: {  	_ =	task.clear_ibuf [dreg:s6], $0x2FFFF;
	_ =	strace $0x9FFFFFFF  }
0xc1: {  	(tm) =	ssettm $0x7FFFFFFF  }
tec
execute0_lowered:
.L_overlay_start_1:
0x0: {  	(tag) =	ssettag $0x1  }
0x1: {  	s0 =	srdreg.scid;
	s5 =	rddreg [dreg:$0x0]  }
0x2: {  	s1 =	stileid.u32;
	s6 =	simm.s32 $0x1;
	s9 =	simm.s32 $0x1  }
0x3: {  	s10 =	simm.s32 $0x3;
	s13 =	simm.s32 $0x0;
	s2 =	sshll.u32 s0, $0x7  }
0x4: {  	s12 =	simm.s32 $0x0;
	s3 =	sshll.u32 s1, $0x8;
	s2 =	sand.u32 $0x80, s2  }
0x5: {  	s0 =	rddreg [dreg:$0x1];
	_ =	strace $0x80000047;
	s2 =	sor.u32 s3, s2  }
0x6: {  	s4 =	sadd.s32 $0x10000, s5;
	[sflag:s6] =	ssyncpa.u1 $0x0;
	s8 =	ssub.s32 $0x2000, s2  }
.Ltmp0:
0x7: {  	s3 =	sadd.s32 $0x10400, s5;
	s7 =	sand.u32 $0xF80, s8;
	(pc) =	sbr.rel .LBB2_1-.Ltmp0, $4  }
0x8: {  	s5 =	sadd.s32 $0x12600, s5;
	s11 =	smov.u32 s2;
	p0 =	sne.s32 s7, $0x0  }
0x9: {  	s8 =	sshrl.u32 s8, $0xC;
	s7 =	simm.s32 $0x2;
	s9 =	simm.s32 @!p0 $0x0  }
0xa: {  	[sflag:s7] =	ssyncpa.u1 $0x0;
	p0 =	por $0x0, $0x0;
	s8 =	sadd.s32 s9, s8  }
0xb: {  	vm0 =	vmmov $0xffff;
	[sflag:s10] =	ssyncpa.u1 $0x0;
	s10 =	simm.s32 $0x0;
	s9 =	sadd.s32 $0x1, s8  }
.LBB2_4:
0xc: {  	v1 =	vsel vm1, $0xFFFFFFFF, v1;
	v2 =	vand.u32 $0x7, v2  }
0xd: {  	v2 =	vsel vm1, $0xFFFFFFFF, v2;
	v3 =	vshll.u32 v1, $0x3  }
0xe: {  	v4 =	vand.u32 $0xFFFF0000, v2;
	v3 =	vand.u32 $0xFFFFFC00, v3;
	v2 =	vshll.u32 v2, $0x7  }
0xf: {  	v3 =	vadd.s32 v3, v4;
	v2 =	vand.u32 $0x380, v2  }
0x10: {  	v1 =	vand.u32 $0x7F, v1;
	v2 =	vor.u32 v2, v3  }
0x11: {  	v1 =	vor.u32 v1, v2;
	_ =	sdelay $0x1  }
0x12: {  	(ifvalue) =	ssetifvalue $0x7FFFFFFF;
	s15 =	sadd.s32 $0x10, s15  }
0x13: {  	[tilespmem:s15], [sflag:$0x1] =	stream.indirect_vreg.gather [hbm4b:s3+s10], $0x1, v0, vm0, $0x4038;
	[tilespmem:$0x200] =	vst v63  }
0x14: {  	(ifvalue) =	ssetifvalue $0x7FFFFFFF;
	s15 =	sadd.s32 $0x10, s15  }
0x15: {  	[tilespmem:s15], [sflag:$0x1] =	stream.indirect_vreg.gather [hbm4b:s3+s10], $0x1, v1, vm0, $0x4038;
	[tilespmem:$0x200] =	vst v63  }
0x16: {  	_ =	swait.ge [sflag:s6], $0x80  }
0x17: {  	s30 =	sshrl.u32 s13, $0x3;
	[sflag:s6] =	ssyncset.done $0x0  }
0x18: {  	s31 =	sand.u32 $0x7, s13;
	s15 =	sadd.s32 s5, s30;
	[sflag:s6] =	ssyncadd.s32 $0xFFFFFF80  }
0x19: {  	[hbm4b:s15+s31] =	stream.linear.scatter [tilespmem:s14], [sflag:$0x3], $0x80, $0x38;
	[tilespmem:$0x200] =	vst v63  }
.LBB2_5:
0x1a: {  	s15 =	sadd.s32 $0x1000, s11  }
0x1b: {  	p2 =	sgt.s32 s15, $0x1FFF  }
0x1c: {  	s15 =	smov.u32 @p2 s2;
	p2 =	sne.s32 s12, s9  }
.Ltmp1:
0x1d: {  	p1 =	slt.u32 s12, $0x2;
	(pc) =	sbr.rel @!p2 .LBB2_6-.Ltmp1, $4  }
0x1e: {  	s14 =	simm.s32 @!p1 $0x3  }
0x1f: {  	s16 =	sadd.s32 $0x1, s12;
	_ =	swait.ge @!p1 [sflag:s14], $0x80  }
0x20: {  	s13 =	smov.u32 s11;
	p0 =	por !p0, !p0;
	[sflag:s14] =	ssyncset.done @!p1 $0x0  }
0x21: {  	s12 =	smov.u32 s16;
	s11 =	smov.u32 s15;
	[sflag:s14] =	ssyncadd.s32 @!p1 $0xFFFFFF80  }
.LBB2_1:
0x22: {  	p1 =	sge.u32 s12, s8  }
0x23: {  	s14 =	sxor.u32 @!p1 $0xFFFFFFFF, s12  }
0x24: {  	s31 =	sadd.s32 $0xFFFFFFFF, s12;
	s15 =	sshrl.u32 @!p1 s11, $0x3;
	s14 =	sshll.u32 @!p1 s14, $0x7  }
0x25: {  	s16 =	sand.u32 @!p1 $0x7, s11;
	s15 =	sadd.s32 @!p1 s4, s15;
	s14 =	sand.u32 @!p1 $0x80, s14  }
0x26: {  	[tilespmem:s14], [sflag:$0x2] =	stream.linear.gather @!p1 [hbm4b:s15+s16], $0x80, $0x38;
	[tilespmem:$0x200] =	vst v63  }
0x27: {  	p1 =	sge.u32 s31, s8  }
.Ltmp2:
0x28: {  	_ = 	snop;
	(pc) =	sbr.rel @p1 .LBB2_5-.Ltmp2, $1  }
0x29: {  	_ =	sdelay $0x3  }
0x2a: {  	s14 =	simm.s32 $0x1  }
0x2b: {  	_ =	swait.ge [sflag:s7], $0x80;
	s14 =	simm.s32 @!p0 $0x0  }
0x2c: {  	[sflag:s7] =	ssyncset.done $0x0;
	s14 =	sshll.u32 s14, $0x7  }
0x2d: {  	[sflag:s7] =	ssyncadd.s32 $0xFFFFFF80;
	(ifvalue) =	ssetifvalue $0x7FFFFFFF;
	v0 =	vld.msk [tilespmem:s14+$0x0 ss:$0x1], $0xffff;
	_ =	sdelay $0x3  }
0x2e: {  	s15 =	sadd.s32 $0x10, s14  }
0x2f: {  	v2 =	vld.msk [tilespmem:s15+$0x0 ss:$0x1], $0xffff;
	vm1 =	veq.s32 v0, $0x80000000;
	v1 =	vand.u32 $0x1FFF, v0;
	v0 =	vshrl.u32 v0, $0xD  }
0x30: {  	v1 =	vsel vm1, $0xFFFFFFFF, v1;
	v0 =	vand.u32 $0x7, v0  }
0x31: {  	v0 =	vsel vm1, $0xFFFFFFFF, v0;
	v3 =	vshll.u32 v1, $0x3  }
0x32: {  	v4 =	vand.u32 $0xFFFF0000, v0;
	v3 =	vand.u32 $0xFFFFFC00, v3;
	v0 =	vshll.u32 v0, $0x7  }
0x33: {  	v3 =	vadd.s32 v3, v4;
	v0 =	vand.u32 $0x380, v0  }
0x34: {  	v1 =	vand.u32 $0x7F, v1;
	vm1 =	veq.s32 v2, $0x80000000;
	v0 =	vor.u32 v0, v3  }
0x35: {  	v0 =	vor.u32 v1, v0;
	v1 =	vand.u32 $0x1FFF, v2;
	v2 =	vshrl.u32 v2, $0xD  }
0x36: {  	s17 =	sadd.s32 $0x10, s15;
	v1 =	vsel vm1, $0xFFFFFFFF, v1;
	v2 =	vand.u32 $0x7, v2  }
0x37: {  	v3 =	vld.msk [tilespmem:s17+$0x0 ss:$0x1], $0xffff;
	v2 =	vsel vm1, $0xFFFFFFFF, v2;
	v63 =	vshll.u32 v1, $0x3  }
0x38: {  	v5 =	vand.u32 $0xFFFF0000, v2;
	v4 =	vand.u32 $0xFFFFFC00, v63;
	v2 =	vshll.u32 v2, $0x7  }
0x39: {  	s31 =	sshll.u32 s12, $0x7;
	s15 =	sor.u32 $0x100, s14;
	(ifvalue) =	ssetifvalue $0x7FFFFFFF;
	v4 =	vadd.s32 v4, v5;
	v2 =	vand.u32 $0x380, v2  }
0x3a: {  	[tilespmem:s15], [sflag:$0x1] =	stream.indirect_vreg.gather [hbm4b:s3+s10], $0x1, v0, vm0, $0x4038;
	v0 =	vand.u32 $0x7F, v1;
	v1 =	vor.u32 v2, v4;
	[tilespmem:$0x200] =	vst v63  }
0x3b: {  	s14 =	sand.u32 $0x80, s31;
	v0 =	vor.u32 v0, v1  }
0x3c: {  	s16 =	simm.s32 $0x20;
	s14 =	sor.u32 $0x100, s14;
	s17 =	sadd.s32 $0x10, s17;
	vm1 =	veq.s32 v3, $0x80000000;
	v2 =	vshrl.u32 v3, $0xD;
	v1 =	vand.u32 $0x1FFF, v3  }
.LBB2_3:
0x3d: {  	v3 =	vld.msk [tilespmem:s17+$0x0 ss:$0x1], $0xffff;
	s16 =	sadd.s32 $0x10, s16;
	v1 =	vsel vm1, $0xFFFFFFFF, v1;
	v2 =	vand.u32 $0x7, v2  }
0x3e: {  	p1 =	slt.u32 s16, $0x70;
	v2 =	vsel vm1, $0xFFFFFFFF, v2;
	v4 =	vshll.u32 v1, $0x3  }
.Ltmp3:
0x3f: {  	s15 =	sadd.s32 $0x10, s15;
	v5 =	vand.u32 $0xFFFF0000, v2;
	v4 =	vand.u32 $0xFFFFFC00, v4;
	v2 =	vshll.u32 v2, $0x7;
	(ifvalue) =	ssetifvalue $0x7FFFFFFF;
	(pc) =	sbr.rel @p1 .LBB2_3-.Ltmp3, $4  }
0x40: {  	v4 =	vadd.s32 v4, v5;
	v2 =	vand.u32 $0x380, v2;
	[tilespmem:s15], [sflag:$0x1] =	stream.indirect_vreg.gather [hbm4b:s3+s10], $0x1, v0, vm0, $0x4038;
	[tilespmem:$0x200] =	vst v63  }
0x41: {  	v0 =	vand.u32 $0x7F, v1;
	v1 =	vor.u32 v2, v4  }
0x42: {  	v0 =	vor.u32 v0, v1  }
0x43: {  	s17 =	sadd.s32 $0x10, s17;
	vm1 =	veq.s32 v3, $0x80000000;
	v1 =	vand.u32 $0x1FFF, v3;
	v2 =	vshrl.u32 v3, $0xD  }
.Ltmp4:
0x44: {  	_ = 	snop;
	(pc) =	sbr.rel .LBB2_4-.Ltmp4, $1  }
0x45: {  	_ =	sdelay $0x3  }
.LBB2_6:
0x46: {  	_ =	sfence.sel $0x180000  }
0x47: {  	s2 =	simm.s32 $0x2;
	[bflag:$0x0] =	sbarrier.arrive $0xFFFF  }
0x48: {  	s30 =	simm.s32 $0x3;
	[sflag:s2] =	ssyncpa.u1 $0x1  }
0x49: {  	s31 =	simm.s32 $0x1;
	[sflag:s30] =	ssyncpa.u1 $0x1  }
0x4a: {  	[sflag:s31] =	ssyncpa.u1 $0x1  }
0x4b: {  	p0 =	sne.s32 s1, $0x0;
	_ =	strace $0x90000047  }
0x4c: {  	s0 =	sadd.s32 @!p0 $0x100000, s0;
	[bflag:$0x2] =	sbarrier.arrive $0xFFFF  }
0x4d: {  	[sflag:s0] =	ssyncadd.tile.s32 @!p0 $0x1;
	_ =	shalt  }
.Lfunc_end2:
_tile_overlayer_lowered:
.L_overlay_start_2:
0x4e: {  	(tag) =	ssettag $0x2  }
0x4f: {  	s0 =	rddreg [dreg:$0x0];
	s2 =	stileid.u32  }
0x50: {  	s1 =	rddreg [dreg:$0x1];
	p0 =	sne.s32 s2, $0x0  }
0x51: {  	s3 =	rddreg [dreg:$0x2];
	[bflag:$0x3] =	sbarrier.arrive $0xFFFF;
	s2 =	simm.s32 @!p0 $0x1C01  }
0x52: {  	[timem:s3], [sflag:s2] =	dma.local @!p0 [hbm:s0], s1  }
0x53: {  	s0 =	simm.s32 @!p0 $0x1  }
0x54: {  	_ =	swait.ge @!p0 [sflag:s0], s1  }
0x55: {  	s1 =	ssub.s32 @!p0 $0x0, s1;
	[sflag:s0] =	ssyncset.done @!p0 $0x0  }
0x56: {  	[sflag:s0] =	ssyncadd.s32 @!p0 s1  }
0x57: {  	[bflag:$0x3] =	sbarrier.arrive $0xFFFF  }
0x58: {  	_ =	shalt  }

// kernel: kernel.6.cloned.1.call-start
scs
__scs_entry_jumppad:
0x0: {  	(pc) =	sbr.rel $0x88, $3  }
0x1: {  	(tag) =	ssettag $0x0;
	lr =	simm.s32 $0x1  }
0x2: {  	[smem:$0x3F9C] =	sst lr;
	_ =	strace $0xD0000000  }
0x3: {  	_ = 	snop  }
0x4: {  	_ = 	snop  }
0x5: {  	_ = 	snop  }
0x6: {  	_ = 	snop  }
0x7: {  	_ = 	snop  }
__scs_overlays_trampoline_lowered:
0x8: {  	[smem:$0x3FAB] =	sst s0  }
0x9: {  	[smem:$0x3FAC] =	sst s1  }
0xa: {  	[smem:$0x3FAD] =	sst s2  }
0xb: {  	[smem:$0x3FAE] =	sst s3  }
0xc: {  	[smem:$0x3FAF] =	sst s4  }
0xd: {  	[smem:$0x3FB0] =	sst s5  }
0xe: {  	[smem:$0x3FB1] =	sst s6  }
0xf: {  	[smem:$0x3FB2] =	sst s7  }
0x10: {  	[smem:$0x3FB3] =	sst s8  }
0x11: {  	[smem:$0x3FB4] =	sst s9;
	s0 =	simm.s32 @!p0 $0x0  }
0x12: {  	s1 =	sld [smem:$0x3F9A];
	s0 =	simm.s32 @p0 $0x1  }
0x13: {  	[smem:$0x3FB5] =	sst s0;
	s0 =	simm.s32 @!p1 $0x0  }
0x14: {  	s2 =	sld [smem:$0x3F99];
	s0 =	simm.s32 @p1 $0x1  }
0x15: {  	[smem:$0x3FB6] =	sst s0;
	s0 =	simm.s32 @!p2 $0x0  }
0x16: {  	s3 =	sld [smem:$0x3FDB];
	s0 =	simm.s32 @p2 $0x1  }
0x17: {  	s4 =	simm.s32 $0x1BF5;
	[smem:$0x3FB8] =	sst s0  }
0x18: {  	s0 =	sld [smem:$0x3F9B];
	_ =	swait.ge [sflag:s4], $0x0  }
0x19: {  	s7 =	sld [smem:$0x3F9C]  }
0x1a: {  	s8 =	sadd.s32 $0xFFFFE003, lr  }
0x1b: {  	s9 =	sadd.s32 $0xFFFFFEF7, lr;
	s5 =	simm.s32 $0xFFFFFFFF;
	p2 =	slt.u32 s8, $0xFFFFF086  }
0x1c: {  	p1 =	slt.u32 s9, $0xF7A;
	s5 =	simm.s32 @!p2 $0x0  }
0x1d: {  	s5 =	simm.s32 @p1 $0x1;
	p0 =	seq.s32 s7, s2  }
0x1e: {  	s7 =	smul.u32 @!p0 $0xF7A, s2;
	p2 =	seq.s32 @!p0 s5, $0x0  }
0x1f: {  	s9 =	smul.u32 $0xF7A, s1;
	s8 =	simm.s32 @!p0 $0x1BF5;
	p2 =	por !p2, p0  }
0x20: {  	[sflag:s8] =	ssyncset.s32 @!p0 $0xFFFFF086;
	s6 =	sadd.s32 @!p0 s3, s7;
	s7 =	simm.s32 @!p0 $0x108  }
0x21: {  	s3 =	sadd.s32 s3, s9;
	s6 =	sadd.s32 @!p0 $0x88, s6;
	s7 =	simm.s32 @p2 $0x1082  }
0x22: {  	[simem:s7], [sflag:s8] =	dma.local @!p0 [hbm:s6], $0xF7A  }
0x23: {  	s9 =	sor.u32 $0xD0000000, s2;
	s6 =	simm.s32 $0x108;
	_ =	swait.ge @!p0 [sflag:s8], $0x0  }
0x24: {  	s3 =	sadd.s32 $0x88, s3;
	s6 =	simm.s32 @!p1 $0x1082;
	[sflag:s4] =	ssyncset.s32 $0xFFFFF086  }
0x25: {  	[simem:s6], [sflag:s4] =	dma.local [hbm:s3], $0xF7A  }
0x26: {  	[smem:$0x3F9C] =	sst s1;
	(tag) =	ssettag s2;
	_ =	strace s9  }
0x27: {  	s1 =	sld [smem:$0x3FAC]  }
0x28: {  	s2 =	sld [smem:$0x3FAD]  }
0x29: {  	s4 =	sld [smem:$0x3FAF]  }
0x2a: {  	p0 =	seq.s32 s5, $0x0;
	s5 =	sld [smem:$0x3FB0]  }
0x2b: {  	s6 =	sld [smem:$0x3FB1]  }
0x2c: {  	s7 =	sld [smem:$0x3FB2]  }
0x2d: {  	s3 =	simm.s32 $0x108;
	s8 =	sld [smem:$0x3FB3]  }
0x2e: {  	s3 =	simm.s32 @!p0 $0x1082;
	s9 =	sld [smem:$0x3FB4]  }
0x2f: {  	lr =	sadd.s32 s0, s3;
	s0 =	sld [smem:$0x3FAB]  }
0x30: {  	s3 =	sld [smem:$0x3FAE]  }
0x31: {  	[smem:$0x3FB7] =	sst s10  }
0x32: {  	s10 =	sld [smem:$0x3FB5];
	_ =	sdelay $0x3  }
0x33: {  	p0 =	seq.s32 s10, $0x1;
	s10 =	sld [smem:$0x3FB7];
	_ =	sdelay $0x3  }
0x34: {  	[smem:$0x3FB7] =	sst s10  }
0x35: {  	s10 =	sld [smem:$0x3FB6];
	_ =	sdelay $0x3  }
0x36: {  	p1 =	seq.s32 s10, $0x1;
	s10 =	sld [smem:$0x3FB7];
	_ =	sdelay $0x3  }
0x37: {  	[smem:$0x3FB7] =	sst s10  }
0x38: {  	s10 =	sld [smem:$0x3FB8]  }
0x39: {  	_ = 	snop;
	(pc) =	sbr.ind lr, $3  }
0x3a: {  	_ = 	snop  }
0x3b: {  	_ = 	snop  }
0x3c: {  	p2 =	seq.s32 s10, $0x1;
	s10 =	sld [smem:$0x3FB7]  }
0x3d: {  	_ =	shalt  }
0x3e: {  	_ =	shalt  }
0x3f: {  	_ =	shalt  }
0x40: {  	_ =	shalt  }
0x41: {  	_ =	shalt  }
0x42: {  	_ =	shalt  }
0x43: {  	_ =	shalt  }
0x44: {  	_ =	shalt  }
0x45: {  	_ =	shalt  }
0x46: {  	_ =	shalt  }
0x47: {  	_ =	shalt  }
0x48: {  	_ =	shalt  }
0x49: {  	_ =	shalt  }
0x4a: {  	_ =	shalt  }
0x4b: {  	_ =	shalt  }
0x4c: {  	_ =	shalt  }
0x4d: {  	_ =	shalt  }
0x4e: {  	_ =	shalt  }
0x4f: {  	_ =	shalt  }
0x50: {  	_ =	shalt  }
0x51: {  	_ =	shalt  }
0x52: {  	_ =	shalt  }
0x53: {  	_ =	shalt  }
0x54: {  	_ =	shalt  }
0x55: {  	_ =	shalt  }
0x56: {  	_ =	shalt  }
0x57: {  	_ =	shalt  }
0x58: {  	_ =	shalt  }
0x59: {  	_ =	shalt  }
0x5a: {  	_ =	shalt  }
0x5b: {  	_ =	shalt  }
0x5c: {  	_ =	shalt  }
0x5d: {  	_ =	shalt  }
0x5e: {  	_ =	shalt  }
0x5f: {  	_ =	shalt  }
0x60: {  	_ =	shalt  }
0x61: {  	_ =	shalt  }
0x62: {  	_ =	shalt  }
0x63: {  	_ =	shalt  }
0x64: {  	_ =	shalt  }
0x65: {  	_ =	shalt  }
0x66: {  	_ =	shalt  }
0x67: {  	_ =	shalt  }
0x68: {  	_ =	shalt  }
0x69: {  	_ =	shalt  }
0x6a: {  	_ =	shalt  }
0x6b: {  	_ =	shalt  }
0x6c: {  	_ =	shalt  }
0x6d: {  	_ =	shalt  }
0x6e: {  	_ =	shalt  }
0x6f: {  	_ =	shalt  }
0x70: {  	_ =	shalt  }
0x71: {  	_ =	shalt  }
0x72: {  	_ =	shalt  }
0x73: {  	_ =	shalt  }
0x74: {  	_ =	shalt  }
0x75: {  	_ =	shalt  }
0x76: {  	_ =	shalt  }
0x77: {  	_ =	shalt  }
0x78: {  	_ =	shalt  }
0x79: {  	_ =	shalt  }
0x7a: {  	_ =	shalt  }
0x7b: {  	_ =	shalt  }
0x7c: {  	_ =	shalt  }
0x7d: {  	_ =	shalt  }
0x7e: {  	_ =	shalt  }
0x7f: {  	_ =	shalt  }
0x80: {  	_ =	shalt  }
0x81: {  	_ =	shalt  }
0x82: {  	_ =	shalt  }
0x83: {  	_ =	shalt  }
0x84: {  	_ =	shalt  }
0x85: {  	_ =	shalt  }
0x86: {  	_ =	shalt  }
0x87: {  	_ =	shalt  }
.Lfunc_end0:
.L_simem_size_0:
called_computation.1_lowered:
.L_overlay_start_0:
0x88: {  	s2 =	sld [smem:$0x3FD9]  }
0x89: {  	s3 =	sld [smem:$0x3FFE];
	_ =	sdelay $0x1  }
0x8a: {  	s1 =	srdreg.scid  }
0x8b: {  	s0 =	sand.u32 $0x1, s1  }
0x8c: {  	s17 =	sshll.u32 s0, $0xA;
	s2 =	sadd.s32 s3, s2  }
0x8d: {  	s2 =	sadd.s32 s2, s17  }
0x8e: {  	[smem:$0x3FC3] =	sst s2  }
0x8f: {  	_ = 	snop  }
0x90: {  	s2 =	sld [smem:$0x3FC9];
	(tm) =	ssettm $0x1  }
0x91: {  	s18 =	sld [smem:$0x3FFB];
	_ =	sdelay $0x3  }
0x92: {  	_ =	strace s18  }
0x93: {  	s3 =	sld [smem:$0x3FFC];
	_ =	sdelay $0x3  }
0x94: {  	_ =	strace s3  }
0x95: {  	s3 =	sld [smem:$0x3FFD];
	_ =	sdelay $0x3  }
0x96: {  	_ =	strace s3  }
0x97: {  	_ =	strace $0x8FFFFFFF  }
0x98: {  	s19 =	sld [smem:$0x3FDB];
	_ =	sdelay $0x1  }
0x99: {  	s4 =	simm.s32 $_scs_section_size  }
0x9a: {  	s5 =	simm.s32 $_size__tile_overlayer_lowered;
	s6 =	simm.s32 $_tile_overlayer_lowered  }
0x9b: {  	s22 =	simm.s32 $0x1BFF;
	s21 =	sshll.u32 s6, $0x1;
	s3 =	sadd.s32 s4, s19  }
0x9c: {  	s7 =	simm.s32 $0x0;
	s20 =	sshll.u32 s5, $0x1;
	s5 =	sadd.s32 s21, s3  }
0x9d: {  	[timem:s7], [sflag:s22] =	dma.local [hbm:s5], s20  }
0x9e: {  	_ =	swait.ge [sflag:s22], s20  }
0x9f: {  	s4 =	ssub.s32 $0x0, s20;
	[sflag:s22] =	ssyncset.done $0x0  }
0xa0: {  	[sflag:s22] =	ssyncadd.s32 s4;
	_ =	sdelay $0x1  }
0xa1: {  	s23 =	simm.s32 $0x1B8B  }
0xa2: {  	_ =	swait.ge [sflag:s23], $0x1  }
0xa3: {  	[sflag:s23] =	ssyncset.done $0x0  }
0xa4: {  	s25 =	simm.s32 $0x1B8E;
	s24 =	sld [smem:$0x3FFE];
	[sflag:s23] =	ssyncadd.s32 $0xFFFFFFFF  }
0xa5: {  	s26 =	simm.s32 $execute0_lowered;
	[smem:$0x3FD2] =	sst s25  }
0xa6: {  	s5 =	sshll.u32 s26, $0x1;
	_ =	strace $0x80000049;
	[dreg:$0x1] =	wrdreg $0xFFFFFFFF  }
0xa7: {  	s28 =	simm.s32 $_size_execute0_lowered;
	s3 =	sadd.s32 s3, s5;
	[dreg:$0x0] =	wrdreg $0x0  }
0xa8: {  	s5 =	sshll.u32 s28, $0x1;
	[dreg:$0x2] =	wrdreg s3  }
0xa9: {  	[dreg:$0x3] =	wrdreg s5  }
0xaa: {  	[dreg:$0x4] =	wrdreg $0xC0  }
0xab: {  	_ =	task [dreg:s7], $0x5FFFF  }
0xac: {  	[dreg:$0x1] =	wrdreg $0xFFFFFFFF  }
0xad: {  	[dreg:$0x0] =	wrdreg $0x60  }
0xae: {  	[dreg:$0x2] =	wrdreg s2  }
0xaf: {  	[dreg:$0x3] =	wrdreg s24  }
0xb0: {  	[dreg:$0x4] =	wrdreg $0x9  }
0xb1: {  	_ =	task.clear_ibuf [dreg:s7], $0x5FFFF;
	_ =	strace $0x90000049  }
0xb2: {  	s29 =	simm.s32 $0x9;
	_ =	strace $0x8000004B  }
0xb3: {  	_ =	swait.ge [sflag:s29], $0x1  }
0xb4: {  	[sflag:s29] =	ssyncadd.s32 $0xFFFFFFFF  }
0xb5: {  	_ =	strace $0x9000004B  }
0xb6: {  	_ =	sfence  }
0xb7: {  	s30 =	sld [smem:$0x0];
	_ =	sdelay $0x2  }
0xb8: {  	s31 =	sshll.u32 s1, $0xD;
	s1 =	sshrl.u32 s1, $0x2  }
0xb9: {  	s3 =	sand.u32 $0x4000, s31;
	s1 =	sadd.s32 s1, s30  }
0xba: {  	s0 =	sor.u32 s3, s0;
	s1 =	sshll.u32 s1, $0x11  }
0xbb: {  	s0 =	sor.u32 s1, s0  }
0xbc: {  	s0 =	sadd.s32 $0x8F2B, s0  }
0xbd: {  	[sflag:s0] =	ssyncadd.remote.s32 $0x1  }
0xbe: {  	_ =	sfence.sel $0xFFFF  }
0xbf: {  	[dreg:$0x0] =	wrdreg $0xFFFFFFFF;
	(pc) =	sbr.abs _section_cstart, $3  }
0xc0: {  	[dreg:$0x1] =	wrdreg $0xFFFFFFFF  }
0xc1: {  	_ =	task.clear_ibuf [dreg:s7], $0x2FFFF;
	_ =	strace $0x9FFFFFFF  }
0xc2: {  	(tm) =	ssettm $0x7FFFFFFF  }
0xc3: {  	_ =	shalt  }
tec
execute0_lowered:
.L_overlay_start_1:
0x0: {  	(tag) =	ssettag $0x1  }
0x1: {  	s0 =	srdreg.scid;
	s1 =	stileid.u32  }
0x2: {  	s0 =	sand.u32 $0x1, s0;
	s1 =	sshll.u32 s1, $0x1  }
0x3: {  	s1 =	sor.u32 s0, s1  }
0x4: {  	s2 =	rddreg [dreg:$0x0];
	s5 =	smul.u32 $0x30, s1  }
0x5: {  	s4 =	rddreg [dreg:$0x1]  }
0x6: {  	s3 =	simm.s32 $0x0;
	s6 =	smul.u32 $0x18000, s1;
	s5 =	sadd.s32 s5, s4  }
0x7: {  	[smem:$0x7FF] =	sst s3;
	s4 =	sadd.s32 $0x12A00, s4;
	s5 =	sadd.s32 $0x10000, s5  }
0x8: {  	_ =	strace $0x8000004A;
	s6 =	sadd.s32 s4, s6;
	[dreg:$0x3] =	wrdreg s5  }
0x9: {  	s17 =	sadd.s32 $0x1800, s6;
	[dreg:$0x13] =	wrdreg s6  }
0xa: {  	s1 =	smul.u32 $0xC0000, s1;
	s18 =	sadd.s32 $0x3000, s6;
	[dreg:$0x4] =	wrdreg s17  }
0xb: {  	s19 =	sadd.s32 $0x4800, s6;
	[dreg:$0x5] =	wrdreg s18  }
0xc: {  	s1 =	sshrl.u32 s1, $0x3;
	s20 =	sadd.s32 $0x6000, s6;
	[dreg:$0x6] =	wrdreg s19  }
0xd: {  	s1 =	sadd.s32 s4, s1;
	s21 =	sadd.s32 $0x7800, s6;
	[dreg:$0x7] =	wrdreg s20  }
0xe: {  	s7 =	sadd.s32 $0x300, s2;
	s4 =	sadd.s32 $0x9000, s1;
	[dreg:$0x8] =	wrdreg s21  }
0xf: {  	s8 =	sadd.s32 $0x400, s2;
	s22 =	sadd.s32 $0xA800, s1;
	[dreg:$0x9] =	wrdreg s4  }
0x10: {  	s9 =	sadd.s32 $0x500, s2;
	s23 =	sadd.s32 $0xC000, s1;
	[dreg:$0xa] =	wrdreg s22  }
0x11: {  	s10 =	sadd.s32 $0x600, s2;
	s25 =	sadd.s32 $0xD800, s1;
	[dreg:$0xb] =	wrdreg s23  }
0x12: {  	s11 =	sadd.s32 $0x700, s2;
	s26 =	sadd.s32 $0xF000, s1;
	[dreg:$0xc] =	wrdreg s25  }
0x13: {  	s0 =	ssub.s32 $0x2, s0;
	s28 =	sadd.s32 $0x10800, s1;
	[dreg:$0xd] =	wrdreg s26  }
0x14: {  	s24 =	sshrl.u32 s0, $0x1;
	s29 =	sadd.s32 $0x12000, s1;
	[dreg:$0xe] =	wrdreg s28  }
0x15: {  	s0 =	ssub.s32 s0, s24;
	s30 =	sadd.s32 $0x13800, s1;
	[dreg:$0xf] =	wrdreg s29  }
0x16: {  	s24 =	simm.s32 $0x3;
	s31 =	sadd.s32 $0x15000, s1;
	[dreg:$0x10] =	wrdreg s30  }
0x17: {  	v2 =	vlaneseq.u32;
	s0 =	smax.u32 s0, $0x1;
	s1 =	sadd.s32 $0x16800, s1;
	[dreg:$0x11] =	wrdreg s31  }
0x18: {  	vm0 =	vmmov $0xffff;
	v1 =	vshrl.u32 v2, $0x3;
	s5 =	sadd.s32 $0x100, s2;
	s6 =	sadd.s32 $0x200, s2;
	[dreg:$0x12] =	wrdreg s1  }
0x19: {  	v0 =	vand.u32 $0x7, v2;
	v2 =	vor.u32 $0x8, v2;
	v1 =	vmul.u32 $0x8, v1;
	s23 =	simm.s32 $0x1;
	s25 =	simm.s32 $0x2;
	s26 =	simm.s32 $0x4  }
.LBB2_1:
0x1a: {  	[dreg:$0x14] =	wrdreg s0  }
0x1b: {  	s28 =	rddreg [dreg:$0x3];
	s14 =	simm.s32 $0x5  }
0x1c: {  	[tilespmem:s3], [sflag:$0x5] =	stream.linear.gather [hbm4b:s28+s3], $0x180, $0x38;
	[tilespmem:$0x18180] =	vst v63  }
0x1d: {  	_ =	swait.ge [sflag:s14], $0x180  }
0x1e: {  	[sflag:s14] =	ssyncset.done $0x0  }
0x1f: {  	[sflag:s14] =	ssyncadd.s32 $0xFFFFFE80  }
0x20: {  	v3 =	vld [tilespmem:$0x0];
	_ =	sdelay $0x4  }
0x21: {  	v4 =	vshll.u32 v3, $0x4  }
0x22: {  	v3 =	vand.u32 $0x7, v3;
	v4 =	vand.u32 $0xFFFFFF80, v4  }
0x23: {  	v3 =	vor.u32 v3, v4  }
0x24: {  	v4 =	vperm.xlane v3, v0;
	_ =	sdelay $0x1  }
0x25: {  	v4 =	vadd.s32 v1, v4;
	_ =	sdelay $0x3  }
0x26: {  	s15 =	simm.s32 $0x180  }
0x27: {  	[tilespmem:s15], [sflag:$0x1] =	stream.indirect_vreg.gather [hbm4b:s2+s3], $0x80, v4, vm0, $0xb8;
	[tilespmem:$0x18180] =	vst v63  }
0x28: {  	s16 =	simm.s32 $0x980  }
0x29: {  	[tilespmem:s16], [sflag:$0x1] =	stream.indirect_vreg.gather [hbm4b:s5+s3], $0x80, v4, vm0, $0xb8;
	[tilespmem:$0x18180] =	vst v63  }
0x2a: {  	s17 =	simm.s32 $0x1180  }
0x2b: {  	[tilespmem:s17], [sflag:$0x1] =	stream.indirect_vreg.gather [hbm4b:s6+s3], $0x80, v4, vm0, $0xb8;
	[tilespmem:$0x18180] =	vst v63  }
0x2c: {  	s18 =	simm.s32 $0x1980  }
0x2d: {  	[tilespmem:s18], [sflag:$0x1] =	stream.indirect_vreg.gather [hbm4b:s7+s3], $0x80, v4, vm0, $0xb8;
	[tilespmem:$0x18180] =	vst v63  }
0x2e: {  	s19 =	simm.s32 $0x2180  }
0x2f: {  	[tilespmem:s19], [sflag:$0x1] =	stream.indirect_vreg.gather [hbm4b:s8+s3], $0x80, v4, vm0, $0xb8;
	[tilespmem:$0x18180] =	vst v63  }
0x30: {  	s20 =	simm.s32 $0x2980;
	v3 =	vperm.xlane v3, v2  }
0x31: {  	[tilespmem:s20], [sflag:$0x1] =	stream.indirect_vreg.gather [hbm4b:s9+s3], $0x80, v4, vm0, $0xb8;
	[tilespmem:$0x18180] =	vst v63  }
0x32: {  	s21 =	simm.s32 $0x3180;
	v3 =	vadd.s32 v1, v3  }
0x33: {  	[tilespmem:s21], [sflag:$0x1] =	stream.indirect_vreg.gather [hbm4b:s10+s3], $0x80, v4, vm0, $0xb8;
	[tilespmem:$0x18180] =	vst v63  }
0x34: {  	s22 =	simm.s32 $0x3980  }
0x35: {  	[tilespmem:s22], [sflag:$0x1] =	stream.indirect_vreg.gather [hbm4b:s11+s3], $0x80, v4, vm0, $0xb8;
	[tilespmem:$0x18180] =	vst v63  }
0x36: {  	s28 =	simm.s32 $0x4180  }
0x37: {  	[tilespmem:s28], [sflag:$0x1] =	stream.indirect_vreg.gather [hbm4b:s2+s3], $0x80, v3, vm0, $0xb8;
	[tilespmem:$0x18180] =	vst v63  }
0x38: {  	s29 =	simm.s32 $0x4980  }
0x39: {  	[tilespmem:s29], [sflag:$0x1] =	stream.indirect_vreg.gather [hbm4b:s5+s3], $0x80, v3, vm0, $0xb8;
	[tilespmem:$0x18180] =	vst v63  }
0x3a: {  	s30 =	simm.s32 $0x5180  }
0x3b: {  	[tilespmem:s30], [sflag:$0x1] =	stream.indirect_vreg.gather [hbm4b:s6+s3], $0x80, v3, vm0, $0xb8;
	[tilespmem:$0x18180] =	vst v63  }
0x3c: {  	s31 =	simm.s32 $0x5980  }
0x3d: {  	[tilespmem:s31], [sflag:$0x1] =	stream.indirect_vreg.gather [hbm4b:s7+s3], $0x80, v3, vm0, $0xb8;
	[tilespmem:$0x18180] =	vst v63  }
0x3e: {  	s1 =	simm.s32 $0x6180  }
0x3f: {  	[tilespmem:s1], [sflag:$0x1] =	stream.indirect_vreg.gather [hbm4b:s8+s3], $0x80, v3, vm0, $0xb8;
	[tilespmem:$0x18180] =	vst v63  }
0x40: {  	s4 =	simm.s32 $0x6980  }
0x41: {  	[tilespmem:s4], [sflag:$0x1] =	stream.indirect_vreg.gather [hbm4b:s9+s3], $0x80, v3, vm0, $0xb8;
	[tilespmem:$0x18180] =	vst v63  }
0x42: {  	s14 =	simm.s32 $0x7180  }
0x43: {  	[tilespmem:s14], [sflag:$0x1] =	stream.indirect_vreg.gather [hbm4b:s10+s3], $0x80, v3, vm0, $0xb8;
	[tilespmem:$0x18180] =	vst v63  }
0x44: {  	s15 =	simm.s32 $0x7980  }
0x45: {  	[tilespmem:s15], [sflag:$0x1] =	stream.indirect_vreg.gather [hbm4b:s11+s3], $0x80, v3, vm0, $0xb8;
	[tilespmem:$0x18180] =	vst v63  }
0x46: {  	v3 =	vld.msk [tilespmem:$0x10], $0xff;
	_ =	sdelay $0x4  }
0x47: {  	v33 =	vshll.u32 v3, $0x4  }
0x48: {  	v3 =	vand.u32 $0x7, v3;
	v4 =	vand.u32 $0xFFFFFF80, v33  }
0x49: {  	v3 =	vor.u32 v3, v4  }
0x4a: {  	v3 =	vperm.xlane v3, v0;
	_ =	sdelay $0x1  }
0x4b: {  	v3 =	vadd.s32 v1, v3;
	_ =	sdelay $0x3  }
0x4c: {  	s16 =	simm.s32 $0x8180  }
0x4d: {  	[tilespmem:s16], [sflag:$0x1] =	stream.indirect_vreg.gather [hbm4b:s2+s3], $0x80, v3, vm0, $0xb8;
	[tilespmem:$0x18180] =	vst v63  }
0x4e: {  	s17 =	simm.s32 $0x8980  }
0x4f: {  	[tilespmem:s17], [sflag:$0x1] =	stream.indirect_vreg.gather [hbm4b:s5+s3], $0x80, v3, vm0, $0xb8;
	[tilespmem:$0x18180] =	vst v63  }
0x50: {  	s19 =	simm.s32 $0x9180  }
0x51: {  	[tilespmem:s19], [sflag:$0x1] =	stream.indirect_vreg.gather [hbm4b:s6+s3], $0x80, v3, vm0, $0xb8;
	[tilespmem:$0x18180] =	vst v63  }
0x52: {  	s20 =	simm.s32 $0x9980  }
0x53: {  	[tilespmem:s20], [sflag:$0x1] =	stream.indirect_vreg.gather [hbm4b:s7+s3], $0x80, v3, vm0, $0xb8;
	[tilespmem:$0x18180] =	vst v63  }
0x54: {  	s21 =	simm.s32 $0xA180  }
0x55: {  	[tilespmem:s21], [sflag:$0x1] =	stream.indirect_vreg.gather [hbm4b:s8+s3], $0x80, v3, vm0, $0xb8;
	[tilespmem:$0x18180] =	vst v63  }
0x56: {  	s22 =	simm.s32 $0xA980  }
0x57: {  	[tilespmem:s22], [sflag:$0x1] =	stream.indirect_vreg.gather [hbm4b:s9+s3], $0x80, v3, vm0, $0xb8;
	[tilespmem:$0x18180] =	vst v63  }
0x58: {  	s28 =	simm.s32 $0xB180  }
0x59: {  	[tilespmem:s28], [sflag:$0x1] =	stream.indirect_vreg.gather [hbm4b:s10+s3], $0x80, v3, vm0, $0xb8;
	[tilespmem:$0x18180] =	vst v63  }
0x5a: {  	s29 =	simm.s32 $0xB980  }
0x5b: {  	[tilespmem:s29], [sflag:$0x1] =	stream.indirect_vreg.gather [hbm4b:s11+s3], $0x80, v3, vm0, $0xb8;
	[tilespmem:$0x18180] =	vst v63  }
0x5c: {  	v3 =	vld [tilespmem:$0x18];
	_ =	sdelay $0x4  }
0x5d: {  	v34 =	vshll.u32 v3, $0x4  }
0x5e: {  	v3 =	vand.u32 $0x7, v3;
	v4 =	vand.u32 $0xFFFFFF80, v34  }
0x5f: {  	v3 =	vor.u32 v3, v4  }
0x60: {  	v4 =	vperm.xlane v3, v0;
	_ =	sdelay $0x1  }
0x61: {  	v4 =	vadd.s32 v1, v4;
	_ =	sdelay $0x3  }
0x62: {  	s30 =	simm.s32 $0xC180  }
0x63: {  	[tilespmem:s30], [sflag:$0x2] =	stream.indirect_vreg.gather [hbm4b:s2+s3], $0x80, v4, vm0, $0xb8;
	[tilespmem:$0x18180] =	vst v63  }
0x64: {  	s31 =	simm.s32 $0xC980  }
0x65: {  	[tilespmem:s31], [sflag:$0x2] =	stream.indirect_vreg.gather [hbm4b:s5+s3], $0x80, v4, vm0, $0xb8;
	[tilespmem:$0x18180] =	vst v63  }
0x66: {  	s0 =	simm.s32 $0xD180  }
0x67: {  	[tilespmem:s0], [sflag:$0x2] =	stream.indirect_vreg.gather [hbm4b:s6+s3], $0x80, v4, vm0, $0xb8;
	[tilespmem:$0x18180] =	vst v63  }
0x68: {  	s1 =	simm.s32 $0xD980  }
0x69: {  	[tilespmem:s1], [sflag:$0x2] =	stream.indirect_vreg.gather [hbm4b:s7+s3], $0x80, v4, vm0, $0xb8;
	[tilespmem:$0x18180] =	vst v63  }
0x6a: {  	s4 =	simm.s32 $0xE180  }
0x6b: {  	[tilespmem:s4], [sflag:$0x2] =	stream.indirect_vreg.gather [hbm4b:s8+s3], $0x80, v4, vm0, $0xb8;
	[tilespmem:$0x18180] =	vst v63  }
0x6c: {  	s14 =	simm.s32 $0xE980;
	v3 =	vperm.xlane v3, v2  }
0x6d: {  	[tilespmem:s14], [sflag:$0x2] =	stream.indirect_vreg.gather [hbm4b:s9+s3], $0x80, v4, vm0, $0xb8;
	[tilespmem:$0x18180] =	vst v63  }
0x6e: {  	s15 =	simm.s32 $0xF180;
	v3 =	vadd.s32 v1, v3  }
0x6f: {  	[tilespmem:s15], [sflag:$0x2] =	stream.indirect_vreg.gather [hbm4b:s10+s3], $0x80, v4, vm0, $0xb8;
	[tilespmem:$0x18180] =	vst v63  }
0x70: {  	s16 =	simm.s32 $0xF980  }
0x71: {  	[tilespmem:s16], [sflag:$0x2] =	stream.indirect_vreg.gather [hbm4b:s11+s3], $0x80, v4, vm0, $0xb8;
	[tilespmem:$0x18180] =	vst v63  }
0x72: {  	s17 =	simm.s32 $0x10180  }
0x73: {  	[tilespmem:s17], [sflag:$0x2] =	stream.indirect_vreg.gather [hbm4b:s2+s3], $0x80, v3, vm0, $0xb8;
	[tilespmem:$0x18180] =	vst v63  }
0x74: {  	s19 =	simm.s32 $0x10980  }
0x75: {  	[tilespmem:s19], [sflag:$0x2] =	stream.indirect_vreg.gather [hbm4b:s5+s3], $0x80, v3, vm0, $0xb8;
	[tilespmem:$0x18180] =	vst v63  }
0x76: {  	s20 =	simm.s32 $0x11180  }
0x77: {  	[tilespmem:s20], [sflag:$0x2] =	stream.indirect_vreg.gather [hbm4b:s6+s3], $0x80, v3, vm0, $0xb8;
	[tilespmem:$0x18180] =	vst v63  }
0x78: {  	s21 =	simm.s32 $0x11980  }
0x79: {  	[tilespmem:s21], [sflag:$0x2] =	stream.indirect_vreg.gather [hbm4b:s7+s3], $0x80, v3, vm0, $0xb8;
	[tilespmem:$0x18180] =	vst v63  }
0x7a: {  	s22 =	simm.s32 $0x12180  }
0x7b: {  	[tilespmem:s22], [sflag:$0x2] =	stream.indirect_vreg.gather [hbm4b:s8+s3], $0x80, v3, vm0, $0xb8;
	[tilespmem:$0x18180] =	vst v63  }
0x7c: {  	s29 =	simm.s32 $0x12980  }
0x7d: {  	[tilespmem:s29], [sflag:$0x2] =	stream.indirect_vreg.gather [hbm4b:s9+s3], $0x80, v3, vm0, $0xb8;
	[tilespmem:$0x18180] =	vst v63  }
0x7e: {  	s30 =	simm.s32 $0x13180  }
0x7f: {  	[tilespmem:s30], [sflag:$0x2] =	stream.indirect_vreg.gather [hbm4b:s10+s3], $0x80, v3, vm0, $0xb8;
	[tilespmem:$0x18180] =	vst v63  }
0x80: {  	s31 =	simm.s32 $0x13980  }
0x81: {  	[tilespmem:s31], [sflag:$0x2] =	stream.indirect_vreg.gather [hbm4b:s11+s3], $0x80, v3, vm0, $0xb8;
	[tilespmem:$0x18180] =	vst v63  }
0x82: {  	v3 =	vld.msk [tilespmem:$0x28], $0xff;
	_ =	sdelay $0x4  }
0x83: {  	v35 =	vshll.u32 v3, $0x4  }
0x84: {  	v3 =	vand.u32 $0x7, v3;
	v4 =	vand.u32 $0xFFFFFF80, v35  }
0x85: {  	v3 =	vor.u32 v3, v4  }
0x86: {  	v3 =	vperm.xlane v3, v0;
	_ =	sdelay $0x1  }
0x87: {  	v3 =	vadd.s32 v1, v3;
	_ =	sdelay $0x3  }
0x88: {  	s0 =	simm.s32 $0x14180  }
0x89: {  	[tilespmem:s0], [sflag:$0x2] =	stream.indirect_vreg.gather [hbm4b:s2+s3], $0x80, v3, vm0, $0xb8;
	[tilespmem:$0x18180] =	vst v63  }
0x8a: {  	s1 =	simm.s32 $0x14980  }
0x8b: {  	[tilespmem:s1], [sflag:$0x2] =	stream.indirect_vreg.gather [hbm4b:s5+s3], $0x80, v3, vm0, $0xb8;
	[tilespmem:$0x18180] =	vst v63  }
0x8c: {  	s4 =	simm.s32 $0x15180  }
0x8d: {  	[tilespmem:s4], [sflag:$0x2] =	stream.indirect_vreg.gather [hbm4b:s6+s3], $0x80, v3, vm0, $0xb8;
	[tilespmem:$0x18180] =	vst v63  }
0x8e: {  	s14 =	simm.s32 $0x15980  }
0x8f: {  	[tilespmem:s14], [sflag:$0x2] =	stream.indirect_vreg.gather [hbm4b:s7+s3], $0x80, v3, vm0, $0xb8;
	[tilespmem:$0x18180] =	vst v63  }
0x90: {  	s15 =	simm.s32 $0x16180  }
0x91: {  	[tilespmem:s15], [sflag:$0x2] =	stream.indirect_vreg.gather [hbm4b:s8+s3], $0x80, v3, vm0, $0xb8;
	[tilespmem:$0x18180] =	vst v63  }
0x92: {  	s16 =	simm.s32 $0x16980  }
0x93: {  	[tilespmem:s16], [sflag:$0x2] =	stream.indirect_vreg.gather [hbm4b:s9+s3], $0x80, v3, vm0, $0xb8;
	[tilespmem:$0x18180] =	vst v63  }
0x94: {  	s17 =	simm.s32 $0x17180  }
0x95: {  	[tilespmem:s17], [sflag:$0x2] =	stream.indirect_vreg.gather [hbm4b:s10+s3], $0x80, v3, vm0, $0xb8;
	[tilespmem:$0x18180] =	vst v63  }
0x96: {  	s19 =	simm.s32 $0x17980  }
0x97: {  	[tilespmem:s19], [sflag:$0x2] =	stream.indirect_vreg.gather [hbm4b:s11+s3], $0x80, v3, vm0, $0xb8;
	[tilespmem:$0x18180] =	vst v63  }
0x98: {  	_ =	swait.ge [sflag:s23], $0xC000  }
0x99: {  	[sflag:s23] =	ssyncset.done $0x0  }
0x9a: {  	s21 =	simm.s32 $0x180;
	s20 =	rddreg [dreg:$0x13];
	[sflag:s23] =	ssyncadd.s32 $0xFFFF4000  }
0x9b: {  	[hbm4b:s20+s3] =	stream.linear.scatter [tilespmem:s21], [sflag:$0x3], $0xC000, $0x38;
	[tilespmem:$0x18180] =	vst v63  }
0x9c: {  	_ =	swait.ge [sflag:s24], $0xC000  }
0x9d: {  	[sflag:s24] =	ssyncset.done $0x0  }
0x9e: {  	[sflag:s24] =	ssyncadd.s32 $0xFFFF4000  }
0x9f: {  	v3 =	vld [tilespmem:$0x30];
	_ =	sdelay $0x4  }
0xa0: {  	v36 =	vshll.u32 v3, $0x4  }
0xa1: {  	v3 =	vand.u32 $0x7, v3;
	v4 =	vand.u32 $0xFFFFFF80, v36  }
0xa2: {  	v3 =	vor.u32 v3, v4  }
0xa3: {  	v4 =	vperm.xlane v3, v0;
	_ =	sdelay $0x1  }
0xa4: {  	v4 =	vadd.s32 v1, v4;
	_ =	sdelay $0x4  }
0xa5: {  	[tilespmem:s21], [sflag:$0x1] =	stream.indirect_vreg.gather [hbm4b:s2+s3], $0x80, v4, vm0, $0xb8;
	[tilespmem:$0x18180] =	vst v63  }
0xa6: {  	s1 =	simm.s32 $0x980  }
0xa7: {  	[tilespmem:s1], [sflag:$0x1] =	stream.indirect_vreg.gather [hbm4b:s5+s3], $0x80, v4, vm0, $0xb8;
	[tilespmem:$0x18180] =	vst v63  }
0xa8: {  	s22 =	simm.s32 $0x1180  }
0xa9: {  	[tilespmem:s22], [sflag:$0x1] =	stream.indirect_vreg.gather [hbm4b:s6+s3], $0x80, v4, vm0, $0xb8;
	[tilespmem:$0x18180] =	vst v63  }
0xaa: {  	s4 =	simm.s32 $0x1980  }
0xab: {  	[tilespmem:s4], [sflag:$0x1] =	stream.indirect_vreg.gather [hbm4b:s7+s3], $0x80, v4, vm0, $0xb8;
	[tilespmem:$0x18180] =	vst v63  }
0xac: {  	s12 =	simm.s32 $0x2180  }
0xad: {  	[tilespmem:s12], [sflag:$0x1] =	stream.indirect_vreg.gather [hbm4b:s8+s3], $0x80, v4, vm0, $0xb8;
	[tilespmem:$0x18180] =	vst v63  }
0xae: {  	s13 =	simm.s32 $0x2980;
	v3 =	vperm.xlane v3, v2  }
0xaf: {  	[tilespmem:s13], [sflag:$0x1] =	stream.indirect_vreg.gather [hbm4b:s9+s3], $0x80, v4, vm0, $0xb8;
	[tilespmem:$0x18180] =	vst v63  }
0xb0: {  	v3 =	vadd.s32 v1, v3;
	s12 =	simm.s32 $0x3180  }
0xb1: {  	[tilespmem:s12], [sflag:$0x1] =	stream.indirect_vreg.gather [hbm4b:s10+s3], $0x80, v4, vm0, $0xb8;
	[tilespmem:$0x18180] =	vst v63  }
0xb2: {  	s13 =	simm.s32 $0x3980  }
0xb3: {  	[tilespmem:s13], [sflag:$0x1] =	stream.indirect_vreg.gather [hbm4b:s11+s3], $0x80, v4, vm0, $0xb8;
	[tilespmem:$0x18180] =	vst v63  }
0xb4: {  	s14 =	simm.s32 $0x4180  }
0xb5: {  	[tilespmem:s14], [sflag:$0x1] =	stream.indirect_vreg.gather [hbm4b:s2+s3], $0x80, v3, vm0, $0xb8;
	[tilespmem:$0x18180] =	vst v63  }
0xb6: {  	s15 =	simm.s32 $0x4980  }
0xb7: {  	[tilespmem:s15], [sflag:$0x1] =	stream.indirect_vreg.gather [hbm4b:s5+s3], $0x80, v3, vm0, $0xb8;
	[tilespmem:$0x18180] =	vst v63  }
0xb8: {  	s16 =	simm.s32 $0x5180  }
0xb9: {  	[tilespmem:s16], [sflag:$0x1] =	stream.indirect_vreg.gather [hbm4b:s6+s3], $0x80, v3, vm0, $0xb8;
	[tilespmem:$0x18180] =	vst v63  }
0xba: {  	s17 =	simm.s32 $0x5980  }
0xbb: {  	[tilespmem:s17], [sflag:$0x1] =	stream.indirect_vreg.gather [hbm4b:s7+s3], $0x80, v3, vm0, $0xb8;
	[tilespmem:$0x18180] =	vst v63  }
0xbc: {  	s30 =	simm.s32 $0x6180  }
0xbd: {  	[tilespmem:s30], [sflag:$0x1] =	stream.indirect_vreg.gather [hbm4b:s8+s3], $0x80, v3, vm0, $0xb8;
	[tilespmem:$0x18180] =	vst v63  }
0xbe: {  	s31 =	simm.s32 $0x6980  }
0xbf: {  	[tilespmem:s31], [sflag:$0x1] =	stream.indirect_vreg.gather [hbm4b:s9+s3], $0x80, v3, vm0, $0xb8;
	[tilespmem:$0x18180] =	vst v63  }
0xc0: {  	s29 =	simm.s32 $0x7180  }
0xc1: {  	[tilespmem:s29], [sflag:$0x1] =	stream.indirect_vreg.gather [hbm4b:s10+s3], $0x80, v3, vm0, $0xb8;
	[tilespmem:$0x18180] =	vst v63  }
0xc2: {  	s18 =	simm.s32 $0x7980  }
0xc3: {  	[tilespmem:s18], [sflag:$0x1] =	stream.indirect_vreg.gather [hbm4b:s11+s3], $0x80, v3, vm0, $0xb8;
	[tilespmem:$0x18180] =	vst v63  }
0xc4: {  	v3 =	vld.msk [tilespmem:$0x40], $0xff;
	_ =	sdelay $0x4  }
0xc5: {  	v37 =	vshll.u32 v3, $0x4  }
0xc6: {  	v3 =	vand.u32 $0x7, v3;
	v4 =	vand.u32 $0xFFFFFF80, v37  }
0xc7: {  	v3 =	vor.u32 v3, v4  }
0xc8: {  	v3 =	vperm.xlane v3, v0;
	_ =	sdelay $0x1  }
0xc9: {  	v3 =	vadd.s32 v1, v3;
	_ =	sdelay $0x3  }
0xca: {  	s22 =	simm.s32 $0x8180  }
0xcb: {  	[tilespmem:s22], [sflag:$0x1] =	stream.indirect_vreg.gather [hbm4b:s2+s3], $0x80, v3, vm0, $0xb8;
	[tilespmem:$0x18180] =	vst v63  }
0xcc: {  	s20 =	simm.s32 $0x8980  }
0xcd: {  	[tilespmem:s20], [sflag:$0x1] =	stream.indirect_vreg.gather [hbm4b:s5+s3], $0x80, v3, vm0, $0xb8;
	[tilespmem:$0x18180] =	vst v63  }
0xce: {  	s21 =	simm.s32 $0x9180  }
0xcf: {  	[tilespmem:s21], [sflag:$0x1] =	stream.indirect_vreg.gather [hbm4b:s6+s3], $0x80, v3, vm0, $0xb8;
	[tilespmem:$0x18180] =	vst v63  }
0xd0: {  	s19 =	simm.s32 $0x9980  }
0xd1: {  	[tilespmem:s19], [sflag:$0x1] =	stream.indirect_vreg.gather [hbm4b:s7+s3], $0x80, v3, vm0, $0xb8;
	[tilespmem:$0x18180] =	vst v63  }
0xd2: {  	s18 =	simm.s32 $0xA180  }
0xd3: {  	[tilespmem:s18], [sflag:$0x1] =	stream.indirect_vreg.gather [hbm4b:s8+s3], $0x80, v3, vm0, $0xb8;
	[tilespmem:$0x18180] =	vst v63  }
0xd4: {  	s28 =	simm.s32 $0xA980  }
0xd5: {  	[tilespmem:s28], [sflag:$0x1] =	stream.indirect_vreg.gather [hbm4b:s9+s3], $0x80, v3, vm0, $0xb8;
	[tilespmem:$0x18180] =	vst v63  }
0xd6: {  	s28 =	simm.s32 $0xB180  }
0xd7: {  	[tilespmem:s28], [sflag:$0x1] =	stream.indirect_vreg.gather [hbm4b:s10+s3], $0x80, v3, vm0, $0xb8;
	[tilespmem:$0x18180] =	vst v63  }
0xd8: {  	s28 =	simm.s32 $0xB980  }
0xd9: {  	[tilespmem:s28], [sflag:$0x1] =	stream.indirect_vreg.gather [hbm4b:s11+s3], $0x80, v3, vm0, $0xb8;
	[tilespmem:$0x18180] =	vst v63  }
0xda: {  	_ =	swait.ge [sflag:s25], $0xC000  }
0xdb: {  	[sflag:s25] =	ssyncset.done $0x0  }
0xdc: {  	s0 =	simm.s32 $0xC180;
	s28 =	rddreg [dreg:$0x4];
	[sflag:s25] =	ssyncadd.s32 $0xFFFF4000  }
0xdd: {  	[hbm4b:s28+s3] =	stream.linear.scatter [tilespmem:s0], [sflag:$0x4], $0xC000, $0x38;
	[tilespmem:$0x18180] =	vst v63  }
0xde: {  	_ =	swait.ge [sflag:s26], $0xC000  }
0xdf: {  	[sflag:s26] =	ssyncset.done $0x0  }
0xe0: {  	[sflag:s26] =	ssyncadd.s32 $0xFFFF4000  }
0xe1: {  	v3 =	vld [tilespmem:$0x48];
	_ =	sdelay $0x4  }
0xe2: {  	v38 =	vshll.u32 v3, $0x4  }
0xe3: {  	v3 =	vand.u32 $0x7, v3;
	v4 =	vand.u32 $0xFFFFFF80, v38  }
0xe4: {  	v3 =	vor.u32 v3, v4  }
0xe5: {  	v4 =	vperm.xlane v3, v0;
	_ =	sdelay $0x1  }
0xe6: {  	v4 =	vadd.s32 v1, v4;
	_ =	sdelay $0x4  }
0xe7: {  	[tilespmem:s0], [sflag:$0x2] =	stream.indirect_vreg.gather [hbm4b:s2+s3], $0x80, v4, vm0, $0xb8;
	[tilespmem:$0x18180] =	vst v63  }
0xe8: {  	s28 =	simm.s32 $0xC980  }
0xe9: {  	[tilespmem:s28], [sflag:$0x2] =	stream.indirect_vreg.gather [hbm4b:s5+s3], $0x80, v4, vm0, $0xb8;
	[tilespmem:$0x18180] =	vst v63  }
0xea: {  	s28 =	simm.s32 $0xD180  }
0xeb: {  	[tilespmem:s28], [sflag:$0x2] =	stream.indirect_vreg.gather [hbm4b:s6+s3], $0x80, v4, vm0, $0xb8;
	[tilespmem:$0x18180] =	vst v63  }
0xec: {  	s28 =	simm.s32 $0xD980  }
0xed: {  	[tilespmem:s28], [sflag:$0x2] =	stream.indirect_vreg.gather [hbm4b:s7+s3], $0x80, v4, vm0, $0xb8;
	[tilespmem:$0x18180] =	vst v63  }
0xee: {  	s28 =	simm.s32 $0xE180  }
0xef: {  	[tilespmem:s28], [sflag:$0x2] =	stream.indirect_vreg.gather [hbm4b:s8+s3], $0x80, v4, vm0, $0xb8;
	[tilespmem:$0x18180] =	vst v63  }
0xf0: {  	v3 =	vperm.xlane v3, v2;
	s28 =	simm.s32 $0xE980  }
0xf1: {  	[tilespmem:s28], [sflag:$0x2] =	stream.indirect_vreg.gather [hbm4b:s9+s3], $0x80, v4, vm0, $0xb8;
	[tilespmem:$0x18180] =	vst v63  }
0xf2: {  	v3 =	vadd.s32 v1, v3;
	s28 =	simm.s32 $0xF180  }
0xf3: {  	[tilespmem:s28], [sflag:$0x2] =	stream.indirect_vreg.gather [hbm4b:s10+s3], $0x80, v4, vm0, $0xb8;
	[tilespmem:$0x18180] =	vst v63  }
0xf4: {  	s28 =	simm.s32 $0xF980  }
0xf5: {  	[tilespmem:s28], [sflag:$0x2] =	stream.indirect_vreg.gather [hbm4b:s11+s3], $0x80, v4, vm0, $0xb8;
	[tilespmem:$0x18180] =	vst v63  }
0xf6: {  	s28 =	simm.s32 $0x10180  }
0xf7: {  	[tilespmem:s28], [sflag:$0x2] =	stream.indirect_vreg.gather [hbm4b:s2+s3], $0x80, v3, vm0, $0xb8;
	[tilespmem:$0x18180] =	vst v63  }
0xf8: {  	s28 =	simm.s32 $0x10980  }
0xf9: {  	[tilespmem:s28], [sflag:$0x2] =	stream.indirect_vreg.gather [hbm4b:s5+s3], $0x80, v3, vm0, $0xb8;
	[tilespmem:$0x18180] =	vst v63  }
0xfa: {  	s28 =	simm.s32 $0x11180  }
0xfb: {  	[tilespmem:s28], [sflag:$0x2] =	stream.indirect_vreg.gather [hbm4b:s6+s3], $0x80, v3, vm0, $0xb8;
	[tilespmem:$0x18180] =	vst v63  }
0xfc: {  	s28 =	simm.s32 $0x11980  }
0xfd: {  	[tilespmem:s28], [sflag:$0x2] =	stream.indirect_vreg.gather [hbm4b:s7+s3], $0x80, v3, vm0, $0xb8;
	[tilespmem:$0x18180] =	vst v63  }
0xfe: {  	s28 =	simm.s32 $0x12180  }
0xff: {  	[tilespmem:s28], [sflag:$0x2] =	stream.indirect_vreg.gather [hbm4b:s8+s3], $0x80, v3, vm0, $0xb8;
	[tilespmem:$0x18180] =	vst v63  }
0x100: {  	s28 =	simm.s32 $0x12980  }
0x101: {  	[tilespmem:s28], [sflag:$0x2] =	stream.indirect_vreg.gather [hbm4b:s9+s3], $0x80, v3, vm0, $0xb8;
	[tilespmem:$0x18180] =	vst v63  }
0x102: {  	s28 =	simm.s32 $0x13180  }
0x103: {  	[tilespmem:s28], [sflag:$0x2] =	stream.indirect_vreg.gather [hbm4b:s10+s3], $0x80, v3, vm0, $0xb8;
	[tilespmem:$0x18180] =	vst v63  }
0x104: {  	s28 =	simm.s32 $0x13980  }
0x105: {  	[tilespmem:s28], [sflag:$0x2] =	stream.indirect_vreg.gather [hbm4b:s11+s3], $0x80, v3, vm0, $0xb8;
	[tilespmem:$0x18180] =	vst v63  }
0x106: {  	v3 =	vld.msk [tilespmem:$0x58], $0xff;
	_ =	sdelay $0x4  }
0x107: {  	v39 =	vshll.u32 v3, $0x4  }
0x108: {  	v3 =	vand.u32 $0x7, v3;
	v4 =	vand.u32 $0xFFFFFF80, v39  }
0x109: {  	v3 =	vor.u32 v3, v4  }
0x10a: {  	v3 =	vperm.xlane v3, v0;
	_ =	sdelay $0x1  }
0x10b: {  	v3 =	vadd.s32 v1, v3;
	_ =	sdelay $0x3  }
0x10c: {  	s28 =	simm.s32 $0x14180  }
0x10d: {  	[tilespmem:s28], [sflag:$0x2] =	stream.indirect_vreg.gather [hbm4b:s2+s3], $0x80, v3, vm0, $0xb8;
	[tilespmem:$0x18180] =	vst v63  }
0x10e: {  	s28 =	simm.s32 $0x14980  }
0x10f: {  	[tilespmem:s28], [sflag:$0x2] =	stream.indirect_vreg.gather [hbm4b:s5+s3], $0x80, v3, vm0, $0xb8;
	[tilespmem:$0x18180] =	vst v63  }
0x110: {  	s28 =	simm.s32 $0x15180  }
0x111: {  	[tilespmem:s28], [sflag:$0x2] =	stream.indirect_vreg.gather [hbm4b:s6+s3], $0x80, v3, vm0, $0xb8;
	[tilespmem:$0x18180] =	vst v63  }
0x112: {  	s28 =	simm.s32 $0x15980  }
0x113: {  	[tilespmem:s28], [sflag:$0x2] =	stream.indirect_vreg.gather [hbm4b:s7+s3], $0x80, v3, vm0, $0xb8;
	[tilespmem:$0x18180] =	vst v63  }
0x114: {  	s28 =	simm.s32 $0x16180  }
0x115: {  	[tilespmem:s28], [sflag:$0x2] =	stream.indirect_vreg.gather [hbm4b:s8+s3], $0x80, v3, vm0, $0xb8;
	[tilespmem:$0x18180] =	vst v63  }
0x116: {  	s28 =	simm.s32 $0x16980  }
0x117: {  	[tilespmem:s28], [sflag:$0x2] =	stream.indirect_vreg.gather [hbm4b:s9+s3], $0x80, v3, vm0, $0xb8;
	[tilespmem:$0x18180] =	vst v63  }
0x118: {  	s28 =	simm.s32 $0x17180  }
0x119: {  	[tilespmem:s28], [sflag:$0x2] =	stream.indirect_vreg.gather [hbm4b:s10+s3], $0x80, v3, vm0, $0xb8;
	[tilespmem:$0x18180] =	vst v63  }
0x11a: {  	s28 =	simm.s32 $0x17980  }
0x11b: {  	[tilespmem:s28], [sflag:$0x2] =	stream.indirect_vreg.gather [hbm4b:s11+s3], $0x80, v3, vm0, $0xb8;
	[tilespmem:$0x18180] =	vst v63  }
0x11c: {  	_ =	swait.ge [sflag:s23], $0xC000  }
0x11d: {  	[sflag:s23] =	ssyncset.done $0x0  }
0x11e: {  	s0 =	simm.s32 $0x180;
	s28 =	rddreg [dreg:$0x5];
	[sflag:s23] =	ssyncadd.s32 $0xFFFF4000  }
0x11f: {  	[hbm4b:s28+s3] =	stream.linear.scatter [tilespmem:s0], [sflag:$0x3], $0xC000, $0x38;
	[tilespmem:$0x18180] =	vst v63  }
0x120: {  	_ =	swait.ge [sflag:s24], $0xC000  }
0x121: {  	[sflag:s24] =	ssyncset.done $0x0  }
0x122: {  	[sflag:s24] =	ssyncadd.s32 $0xFFFF4000  }
0x123: {  	v3 =	vld [tilespmem:$0x60];
	_ =	sdelay $0x4  }
0x124: {  	v40 =	vshll.u32 v3, $0x4  }
0x125: {  	v3 =	vand.u32 $0x7, v3;
	v4 =	vand.u32 $0xFFFFFF80, v40  }
0x126: {  	v3 =	vor.u32 v3, v4  }
0x127: {  	v4 =	vperm.xlane v3, v0;
	_ =	sdelay $0x1  }
0x128: {  	v4 =	vadd.s32 v1, v4;
	_ =	sdelay $0x4  }
0x129: {  	[tilespmem:s0], [sflag:$0x1] =	stream.indirect_vreg.gather [hbm4b:s2+s3], $0x80, v4, vm0, $0xb8;
	[tilespmem:$0x18180] =	vst v63  }
0x12a: {  	_ = 	snop  }
0x12b: {  	[tilespmem:s1], [sflag:$0x1] =	stream.indirect_vreg.gather [hbm4b:s5+s3], $0x80, v4, vm0, $0xb8;
	[tilespmem:$0x18180] =	vst v63  }
0x12c: {  	s28 =	simm.s32 $0x1180  }
0x12d: {  	[tilespmem:s28], [sflag:$0x1] =	stream.indirect_vreg.gather [hbm4b:s6+s3], $0x80, v4, vm0, $0xb8;
	[tilespmem:$0x18180] =	vst v63  }
0x12e: {  	_ = 	snop  }
0x12f: {  	[tilespmem:s4], [sflag:$0x1] =	stream.indirect_vreg.gather [hbm4b:s7+s3], $0x80, v4, vm0, $0xb8;
	[tilespmem:$0x18180] =	vst v63  }
0x130: {  	s1 =	simm.s32 $0x2180  }
0x131: {  	[tilespmem:s1], [sflag:$0x1] =	stream.indirect_vreg.gather [hbm4b:s8+s3], $0x80, v4, vm0, $0xb8;
	[tilespmem:$0x18180] =	vst v63  }
0x132: {  	v3 =	vperm.xlane v3, v2;
	s4 =	simm.s32 $0x2980  }
0x133: {  	[tilespmem:s4], [sflag:$0x1] =	stream.indirect_vreg.gather [hbm4b:s9+s3], $0x80, v4, vm0, $0xb8;
	[tilespmem:$0x18180] =	vst v63  }
0x134: {  	v3 =	vadd.s32 v1, v3  }
0x135: {  	[tilespmem:s12], [sflag:$0x1] =	stream.indirect_vreg.gather [hbm4b:s10+s3], $0x80, v4, vm0, $0xb8;
	[tilespmem:$0x18180] =	vst v63  }
0x136: {  	_ = 	snop  }
0x137: {  	[tilespmem:s13], [sflag:$0x1] =	stream.indirect_vreg.gather [hbm4b:s11+s3], $0x80, v4, vm0, $0xb8;
	[tilespmem:$0x18180] =	vst v63  }
0x138: {  	_ = 	snop  }
0x139: {  	[tilespmem:s14], [sflag:$0x1] =	stream.indirect_vreg.gather [hbm4b:s2+s3], $0x80, v3, vm0, $0xb8;
	[tilespmem:$0x18180] =	vst v63  }
0x13a: {  	_ = 	snop  }
0x13b: {  	[tilespmem:s15], [sflag:$0x1] =	stream.indirect_vreg.gather [hbm4b:s5+s3], $0x80, v3, vm0, $0xb8;
	[tilespmem:$0x18180] =	vst v63  }
0x13c: {  	_ = 	snop  }
0x13d: {  	[tilespmem:s16], [sflag:$0x1] =	stream.indirect_vreg.gather [hbm4b:s6+s3], $0x80, v3, vm0, $0xb8;
	[tilespmem:$0x18180] =	vst v63  }
0x13e: {  	_ = 	snop  }
0x13f: {  	[tilespmem:s17], [sflag:$0x1] =	stream.indirect_vreg.gather [hbm4b:s7+s3], $0x80, v3, vm0, $0xb8;
	[tilespmem:$0x18180] =	vst v63  }
0x140: {  	_ = 	snop  }
0x141: {  	[tilespmem:s30], [sflag:$0x1] =	stream.indirect_vreg.gather [hbm4b:s8+s3], $0x80, v3, vm0, $0xb8;
	[tilespmem:$0x18180] =	vst v63  }
0x142: {  	_ = 	snop  }
0x143: {  	[tilespmem:s31], [sflag:$0x1] =	stream.indirect_vreg.gather [hbm4b:s9+s3], $0x80, v3, vm0, $0xb8;
	[tilespmem:$0x18180] =	vst v63  }
0x144: {  	_ = 	snop  }
0x145: {  	[tilespmem:s29], [sflag:$0x1] =	stream.indirect_vreg.gather [hbm4b:s10+s3], $0x80, v3, vm0, $0xb8;
	[tilespmem:$0x18180] =	vst v63  }
0x146: {  	s17 =	simm.s32 $0x7980  }
0x147: {  	[tilespmem:s17], [sflag:$0x1] =	stream.indirect_vreg.gather [hbm4b:s11+s3], $0x80, v3, vm0, $0xb8;
	[tilespmem:$0x18180] =	vst v63  }
0x148: {  	v3 =	vld.msk [tilespmem:$0x70], $0xff;
	_ =	sdelay $0x4  }
0x149: {  	v41 =	vshll.u32 v3, $0x4  }
0x14a: {  	v3 =	vand.u32 $0x7, v3;
	v4 =	vand.u32 $0xFFFFFF80, v41  }
0x14b: {  	v3 =	vor.u32 v3, v4  }
0x14c: {  	v3 =	vperm.xlane v3, v0;
	_ =	sdelay $0x1  }
0x14d: {  	v3 =	vadd.s32 v1, v3;
	_ =	sdelay $0x4  }
0x14e: {  	[tilespmem:s22], [sflag:$0x1] =	stream.indirect_vreg.gather [hbm4b:s2+s3], $0x80, v3, vm0, $0xb8;
	[tilespmem:$0x18180] =	vst v63  }
0x14f: {  	_ = 	snop  }
0x150: {  	[tilespmem:s20], [sflag:$0x1] =	stream.indirect_vreg.gather [hbm4b:s5+s3], $0x80, v3, vm0, $0xb8;
	[tilespmem:$0x18180] =	vst v63  }
0x151: {  	_ = 	snop  }
0x152: {  	[tilespmem:s21], [sflag:$0x1] =	stream.indirect_vreg.gather [hbm4b:s6+s3], $0x80, v3, vm0, $0xb8;
	[tilespmem:$0x18180] =	vst v63  }
0x153: {  	_ = 	snop  }
0x154: {  	[tilespmem:s19], [sflag:$0x1] =	stream.indirect_vreg.gather [hbm4b:s7+s3], $0x80, v3, vm0, $0xb8;
	[tilespmem:$0x18180] =	vst v63  }
0x155: {  	_ = 	snop  }
0x156: {  	[tilespmem:s18], [sflag:$0x1] =	stream.indirect_vreg.gather [hbm4b:s8+s3], $0x80, v3, vm0, $0xb8;
	[tilespmem:$0x18180] =	vst v63  }
0x157: {  	s18 =	simm.s32 $0xA980  }
0x158: {  	[tilespmem:s18], [sflag:$0x1] =	stream.indirect_vreg.gather [hbm4b:s9+s3], $0x80, v3, vm0, $0xb8;
	[tilespmem:$0x18180] =	vst v63  }
0x159: {  	s21 =	simm.s32 $0xB180  }
0x15a: {  	[tilespmem:s21], [sflag:$0x1] =	stream.indirect_vreg.gather [hbm4b:s10+s3], $0x80, v3, vm0, $0xb8;
	[tilespmem:$0x18180] =	vst v63  }
0x15b: {  	s1 =	simm.s32 $0xB980  }
0x15c: {  	[tilespmem:s1], [sflag:$0x1] =	stream.indirect_vreg.gather [hbm4b:s11+s3], $0x80, v3, vm0, $0xb8;
	[tilespmem:$0x18180] =	vst v63  }
0x15d: {  	_ =	swait.ge [sflag:s25], $0xC000  }
0x15e: {  	[sflag:s25] =	ssyncset.done $0x0  }
0x15f: {  	s29 =	simm.s32 $0xC180;
	s22 =	rddreg [dreg:$0x6];
	[sflag:s25] =	ssyncadd.s32 $0xFFFF4000  }
0x160: {  	[hbm4b:s22+s3] =	stream.linear.scatter [tilespmem:s29], [sflag:$0x4], $0xC000, $0x38;
	[tilespmem:$0x18180] =	vst v63  }
0x161: {  	_ =	swait.ge [sflag:s26], $0xC000  }
0x162: {  	[sflag:s26] =	ssyncset.done $0x0  }
0x163: {  	[sflag:s26] =	ssyncadd.s32 $0xFFFF4000  }
0x164: {  	v3 =	vld [tilespmem:$0x78];
	_ =	sdelay $0x4  }
0x165: {  	v42 =	vshll.u32 v3, $0x4  }
0x166: {  	v3 =	vand.u32 $0x7, v3;
	v4 =	vand.u32 $0xFFFFFF80, v42  }
0x167: {  	v3 =	vor.u32 v3, v4  }
0x168: {  	v4 =	vperm.xlane v3, v0;
	_ =	sdelay $0x1  }
0x169: {  	v4 =	vadd.s32 v1, v4;
	_ =	sdelay $0x4  }
0x16a: {  	[tilespmem:s29], [sflag:$0x2] =	stream.indirect_vreg.gather [hbm4b:s2+s3], $0x80, v4, vm0, $0xb8;
	[tilespmem:$0x18180] =	vst v63  }
0x16b: {  	s12 =	simm.s32 $0xC980  }
0x16c: {  	[tilespmem:s12], [sflag:$0x2] =	stream.indirect_vreg.gather [hbm4b:s5+s3], $0x80, v4, vm0, $0xb8;
	[tilespmem:$0x18180] =	vst v63  }
0x16d: {  	s13 =	simm.s32 $0xD180  }
0x16e: {  	[tilespmem:s13], [sflag:$0x2] =	stream.indirect_vreg.gather [hbm4b:s6+s3], $0x80, v4, vm0, $0xb8;
	[tilespmem:$0x18180] =	vst v63  }
0x16f: {  	s14 =	simm.s32 $0xD980  }
0x170: {  	[tilespmem:s14], [sflag:$0x2] =	stream.indirect_vreg.gather [hbm4b:s7+s3], $0x80, v4, vm0, $0xb8;
	[tilespmem:$0x18180] =	vst v63  }
0x171: {  	s30 =	simm.s32 $0xE180  }
0x172: {  	[tilespmem:s30], [sflag:$0x2] =	stream.indirect_vreg.gather [hbm4b:s8+s3], $0x80, v4, vm0, $0xb8;
	[tilespmem:$0x18180] =	vst v63  }
0x173: {  	s31 =	simm.s32 $0xE980;
	v3 =	vperm.xlane v3, v2  }
0x174: {  	[tilespmem:s31], [sflag:$0x2] =	stream.indirect_vreg.gather [hbm4b:s9+s3], $0x80, v4, vm0, $0xb8;
	[tilespmem:$0x18180] =	vst v63  }
0x175: {  	s15 =	simm.s32 $0xF180;
	v3 =	vadd.s32 v1, v3  }
0x176: {  	[tilespmem:s15], [sflag:$0x2] =	stream.indirect_vreg.gather [hbm4b:s10+s3], $0x80, v4, vm0, $0xb8;
	[tilespmem:$0x18180] =	vst v63  }
0x177: {  	s16 =	simm.s32 $0xF980  }
0x178: {  	[tilespmem:s16], [sflag:$0x2] =	stream.indirect_vreg.gather [hbm4b:s11+s3], $0x80, v4, vm0, $0xb8;
	[tilespmem:$0x18180] =	vst v63  }
0x179: {  	s17 =	simm.s32 $0x10180  }
0x17a: {  	[tilespmem:s17], [sflag:$0x2] =	stream.indirect_vreg.gather [hbm4b:s2+s3], $0x80, v3, vm0, $0xb8;
	[tilespmem:$0x18180] =	vst v63  }
0x17b: {  	s19 =	simm.s32 $0x10980  }
0x17c: {  	[tilespmem:s19], [sflag:$0x2] =	stream.indirect_vreg.gather [hbm4b:s5+s3], $0x80, v3, vm0, $0xb8;
	[tilespmem:$0x18180] =	vst v63  }
0x17d: {  	s20 =	simm.s32 $0x11180  }
0x17e: {  	[tilespmem:s20], [sflag:$0x2] =	stream.indirect_vreg.gather [hbm4b:s6+s3], $0x80, v3, vm0, $0xb8;
	[tilespmem:$0x18180] =	vst v63  }
0x17f: {  	s21 =	simm.s32 $0x11980  }
0x180: {  	[tilespmem:s21], [sflag:$0x2] =	stream.indirect_vreg.gather [hbm4b:s7+s3], $0x80, v3, vm0, $0xb8;
	[tilespmem:$0x18180] =	vst v63  }
0x181: {  	s22 =	simm.s32 $0x12180  }
0x182: {  	[tilespmem:s22], [sflag:$0x2] =	stream.indirect_vreg.gather [hbm4b:s8+s3], $0x80, v3, vm0, $0xb8;
	[tilespmem:$0x18180] =	vst v63  }
0x183: {  	s29 =	simm.s32 $0x12980  }
0x184: {  	[tilespmem:s29], [sflag:$0x2] =	stream.indirect_vreg.gather [hbm4b:s9+s3], $0x80, v3, vm0, $0xb8;
	[tilespmem:$0x18180] =	vst v63  }
0x185: {  	s30 =	simm.s32 $0x13180  }
0x186: {  	[tilespmem:s30], [sflag:$0x2] =	stream.indirect_vreg.gather [hbm4b:s10+s3], $0x80, v3, vm0, $0xb8;
	[tilespmem:$0x18180] =	vst v63  }
0x187: {  	s4 =	simm.s32 $0x13980  }
0x188: {  	[tilespmem:s4], [sflag:$0x2] =	stream.indirect_vreg.gather [hbm4b:s11+s3], $0x80, v3, vm0, $0xb8;
	[tilespmem:$0x18180] =	vst v63  }
0x189: {  	v3 =	vld.msk [tilespmem:$0x88], $0xff;
	_ =	sdelay $0x4  }
0x18a: {  	v43 =	vshll.u32 v3, $0x4  }
0x18b: {  	v3 =	vand.u32 $0x7, v3;
	v4 =	vand.u32 $0xFFFFFF80, v43  }
0x18c: {  	v3 =	vor.u32 v3, v4  }
0x18d: {  	v3 =	vperm.xlane v3, v0;
	_ =	sdelay $0x1  }
0x18e: {  	v3 =	vadd.s32 v1, v3;
	_ =	sdelay $0x3  }
0x18f: {  	s31 =	simm.s32 $0x14180  }
0x190: {  	[tilespmem:s31], [sflag:$0x2] =	stream.indirect_vreg.gather [hbm4b:s2+s3], $0x80, v3, vm0, $0xb8;
	[tilespmem:$0x18180] =	vst v63  }
0x191: {  	s4 =	simm.s32 $0x14980  }
0x192: {  	[tilespmem:s4], [sflag:$0x2] =	stream.indirect_vreg.gather [hbm4b:s5+s3], $0x80, v3, vm0, $0xb8;
	[tilespmem:$0x18180] =	vst v63  }
0x193: {  	s28 =	simm.s32 $0x15180  }
0x194: {  	[tilespmem:s28], [sflag:$0x2] =	stream.indirect_vreg.gather [hbm4b:s6+s3], $0x80, v3, vm0, $0xb8;
	[tilespmem:$0x18180] =	vst v63  }
0x195: {  	s28 =	simm.s32 $0x15980  }
0x196: {  	[tilespmem:s28], [sflag:$0x2] =	stream.indirect_vreg.gather [hbm4b:s7+s3], $0x80, v3, vm0, $0xb8;
	[tilespmem:$0x18180] =	vst v63  }
0x197: {  	s28 =	simm.s32 $0x16180  }
0x198: {  	[tilespmem:s28], [sflag:$0x2] =	stream.indirect_vreg.gather [hbm4b:s8+s3], $0x80, v3, vm0, $0xb8;
	[tilespmem:$0x18180] =	vst v63  }
0x199: {  	s28 =	simm.s32 $0x16980  }
0x19a: {  	[tilespmem:s28], [sflag:$0x2] =	stream.indirect_vreg.gather [hbm4b:s9+s3], $0x80, v3, vm0, $0xb8;
	[tilespmem:$0x18180] =	vst v63  }
0x19b: {  	s28 =	simm.s32 $0x17180  }
0x19c: {  	[tilespmem:s28], [sflag:$0x2] =	stream.indirect_vreg.gather [hbm4b:s10+s3], $0x80, v3, vm0, $0xb8;
	[tilespmem:$0x18180] =	vst v63  }
0x19d: {  	s28 =	simm.s32 $0x17980  }
0x19e: {  	[tilespmem:s28], [sflag:$0x2] =	stream.indirect_vreg.gather [hbm4b:s11+s3], $0x80, v3, vm0, $0xb8;
	[tilespmem:$0x18180] =	vst v63  }
0x19f: {  	_ =	swait.ge [sflag:s23], $0xC000  }
0x1a0: {  	[sflag:s23] =	ssyncset.done $0x0  }
0x1a1: {  	s0 =	simm.s32 $0x180;
	s28 =	rddreg [dreg:$0x7];
	[sflag:s23] =	ssyncadd.s32 $0xFFFF4000  }
0x1a2: {  	[hbm4b:s28+s3] =	stream.linear.scatter [tilespmem:s0], [sflag:$0x3], $0xC000, $0x38;
	[tilespmem:$0x18180] =	vst v63  }
0x1a3: {  	_ =	swait.ge [sflag:s24], $0xC000  }
0x1a4: {  	[sflag:s24] =	ssyncset.done $0x0  }
0x1a5: {  	[sflag:s24] =	ssyncadd.s32 $0xFFFF4000  }
0x1a6: {  	v3 =	vld [tilespmem:$0x90];
	_ =	sdelay $0x4  }
0x1a7: {  	v44 =	vshll.u32 v3, $0x4  }
0x1a8: {  	v3 =	vand.u32 $0x7, v3;
	v4 =	vand.u32 $0xFFFFFF80, v44  }
0x1a9: {  	v3 =	vor.u32 v3, v4  }
0x1aa: {  	v4 =	vperm.xlane v3, v0;
	_ =	sdelay $0x1  }
0x1ab: {  	v4 =	vadd.s32 v1, v4;
	_ =	sdelay $0x4  }
0x1ac: {  	[tilespmem:s0], [sflag:$0x1] =	stream.indirect_vreg.gather [hbm4b:s2+s3], $0x80, v4, vm0, $0xb8;
	[tilespmem:$0x18180] =	vst v63  }
0x1ad: {  	s28 =	simm.s32 $0x980  }
0x1ae: {  	[tilespmem:s28], [sflag:$0x1] =	stream.indirect_vreg.gather [hbm4b:s5+s3], $0x80, v4, vm0, $0xb8;
	[tilespmem:$0x18180] =	vst v63  }
0x1af: {  	s28 =	simm.s32 $0x1180  }
0x1b0: {  	[tilespmem:s28], [sflag:$0x1] =	stream.indirect_vreg.gather [hbm4b:s6+s3], $0x80, v4, vm0, $0xb8;
	[tilespmem:$0x18180] =	vst v63  }
0x1b1: {  	s28 =	simm.s32 $0x1980  }
0x1b2: {  	[tilespmem:s28], [sflag:$0x1] =	stream.indirect_vreg.gather [hbm4b:s7+s3], $0x80, v4, vm0, $0xb8;
	[tilespmem:$0x18180] =	vst v63  }
0x1b3: {  	s28 =	simm.s32 $0x2180  }
0x1b4: {  	[tilespmem:s28], [sflag:$0x1] =	stream.indirect_vreg.gather [hbm4b:s8+s3], $0x80, v4, vm0, $0xb8;
	[tilespmem:$0x18180] =	vst v63  }
0x1b5: {  	v3 =	vperm.xlane v3, v2;
	s28 =	simm.s32 $0x2980  }
0x1b6: {  	[tilespmem:s28], [sflag:$0x1] =	stream.indirect_vreg.gather [hbm4b:s9+s3], $0x80, v4, vm0, $0xb8;
	[tilespmem:$0x18180] =	vst v63  }
0x1b7: {  	v3 =	vadd.s32 v1, v3;
	s28 =	simm.s32 $0x3180  }
0x1b8: {  	[tilespmem:s28], [sflag:$0x1] =	stream.indirect_vreg.gather [hbm4b:s10+s3], $0x80, v4, vm0, $0xb8;
	[tilespmem:$0x18180] =	vst v63  }
0x1b9: {  	s28 =	simm.s32 $0x3980  }
0x1ba: {  	[tilespmem:s28], [sflag:$0x1] =	stream.indirect_vreg.gather [hbm4b:s11+s3], $0x80, v4, vm0, $0xb8;
	[tilespmem:$0x18180] =	vst v63  }
0x1bb: {  	s28 =	simm.s32 $0x4180  }
0x1bc: {  	[tilespmem:s28], [sflag:$0x1] =	stream.indirect_vreg.gather [hbm4b:s2+s3], $0x80, v3, vm0, $0xb8;
	[tilespmem:$0x18180] =	vst v63  }
0x1bd: {  	s28 =	simm.s32 $0x4980  }
0x1be: {  	[tilespmem:s28], [sflag:$0x1] =	stream.indirect_vreg.gather [hbm4b:s5+s3], $0x80, v3, vm0, $0xb8;
	[tilespmem:$0x18180] =	vst v63  }
0x1bf: {  	s28 =	simm.s32 $0x5180  }
0x1c0: {  	[tilespmem:s28], [sflag:$0x1] =	stream.indirect_vreg.gather [hbm4b:s6+s3], $0x80, v3, vm0, $0xb8;
	[tilespmem:$0x18180] =	vst v63  }
0x1c1: {  	s28 =	simm.s32 $0x5980  }
0x1c2: {  	[tilespmem:s28], [sflag:$0x1] =	stream.indirect_vreg.gather [hbm4b:s7+s3], $0x80, v3, vm0, $0xb8;
	[tilespmem:$0x18180] =	vst v63  }
0x1c3: {  	s28 =	simm.s32 $0x6180  }
0x1c4: {  	[tilespmem:s28], [sflag:$0x1] =	stream.indirect_vreg.gather [hbm4b:s8+s3], $0x80, v3, vm0, $0xb8;
	[tilespmem:$0x18180] =	vst v63  }
0x1c5: {  	s28 =	simm.s32 $0x6980  }
0x1c6: {  	[tilespmem:s28], [sflag:$0x1] =	stream.indirect_vreg.gather [hbm4b:s9+s3], $0x80, v3, vm0, $0xb8;
	[tilespmem:$0x18180] =	vst v63  }
0x1c7: {  	s28 =	simm.s32 $0x7180  }
0x1c8: {  	[tilespmem:s28], [sflag:$0x1] =	stream.indirect_vreg.gather [hbm4b:s10+s3], $0x80, v3, vm0, $0xb8;
	[tilespmem:$0x18180] =	vst v63  }
0x1c9: {  	s28 =	simm.s32 $0x7980  }
0x1ca: {  	[tilespmem:s28], [sflag:$0x1] =	stream.indirect_vreg.gather [hbm4b:s11+s3], $0x80, v3, vm0, $0xb8;
	[tilespmem:$0x18180] =	vst v63  }
0x1cb: {  	v3 =	vld.msk [tilespmem:$0xA0], $0xff;
	_ =	sdelay $0x4  }
0x1cc: {  	v45 =	vshll.u32 v3, $0x4  }
0x1cd: {  	v3 =	vand.u32 $0x7, v3;
	v4 =	vand.u32 $0xFFFFFF80, v45  }
0x1ce: {  	v3 =	vor.u32 v3, v4  }
0x1cf: {  	v3 =	vperm.xlane v3, v0;
	_ =	sdelay $0x1  }
0x1d0: {  	v3 =	vadd.s32 v1, v3;
	_ =	sdelay $0x3  }
0x1d1: {  	s28 =	simm.s32 $0x8180  }
0x1d2: {  	[tilespmem:s28], [sflag:$0x1] =	stream.indirect_vreg.gather [hbm4b:s2+s3], $0x80, v3, vm0, $0xb8;
	[tilespmem:$0x18180] =	vst v63  }
0x1d3: {  	s28 =	simm.s32 $0x8980  }
0x1d4: {  	[tilespmem:s28], [sflag:$0x1] =	stream.indirect_vreg.gather [hbm4b:s5+s3], $0x80, v3, vm0, $0xb8;
	[tilespmem:$0x18180] =	vst v63  }
0x1d5: {  	s28 =	simm.s32 $0x9180  }
0x1d6: {  	[tilespmem:s28], [sflag:$0x1] =	stream.indirect_vreg.gather [hbm4b:s6+s3], $0x80, v3, vm0, $0xb8;
	[tilespmem:$0x18180] =	vst v63  }
0x1d7: {  	s28 =	simm.s32 $0x9980  }
0x1d8: {  	[tilespmem:s28], [sflag:$0x1] =	stream.indirect_vreg.gather [hbm4b:s7+s3], $0x80, v3, vm0, $0xb8;
	[tilespmem:$0x18180] =	vst v63  }
0x1d9: {  	s28 =	simm.s32 $0xA180  }
0x1da: {  	[tilespmem:s28], [sflag:$0x1] =	stream.indirect_vreg.gather [hbm4b:s8+s3], $0x80, v3, vm0, $0xb8;
	[tilespmem:$0x18180] =	vst v63  }
0x1db: {  	_ = 	snop  }
0x1dc: {  	[tilespmem:s18], [sflag:$0x1] =	stream.indirect_vreg.gather [hbm4b:s9+s3], $0x80, v3, vm0, $0xb8;
	[tilespmem:$0x18180] =	vst v63  }
0x1dd: {  	s28 =	simm.s32 $0xB180  }
0x1de: {  	[tilespmem:s28], [sflag:$0x1] =	stream.indirect_vreg.gather [hbm4b:s10+s3], $0x80, v3, vm0, $0xb8;
	[tilespmem:$0x18180] =	vst v63  }
0x1df: {  	_ = 	snop  }
0x1e0: {  	[tilespmem:s1], [sflag:$0x1] =	stream.indirect_vreg.gather [hbm4b:s11+s3], $0x80, v3, vm0, $0xb8;
	[tilespmem:$0x18180] =	vst v63  }
0x1e1: {  	_ =	swait.ge [sflag:s25], $0xC000  }
0x1e2: {  	[sflag:s25] =	ssyncset.done $0x0  }
0x1e3: {  	s1 =	simm.s32 $0xC180;
	s0 =	rddreg [dreg:$0x8];
	[sflag:s25] =	ssyncadd.s32 $0xFFFF4000  }
0x1e4: {  	[hbm4b:s0+s3] =	stream.linear.scatter [tilespmem:s1], [sflag:$0x4], $0xC000, $0x38;
	[tilespmem:$0x18180] =	vst v63  }
0x1e5: {  	_ =	swait.ge [sflag:s26], $0xC000  }
0x1e6: {  	[sflag:s26] =	ssyncset.done $0x0  }
0x1e7: {  	[sflag:s26] =	ssyncadd.s32 $0xFFFF4000  }
0x1e8: {  	v3 =	vld [tilespmem:$0xA8];
	_ =	sdelay $0x4  }
0x1e9: {  	v46 =	vshll.u32 v3, $0x4  }
0x1ea: {  	v3 =	vand.u32 $0x7, v3;
	v4 =	vand.u32 $0xFFFFFF80, v46  }
0x1eb: {  	v3 =	vor.u32 v3, v4  }
0x1ec: {  	v4 =	vperm.xlane v3, v0;
	_ =	sdelay $0x1  }
0x1ed: {  	v4 =	vadd.s32 v1, v4;
	_ =	sdelay $0x4  }
0x1ee: {  	[tilespmem:s1], [sflag:$0x2] =	stream.indirect_vreg.gather [hbm4b:s2+s3], $0x80, v4, vm0, $0xb8;
	[tilespmem:$0x18180] =	vst v63  }
0x1ef: {  	_ = 	snop  }
0x1f0: {  	[tilespmem:s12], [sflag:$0x2] =	stream.indirect_vreg.gather [hbm4b:s5+s3], $0x80, v4, vm0, $0xb8;
	[tilespmem:$0x18180] =	vst v63  }
0x1f1: {  	_ = 	snop  }
0x1f2: {  	[tilespmem:s13], [sflag:$0x2] =	stream.indirect_vreg.gather [hbm4b:s6+s3], $0x80, v4, vm0, $0xb8;
	[tilespmem:$0x18180] =	vst v63  }
0x1f3: {  	_ = 	snop  }
0x1f4: {  	[tilespmem:s14], [sflag:$0x2] =	stream.indirect_vreg.gather [hbm4b:s7+s3], $0x80, v4, vm0, $0xb8;
	[tilespmem:$0x18180] =	vst v63  }
0x1f5: {  	s18 =	simm.s32 $0xE180  }
0x1f6: {  	[tilespmem:s18], [sflag:$0x2] =	stream.indirect_vreg.gather [hbm4b:s8+s3], $0x80, v4, vm0, $0xb8;
	[tilespmem:$0x18180] =	vst v63  }
0x1f7: {  	s28 =	simm.s32 $0xE980;
	v3 =	vperm.xlane v3, v2  }
0x1f8: {  	[tilespmem:s28], [sflag:$0x2] =	stream.indirect_vreg.gather [hbm4b:s9+s3], $0x80, v4, vm0, $0xb8;
	[tilespmem:$0x18180] =	vst v63  }
0x1f9: {  	v3 =	vadd.s32 v1, v3  }
0x1fa: {  	[tilespmem:s15], [sflag:$0x2] =	stream.indirect_vreg.gather [hbm4b:s10+s3], $0x80, v4, vm0, $0xb8;
	[tilespmem:$0x18180] =	vst v63  }
0x1fb: {  	_ = 	snop  }
0x1fc: {  	[tilespmem:s16], [sflag:$0x2] =	stream.indirect_vreg.gather [hbm4b:s11+s3], $0x80, v4, vm0, $0xb8;
	[tilespmem:$0x18180] =	vst v63  }
0x1fd: {  	_ = 	snop  }
0x1fe: {  	[tilespmem:s17], [sflag:$0x2] =	stream.indirect_vreg.gather [hbm4b:s2+s3], $0x80, v3, vm0, $0xb8;
	[tilespmem:$0x18180] =	vst v63  }
0x1ff: {  	_ = 	snop  }
0x200: {  	[tilespmem:s19], [sflag:$0x2] =	stream.indirect_vreg.gather [hbm4b:s5+s3], $0x80, v3, vm0, $0xb8;
	[tilespmem:$0x18180] =	vst v63  }
0x201: {  	_ = 	snop  }
0x202: {  	[tilespmem:s20], [sflag:$0x2] =	stream.indirect_vreg.gather [hbm4b:s6+s3], $0x80, v3, vm0, $0xb8;
	[tilespmem:$0x18180] =	vst v63  }
0x203: {  	_ = 	snop  }
0x204: {  	[tilespmem:s21], [sflag:$0x2] =	stream.indirect_vreg.gather [hbm4b:s7+s3], $0x80, v3, vm0, $0xb8;
	[tilespmem:$0x18180] =	vst v63  }
0x205: {  	_ = 	snop  }
0x206: {  	[tilespmem:s22], [sflag:$0x2] =	stream.indirect_vreg.gather [hbm4b:s8+s3], $0x80, v3, vm0, $0xb8;
	[tilespmem:$0x18180] =	vst v63  }
0x207: {  	_ = 	snop  }
0x208: {  	[tilespmem:s29], [sflag:$0x2] =	stream.indirect_vreg.gather [hbm4b:s9+s3], $0x80, v3, vm0, $0xb8;
	[tilespmem:$0x18180] =	vst v63  }
0x209: {  	_ = 	snop  }
0x20a: {  	[tilespmem:s30], [sflag:$0x2] =	stream.indirect_vreg.gather [hbm4b:s10+s3], $0x80, v3, vm0, $0xb8;
	[tilespmem:$0x18180] =	vst v63  }
0x20b: {  	s1 =	simm.s32 $0x13980  }
0x20c: {  	[tilespmem:s1], [sflag:$0x2] =	stream.indirect_vreg.gather [hbm4b:s11+s3], $0x80, v3, vm0, $0xb8;
	[tilespmem:$0x18180] =	vst v63  }
0x20d: {  	v3 =	vld.msk [tilespmem:$0xB8], $0xff;
	_ =	sdelay $0x4  }
0x20e: {  	v47 =	vshll.u32 v3, $0x4  }
0x20f: {  	v3 =	vand.u32 $0x7, v3;
	v4 =	vand.u32 $0xFFFFFF80, v47  }
0x210: {  	v3 =	vor.u32 v3, v4  }
0x211: {  	v3 =	vperm.xlane v3, v0;
	_ =	sdelay $0x1  }
0x212: {  	v3 =	vadd.s32 v1, v3;
	_ =	sdelay $0x4  }
0x213: {  	[tilespmem:s31], [sflag:$0x2] =	stream.indirect_vreg.gather [hbm4b:s2+s3], $0x80, v3, vm0, $0xb8;
	[tilespmem:$0x18180] =	vst v63  }
0x214: {  	_ = 	snop  }
0x215: {  	[tilespmem:s4], [sflag:$0x2] =	stream.indirect_vreg.gather [hbm4b:s5+s3], $0x80, v3, vm0, $0xb8;
	[tilespmem:$0x18180] =	vst v63  }
0x216: {  	s4 =	simm.s32 $0x15180  }
0x217: {  	[tilespmem:s4], [sflag:$0x2] =	stream.indirect_vreg.gather [hbm4b:s6+s3], $0x80, v3, vm0, $0xb8;
	[tilespmem:$0x18180] =	vst v63  }
0x218: {  	s12 =	simm.s32 $0x15980  }
0x219: {  	[tilespmem:s12], [sflag:$0x2] =	stream.indirect_vreg.gather [hbm4b:s7+s3], $0x80, v3, vm0, $0xb8;
	[tilespmem:$0x18180] =	vst v63  }
0x21a: {  	s13 =	simm.s32 $0x16180  }
0x21b: {  	[tilespmem:s13], [sflag:$0x2] =	stream.indirect_vreg.gather [hbm4b:s8+s3], $0x80, v3, vm0, $0xb8;
	[tilespmem:$0x18180] =	vst v63  }
0x21c: {  	s14 =	simm.s32 $0x16980  }
0x21d: {  	[tilespmem:s14], [sflag:$0x2] =	stream.indirect_vreg.gather [hbm4b:s9+s3], $0x80, v3, vm0, $0xb8;
	[tilespmem:$0x18180] =	vst v63  }
0x21e: {  	s15 =	simm.s32 $0x17180  }
0x21f: {  	[tilespmem:s15], [sflag:$0x2] =	stream.indirect_vreg.gather [hbm4b:s10+s3], $0x80, v3, vm0, $0xb8;
	[tilespmem:$0x18180] =	vst v63  }
0x220: {  	s16 =	simm.s32 $0x17980  }
0x221: {  	[tilespmem:s16], [sflag:$0x2] =	stream.indirect_vreg.gather [hbm4b:s11+s3], $0x80, v3, vm0, $0xb8;
	[tilespmem:$0x18180] =	vst v63  }
0x222: {  	_ =	swait.ge [sflag:s23], $0xC000  }
0x223: {  	[sflag:s23] =	ssyncset.done $0x0  }
0x224: {  	s19 =	simm.s32 $0x180;
	s17 =	rddreg [dreg:$0x9];
	[sflag:s23] =	ssyncadd.s32 $0xFFFF4000  }
0x225: {  	[hbm4b:s17+s3] =	stream.linear.scatter [tilespmem:s19], [sflag:$0x3], $0xC000, $0x38;
	[tilespmem:$0x18180] =	vst v63  }
0x226: {  	_ =	swait.ge [sflag:s24], $0xC000  }
0x227: {  	[sflag:s24] =	ssyncset.done $0x0  }
0x228: {  	[sflag:s24] =	ssyncadd.s32 $0xFFFF4000  }
0x229: {  	v3 =	vld [tilespmem:$0xC0];
	_ =	sdelay $0x4  }
0x22a: {  	v48 =	vshll.u32 v3, $0x4  }
0x22b: {  	v3 =	vand.u32 $0x7, v3;
	v4 =	vand.u32 $0xFFFFFF80, v48  }
0x22c: {  	v3 =	vor.u32 v3, v4  }
0x22d: {  	v4 =	vperm.xlane v3, v0;
	_ =	sdelay $0x1  }
0x22e: {  	v4 =	vadd.s32 v1, v4;
	_ =	sdelay $0x4  }
0x22f: {  	[tilespmem:s19], [sflag:$0x1] =	stream.indirect_vreg.gather [hbm4b:s2+s3], $0x80, v4, vm0, $0xb8;
	[tilespmem:$0x18180] =	vst v63  }
0x230: {  	s4 =	simm.s32 $0x980  }
0x231: {  	[tilespmem:s4], [sflag:$0x1] =	stream.indirect_vreg.gather [hbm4b:s5+s3], $0x80, v4, vm0, $0xb8;
	[tilespmem:$0x18180] =	vst v63  }
0x232: {  	s20 =	simm.s32 $0x1180  }
0x233: {  	[tilespmem:s20], [sflag:$0x1] =	stream.indirect_vreg.gather [hbm4b:s6+s3], $0x80, v4, vm0, $0xb8;
	[tilespmem:$0x18180] =	vst v63  }
0x234: {  	s21 =	simm.s32 $0x1980  }
0x235: {  	[tilespmem:s21], [sflag:$0x1] =	stream.indirect_vreg.gather [hbm4b:s7+s3], $0x80, v4, vm0, $0xb8;
	[tilespmem:$0x18180] =	vst v63  }
0x236: {  	s22 =	simm.s32 $0x2180  }
0x237: {  	[tilespmem:s22], [sflag:$0x1] =	stream.indirect_vreg.gather [hbm4b:s8+s3], $0x80, v4, vm0, $0xb8;
	[tilespmem:$0x18180] =	vst v63  }
0x238: {  	s28 =	simm.s32 $0x2980;
	v3 =	vperm.xlane v3, v2  }
0x239: {  	[tilespmem:s28], [sflag:$0x1] =	stream.indirect_vreg.gather [hbm4b:s9+s3], $0x80, v4, vm0, $0xb8;
	[tilespmem:$0x18180] =	vst v63  }
0x23a: {  	s29 =	simm.s32 $0x3180;
	v3 =	vadd.s32 v1, v3  }
0x23b: {  	[tilespmem:s29], [sflag:$0x1] =	stream.indirect_vreg.gather [hbm4b:s10+s3], $0x80, v4, vm0, $0xb8;
	[tilespmem:$0x18180] =	vst v63  }
0x23c: {  	s30 =	simm.s32 $0x3980  }
0x23d: {  	[tilespmem:s30], [sflag:$0x1] =	stream.indirect_vreg.gather [hbm4b:s11+s3], $0x80, v4, vm0, $0xb8;
	[tilespmem:$0x18180] =	vst v63  }
0x23e: {  	s31 =	simm.s32 $0x4180  }
0x23f: {  	[tilespmem:s31], [sflag:$0x1] =	stream.indirect_vreg.gather [hbm4b:s2+s3], $0x80, v3, vm0, $0xb8;
	[tilespmem:$0x18180] =	vst v63  }
0x240: {  	s1 =	simm.s32 $0x4980  }
0x241: {  	[tilespmem:s1], [sflag:$0x1] =	stream.indirect_vreg.gather [hbm4b:s5+s3], $0x80, v3, vm0, $0xb8;
	[tilespmem:$0x18180] =	vst v63  }
0x242: {  	s12 =	simm.s32 $0x5180  }
0x243: {  	[tilespmem:s12], [sflag:$0x1] =	stream.indirect_vreg.gather [hbm4b:s6+s3], $0x80, v3, vm0, $0xb8;
	[tilespmem:$0x18180] =	vst v63  }
0x244: {  	s13 =	simm.s32 $0x5980  }
0x245: {  	[tilespmem:s13], [sflag:$0x1] =	stream.indirect_vreg.gather [hbm4b:s7+s3], $0x80, v3, vm0, $0xb8;
	[tilespmem:$0x18180] =	vst v63  }
0x246: {  	s14 =	simm.s32 $0x6180  }
0x247: {  	[tilespmem:s14], [sflag:$0x1] =	stream.indirect_vreg.gather [hbm4b:s8+s3], $0x80, v3, vm0, $0xb8;
	[tilespmem:$0x18180] =	vst v63  }
0x248: {  	s15 =	simm.s32 $0x6980  }
0x249: {  	[tilespmem:s15], [sflag:$0x1] =	stream.indirect_vreg.gather [hbm4b:s9+s3], $0x80, v3, vm0, $0xb8;
	[tilespmem:$0x18180] =	vst v63  }
0x24a: {  	s16 =	simm.s32 $0x7180  }
0x24b: {  	[tilespmem:s16], [sflag:$0x1] =	stream.indirect_vreg.gather [hbm4b:s10+s3], $0x80, v3, vm0, $0xb8;
	[tilespmem:$0x18180] =	vst v63  }
0x24c: {  	s17 =	simm.s32 $0x7980  }
0x24d: {  	[tilespmem:s17], [sflag:$0x1] =	stream.indirect_vreg.gather [hbm4b:s11+s3], $0x80, v3, vm0, $0xb8;
	[tilespmem:$0x18180] =	vst v63  }
0x24e: {  	v3 =	vld.msk [tilespmem:$0xD0], $0xff;
	_ =	sdelay $0x4  }
0x24f: {  	v49 =	vshll.u32 v3, $0x4  }
0x250: {  	v3 =	vand.u32 $0x7, v3;
	v4 =	vand.u32 $0xFFFFFF80, v49  }
0x251: {  	v3 =	vor.u32 v3, v4  }
0x252: {  	v3 =	vperm.xlane v3, v0;
	_ =	sdelay $0x1  }
0x253: {  	v3 =	vadd.s32 v1, v3;
	_ =	sdelay $0x3  }
0x254: {  	s19 =	simm.s32 $0x8180  }
0x255: {  	[tilespmem:s19], [sflag:$0x1] =	stream.indirect_vreg.gather [hbm4b:s2+s3], $0x80, v3, vm0, $0xb8;
	[tilespmem:$0x18180] =	vst v63  }
0x256: {  	s20 =	simm.s32 $0x8980  }
0x257: {  	[tilespmem:s20], [sflag:$0x1] =	stream.indirect_vreg.gather [hbm4b:s5+s3], $0x80, v3, vm0, $0xb8;
	[tilespmem:$0x18180] =	vst v63  }
0x258: {  	s21 =	simm.s32 $0x9180  }
0x259: {  	[tilespmem:s21], [sflag:$0x1] =	stream.indirect_vreg.gather [hbm4b:s6+s3], $0x80, v3, vm0, $0xb8;
	[tilespmem:$0x18180] =	vst v63  }
0x25a: {  	s22 =	simm.s32 $0x9980  }
0x25b: {  	[tilespmem:s22], [sflag:$0x1] =	stream.indirect_vreg.gather [hbm4b:s7+s3], $0x80, v3, vm0, $0xb8;
	[tilespmem:$0x18180] =	vst v63  }
0x25c: {  	s28 =	simm.s32 $0xA180  }
0x25d: {  	[tilespmem:s28], [sflag:$0x1] =	stream.indirect_vreg.gather [hbm4b:s8+s3], $0x80, v3, vm0, $0xb8;
	[tilespmem:$0x18180] =	vst v63  }
0x25e: {  	s12 =	simm.s32 $0xA980  }
0x25f: {  	[tilespmem:s12], [sflag:$0x1] =	stream.indirect_vreg.gather [hbm4b:s9+s3], $0x80, v3, vm0, $0xb8;
	[tilespmem:$0x18180] =	vst v63  }
0x260: {  	s13 =	simm.s32 $0xB180  }
0x261: {  	[tilespmem:s13], [sflag:$0x1] =	stream.indirect_vreg.gather [hbm4b:s10+s3], $0x80, v3, vm0, $0xb8;
	[tilespmem:$0x18180] =	vst v63  }
0x262: {  	s14 =	simm.s32 $0xB980  }
0x263: {  	[tilespmem:s14], [sflag:$0x1] =	stream.indirect_vreg.gather [hbm4b:s11+s3], $0x80, v3, vm0, $0xb8;
	[tilespmem:$0x18180] =	vst v63  }
0x264: {  	_ =	swait.ge [sflag:s25], $0xC000  }
0x265: {  	[sflag:s25] =	ssyncset.done $0x0  }
0x266: {  	s30 =	simm.s32 $0xC180;
	s29 =	rddreg [dreg:$0xa];
	[sflag:s25] =	ssyncadd.s32 $0xFFFF4000  }
0x267: {  	[hbm4b:s29+s3] =	stream.linear.scatter [tilespmem:s30], [sflag:$0x4], $0xC000, $0x38;
	[tilespmem:$0x18180] =	vst v63  }
0x268: {  	_ =	swait.ge [sflag:s26], $0xC000  }
0x269: {  	[sflag:s26] =	ssyncset.done $0x0  }
0x26a: {  	[sflag:s26] =	ssyncadd.s32 $0xFFFF4000  }
0x26b: {  	v3 =	vld [tilespmem:$0xD8];
	_ =	sdelay $0x4  }
0x26c: {  	v50 =	vshll.u32 v3, $0x4  }
0x26d: {  	v3 =	vand.u32 $0x7, v3;
	v4 =	vand.u32 $0xFFFFFF80, v50  }
0x26e: {  	v3 =	vor.u32 v3, v4  }
0x26f: {  	v4 =	vperm.xlane v3, v0;
	_ =	sdelay $0x1  }
0x270: {  	v4 =	vadd.s32 v1, v4;
	_ =	sdelay $0x4  }
0x271: {  	[tilespmem:s30], [sflag:$0x2] =	stream.indirect_vreg.gather [hbm4b:s2+s3], $0x80, v4, vm0, $0xb8;
	[tilespmem:$0x18180] =	vst v63  }
0x272: {  	s15 =	simm.s32 $0xC980  }
0x273: {  	[tilespmem:s15], [sflag:$0x2] =	stream.indirect_vreg.gather [hbm4b:s5+s3], $0x80, v4, vm0, $0xb8;
	[tilespmem:$0x18180] =	vst v63  }
0x274: {  	s16 =	simm.s32 $0xD180  }
0x275: {  	[tilespmem:s16], [sflag:$0x2] =	stream.indirect_vreg.gather [hbm4b:s6+s3], $0x80, v4, vm0, $0xb8;
	[tilespmem:$0x18180] =	vst v63  }
0x276: {  	s17 =	simm.s32 $0xD980  }
0x277: {  	[tilespmem:s17], [sflag:$0x2] =	stream.indirect_vreg.gather [hbm4b:s7+s3], $0x80, v4, vm0, $0xb8;
	[tilespmem:$0x18180] =	vst v63  }
0x278: {  	s18 =	simm.s32 $0xE180  }
0x279: {  	[tilespmem:s18], [sflag:$0x2] =	stream.indirect_vreg.gather [hbm4b:s8+s3], $0x80, v4, vm0, $0xb8;
	[tilespmem:$0x18180] =	vst v63  }
0x27a: {  	s31 =	simm.s32 $0xE980;
	v3 =	vperm.xlane v3, v2  }
0x27b: {  	[tilespmem:s31], [sflag:$0x2] =	stream.indirect_vreg.gather [hbm4b:s9+s3], $0x80, v4, vm0, $0xb8;
	[tilespmem:$0x18180] =	vst v63  }
0x27c: {  	v3 =	vadd.s32 v1, v3;
	s18 =	simm.s32 $0xF180  }
0x27d: {  	[tilespmem:s18], [sflag:$0x2] =	stream.indirect_vreg.gather [hbm4b:s10+s3], $0x80, v4, vm0, $0xb8;
	[tilespmem:$0x18180] =	vst v63  }
0x27e: {  	s19 =	simm.s32 $0xF980  }
0x27f: {  	[tilespmem:s19], [sflag:$0x2] =	stream.indirect_vreg.gather [hbm4b:s11+s3], $0x80, v4, vm0, $0xb8;
	[tilespmem:$0x18180] =	vst v63  }
0x280: {  	s20 =	simm.s32 $0x10180  }
0x281: {  	[tilespmem:s20], [sflag:$0x2] =	stream.indirect_vreg.gather [hbm4b:s2+s3], $0x80, v3, vm0, $0xb8;
	[tilespmem:$0x18180] =	vst v63  }
0x282: {  	s21 =	simm.s32 $0x10980  }
0x283: {  	[tilespmem:s21], [sflag:$0x2] =	stream.indirect_vreg.gather [hbm4b:s5+s3], $0x80, v3, vm0, $0xb8;
	[tilespmem:$0x18180] =	vst v63  }
0x284: {  	s22 =	simm.s32 $0x11180  }
0x285: {  	[tilespmem:s22], [sflag:$0x2] =	stream.indirect_vreg.gather [hbm4b:s6+s3], $0x80, v3, vm0, $0xb8;
	[tilespmem:$0x18180] =	vst v63  }
0x286: {  	s29 =	simm.s32 $0x11980  }
0x287: {  	[tilespmem:s29], [sflag:$0x2] =	stream.indirect_vreg.gather [hbm4b:s7+s3], $0x80, v3, vm0, $0xb8;
	[tilespmem:$0x18180] =	vst v63  }
0x288: {  	s30 =	simm.s32 $0x12180  }
0x289: {  	[tilespmem:s30], [sflag:$0x2] =	stream.indirect_vreg.gather [hbm4b:s8+s3], $0x80, v3, vm0, $0xb8;
	[tilespmem:$0x18180] =	vst v63  }
0x28a: {  	s31 =	simm.s32 $0x12980  }
0x28b: {  	[tilespmem:s31], [sflag:$0x2] =	stream.indirect_vreg.gather [hbm4b:s9+s3], $0x80, v3, vm0, $0xb8;
	[tilespmem:$0x18180] =	vst v63  }
0x28c: {  	s1 =	simm.s32 $0x13180  }
0x28d: {  	[tilespmem:s1], [sflag:$0x2] =	stream.indirect_vreg.gather [hbm4b:s10+s3], $0x80, v3, vm0, $0xb8;
	[tilespmem:$0x18180] =	vst v63  }
0x28e: {  	s28 =	simm.s32 $0x13980  }
0x28f: {  	[tilespmem:s28], [sflag:$0x2] =	stream.indirect_vreg.gather [hbm4b:s11+s3], $0x80, v3, vm0, $0xb8;
	[tilespmem:$0x18180] =	vst v63  }
0x290: {  	v3 =	vld.msk [tilespmem:$0xE8], $0xff;
	_ =	sdelay $0x4  }
0x291: {  	v51 =	vshll.u32 v3, $0x4  }
0x292: {  	v3 =	vand.u32 $0x7, v3;
	v4 =	vand.u32 $0xFFFFFF80, v51  }
0x293: {  	v3 =	vor.u32 v3, v4  }
0x294: {  	v3 =	vperm.xlane v3, v0;
	_ =	sdelay $0x1  }
0x295: {  	v3 =	vadd.s32 v1, v3;
	_ =	sdelay $0x3  }
0x296: {  	s1 =	simm.s32 $0x14180  }
0x297: {  	[tilespmem:s1], [sflag:$0x2] =	stream.indirect_vreg.gather [hbm4b:s2+s3], $0x80, v3, vm0, $0xb8;
	[tilespmem:$0x18180] =	vst v63  }
0x298: {  	s28 =	simm.s32 $0x14980  }
0x299: {  	[tilespmem:s28], [sflag:$0x2] =	stream.indirect_vreg.gather [hbm4b:s5+s3], $0x80, v3, vm0, $0xb8;
	[tilespmem:$0x18180] =	vst v63  }
0x29a: {  	s1 =	simm.s32 $0x15180  }
0x29b: {  	[tilespmem:s1], [sflag:$0x2] =	stream.indirect_vreg.gather [hbm4b:s6+s3], $0x80, v3, vm0, $0xb8;
	[tilespmem:$0x18180] =	vst v63  }
0x29c: {  	s28 =	simm.s32 $0x15980  }
0x29d: {  	[tilespmem:s28], [sflag:$0x2] =	stream.indirect_vreg.gather [hbm4b:s7+s3], $0x80, v3, vm0, $0xb8;
	[tilespmem:$0x18180] =	vst v63  }
0x29e: {  	s1 =	simm.s32 $0x16180  }
0x29f: {  	[tilespmem:s1], [sflag:$0x2] =	stream.indirect_vreg.gather [hbm4b:s8+s3], $0x80, v3, vm0, $0xb8;
	[tilespmem:$0x18180] =	vst v63  }
0x2a0: {  	s28 =	simm.s32 $0x16980  }
0x2a1: {  	[tilespmem:s28], [sflag:$0x2] =	stream.indirect_vreg.gather [hbm4b:s9+s3], $0x80, v3, vm0, $0xb8;
	[tilespmem:$0x18180] =	vst v63  }
0x2a2: {  	s1 =	simm.s32 $0x17180  }
0x2a3: {  	[tilespmem:s1], [sflag:$0x2] =	stream.indirect_vreg.gather [hbm4b:s10+s3], $0x80, v3, vm0, $0xb8;
	[tilespmem:$0x18180] =	vst v63  }
0x2a4: {  	s28 =	simm.s32 $0x17980  }
0x2a5: {  	[tilespmem:s28], [sflag:$0x2] =	stream.indirect_vreg.gather [hbm4b:s11+s3], $0x80, v3, vm0, $0xb8;
	[tilespmem:$0x18180] =	vst v63  }
0x2a6: {  	_ =	swait.ge [sflag:s23], $0xC000  }
0x2a7: {  	[sflag:s23] =	ssyncset.done $0x0  }
0x2a8: {  	s1 =	simm.s32 $0x180;
	s0 =	rddreg [dreg:$0xb];
	[sflag:s23] =	ssyncadd.s32 $0xFFFF4000  }
0x2a9: {  	[hbm4b:s0+s3] =	stream.linear.scatter [tilespmem:s1], [sflag:$0x3], $0xC000, $0x38;
	[tilespmem:$0x18180] =	vst v63  }
0x2aa: {  	_ =	swait.ge [sflag:s24], $0xC000  }
0x2ab: {  	[sflag:s24] =	ssyncset.done $0x0  }
0x2ac: {  	[sflag:s24] =	ssyncadd.s32 $0xFFFF4000  }
0x2ad: {  	v3 =	vld [tilespmem:$0xF0];
	_ =	sdelay $0x4  }
0x2ae: {  	v52 =	vshll.u32 v3, $0x4  }
0x2af: {  	v3 =	vand.u32 $0x7, v3;
	v4 =	vand.u32 $0xFFFFFF80, v52  }
0x2b0: {  	v3 =	vor.u32 v3, v4  }
0x2b1: {  	v4 =	vperm.xlane v3, v0;
	_ =	sdelay $0x1  }
0x2b2: {  	v4 =	vadd.s32 v1, v4;
	_ =	sdelay $0x4  }
0x2b3: {  	[tilespmem:s1], [sflag:$0x1] =	stream.indirect_vreg.gather [hbm4b:s2+s3], $0x80, v4, vm0, $0xb8;
	[tilespmem:$0x18180] =	vst v63  }
0x2b4: {  	_ = 	snop  }
0x2b5: {  	[tilespmem:s4], [sflag:$0x1] =	stream.indirect_vreg.gather [hbm4b:s5+s3], $0x80, v4, vm0, $0xb8;
	[tilespmem:$0x18180] =	vst v63  }
0x2b6: {  	s4 =	simm.s32 $0x1180  }
0x2b7: {  	[tilespmem:s4], [sflag:$0x1] =	stream.indirect_vreg.gather [hbm4b:s6+s3], $0x80, v4, vm0, $0xb8;
	[tilespmem:$0x18180] =	vst v63  }
0x2b8: {  	s28 =	simm.s32 $0x1980  }
0x2b9: {  	[tilespmem:s28], [sflag:$0x1] =	stream.indirect_vreg.gather [hbm4b:s7+s3], $0x80, v4, vm0, $0xb8;
	[tilespmem:$0x18180] =	vst v63  }
0x2ba: {  	s28 =	simm.s32 $0x2180  }
0x2bb: {  	[tilespmem:s28], [sflag:$0x1] =	stream.indirect_vreg.gather [hbm4b:s8+s3], $0x80, v4, vm0, $0xb8;
	[tilespmem:$0x18180] =	vst v63  }
0x2bc: {  	v3 =	vperm.xlane v3, v2;
	s28 =	simm.s32 $0x2980  }
0x2bd: {  	[tilespmem:s28], [sflag:$0x1] =	stream.indirect_vreg.gather [hbm4b:s9+s3], $0x80, v4, vm0, $0xb8;
	[tilespmem:$0x18180] =	vst v63  }
0x2be: {  	s0 =	simm.s32 $0x3180;
	v3 =	vadd.s32 v1, v3  }
0x2bf: {  	[tilespmem:s0], [sflag:$0x1] =	stream.indirect_vreg.gather [hbm4b:s10+s3], $0x80, v4, vm0, $0xb8;
	[tilespmem:$0x18180] =	vst v63  }
0x2c0: {  	s0 =	simm.s32 $0x3980  }
0x2c1: {  	[tilespmem:s0], [sflag:$0x1] =	stream.indirect_vreg.gather [hbm4b:s11+s3], $0x80, v4, vm0, $0xb8;
	[tilespmem:$0x18180] =	vst v63  }
0x2c2: {  	s0 =	simm.s32 $0x4180  }
0x2c3: {  	[tilespmem:s0], [sflag:$0x1] =	stream.indirect_vreg.gather [hbm4b:s2+s3], $0x80, v3, vm0, $0xb8;
	[tilespmem:$0x18180] =	vst v63  }
0x2c4: {  	s0 =	simm.s32 $0x4980  }
0x2c5: {  	[tilespmem:s0], [sflag:$0x1] =	stream.indirect_vreg.gather [hbm4b:s5+s3], $0x80, v3, vm0, $0xb8;
	[tilespmem:$0x18180] =	vst v63  }
0x2c6: {  	s0 =	simm.s32 $0x5180  }
0x2c7: {  	[tilespmem:s0], [sflag:$0x1] =	stream.indirect_vreg.gather [hbm4b:s6+s3], $0x80, v3, vm0, $0xb8;
	[tilespmem:$0x18180] =	vst v63  }
0x2c8: {  	s0 =	simm.s32 $0x5980  }
0x2c9: {  	[tilespmem:s0], [sflag:$0x1] =	stream.indirect_vreg.gather [hbm4b:s7+s3], $0x80, v3, vm0, $0xb8;
	[tilespmem:$0x18180] =	vst v63  }
0x2ca: {  	s0 =	simm.s32 $0x6180  }
0x2cb: {  	[tilespmem:s0], [sflag:$0x1] =	stream.indirect_vreg.gather [hbm4b:s8+s3], $0x80, v3, vm0, $0xb8;
	[tilespmem:$0x18180] =	vst v63  }
0x2cc: {  	s0 =	simm.s32 $0x6980  }
0x2cd: {  	[tilespmem:s0], [sflag:$0x1] =	stream.indirect_vreg.gather [hbm4b:s9+s3], $0x80, v3, vm0, $0xb8;
	[tilespmem:$0x18180] =	vst v63  }
0x2ce: {  	s0 =	simm.s32 $0x7180  }
0x2cf: {  	[tilespmem:s0], [sflag:$0x1] =	stream.indirect_vreg.gather [hbm4b:s10+s3], $0x80, v3, vm0, $0xb8;
	[tilespmem:$0x18180] =	vst v63  }
0x2d0: {  	s0 =	simm.s32 $0x7980  }
0x2d1: {  	[tilespmem:s0], [sflag:$0x1] =	stream.indirect_vreg.gather [hbm4b:s11+s3], $0x80, v3, vm0, $0xb8;
	[tilespmem:$0x18180] =	vst v63  }
0x2d2: {  	v3 =	vld.msk [tilespmem:$0x100], $0xff;
	_ =	sdelay $0x4  }
0x2d3: {  	v53 =	vshll.u32 v3, $0x4  }
0x2d4: {  	v3 =	vand.u32 $0x7, v3;
	v4 =	vand.u32 $0xFFFFFF80, v53  }
0x2d5: {  	v3 =	vor.u32 v3, v4  }
0x2d6: {  	v3 =	vperm.xlane v3, v0;
	_ =	sdelay $0x1  }
0x2d7: {  	v3 =	vadd.s32 v1, v3;
	_ =	sdelay $0x3  }
0x2d8: {  	s0 =	simm.s32 $0x8180  }
0x2d9: {  	[tilespmem:s0], [sflag:$0x1] =	stream.indirect_vreg.gather [hbm4b:s2+s3], $0x80, v3, vm0, $0xb8;
	[tilespmem:$0x18180] =	vst v63  }
0x2da: {  	s0 =	simm.s32 $0x8980  }
0x2db: {  	[tilespmem:s0], [sflag:$0x1] =	stream.indirect_vreg.gather [hbm4b:s5+s3], $0x80, v3, vm0, $0xb8;
	[tilespmem:$0x18180] =	vst v63  }
0x2dc: {  	s0 =	simm.s32 $0x9180  }
0x2dd: {  	[tilespmem:s0], [sflag:$0x1] =	stream.indirect_vreg.gather [hbm4b:s6+s3], $0x80, v3, vm0, $0xb8;
	[tilespmem:$0x18180] =	vst v63  }
0x2de: {  	s0 =	simm.s32 $0x9980  }
0x2df: {  	[tilespmem:s0], [sflag:$0x1] =	stream.indirect_vreg.gather [hbm4b:s7+s3], $0x80, v3, vm0, $0xb8;
	[tilespmem:$0x18180] =	vst v63  }
0x2e0: {  	s0 =	simm.s32 $0xA180  }
0x2e1: {  	[tilespmem:s0], [sflag:$0x1] =	stream.indirect_vreg.gather [hbm4b:s8+s3], $0x80, v3, vm0, $0xb8;
	[tilespmem:$0x18180] =	vst v63  }
0x2e2: {  	_ = 	snop  }
0x2e3: {  	[tilespmem:s12], [sflag:$0x1] =	stream.indirect_vreg.gather [hbm4b:s9+s3], $0x80, v3, vm0, $0xb8;
	[tilespmem:$0x18180] =	vst v63  }
0x2e4: {  	_ = 	snop  }
0x2e5: {  	[tilespmem:s13], [sflag:$0x1] =	stream.indirect_vreg.gather [hbm4b:s10+s3], $0x80, v3, vm0, $0xb8;
	[tilespmem:$0x18180] =	vst v63  }
0x2e6: {  	_ = 	snop  }
0x2e7: {  	[tilespmem:s14], [sflag:$0x1] =	stream.indirect_vreg.gather [hbm4b:s11+s3], $0x80, v3, vm0, $0xb8;
	[tilespmem:$0x18180] =	vst v63  }
0x2e8: {  	_ =	swait.ge [sflag:s25], $0xC000  }
0x2e9: {  	[sflag:s25] =	ssyncset.done $0x0  }
0x2ea: {  	s14 =	simm.s32 $0xC180;
	s12 =	rddreg [dreg:$0xc];
	[sflag:s25] =	ssyncadd.s32 $0xFFFF4000  }
0x2eb: {  	[hbm4b:s12+s3] =	stream.linear.scatter [tilespmem:s14], [sflag:$0x4], $0xC000, $0x38;
	[tilespmem:$0x18180] =	vst v63  }
0x2ec: {  	_ =	swait.ge [sflag:s26], $0xC000  }
0x2ed: {  	[sflag:s26] =	ssyncset.done $0x0  }
0x2ee: {  	[sflag:s26] =	ssyncadd.s32 $0xFFFF4000  }
0x2ef: {  	v3 =	vld [tilespmem:$0x108];
	_ =	sdelay $0x4  }
0x2f0: {  	v54 =	vshll.u32 v3, $0x4  }
0x2f1: {  	v3 =	vand.u32 $0x7, v3;
	v4 =	vand.u32 $0xFFFFFF80, v54  }
0x2f2: {  	v3 =	vor.u32 v3, v4  }
0x2f3: {  	v4 =	vperm.xlane v3, v0;
	_ =	sdelay $0x1  }
0x2f4: {  	v4 =	vadd.s32 v1, v4;
	_ =	sdelay $0x4  }
0x2f5: {  	[tilespmem:s14], [sflag:$0x2] =	stream.indirect_vreg.gather [hbm4b:s2+s3], $0x80, v4, vm0, $0xb8;
	[tilespmem:$0x18180] =	vst v63  }
0x2f6: {  	_ = 	snop  }
0x2f7: {  	[tilespmem:s15], [sflag:$0x2] =	stream.indirect_vreg.gather [hbm4b:s5+s3], $0x80, v4, vm0, $0xb8;
	[tilespmem:$0x18180] =	vst v63  }
0x2f8: {  	_ = 	snop  }
0x2f9: {  	[tilespmem:s16], [sflag:$0x2] =	stream.indirect_vreg.gather [hbm4b:s6+s3], $0x80, v4, vm0, $0xb8;
	[tilespmem:$0x18180] =	vst v63  }
0x2fa: {  	_ = 	snop  }
0x2fb: {  	[tilespmem:s17], [sflag:$0x2] =	stream.indirect_vreg.gather [hbm4b:s7+s3], $0x80, v4, vm0, $0xb8;
	[tilespmem:$0x18180] =	vst v63  }
0x2fc: {  	s12 =	simm.s32 $0xE180  }
0x2fd: {  	[tilespmem:s12], [sflag:$0x2] =	stream.indirect_vreg.gather [hbm4b:s8+s3], $0x80, v4, vm0, $0xb8;
	[tilespmem:$0x18180] =	vst v63  }
0x2fe: {  	v3 =	vperm.xlane v3, v2;
	s17 =	simm.s32 $0xE980  }
0x2ff: {  	[tilespmem:s17], [sflag:$0x2] =	stream.indirect_vreg.gather [hbm4b:s9+s3], $0x80, v4, vm0, $0xb8;
	[tilespmem:$0x18180] =	vst v63  }
0x300: {  	v3 =	vadd.s32 v1, v3  }
0x301: {  	[tilespmem:s18], [sflag:$0x2] =	stream.indirect_vreg.gather [hbm4b:s10+s3], $0x80, v4, vm0, $0xb8;
	[tilespmem:$0x18180] =	vst v63  }
0x302: {  	_ = 	snop  }
0x303: {  	[tilespmem:s19], [sflag:$0x2] =	stream.indirect_vreg.gather [hbm4b:s11+s3], $0x80, v4, vm0, $0xb8;
	[tilespmem:$0x18180] =	vst v63  }
0x304: {  	_ = 	snop  }
0x305: {  	[tilespmem:s20], [sflag:$0x2] =	stream.indirect_vreg.gather [hbm4b:s2+s3], $0x80, v3, vm0, $0xb8;
	[tilespmem:$0x18180] =	vst v63  }
0x306: {  	_ = 	snop  }
0x307: {  	[tilespmem:s21], [sflag:$0x2] =	stream.indirect_vreg.gather [hbm4b:s5+s3], $0x80, v3, vm0, $0xb8;
	[tilespmem:$0x18180] =	vst v63  }
0x308: {  	_ = 	snop  }
0x309: {  	[tilespmem:s22], [sflag:$0x2] =	stream.indirect_vreg.gather [hbm4b:s6+s3], $0x80, v3, vm0, $0xb8;
	[tilespmem:$0x18180] =	vst v63  }
0x30a: {  	_ = 	snop  }
0x30b: {  	[tilespmem:s29], [sflag:$0x2] =	stream.indirect_vreg.gather [hbm4b:s7+s3], $0x80, v3, vm0, $0xb8;
	[tilespmem:$0x18180] =	vst v63  }
0x30c: {  	_ = 	snop  }
0x30d: {  	[tilespmem:s30], [sflag:$0x2] =	stream.indirect_vreg.gather [hbm4b:s8+s3], $0x80, v3, vm0, $0xb8;
	[tilespmem:$0x18180] =	vst v63  }
0x30e: {  	_ = 	snop  }
0x30f: {  	[tilespmem:s31], [sflag:$0x2] =	stream.indirect_vreg.gather [hbm4b:s9+s3], $0x80, v3, vm0, $0xb8;
	[tilespmem:$0x18180] =	vst v63  }
0x310: {  	s22 =	simm.s32 $0x13180  }
0x311: {  	[tilespmem:s22], [sflag:$0x2] =	stream.indirect_vreg.gather [hbm4b:s10+s3], $0x80, v3, vm0, $0xb8;
	[tilespmem:$0x18180] =	vst v63  }
0x312: {  	s28 =	simm.s32 $0x13980  }
0x313: {  	[tilespmem:s28], [sflag:$0x2] =	stream.indirect_vreg.gather [hbm4b:s11+s3], $0x80, v3, vm0, $0xb8;
	[tilespmem:$0x18180] =	vst v63  }
0x314: {  	v3 =	vld.msk [tilespmem:$0x118], $0xff;
	_ =	sdelay $0x4  }
0x315: {  	v55 =	vshll.u32 v3, $0x4  }
0x316: {  	v3 =	vand.u32 $0x7, v3;
	v4 =	vand.u32 $0xFFFFFF80, v55  }
0x317: {  	v3 =	vor.u32 v3, v4  }
0x318: {  	v3 =	vperm.xlane v3, v0;
	_ =	sdelay $0x1  }
0x319: {  	v3 =	vadd.s32 v1, v3;
	_ =	sdelay $0x3  }
0x31a: {  	s29 =	simm.s32 $0x14180  }
0x31b: {  	[tilespmem:s29], [sflag:$0x2] =	stream.indirect_vreg.gather [hbm4b:s2+s3], $0x80, v3, vm0, $0xb8;
	[tilespmem:$0x18180] =	vst v63  }
0x31c: {  	s30 =	simm.s32 $0x14980  }
0x31d: {  	[tilespmem:s30], [sflag:$0x2] =	stream.indirect_vreg.gather [hbm4b:s5+s3], $0x80, v3, vm0, $0xb8;
	[tilespmem:$0x18180] =	vst v63  }
0x31e: {  	s31 =	simm.s32 $0x15180  }
0x31f: {  	[tilespmem:s31], [sflag:$0x2] =	stream.indirect_vreg.gather [hbm4b:s6+s3], $0x80, v3, vm0, $0xb8;
	[tilespmem:$0x18180] =	vst v63  }
0x320: {  	s15 =	simm.s32 $0x15980  }
0x321: {  	[tilespmem:s15], [sflag:$0x2] =	stream.indirect_vreg.gather [hbm4b:s7+s3], $0x80, v3, vm0, $0xb8;
	[tilespmem:$0x18180] =	vst v63  }
0x322: {  	s17 =	simm.s32 $0x16180  }
0x323: {  	[tilespmem:s17], [sflag:$0x2] =	stream.indirect_vreg.gather [hbm4b:s8+s3], $0x80, v3, vm0, $0xb8;
	[tilespmem:$0x18180] =	vst v63  }
0x324: {  	s19 =	simm.s32 $0x16980  }
0x325: {  	[tilespmem:s19], [sflag:$0x2] =	stream.indirect_vreg.gather [hbm4b:s9+s3], $0x80, v3, vm0, $0xb8;
	[tilespmem:$0x18180] =	vst v63  }
0x326: {  	s20 =	simm.s32 $0x17180  }
0x327: {  	[tilespmem:s20], [sflag:$0x2] =	stream.indirect_vreg.gather [hbm4b:s10+s3], $0x80, v3, vm0, $0xb8;
	[tilespmem:$0x18180] =	vst v63  }
0x328: {  	s21 =	simm.s32 $0x17980  }
0x329: {  	[tilespmem:s21], [sflag:$0x2] =	stream.indirect_vreg.gather [hbm4b:s11+s3], $0x80, v3, vm0, $0xb8;
	[tilespmem:$0x18180] =	vst v63  }
0x32a: {  	_ =	swait.ge [sflag:s23], $0xC000  }
0x32b: {  	[sflag:s23] =	ssyncset.done $0x0  }
0x32c: {  	s1 =	simm.s32 $0x180;
	s22 =	rddreg [dreg:$0xd];
	[sflag:s23] =	ssyncadd.s32 $0xFFFF4000  }
0x32d: {  	[hbm4b:s22+s3] =	stream.linear.scatter [tilespmem:s1], [sflag:$0x3], $0xC000, $0x38;
	[tilespmem:$0x18180] =	vst v63  }
0x32e: {  	_ =	swait.ge [sflag:s24], $0xC000  }
0x32f: {  	[sflag:s24] =	ssyncset.done $0x0  }
0x330: {  	[sflag:s24] =	ssyncadd.s32 $0xFFFF4000  }
0x331: {  	v3 =	vld [tilespmem:$0x120];
	_ =	sdelay $0x4  }
0x332: {  	v56 =	vshll.u32 v3, $0x4  }
0x333: {  	v3 =	vand.u32 $0x7, v3;
	v4 =	vand.u32 $0xFFFFFF80, v56  }
0x334: {  	v3 =	vor.u32 v3, v4  }
0x335: {  	v4 =	vperm.xlane v3, v0;
	_ =	sdelay $0x1  }
0x336: {  	v4 =	vadd.s32 v1, v4;
	_ =	sdelay $0x4  }
0x337: {  	[tilespmem:s1], [sflag:$0x1] =	stream.indirect_vreg.gather [hbm4b:s2+s3], $0x80, v4, vm0, $0xb8;
	[tilespmem:$0x18180] =	vst v63  }
0x338: {  	s15 =	simm.s32 $0x980  }
0x339: {  	[tilespmem:s15], [sflag:$0x1] =	stream.indirect_vreg.gather [hbm4b:s5+s3], $0x80, v4, vm0, $0xb8;
	[tilespmem:$0x18180] =	vst v63  }
0x33a: {  	_ = 	snop  }
0x33b: {  	[tilespmem:s4], [sflag:$0x1] =	stream.indirect_vreg.gather [hbm4b:s6+s3], $0x80, v4, vm0, $0xb8;
	[tilespmem:$0x18180] =	vst v63  }
0x33c: {  	s28 =	simm.s32 $0x1980  }
0x33d: {  	[tilespmem:s28], [sflag:$0x1] =	stream.indirect_vreg.gather [hbm4b:s7+s3], $0x80, v4, vm0, $0xb8;
	[tilespmem:$0x18180] =	vst v63  }
0x33e: {  	s29 =	simm.s32 $0x2180  }
0x33f: {  	[tilespmem:s29], [sflag:$0x1] =	stream.indirect_vreg.gather [hbm4b:s8+s3], $0x80, v4, vm0, $0xb8;
	[tilespmem:$0x18180] =	vst v63  }
0x340: {  	s30 =	simm.s32 $0x2980;
	v3 =	vperm.xlane v3, v2  }
0x341: {  	[tilespmem:s30], [sflag:$0x1] =	stream.indirect_vreg.gather [hbm4b:s9+s3], $0x80, v4, vm0, $0xb8;
	[tilespmem:$0x18180] =	vst v63  }
0x342: {  	s31 =	simm.s32 $0x3180;
	v3 =	vadd.s32 v1, v3  }
0x343: {  	[tilespmem:s31], [sflag:$0x1] =	stream.indirect_vreg.gather [hbm4b:s10+s3], $0x80, v4, vm0, $0xb8;
	[tilespmem:$0x18180] =	vst v63  }
0x344: {  	s4 =	simm.s32 $0x3980  }
0x345: {  	[tilespmem:s4], [sflag:$0x1] =	stream.indirect_vreg.gather [hbm4b:s11+s3], $0x80, v4, vm0, $0xb8;
	[tilespmem:$0x18180] =	vst v63  }
0x346: {  	s14 =	simm.s32 $0x4180  }
0x347: {  	[tilespmem:s14], [sflag:$0x1] =	stream.indirect_vreg.gather [hbm4b:s2+s3], $0x80, v3, vm0, $0xb8;
	[tilespmem:$0x18180] =	vst v63  }
0x348: {  	s17 =	simm.s32 $0x4980  }
0x349: {  	[tilespmem:s17], [sflag:$0x1] =	stream.indirect_vreg.gather [hbm4b:s5+s3], $0x80, v3, vm0, $0xb8;
	[tilespmem:$0x18180] =	vst v63  }
0x34a: {  	s19 =	simm.s32 $0x5180  }
0x34b: {  	[tilespmem:s19], [sflag:$0x1] =	stream.indirect_vreg.gather [hbm4b:s6+s3], $0x80, v3, vm0, $0xb8;
	[tilespmem:$0x18180] =	vst v63  }
0x34c: {  	s20 =	simm.s32 $0x5980  }
0x34d: {  	[tilespmem:s20], [sflag:$0x1] =	stream.indirect_vreg.gather [hbm4b:s7+s3], $0x80, v3, vm0, $0xb8;
	[tilespmem:$0x18180] =	vst v63  }
0x34e: {  	s21 =	simm.s32 $0x6180  }
0x34f: {  	[tilespmem:s21], [sflag:$0x1] =	stream.indirect_vreg.gather [hbm4b:s8+s3], $0x80, v3, vm0, $0xb8;
	[tilespmem:$0x18180] =	vst v63  }
0x350: {  	s22 =	simm.s32 $0x6980  }
0x351: {  	[tilespmem:s22], [sflag:$0x1] =	stream.indirect_vreg.gather [hbm4b:s9+s3], $0x80, v3, vm0, $0xb8;
	[tilespmem:$0x18180] =	vst v63  }
0x352: {  	s28 =	simm.s32 $0x7180  }
0x353: {  	[tilespmem:s28], [sflag:$0x1] =	stream.indirect_vreg.gather [hbm4b:s10+s3], $0x80, v3, vm0, $0xb8;
	[tilespmem:$0x18180] =	vst v63  }
0x354: {  	s29 =	simm.s32 $0x7980  }
0x355: {  	[tilespmem:s29], [sflag:$0x1] =	stream.indirect_vreg.gather [hbm4b:s11+s3], $0x80, v3, vm0, $0xb8;
	[tilespmem:$0x18180] =	vst v63  }
0x356: {  	v3 =	vld.msk [tilespmem:$0x130], $0xff;
	_ =	sdelay $0x4  }
0x357: {  	v57 =	vshll.u32 v3, $0x4  }
0x358: {  	v3 =	vand.u32 $0x7, v3;
	v4 =	vand.u32 $0xFFFFFF80, v57  }
0x359: {  	v3 =	vor.u32 v3, v4  }
0x35a: {  	v3 =	vperm.xlane v3, v0;
	_ =	sdelay $0x1  }
0x35b: {  	v3 =	vadd.s32 v1, v3;
	_ =	sdelay $0x3  }
0x35c: {  	s30 =	simm.s32 $0x8180  }
0x35d: {  	[tilespmem:s30], [sflag:$0x1] =	stream.indirect_vreg.gather [hbm4b:s2+s3], $0x80, v3, vm0, $0xb8;
	[tilespmem:$0x18180] =	vst v63  }
0x35e: {  	s31 =	simm.s32 $0x8980  }
0x35f: {  	[tilespmem:s31], [sflag:$0x1] =	stream.indirect_vreg.gather [hbm4b:s5+s3], $0x80, v3, vm0, $0xb8;
	[tilespmem:$0x18180] =	vst v63  }
0x360: {  	s1 =	simm.s32 $0x9180  }
0x361: {  	[tilespmem:s1], [sflag:$0x1] =	stream.indirect_vreg.gather [hbm4b:s6+s3], $0x80, v3, vm0, $0xb8;
	[tilespmem:$0x18180] =	vst v63  }
0x362: {  	s4 =	simm.s32 $0x9980  }
0x363: {  	[tilespmem:s4], [sflag:$0x1] =	stream.indirect_vreg.gather [hbm4b:s7+s3], $0x80, v3, vm0, $0xb8;
	[tilespmem:$0x18180] =	vst v63  }
0x364: {  	s14 =	simm.s32 $0xA180  }
0x365: {  	[tilespmem:s14], [sflag:$0x1] =	stream.indirect_vreg.gather [hbm4b:s8+s3], $0x80, v3, vm0, $0xb8;
	[tilespmem:$0x18180] =	vst v63  }
0x366: {  	s1 =	simm.s32 $0xA980  }
0x367: {  	[tilespmem:s1], [sflag:$0x1] =	stream.indirect_vreg.gather [hbm4b:s9+s3], $0x80, v3, vm0, $0xb8;
	[tilespmem:$0x18180] =	vst v63  }
0x368: {  	s14 =	simm.s32 $0xB180  }
0x369: {  	[tilespmem:s14], [sflag:$0x1] =	stream.indirect_vreg.gather [hbm4b:s10+s3], $0x80, v3, vm0, $0xb8;
	[tilespmem:$0x18180] =	vst v63  }
0x36a: {  	s13 =	simm.s32 $0xB980  }
0x36b: {  	[tilespmem:s13], [sflag:$0x1] =	stream.indirect_vreg.gather [hbm4b:s11+s3], $0x80, v3, vm0, $0xb8;
	[tilespmem:$0x18180] =	vst v63  }
0x36c: {  	_ =	swait.ge [sflag:s25], $0xC000  }
0x36d: {  	[sflag:s25] =	ssyncset.done $0x0  }
0x36e: {  	s0 =	simm.s32 $0xC180;
	s17 =	rddreg [dreg:$0xe];
	[sflag:s25] =	ssyncadd.s32 $0xFFFF4000  }
0x36f: {  	[hbm4b:s17+s3] =	stream.linear.scatter [tilespmem:s0], [sflag:$0x4], $0xC000, $0x38;
	[tilespmem:$0x18180] =	vst v63  }
0x370: {  	_ =	swait.ge [sflag:s26], $0xC000  }
0x371: {  	[sflag:s26] =	ssyncset.done $0x0  }
0x372: {  	[sflag:s26] =	ssyncadd.s32 $0xFFFF4000  }
0x373: {  	v3 =	vld [tilespmem:$0x138];
	_ =	sdelay $0x4  }
0x374: {  	v58 =	vshll.u32 v3, $0x4  }
0x375: {  	v3 =	vand.u32 $0x7, v3;
	v4 =	vand.u32 $0xFFFFFF80, v58  }
0x376: {  	v3 =	vor.u32 v3, v4  }
0x377: {  	v4 =	vperm.xlane v3, v0;
	_ =	sdelay $0x1  }
0x378: {  	v4 =	vadd.s32 v1, v4;
	_ =	sdelay $0x4  }
0x379: {  	[tilespmem:s0], [sflag:$0x2] =	stream.indirect_vreg.gather [hbm4b:s2+s3], $0x80, v4, vm0, $0xb8;
	[tilespmem:$0x18180] =	vst v63  }
0x37a: {  	s17 =	simm.s32 $0xC980  }
0x37b: {  	[tilespmem:s17], [sflag:$0x2] =	stream.indirect_vreg.gather [hbm4b:s5+s3], $0x80, v4, vm0, $0xb8;
	[tilespmem:$0x18180] =	vst v63  }
0x37c: {  	s4 =	simm.s32 $0xD180  }
0x37d: {  	[tilespmem:s4], [sflag:$0x2] =	stream.indirect_vreg.gather [hbm4b:s6+s3], $0x80, v4, vm0, $0xb8;
	[tilespmem:$0x18180] =	vst v63  }
0x37e: {  	s4 =	simm.s32 $0xD980  }
0x37f: {  	[tilespmem:s4], [sflag:$0x2] =	stream.indirect_vreg.gather [hbm4b:s7+s3], $0x80, v4, vm0, $0xb8;
	[tilespmem:$0x18180] =	vst v63  }
0x380: {  	_ = 	snop  }
0x381: {  	[tilespmem:s12], [sflag:$0x2] =	stream.indirect_vreg.gather [hbm4b:s8+s3], $0x80, v4, vm0, $0xb8;
	[tilespmem:$0x18180] =	vst v63  }
0x382: {  	s16 =	simm.s32 $0xE980;
	v3 =	vperm.xlane v3, v2  }
0x383: {  	[tilespmem:s16], [sflag:$0x2] =	stream.indirect_vreg.gather [hbm4b:s9+s3], $0x80, v4, vm0, $0xb8;
	[tilespmem:$0x18180] =	vst v63  }
0x384: {  	v3 =	vadd.s32 v1, v3;
	s16 =	simm.s32 $0xF180  }
0x385: {  	[tilespmem:s16], [sflag:$0x2] =	stream.indirect_vreg.gather [hbm4b:s10+s3], $0x80, v4, vm0, $0xb8;
	[tilespmem:$0x18180] =	vst v63  }
0x386: {  	s12 =	simm.s32 $0xF980  }
0x387: {  	[tilespmem:s12], [sflag:$0x2] =	stream.indirect_vreg.gather [hbm4b:s11+s3], $0x80, v4, vm0, $0xb8;
	[tilespmem:$0x18180] =	vst v63  }
0x388: {  	s12 =	simm.s32 $0x10180  }
0x389: {  	[tilespmem:s12], [sflag:$0x2] =	stream.indirect_vreg.gather [hbm4b:s2+s3], $0x80, v3, vm0, $0xb8;
	[tilespmem:$0x18180] =	vst v63  }
0x38a: {  	s13 =	simm.s32 $0x10980  }
0x38b: {  	[tilespmem:s13], [sflag:$0x2] =	stream.indirect_vreg.gather [hbm4b:s5+s3], $0x80, v3, vm0, $0xb8;
	[tilespmem:$0x18180] =	vst v63  }
0x38c: {  	s13 =	simm.s32 $0x11180  }
0x38d: {  	[tilespmem:s13], [sflag:$0x2] =	stream.indirect_vreg.gather [hbm4b:s6+s3], $0x80, v3, vm0, $0xb8;
	[tilespmem:$0x18180] =	vst v63  }
0x38e: {  	s18 =	simm.s32 $0x11980  }
0x38f: {  	[tilespmem:s18], [sflag:$0x2] =	stream.indirect_vreg.gather [hbm4b:s7+s3], $0x80, v3, vm0, $0xb8;
	[tilespmem:$0x18180] =	vst v63  }
0x390: {  	s18 =	simm.s32 $0x12180  }
0x391: {  	[tilespmem:s18], [sflag:$0x2] =	stream.indirect_vreg.gather [hbm4b:s8+s3], $0x80, v3, vm0, $0xb8;
	[tilespmem:$0x18180] =	vst v63  }
0x392: {  	s28 =	simm.s32 $0x12980  }
0x393: {  	[tilespmem:s28], [sflag:$0x2] =	stream.indirect_vreg.gather [hbm4b:s9+s3], $0x80, v3, vm0, $0xb8;
	[tilespmem:$0x18180] =	vst v63  }
0x394: {  	s18 =	simm.s32 $0x13180  }
0x395: {  	[tilespmem:s18], [sflag:$0x2] =	stream.indirect_vreg.gather [hbm4b:s10+s3], $0x80, v3, vm0, $0xb8;
	[tilespmem:$0x18180] =	vst v63  }
0x396: {  	s28 =	simm.s32 $0x13980  }
0x397: {  	[tilespmem:s28], [sflag:$0x2] =	stream.indirect_vreg.gather [hbm4b:s11+s3], $0x80, v3, vm0, $0xb8;
	[tilespmem:$0x18180] =	vst v63  }
0x398: {  	v3 =	vld.msk [tilespmem:$0x148], $0xff;
	_ =	sdelay $0x4  }
0x399: {  	v59 =	vshll.u32 v3, $0x4  }
0x39a: {  	v3 =	vand.u32 $0x7, v3;
	v4 =	vand.u32 $0xFFFFFF80, v59  }
0x39b: {  	v3 =	vor.u32 v3, v4  }
0x39c: {  	v3 =	vperm.xlane v3, v0;
	_ =	sdelay $0x1  }
0x39d: {  	v3 =	vadd.s32 v1, v3;
	_ =	sdelay $0x3  }
0x39e: {  	s18 =	simm.s32 $0x14180  }
0x39f: {  	[tilespmem:s18], [sflag:$0x2] =	stream.indirect_vreg.gather [hbm4b:s2+s3], $0x80, v3, vm0, $0xb8;
	[tilespmem:$0x18180] =	vst v63  }
0x3a0: {  	s28 =	simm.s32 $0x14980  }
0x3a1: {  	[tilespmem:s28], [sflag:$0x2] =	stream.indirect_vreg.gather [hbm4b:s5+s3], $0x80, v3, vm0, $0xb8;
	[tilespmem:$0x18180] =	vst v63  }
0x3a2: {  	s18 =	simm.s32 $0x15180  }
0x3a3: {  	[tilespmem:s18], [sflag:$0x2] =	stream.indirect_vreg.gather [hbm4b:s6+s3], $0x80, v3, vm0, $0xb8;
	[tilespmem:$0x18180] =	vst v63  }
0x3a4: {  	s28 =	simm.s32 $0x15980  }
0x3a5: {  	[tilespmem:s28], [sflag:$0x2] =	stream.indirect_vreg.gather [hbm4b:s7+s3], $0x80, v3, vm0, $0xb8;
	[tilespmem:$0x18180] =	vst v63  }
0x3a6: {  	s18 =	simm.s32 $0x16180  }
0x3a7: {  	[tilespmem:s18], [sflag:$0x2] =	stream.indirect_vreg.gather [hbm4b:s8+s3], $0x80, v3, vm0, $0xb8;
	[tilespmem:$0x18180] =	vst v63  }
0x3a8: {  	s28 =	simm.s32 $0x16980  }
0x3a9: {  	[tilespmem:s28], [sflag:$0x2] =	stream.indirect_vreg.gather [hbm4b:s9+s3], $0x80, v3, vm0, $0xb8;
	[tilespmem:$0x18180] =	vst v63  }
0x3aa: {  	s18 =	simm.s32 $0x17180  }
0x3ab: {  	[tilespmem:s18], [sflag:$0x2] =	stream.indirect_vreg.gather [hbm4b:s10+s3], $0x80, v3, vm0, $0xb8;
	[tilespmem:$0x18180] =	vst v63  }
0x3ac: {  	s28 =	simm.s32 $0x17980  }
0x3ad: {  	[tilespmem:s28], [sflag:$0x2] =	stream.indirect_vreg.gather [hbm4b:s11+s3], $0x80, v3, vm0, $0xb8;
	[tilespmem:$0x18180] =	vst v63  }
0x3ae: {  	_ =	swait.ge [sflag:s23], $0xC000  }
0x3af: {  	[sflag:s23] =	ssyncset.done $0x0  }
0x3b0: {  	s18 =	simm.s32 $0x180;
	s0 =	rddreg [dreg:$0xf];
	[sflag:s23] =	ssyncadd.s32 $0xFFFF4000  }
0x3b1: {  	[hbm4b:s0+s3] =	stream.linear.scatter [tilespmem:s18], [sflag:$0x3], $0xC000, $0x38;
	[tilespmem:$0x18180] =	vst v63  }
0x3b2: {  	_ =	swait.ge [sflag:s24], $0xC000  }
0x3b3: {  	[sflag:s24] =	ssyncset.done $0x0  }
0x3b4: {  	[sflag:s24] =	ssyncadd.s32 $0xFFFF4000  }
0x3b5: {  	v3 =	vld [tilespmem:$0x150];
	_ =	sdelay $0x4  }
0x3b6: {  	v60 =	vshll.u32 v3, $0x4  }
0x3b7: {  	v3 =	vand.u32 $0x7, v3;
	v4 =	vand.u32 $0xFFFFFF80, v60  }
0x3b8: {  	v3 =	vor.u32 v3, v4  }
0x3b9: {  	v4 =	vperm.xlane v3, v0;
	_ =	sdelay $0x1  }
0x3ba: {  	v4 =	vadd.s32 v1, v4;
	_ =	sdelay $0x4  }
0x3bb: {  	[tilespmem:s18], [sflag:$0x1] =	stream.indirect_vreg.gather [hbm4b:s2+s3], $0x80, v4, vm0, $0xb8;
	[tilespmem:$0x18180] =	vst v63  }
0x3bc: {  	_ = 	snop  }
0x3bd: {  	[tilespmem:s15], [sflag:$0x1] =	stream.indirect_vreg.gather [hbm4b:s5+s3], $0x80, v4, vm0, $0xb8;
	[tilespmem:$0x18180] =	vst v63  }
0x3be: {  	s15 =	simm.s32 $0x1180  }
0x3bf: {  	[tilespmem:s15], [sflag:$0x1] =	stream.indirect_vreg.gather [hbm4b:s6+s3], $0x80, v4, vm0, $0xb8;
	[tilespmem:$0x18180] =	vst v63  }
0x3c0: {  	s28 =	simm.s32 $0x1980  }
0x3c1: {  	[tilespmem:s28], [sflag:$0x1] =	stream.indirect_vreg.gather [hbm4b:s7+s3], $0x80, v4, vm0, $0xb8;
	[tilespmem:$0x18180] =	vst v63  }
0x3c2: {  	s15 =	simm.s32 $0x2180  }
0x3c3: {  	[tilespmem:s15], [sflag:$0x1] =	stream.indirect_vreg.gather [hbm4b:s8+s3], $0x80, v4, vm0, $0xb8;
	[tilespmem:$0x18180] =	vst v63  }
0x3c4: {  	v3 =	vperm.xlane v3, v2;
	s28 =	simm.s32 $0x2980  }
0x3c5: {  	[tilespmem:s28], [sflag:$0x1] =	stream.indirect_vreg.gather [hbm4b:s9+s3], $0x80, v4, vm0, $0xb8;
	[tilespmem:$0x18180] =	vst v63  }
0x3c6: {  	v3 =	vadd.s32 v1, v3;
	s15 =	simm.s32 $0x3180  }
0x3c7: {  	[tilespmem:s15], [sflag:$0x1] =	stream.indirect_vreg.gather [hbm4b:s10+s3], $0x80, v4, vm0, $0xb8;
	[tilespmem:$0x18180] =	vst v63  }
0x3c8: {  	s28 =	simm.s32 $0x3980  }
0x3c9: {  	[tilespmem:s28], [sflag:$0x1] =	stream.indirect_vreg.gather [hbm4b:s11+s3], $0x80, v4, vm0, $0xb8;
	[tilespmem:$0x18180] =	vst v63  }
0x3ca: {  	s15 =	simm.s32 $0x4180  }
0x3cb: {  	[tilespmem:s15], [sflag:$0x1] =	stream.indirect_vreg.gather [hbm4b:s2+s3], $0x80, v3, vm0, $0xb8;
	[tilespmem:$0x18180] =	vst v63  }
0x3cc: {  	s28 =	simm.s32 $0x4980  }
0x3cd: {  	[tilespmem:s28], [sflag:$0x1] =	stream.indirect_vreg.gather [hbm4b:s5+s3], $0x80, v3, vm0, $0xb8;
	[tilespmem:$0x18180] =	vst v63  }
0x3ce: {  	s15 =	simm.s32 $0x5180  }
0x3cf: {  	[tilespmem:s15], [sflag:$0x1] =	stream.indirect_vreg.gather [hbm4b:s6+s3], $0x80, v3, vm0, $0xb8;
	[tilespmem:$0x18180] =	vst v63  }
0x3d0: {  	s19 =	simm.s32 $0x5980  }
0x3d1: {  	[tilespmem:s19], [sflag:$0x1] =	stream.indirect_vreg.gather [hbm4b:s7+s3], $0x80, v3, vm0, $0xb8;
	[tilespmem:$0x18180] =	vst v63  }
0x3d2: {  	s20 =	simm.s32 $0x6180  }
0x3d3: {  	[tilespmem:s20], [sflag:$0x1] =	stream.indirect_vreg.gather [hbm4b:s8+s3], $0x80, v3, vm0, $0xb8;
	[tilespmem:$0x18180] =	vst v63  }
0x3d4: {  	s21 =	simm.s32 $0x6980  }
0x3d5: {  	[tilespmem:s21], [sflag:$0x1] =	stream.indirect_vreg.gather [hbm4b:s9+s3], $0x80, v3, vm0, $0xb8;
	[tilespmem:$0x18180] =	vst v63  }
0x3d6: {  	s21 =	simm.s32 $0x7180  }
0x3d7: {  	[tilespmem:s21], [sflag:$0x1] =	stream.indirect_vreg.gather [hbm4b:s10+s3], $0x80, v3, vm0, $0xb8;
	[tilespmem:$0x18180] =	vst v63  }
0x3d8: {  	s28 =	simm.s32 $0x7980  }
0x3d9: {  	[tilespmem:s28], [sflag:$0x1] =	stream.indirect_vreg.gather [hbm4b:s11+s3], $0x80, v3, vm0, $0xb8;
	[tilespmem:$0x18180] =	vst v63  }
0x3da: {  	v3 =	vld.msk [tilespmem:$0x160], $0xff;
	_ =	sdelay $0x4  }
0x3db: {  	v61 =	vshll.u32 v3, $0x4  }
0x3dc: {  	v3 =	vand.u32 $0x7, v3;
	v4 =	vand.u32 $0xFFFFFF80, v61  }
0x3dd: {  	v3 =	vor.u32 v3, v4  }
0x3de: {  	v3 =	vperm.xlane v3, v0;
	_ =	sdelay $0x1  }
0x3df: {  	v3 =	vadd.s32 v1, v3;
	_ =	sdelay $0x3  }
0x3e0: {  	s22 =	simm.s32 $0x8180  }
0x3e1: {  	[tilespmem:s22], [sflag:$0x1] =	stream.indirect_vreg.gather [hbm4b:s2+s3], $0x80, v3, vm0, $0xb8;
	[tilespmem:$0x18180] =	vst v63  }
0x3e2: {  	s29 =	simm.s32 $0x8980  }
0x3e3: {  	[tilespmem:s29], [sflag:$0x1] =	stream.indirect_vreg.gather [hbm4b:s5+s3], $0x80, v3, vm0, $0xb8;
	[tilespmem:$0x18180] =	vst v63  }
0x3e4: {  	s30 =	simm.s32 $0x9180  }
0x3e5: {  	[tilespmem:s30], [sflag:$0x1] =	stream.indirect_vreg.gather [hbm4b:s6+s3], $0x80, v3, vm0, $0xb8;
	[tilespmem:$0x18180] =	vst v63  }
0x3e6: {  	s31 =	simm.s32 $0x9980  }
0x3e7: {  	[tilespmem:s31], [sflag:$0x1] =	stream.indirect_vreg.gather [hbm4b:s7+s3], $0x80, v3, vm0, $0xb8;
	[tilespmem:$0x18180] =	vst v63  }
0x3e8: {  	s31 =	simm.s32 $0xA180  }
0x3e9: {  	[tilespmem:s31], [sflag:$0x1] =	stream.indirect_vreg.gather [hbm4b:s8+s3], $0x80, v3, vm0, $0xb8;
	[tilespmem:$0x18180] =	vst v63  }
0x3ea: {  	_ = 	snop  }
0x3eb: {  	[tilespmem:s1], [sflag:$0x1] =	stream.indirect_vreg.gather [hbm4b:s9+s3], $0x80, v3, vm0, $0xb8;
	[tilespmem:$0x18180] =	vst v63  }
0x3ec: {  	_ = 	snop  }
0x3ed: {  	[tilespmem:s14], [sflag:$0x1] =	stream.indirect_vreg.gather [hbm4b:s10+s3], $0x80, v3, vm0, $0xb8;
	[tilespmem:$0x18180] =	vst v63  }
0x3ee: {  	s15 =	simm.s32 $0xB980  }
0x3ef: {  	[tilespmem:s15], [sflag:$0x1] =	stream.indirect_vreg.gather [hbm4b:s11+s3], $0x80, v3, vm0, $0xb8;
	[tilespmem:$0x18180] =	vst v63  }
0x3f0: {  	_ =	swait.ge [sflag:s25], $0xC000  }
0x3f1: {  	[sflag:s25] =	ssyncset.done $0x0  }
0x3f2: {  	s20 =	simm.s32 $0xC180;
	s19 =	rddreg [dreg:$0x10];
	[sflag:s25] =	ssyncadd.s32 $0xFFFF4000  }
0x3f3: {  	[hbm4b:s19+s3] =	stream.linear.scatter [tilespmem:s20], [sflag:$0x4], $0xC000, $0x38;
	[tilespmem:$0x18180] =	vst v63  }
0x3f4: {  	_ =	swait.ge [sflag:s26], $0xC000  }
0x3f5: {  	[sflag:s26] =	ssyncset.done $0x0  }
0x3f6: {  	[sflag:s26] =	ssyncadd.s32 $0xFFFF4000  }
0x3f7: {  	v3 =	vld [tilespmem:$0x168];
	_ =	sdelay $0x4  }
0x3f8: {  	v62 =	vshll.u32 v3, $0x4  }
0x3f9: {  	v3 =	vand.u32 $0x7, v3;
	v4 =	vand.u32 $0xFFFFFF80, v62  }
0x3fa: {  	v3 =	vor.u32 v3, v4  }
0x3fb: {  	v4 =	vperm.xlane v3, v0;
	_ =	sdelay $0x1  }
0x3fc: {  	v4 =	vadd.s32 v1, v4;
	_ =	sdelay $0x4  }
0x3fd: {  	[tilespmem:s20], [sflag:$0x2] =	stream.indirect_vreg.gather [hbm4b:s2+s3], $0x80, v4, vm0, $0xb8;
	[tilespmem:$0x18180] =	vst v63  }
0x3fe: {  	_ = 	snop  }
0x3ff: {  	[tilespmem:s17], [sflag:$0x2] =	stream.indirect_vreg.gather [hbm4b:s5+s3], $0x80, v4, vm0, $0xb8;
	[tilespmem:$0x18180] =	vst v63  }
0x400: {  	s21 =	simm.s32 $0xD180  }
0x401: {  	[tilespmem:s21], [sflag:$0x2] =	stream.indirect_vreg.gather [hbm4b:s6+s3], $0x80, v4, vm0, $0xb8;
	[tilespmem:$0x18180] =	vst v63  }
0x402: {  	_ = 	snop  }
0x403: {  	[tilespmem:s4], [sflag:$0x2] =	stream.indirect_vreg.gather [hbm4b:s7+s3], $0x80, v4, vm0, $0xb8;
	[tilespmem:$0x18180] =	vst v63  }
0x404: {  	s22 =	simm.s32 $0xE180  }
0x405: {  	[tilespmem:s22], [sflag:$0x2] =	stream.indirect_vreg.gather [hbm4b:s8+s3], $0x80, v4, vm0, $0xb8;
	[tilespmem:$0x18180] =	vst v63  }
0x406: {  	s28 =	simm.s32 $0xE980;
	v3 =	vperm.xlane v3, v2  }
0x407: {  	[tilespmem:s28], [sflag:$0x2] =	stream.indirect_vreg.gather [hbm4b:s9+s3], $0x80, v4, vm0, $0xb8;
	[tilespmem:$0x18180] =	vst v63  }
0x408: {  	v3 =	vadd.s32 v1, v3  }
0x409: {  	[tilespmem:s16], [sflag:$0x2] =	stream.indirect_vreg.gather [hbm4b:s10+s3], $0x80, v4, vm0, $0xb8;
	[tilespmem:$0x18180] =	vst v63  }
0x40a: {  	s29 =	simm.s32 $0xF980  }
0x40b: {  	[tilespmem:s29], [sflag:$0x2] =	stream.indirect_vreg.gather [hbm4b:s11+s3], $0x80, v4, vm0, $0xb8;
	[tilespmem:$0x18180] =	vst v63  }
0x40c: {  	_ = 	snop  }
0x40d: {  	[tilespmem:s12], [sflag:$0x2] =	stream.indirect_vreg.gather [hbm4b:s2+s3], $0x80, v3, vm0, $0xb8;
	[tilespmem:$0x18180] =	vst v63  }
0x40e: {  	s30 =	simm.s32 $0x10980  }
0x40f: {  	[tilespmem:s30], [sflag:$0x2] =	stream.indirect_vreg.gather [hbm4b:s5+s3], $0x80, v3, vm0, $0xb8;
	[tilespmem:$0x18180] =	vst v63  }
0x410: {  	_ = 	snop  }
0x411: {  	[tilespmem:s13], [sflag:$0x2] =	stream.indirect_vreg.gather [hbm4b:s6+s3], $0x80, v3, vm0, $0xb8;
	[tilespmem:$0x18180] =	vst v63  }
0x412: {  	s31 =	simm.s32 $0x11980  }
0x413: {  	[tilespmem:s31], [sflag:$0x2] =	stream.indirect_vreg.gather [hbm4b:s7+s3], $0x80, v3, vm0, $0xb8;
	[tilespmem:$0x18180] =	vst v63  }
0x414: {  	s12 =	simm.s32 $0x12180  }
0x415: {  	[tilespmem:s12], [sflag:$0x2] =	stream.indirect_vreg.gather [hbm4b:s8+s3], $0x80, v3, vm0, $0xb8;
	[tilespmem:$0x18180] =	vst v63  }
0x416: {  	s13 =	simm.s32 $0x12980  }
0x417: {  	[tilespmem:s13], [sflag:$0x2] =	stream.indirect_vreg.gather [hbm4b:s9+s3], $0x80, v3, vm0, $0xb8;
	[tilespmem:$0x18180] =	vst v63  }
0x418: {  	s14 =	simm.s32 $0x13180  }
0x419: {  	[tilespmem:s14], [sflag:$0x2] =	stream.indirect_vreg.gather [hbm4b:s10+s3], $0x80, v3, vm0, $0xb8;
	[tilespmem:$0x18180] =	vst v63  }
0x41a: {  	s15 =	simm.s32 $0x13980  }
0x41b: {  	[tilespmem:s15], [sflag:$0x2] =	stream.indirect_vreg.gather [hbm4b:s11+s3], $0x80, v3, vm0, $0xb8;
	[tilespmem:$0x18180] =	vst v63  }
0x41c: {  	v3 =	vld.msk [tilespmem:$0x178], $0xff;
	_ =	sdelay $0x4  }
0x41d: {  	v63 =	vshll.u32 v3, $0x4  }
0x41e: {  	v3 =	vand.u32 $0x7, v3;
	v4 =	vand.u32 $0xFFFFFF80, v63  }
0x41f: {  	v3 =	vor.u32 v3, v4  }
0x420: {  	v3 =	vperm.xlane v3, v0;
	_ =	sdelay $0x1  }
0x421: {  	v3 =	vadd.s32 v1, v3;
	_ =	sdelay $0x3  }
0x422: {  	s16 =	simm.s32 $0x14180  }
0x423: {  	[tilespmem:s16], [sflag:$0x2] =	stream.indirect_vreg.gather [hbm4b:s2+s3], $0x80, v3, vm0, $0xb8;
	[tilespmem:$0x18180] =	vst v63  }
0x424: {  	s17 =	simm.s32 $0x14980  }
0x425: {  	[tilespmem:s17], [sflag:$0x2] =	stream.indirect_vreg.gather [hbm4b:s5+s3], $0x80, v3, vm0, $0xb8;
	[tilespmem:$0x18180] =	vst v63  }
0x426: {  	s19 =	simm.s32 $0x15180  }
0x427: {  	[tilespmem:s19], [sflag:$0x2] =	stream.indirect_vreg.gather [hbm4b:s6+s3], $0x80, v3, vm0, $0xb8;
	[tilespmem:$0x18180] =	vst v63  }
0x428: {  	s20 =	simm.s32 $0x15980  }
0x429: {  	[tilespmem:s20], [sflag:$0x2] =	stream.indirect_vreg.gather [hbm4b:s7+s3], $0x80, v3, vm0, $0xb8;
	[tilespmem:$0x18180] =	vst v63  }
0x42a: {  	s21 =	simm.s32 $0x16180  }
0x42b: {  	[tilespmem:s21], [sflag:$0x2] =	stream.indirect_vreg.gather [hbm4b:s8+s3], $0x80, v3, vm0, $0xb8;
	[tilespmem:$0x18180] =	vst v63  }
0x42c: {  	s22 =	simm.s32 $0x16980  }
0x42d: {  	[tilespmem:s22], [sflag:$0x2] =	stream.indirect_vreg.gather [hbm4b:s9+s3], $0x80, v3, vm0, $0xb8;
	[tilespmem:$0x18180] =	vst v63  }
0x42e: {  	s28 =	simm.s32 $0x17180  }
0x42f: {  	[tilespmem:s28], [sflag:$0x2] =	stream.indirect_vreg.gather [hbm4b:s10+s3], $0x80, v3, vm0, $0xb8;
	[tilespmem:$0x18180] =	vst v63  }
0x430: {  	s29 =	simm.s32 $0x17980  }
0x431: {  	[tilespmem:s29], [sflag:$0x2] =	stream.indirect_vreg.gather [hbm4b:s11+s3], $0x80, v3, vm0, $0xb8;
	[tilespmem:$0x18180] =	vst v63  }
0x432: {  	s0 =	rddreg [dreg:$0x14];
	_ =	swait.ge [sflag:s23], $0xC000  }
0x433: {  	[sflag:s23] =	ssyncset.done $0x0  }
0x434: {  	s18 =	simm.s32 $0x180;
	s30 =	rddreg [dreg:$0x11];
	[sflag:s23] =	ssyncadd.s32 $0xFFFF4000  }
0x435: {  	[hbm4b:s30+s3] =	stream.linear.scatter [tilespmem:s18], [sflag:$0x3], $0xC000, $0x38;
	[tilespmem:$0x18180] =	vst v63  }
0x436: {  	_ =	swait.ge [sflag:s25], $0xC000  }
0x437: {  	[sflag:s25] =	ssyncset.done $0x0  }
0x438: {  	s1 =	simm.s32 $0xC180;
	s31 =	rddreg [dreg:$0x12];
	[sflag:s25] =	ssyncadd.s32 $0xFFFF4000  }
0x439: {  	[hbm4b:s31+s3] =	stream.linear.scatter [tilespmem:s1], [sflag:$0x4], $0xC000, $0x38;
	[tilespmem:$0x18180] =	vst v63  }
0x43a: {  	p0 =	sne.s32 s0, $0x1;
	_ =	swait.ge [sflag:s24], $0xC000  }
.Ltmp0:
0x43b: {  	[sflag:s24] =	ssyncset.done $0x0;
	(pc) =	sbr.rel @p0 .LBB2_1-.Ltmp0, $4  }
0x43c: {  	[sflag:s24] =	ssyncadd.s32 $0xFFFF4000  }
0x43d: {  	_ =	swait.ge [sflag:s26], $0xC000  }
0x43e: {  	[sflag:s26] =	ssyncset.done $0x0  }
0x43f: {  	s0 =	sadd.s32 $0xFFFFFFFF, s0;
	[sflag:s26] =	ssyncadd.s32 $0xFFFF4000  }
0x440: {  	_ =	sfence.sel $0x180000  }
0x441: {  	[bflag:$0x0] =	sbarrier.arrive $0xFFFF  }
0x442: {  	_ =	strace $0x9000004A  }
0x443: {  	s0 =	stileid.u32;
	[bflag:$0x2] =	sbarrier.arrive $0xFFFF  }
0x444: {  	p0 =	sne.s32 s0, $0x0;
	s0 =	rddreg [dreg:$0x2]  }
0x445: {  	s0 =	sadd.s32 @!p0 $0x100000, s0  }
0x446: {  	[sflag:s0] =	ssyncadd.tile.s32 @!p0 $0x1;
	_ =	shalt  }
.Lfunc_end2:
_tile_overlayer_lowered:
.L_overlay_start_2:
0x447: {  	(tag) =	ssettag $0x2  }
0x448: {  	s0 =	rddreg [dreg:$0x0];
	s2 =	stileid.u32  }
0x449: {  	s1 =	rddreg [dreg:$0x1];
	p0 =	sne.s32 s2, $0x0  }
0x44a: {  	s3 =	rddreg [dreg:$0x2];
	[bflag:$0x3] =	sbarrier.arrive $0xFFFF;
	s2 =	simm.s32 @!p0 $0x1C05  }
0x44b: {  	[timem:s3], [sflag:s2] =	dma.local @!p0 [hbm:s0], s1  }
0x44c: {  	s0 =	simm.s32 @!p0 $0x5  }
0x44d: {  	_ =	swait.ge @!p0 [sflag:s0], s1  }
0x44e: {  	s1 =	ssub.s32 @!p0 $0x0, s1;
	[sflag:s0] =	ssyncset.done @!p0 $0x0  }
0x44f: {  	[sflag:s0] =	ssyncadd.s32 @!p0 s1  }
0x450: {  	[bflag:$0x3] =	sbarrier.arrive $0xFFFF  }
0x451: {  	_ =	shalt  }

// kernel: kernel.9.cloned.1.call-start
scs
__scs_entry_jumppad:
0x0: {  	(pc) =	sbr.rel $0x88, $3  }
0x1: {  	(tag) =	ssettag $0x0;
	lr =	simm.s32 $0x1  }
0x2: {  	[smem:$0x3F9C] =	sst lr;
	_ =	strace $0xD0000000  }
0x3: {  	_ = 	snop  }
0x4: {  	_ = 	snop  }
0x5: {  	_ = 	snop  }
0x6: {  	_ = 	snop  }
0x7: {  	_ = 	snop  }
__scs_overlays_trampoline_lowered:
0x8: {  	[smem:$0x3FAB] =	sst s0  }
0x9: {  	[smem:$0x3FAC] =	sst s1  }
0xa: {  	[smem:$0x3FAD] =	sst s2  }
0xb: {  	[smem:$0x3FAE] =	sst s3  }
0xc: {  	[smem:$0x3FAF] =	sst s4  }
0xd: {  	[smem:$0x3FB0] =	sst s5  }
0xe: {  	[smem:$0x3FB1] =	sst s6  }
0xf: {  	[smem:$0x3FB2] =	sst s7  }
0x10: {  	[smem:$0x3FB3] =	sst s8  }
0x11: {  	[smem:$0x3FB4] =	sst s9;
	s0 =	simm.s32 @!p0 $0x0  }
0x12: {  	s1 =	sld [smem:$0x3F9A];
	s0 =	simm.s32 @p0 $0x1  }
0x13: {  	[smem:$0x3FB5] =	sst s0;
	s0 =	simm.s32 @!p1 $0x0  }
0x14: {  	s2 =	sld [smem:$0x3F99];
	s0 =	simm.s32 @p1 $0x1  }
0x15: {  	[smem:$0x3FB6] =	sst s0;
	s0 =	simm.s32 @!p2 $0x0  }
0x16: {  	s3 =	sld [smem:$0x3FDB];
	s0 =	simm.s32 @p2 $0x1  }
0x17: {  	s4 =	simm.s32 $0x1BF5;
	[smem:$0x3FB8] =	sst s0  }
0x18: {  	s0 =	sld [smem:$0x3F9B];
	_ =	swait.ge [sflag:s4], $0x0  }
0x19: {  	s7 =	sld [smem:$0x3F9C]  }
0x1a: {  	s8 =	sadd.s32 $0xFFFFE003, lr  }
0x1b: {  	s9 =	sadd.s32 $0xFFFFFEF7, lr;
	s5 =	simm.s32 $0xFFFFFFFF;
	p2 =	slt.u32 s8, $0xFFFFF086  }
0x1c: {  	p1 =	slt.u32 s9, $0xF7A;
	s5 =	simm.s32 @!p2 $0x0  }
0x1d: {  	s5 =	simm.s32 @p1 $0x1;
	p0 =	seq.s32 s7, s2  }
0x1e: {  	s7 =	smul.u32 @!p0 $0xF7A, s2;
	p2 =	seq.s32 @!p0 s5, $0x0  }
0x1f: {  	s9 =	smul.u32 $0xF7A, s1;
	s8 =	simm.s32 @!p0 $0x1BF5;
	p2 =	por !p2, p0  }
0x20: {  	[sflag:s8] =	ssyncset.s32 @!p0 $0xFFFFF086;
	s6 =	sadd.s32 @!p0 s3, s7;
	s7 =	simm.s32 @!p0 $0x108  }
0x21: {  	s3 =	sadd.s32 s3, s9;
	s6 =	sadd.s32 @!p0 $0x88, s6;
	s7 =	simm.s32 @p2 $0x1082  }
0x22: {  	[simem:s7], [sflag:s8] =	dma.local @!p0 [hbm:s6], $0xF7A  }
0x23: {  	s9 =	sor.u32 $0xD0000000, s2;
	s6 =	simm.s32 $0x108;
	_ =	swait.ge @!p0 [sflag:s8], $0x0  }
0x24: {  	s3 =	sadd.s32 $0x88, s3;
	s6 =	simm.s32 @!p1 $0x1082;
	[sflag:s4] =	ssyncset.s32 $0xFFFFF086  }
0x25: {  	[simem:s6], [sflag:s4] =	dma.local [hbm:s3], $0xF7A  }
0x26: {  	[smem:$0x3F9C] =	sst s1;
	(tag) =	ssettag s2;
	_ =	strace s9  }
0x27: {  	s1 =	sld [smem:$0x3FAC]  }
0x28: {  	s2 =	sld [smem:$0x3FAD]  }
0x29: {  	s4 =	sld [smem:$0x3FAF]  }
0x2a: {  	p0 =	seq.s32 s5, $0x0;
	s5 =	sld [smem:$0x3FB0]  }
0x2b: {  	s6 =	sld [smem:$0x3FB1]  }
0x2c: {  	s7 =	sld [smem:$0x3FB2]  }
0x2d: {  	s3 =	simm.s32 $0x108;
	s8 =	sld [smem:$0x3FB3]  }
0x2e: {  	s3 =	simm.s32 @!p0 $0x1082;
	s9 =	sld [smem:$0x3FB4]  }
0x2f: {  	lr =	sadd.s32 s0, s3;
	s0 =	sld [smem:$0x3FAB]  }
0x30: {  	s3 =	sld [smem:$0x3FAE]  }
0x31: {  	[smem:$0x3FB7] =	sst s10  }
0x32: {  	s10 =	sld [smem:$0x3FB5];
	_ =	sdelay $0x3  }
0x33: {  	p0 =	seq.s32 s10, $0x1;
	s10 =	sld [smem:$0x3FB7];
	_ =	sdelay $0x3  }
0x34: {  	[smem:$0x3FB7] =	sst s10  }
0x35: {  	s10 =	sld [smem:$0x3FB6];
	_ =	sdelay $0x3  }
0x36: {  	p1 =	seq.s32 s10, $0x1;
	s10 =	sld [smem:$0x3FB7];
	_ =	sdelay $0x3  }
0x37: {  	[smem:$0x3FB7] =	sst s10  }
0x38: {  	s10 =	sld [smem:$0x3FB8]  }
0x39: {  	_ = 	snop;
	(pc) =	sbr.ind lr, $3  }
0x3a: {  	_ = 	snop  }
0x3b: {  	_ = 	snop  }
0x3c: {  	p2 =	seq.s32 s10, $0x1;
	s10 =	sld [smem:$0x3FB7]  }
0x3d: {  	_ =	shalt  }
0x3e: {  	_ =	shalt  }
0x3f: {  	_ =	shalt  }
0x40: {  	_ =	shalt  }
0x41: {  	_ =	shalt  }
0x42: {  	_ =	shalt  }
0x43: {  	_ =	shalt  }
0x44: {  	_ =	shalt  }
0x45: {  	_ =	shalt  }
0x46: {  	_ =	shalt  }
0x47: {  	_ =	shalt  }
0x48: {  	_ =	shalt  }
0x49: {  	_ =	shalt  }
0x4a: {  	_ =	shalt  }
0x4b: {  	_ =	shalt  }
0x4c: {  	_ =	shalt  }
0x4d: {  	_ =	shalt  }
0x4e: {  	_ =	shalt  }
0x4f: {  	_ =	shalt  }
0x50: {  	_ =	shalt  }
0x51: {  	_ =	shalt  }
0x52: {  	_ =	shalt  }
0x53: {  	_ =	shalt  }
0x54: {  	_ =	shalt  }
0x55: {  	_ =	shalt  }
0x56: {  	_ =	shalt  }
0x57: {  	_ =	shalt  }
0x58: {  	_ =	shalt  }
0x59: {  	_ =	shalt  }
0x5a: {  	_ =	shalt  }
0x5b: {  	_ =	shalt  }
0x5c: {  	_ =	shalt  }
0x5d: {  	_ =	shalt  }
0x5e: {  	_ =	shalt  }
0x5f: {  	_ =	shalt  }
0x60: {  	_ =	shalt  }
0x61: {  	_ =	shalt  }
0x62: {  	_ =	shalt  }
0x63: {  	_ =	shalt  }
0x64: {  	_ =	shalt  }
0x65: {  	_ =	shalt  }
0x66: {  	_ =	shalt  }
0x67: {  	_ =	shalt  }
0x68: {  	_ =	shalt  }
0x69: {  	_ =	shalt  }
0x6a: {  	_ =	shalt  }
0x6b: {  	_ =	shalt  }
0x6c: {  	_ =	shalt  }
0x6d: {  	_ =	shalt  }
0x6e: {  	_ =	shalt  }
0x6f: {  	_ =	shalt  }
0x70: {  	_ =	shalt  }
0x71: {  	_ =	shalt  }
0x72: {  	_ =	shalt  }
0x73: {  	_ =	shalt  }
0x74: {  	_ =	shalt  }
0x75: {  	_ =	shalt  }
0x76: {  	_ =	shalt  }
0x77: {  	_ =	shalt  }
0x78: {  	_ =	shalt  }
0x79: {  	_ =	shalt  }
0x7a: {  	_ =	shalt  }
0x7b: {  	_ =	shalt  }
0x7c: {  	_ =	shalt  }
0x7d: {  	_ =	shalt  }
0x7e: {  	_ =	shalt  }
0x7f: {  	_ =	shalt  }
0x80: {  	_ =	shalt  }
0x81: {  	_ =	shalt  }
0x82: {  	_ =	shalt  }
0x83: {  	_ =	shalt  }
0x84: {  	_ =	shalt  }
0x85: {  	_ =	shalt  }
0x86: {  	_ =	shalt  }
0x87: {  	_ =	shalt  }
.Lfunc_end0:
.L_simem_size_0:
called_computation.2_lowered:
.L_overlay_start_0:
0x88: {  	s2 =	sld [smem:$0x3FD9]  }
0x89: {  	s3 =	sld [smem:$0x3FFE];
	_ =	sdelay $0x1  }
0x8a: {  	s1 =	srdreg.scid  }
0x8b: {  	s0 =	sand.u32 $0x1, s1  }
0x8c: {  	s17 =	sshll.u32 s0, $0xA;
	s2 =	sadd.s32 s3, s2  }
0x8d: {  	s2 =	sadd.s32 s2, s17  }
0x8e: {  	[smem:$0x3FC3] =	sst s2  }
0x8f: {  	_ = 	snop  }
0x90: {  	s2 =	sld [smem:$0x3FD0];
	(tm) =	ssettm $0x1  }
0x91: {  	s18 =	sld [smem:$0x3FFB];
	_ =	sdelay $0x3  }
0x92: {  	_ =	strace s18  }
0x93: {  	s3 =	sld [smem:$0x3FFC];
	_ =	sdelay $0x3  }
0x94: {  	_ =	strace s3  }
0x95: {  	s3 =	sld [smem:$0x3FFD];
	_ =	sdelay $0x3  }
0x96: {  	_ =	strace s3  }
0x97: {  	_ =	strace $0x8FFFFFFF  }
0x98: {  	s19 =	sld [smem:$0x3FDB];
	_ =	sdelay $0x1  }
0x99: {  	s4 =	simm.s32 $_scs_section_size  }
0x9a: {  	s5 =	simm.s32 $_size__tile_overlayer_lowered;
	s6 =	simm.s32 $_tile_overlayer_lowered  }
0x9b: {  	s22 =	simm.s32 $0x1BFF;
	s21 =	sshll.u32 s6, $0x1;
	s3 =	sadd.s32 s4, s19  }
0x9c: {  	s7 =	simm.s32 $0x0;
	s20 =	sshll.u32 s5, $0x1;
	s5 =	sadd.s32 s21, s3  }
0x9d: {  	[timem:s7], [sflag:s22] =	dma.local [hbm:s5], s20  }
0x9e: {  	_ =	swait.ge [sflag:s22], s20  }
0x9f: {  	s4 =	ssub.s32 $0x0, s20;
	[sflag:s22] =	ssyncset.done $0x0  }
0xa0: {  	[sflag:s22] =	ssyncadd.s32 s4;
	_ =	sdelay $0x1  }
0xa1: {  	s23 =	simm.s32 $0x1B8B  }
0xa2: {  	_ =	swait.ge [sflag:s23], $0x1  }
0xa3: {  	[sflag:s23] =	ssyncset.done $0x0  }
0xa4: {  	s25 =	simm.s32 $0x1B8E;
	s24 =	sld [smem:$0x3FFE];
	[sflag:s23] =	ssyncadd.s32 $0xFFFFFFFF  }
0xa5: {  	s26 =	simm.s32 $execute0_lowered;
	[smem:$0x3FD2] =	sst s25  }
0xa6: {  	s5 =	sshll.u32 s26, $0x1;
	_ =	strace $0x8000004C;
	[dreg:$0x1] =	wrdreg $0xFFFFFFFF  }
0xa7: {  	s28 =	simm.s32 $_size_execute0_lowered;
	s3 =	sadd.s32 s3, s5;
	[dreg:$0x0] =	wrdreg $0x0  }
0xa8: {  	s5 =	sshll.u32 s28, $0x1;
	[dreg:$0x2] =	wrdreg s3  }
0xa9: {  	[dreg:$0x3] =	wrdreg s5  }
0xaa: {  	[dreg:$0x4] =	wrdreg $0xC0  }
0xab: {  	_ =	task [dreg:s7], $0x5FFFF  }
0xac: {  	[dreg:$0x1] =	wrdreg $0xFFFFFFFF  }
0xad: {  	[dreg:$0x0] =	wrdreg $0x60  }
0xae: {  	[dreg:$0x2] =	wrdreg s24  }
0xaf: {  	[dreg:$0x3] =	wrdreg s2  }
0xb0: {  	[dreg:$0x4] =	wrdreg $0x9  }
0xb1: {  	_ =	task.clear_ibuf [dreg:s7], $0x5FFFF;
	_ =	strace $0x9000004C  }
0xb2: {  	s29 =	simm.s32 $0x9;
	_ =	strace $0x8000004E  }
0xb3: {  	_ =	swait.ge [sflag:s29], $0x1  }
0xb4: {  	[sflag:s29] =	ssyncadd.s32 $0xFFFFFFFF  }
0xb5: {  	_ =	strace $0x9000004E  }
0xb6: {  	_ =	sfence  }
0xb7: {  	s30 =	sld [smem:$0x0];
	_ =	sdelay $0x2  }
0xb8: {  	s31 =	sshll.u32 s1, $0xD;
	s1 =	sshrl.u32 s1, $0x2  }
0xb9: {  	s3 =	sand.u32 $0x4000, s31;
	s1 =	sadd.s32 s1, s30  }
0xba: {  	s0 =	sor.u32 s3, s0;
	s1 =	sshll.u32 s1, $0x11  }
0xbb: {  	s0 =	sor.u32 s1, s0  }
0xbc: {  	s0 =	sadd.s32 $0x8F2B, s0  }
0xbd: {  	[sflag:s0] =	ssyncadd.remote.s32 $0x1  }
0xbe: {  	_ =	sfence.sel $0xFFFF  }
0xbf: {  	[dreg:$0x0] =	wrdreg $0xFFFFFFFF;
	(pc) =	sbr.abs _section_cstart, $3  }
0xc0: {  	[dreg:$0x1] =	wrdreg $0xFFFFFFFF  }
0xc1: {  	_ =	task.clear_ibuf [dreg:s7], $0x2FFFF;
	_ =	strace $0x9FFFFFFF  }
0xc2: {  	(tm) =	ssettm $0x7FFFFFFF  }
0xc3: {  	_ =	shalt  }
tec
execute0_lowered:
.L_overlay_start_1:
0x0: {  	(tag) =	ssettag $0x1  }
0x1: {  	s0 =	rddreg [dreg:$0x0];
	s2 =	srdreg.scid  }
0x2: {  	s1 =	rddreg [dreg:$0x1];
	s3 =	stileid.u32;
	s4 =	sand.u32 $0x1, s2  }
0x3: {  	s2 =	simm.s32 $0x0;
	s5 =	sshll.u32 s4, $0x7;
	s4 =	ssub.s32 $0x2, s4  }
0x4: {  	s3 =	sshll.u32 s3, $0x8;
	[smem:$0x7FF] =	sst s2;
	s7 =	sshrl.u32 s4, $0x1  }
0x5: {  	s5 =	sor.u32 s5, s3;
	_ =	strace $0x8000004D;
	s4 =	ssub.s32 s4, s7  }
0x6: {  	s6 =	sshrl.u32 s5, $0x2;
	s5 =	sshll.u32 s5, $0x8;
	s24 =	smax.u32 s4, $0x1  }
0x7: {  	s6 =	sadd.s32 s6, s0;
	s1 =	sadd.s32 s1, s5;
	[dreg:$0x11] =	wrdreg s24  }
0x8: {  	s8 =	sadd.s32 $0x10600, s6;
	[dreg:$0x5] =	wrdreg s1  }
0x9: {  	s6 =	sadd.s32 $0x10610, s6;
	[dreg:$0x3] =	wrdreg s8  }
0xa: {  	s12 =	sadd.s32 $0x800, s1;
	[dreg:$0x4] =	wrdreg s6  }
0xb: {  	s14 =	sadd.s32 $0x1000, s1;
	[dreg:$0x6] =	wrdreg s12  }
0xc: {  	s15 =	sadd.s32 $0x1800, s1;
	[dreg:$0x7] =	wrdreg s14  }
0xd: {  	s16 =	sadd.s32 $0x2000, s1;
	[dreg:$0x8] =	wrdreg s15  }
0xe: {  	s28 =	simm.s32 $0x6;
	s17 =	sadd.s32 $0x2800, s1;
	[dreg:$0x9] =	wrdreg s16  }
0xf: {  	s29 =	simm.s32 $0x0;
	s18 =	sadd.s32 $0x3000, s1;
	[dreg:$0xa] =	wrdreg s17  }
0x10: {  	s9 =	sadd.s32 $0x312E00, s0;
	s19 =	sadd.s32 $0x3800, s1;
	[dreg:$0xb] =	wrdreg s18  }
0x11: {  	s10 =	sadd.s32 $0x312F00, s0;
	s20 =	sadd.s32 $0x4000, s1;
	[dreg:$0xc] =	wrdreg s19  }
0x12: {  	s11 =	sadd.s32 $0x313000, s0;
	s21 =	sadd.s32 $0x4800, s1;
	[dreg:$0xd] =	wrdreg s20  }
0x13: {  	s13 =	sadd.s32 $0x313100, s0;
	s22 =	sadd.s32 $0x5000, s1;
	[dreg:$0xe] =	wrdreg s21  }
0x14: {  	s3 =	sadd.s32 $0x312A00, s0;
	s23 =	sadd.s32 $0x5800, s1;
	[dreg:$0xf] =	wrdreg s22  }
0x15: {  	s7 =	sadd.s32 $0x312C00, s0;
	s25 =	sadd.s32 $0x6000, s1;
	[dreg:$0x10] =	wrdreg s23  }
0x16: {  	s4 =	simm.s32 $0x10100;
	s26 =	sadd.s32 $0x6800, s1;
	[dreg:$0x12] =	wrdreg s25  }
0x17: {  	s5 =	simm.s32 $0x10900;
	s30 =	sadd.s32 $0x7000, s1;
	[dreg:$0x13] =	wrdreg s26  }
0x18: {  	s31 =	sadd.s32 $0x7800, s1;
	s24 =	simm.s32 $0x4;
	[dreg:$0x14] =	wrdreg s30  }
0x19: {  	s6 =	sadd.s32 $0x312B00, s0;
	s8 =	sadd.s32 $0x312D00, s0;
	[dreg:$0x15] =	wrdreg s31  }
0x1a: {  	s14 =	simm.s32 $0x11100;
	s15 =	simm.s32 $0x11900;
	s16 =	simm.s32 $0x12100  }
0x1b: {  	v0 =	vlaneseq.u32;
	s17 =	simm.s32 $0x12900;
	s18 =	simm.s32 $0x13100;
	s19 =	simm.s32 $0x13900  }
0x1c: {  	v1 =	vshrl.u32 v0, $0x3;
	s20 =	simm.s32 $0x1;
	s21 =	simm.s32 $0x2;
	s22 =	simm.s32 $0x8100  }
0x1d: {  	vm0 =	vmmov $0xffff;
	v0 =	vand.u32 $0x7, v0;
	v1 =	vmul.u32 $0x8, v1;
	s23 =	simm.s32 $0x3;
	s25 =	simm.s32 $0x14100;
	s26 =	simm.s32 $0x5  }
.LBB2_1:
0x1e: {  	s0 =	rddreg [dreg:$0x3];
	s1 =	simm.s32 $0x7  }
0x1f: {  	[tilespmem:s2], [sflag:$0x7] =	stream.linear.gather [hbm4b:s0+s2], $0x80, $0x38;
	[tilespmem:$0x18100] =	vst v63  }
0x20: {  	_ =	swait.ge [sflag:s1], $0x80  }
0x21: {  	[sflag:s1] =	ssyncset.done $0x0  }
0x22: {  	s12 =	simm.s32 $0x80;
	s0 =	rddreg [dreg:$0x4];
	[sflag:s1] =	ssyncadd.s32 $0xFFFFFF80  }
0x23: {  	[tilespmem:s12], [sflag:$0x7] =	stream.linear.gather [hbm4b:s0+s2], $0x80, $0x38;
	[tilespmem:$0x18100] =	vst v63  }
0x24: {  	_ =	swait.ge [sflag:s1], $0x80  }
0x25: {  	[sflag:s1] =	ssyncset.done $0x0  }
0x26: {  	[sflag:s1] =	ssyncadd.s32 $0xFFFFFF80  }
0x27: {  	v2 =	vld.msk [tilespmem:$0x0], $0xff;
	_ =	sdelay $0x4  }
0x28: {  	v3 =	vshll.u32 v2, $0x4  }
0x29: {  	v2 =	vand.u32 $0x7, v2;
	v3 =	vand.u32 $0xFFFFFF80, v3  }
0x2a: {  	v2 =	vor.u32 v2, v3  }
0x2b: {  	v2 =	vperm.xlane v2, v0;
	_ =	sdelay $0x1  }
0x2c: {  	v2 =	vadd.s32 v1, v2;
	_ =	sdelay $0x3  }
0x2d: {  	s1 =	simm.s32 $0x100  }
0x2e: {  	[tilespmem:s1], [sflag:$0x1] =	stream.indirect_vreg.gather [hbm4b:s3+s2], $0x80, v2, vm0, $0xb8;
	[tilespmem:$0x18100] =	vst v63  }
0x2f: {  	s12 =	simm.s32 $0x900  }
0x30: {  	[tilespmem:s12], [sflag:$0x1] =	stream.indirect_vreg.gather [hbm4b:s6+s2], $0x80, v2, vm0, $0xb8;
	[tilespmem:$0x18100] =	vst v63  }
0x31: {  	s1 =	simm.s32 $0x1100  }
0x32: {  	[tilespmem:s1], [sflag:$0x1] =	stream.indirect_vreg.gather [hbm4b:s7+s2], $0x80, v2, vm0, $0xb8;
	[tilespmem:$0x18100] =	vst v63  }
0x33: {  	s12 =	simm.s32 $0x1900  }
0x34: {  	[tilespmem:s12], [sflag:$0x1] =	stream.indirect_vreg.gather [hbm4b:s8+s2], $0x80, v2, vm0, $0xb8;
	[tilespmem:$0x18100] =	vst v63  }
0x35: {  	s1 =	simm.s32 $0x2100  }
0x36: {  	[tilespmem:s1], [sflag:$0x1] =	stream.indirect_vreg.gather [hbm4b:s9+s2], $0x80, v2, vm0, $0xb8;
	[tilespmem:$0x18100] =	vst v63  }
0x37: {  	s12 =	simm.s32 $0x2900  }
0x38: {  	[tilespmem:s12], [sflag:$0x1] =	stream.indirect_vreg.gather [hbm4b:s10+s2], $0x80, v2, vm0, $0xb8;
	[tilespmem:$0x18100] =	vst v63  }
0x39: {  	s1 =	simm.s32 $0x3100  }
0x3a: {  	[tilespmem:s1], [sflag:$0x1] =	stream.indirect_vreg.gather [hbm4b:s11+s2], $0x80, v2, vm0, $0xb8;
	[tilespmem:$0x18100] =	vst v63  }
0x3b: {  	s12 =	simm.s32 $0x3900  }
0x3c: {  	[tilespmem:s12], [sflag:$0x1] =	stream.indirect_vreg.gather [hbm4b:s13+s2], $0x80, v2, vm0, $0xb8;
	[tilespmem:$0x18100] =	vst v63  }
0x3d: {  	v2 =	vld.msk [tilespmem:$0x80], $0xff;
	_ =	sdelay $0x4  }
0x3e: {  	v3 =	vshll.u32 v2, $0x4  }
0x3f: {  	v2 =	vand.u32 $0x7, v2;
	v3 =	vand.u32 $0xFFFFFF80, v3  }
0x40: {  	v2 =	vor.u32 v2, v3  }
0x41: {  	v2 =	vperm.xlane v2, v0;
	_ =	sdelay $0x1  }
0x42: {  	v2 =	vadd.s32 v1, v2;
	_ =	sdelay $0x3  }
0x43: {  	s1 =	simm.s32 $0x4100  }
0x44: {  	[tilespmem:s1], [sflag:$0x2] =	stream.indirect_vreg.gather [hbm4b:s3+s2], $0x80, v2, vm0, $0xb8;
	[tilespmem:$0x18100] =	vst v63  }
0x45: {  	s12 =	simm.s32 $0x4900  }
0x46: {  	[tilespmem:s12], [sflag:$0x2] =	stream.indirect_vreg.gather [hbm4b:s6+s2], $0x80, v2, vm0, $0xb8;
	[tilespmem:$0x18100] =	vst v63  }
0x47: {  	s1 =	simm.s32 $0x5100  }
0x48: {  	[tilespmem:s1], [sflag:$0x2] =	stream.indirect_vreg.gather [hbm4b:s7+s2], $0x80, v2, vm0, $0xb8;
	[tilespmem:$0x18100] =	vst v63  }
0x49: {  	s12 =	simm.s32 $0x5900  }
0x4a: {  	[tilespmem:s12], [sflag:$0x2] =	stream.indirect_vreg.gather [hbm4b:s8+s2], $0x80, v2, vm0, $0xb8;
	[tilespmem:$0x18100] =	vst v63  }
0x4b: {  	s1 =	simm.s32 $0x6100  }
0x4c: {  	[tilespmem:s1], [sflag:$0x2] =	stream.indirect_vreg.gather [hbm4b:s9+s2], $0x80, v2, vm0, $0xb8;
	[tilespmem:$0x18100] =	vst v63  }
0x4d: {  	s12 =	simm.s32 $0x6900  }
0x4e: {  	[tilespmem:s12], [sflag:$0x2] =	stream.indirect_vreg.gather [hbm4b:s10+s2], $0x80, v2, vm0, $0xb8;
	[tilespmem:$0x18100] =	vst v63  }
0x4f: {  	s1 =	simm.s32 $0x7100  }
0x50: {  	[tilespmem:s1], [sflag:$0x2] =	stream.indirect_vreg.gather [hbm4b:s11+s2], $0x80, v2, vm0, $0xb8;
	[tilespmem:$0x18100] =	vst v63  }
0x51: {  	s12 =	simm.s32 $0x7900  }
0x52: {  	[tilespmem:s12], [sflag:$0x2] =	stream.indirect_vreg.gather [hbm4b:s13+s2], $0x80, v2, vm0, $0xb8;
	[tilespmem:$0x18100] =	vst v63  }
0x53: {  	v2 =	vld.msk [tilespmem:$0x8], $0xff;
	_ =	sdelay $0x4  }
0x54: {  	v3 =	vshll.u32 v2, $0x4  }
0x55: {  	v2 =	vand.u32 $0x7, v2;
	v3 =	vand.u32 $0xFFFFFF80, v3  }
0x56: {  	v2 =	vor.u32 v2, v3  }
0x57: {  	v2 =	vperm.xlane v2, v0;
	_ =	sdelay $0x1  }
0x58: {  	v2 =	vadd.s32 v1, v2;
	_ =	sdelay $0x3  }
0x59: {  	s1 =	simm.s32 $0xC100  }
0x5a: {  	[tilespmem:s1], [sflag:$0x3] =	stream.indirect_vreg.gather [hbm4b:s3+s2], $0x80, v2, vm0, $0xb8;
	[tilespmem:$0x18100] =	vst v63  }
0x5b: {  	s12 =	simm.s32 $0xC900  }
0x5c: {  	[tilespmem:s12], [sflag:$0x3] =	stream.indirect_vreg.gather [hbm4b:s6+s2], $0x80, v2, vm0, $0xb8;
	[tilespmem:$0x18100] =	vst v63  }
0x5d: {  	s1 =	simm.s32 $0xD100  }
0x5e: {  	[tilespmem:s1], [sflag:$0x3] =	stream.indirect_vreg.gather [hbm4b:s7+s2], $0x80, v2, vm0, $0xb8;
	[tilespmem:$0x18100] =	vst v63  }
0x5f: {  	s12 =	simm.s32 $0xD900  }
0x60: {  	[tilespmem:s12], [sflag:$0x3] =	stream.indirect_vreg.gather [hbm4b:s8+s2], $0x80, v2, vm0, $0xb8;
	[tilespmem:$0x18100] =	vst v63  }
0x61: {  	s1 =	simm.s32 $0xE100  }
0x62: {  	[tilespmem:s1], [sflag:$0x3] =	stream.indirect_vreg.gather [hbm4b:s9+s2], $0x80, v2, vm0, $0xb8;
	[tilespmem:$0x18100] =	vst v63  }
0x63: {  	s12 =	simm.s32 $0xE900  }
0x64: {  	[tilespmem:s12], [sflag:$0x3] =	stream.indirect_vreg.gather [hbm4b:s10+s2], $0x80, v2, vm0, $0xb8;
	[tilespmem:$0x18100] =	vst v63  }
0x65: {  	s1 =	simm.s32 $0xF100  }
0x66: {  	[tilespmem:s1], [sflag:$0x3] =	stream.indirect_vreg.gather [hbm4b:s11+s2], $0x80, v2, vm0, $0xb8;
	[tilespmem:$0x18100] =	vst v63  }
0x67: {  	s12 =	simm.s32 $0xF900  }
0x68: {  	[tilespmem:s12], [sflag:$0x3] =	stream.indirect_vreg.gather [hbm4b:s13+s2], $0x80, v2, vm0, $0xb8;
	[tilespmem:$0x18100] =	vst v63  }
0x69: {  	v2 =	vld.msk [tilespmem:$0x88], $0xff;
	_ =	sdelay $0x4  }
0x6a: {  	v3 =	vshll.u32 v2, $0x4  }
0x6b: {  	v2 =	vand.u32 $0x7, v2;
	v3 =	vand.u32 $0xFFFFFF80, v3  }
0x6c: {  	v2 =	vor.u32 v2, v3  }
0x6d: {  	v2 =	vperm.xlane v2, v0;
	_ =	sdelay $0x1  }
0x6e: {  	v2 =	vadd.s32 v1, v2;
	_ =	sdelay $0x4  }
0x6f: {  	[tilespmem:s4], [sflag:$0x4] =	stream.indirect_vreg.gather [hbm4b:s3+s2], $0x80, v2, vm0, $0xb8;
	[tilespmem:$0x18100] =	vst v63  }
0x70: {  	_ = 	snop  }
0x71: {  	[tilespmem:s5], [sflag:$0x4] =	stream.indirect_vreg.gather [hbm4b:s6+s2], $0x80, v2, vm0, $0xb8;
	[tilespmem:$0x18100] =	vst v63  }
0x72: {  	_ = 	snop  }
0x73: {  	[tilespmem:s14], [sflag:$0x4] =	stream.indirect_vreg.gather [hbm4b:s7+s2], $0x80, v2, vm0, $0xb8;
	[tilespmem:$0x18100] =	vst v63  }
0x74: {  	_ = 	snop  }
0x75: {  	[tilespmem:s15], [sflag:$0x4] =	stream.indirect_vreg.gather [hbm4b:s8+s2], $0x80, v2, vm0, $0xb8;
	[tilespmem:$0x18100] =	vst v63  }
0x76: {  	_ = 	snop  }
0x77: {  	[tilespmem:s16], [sflag:$0x4] =	stream.indirect_vreg.gather [hbm4b:s9+s2], $0x80, v2, vm0, $0xb8;
	[tilespmem:$0x18100] =	vst v63  }
0x78: {  	_ = 	snop  }
0x79: {  	[tilespmem:s17], [sflag:$0x4] =	stream.indirect_vreg.gather [hbm4b:s10+s2], $0x80, v2, vm0, $0xb8;
	[tilespmem:$0x18100] =	vst v63  }
0x7a: {  	_ = 	snop  }
0x7b: {  	[tilespmem:s18], [sflag:$0x4] =	stream.indirect_vreg.gather [hbm4b:s11+s2], $0x80, v2, vm0, $0xb8;
	[tilespmem:$0x18100] =	vst v63  }
0x7c: {  	_ = 	snop  }
0x7d: {  	[tilespmem:s19], [sflag:$0x4] =	stream.indirect_vreg.gather [hbm4b:s13+s2], $0x80, v2, vm0, $0xb8;
	[tilespmem:$0x18100] =	vst v63  }
0x7e: {  	_ =	swait.ge [sflag:s20], $0x4000  }
0x7f: {  	[sflag:s20] =	ssyncset.done $0x0  }
0x80: {  	[sflag:s20] =	ssyncadd.s32 $0xFFFFC000  }
0x81: {  	s12 =	simm.s32 $0x0;
	_ =	swait.ge [sflag:s21], $0x4000  }
0x82: {  	s31 =	sand.u32 $0x3C00, s2;
	s30 =	sand.u32 $0x380, s12;
	[sflag:s21] =	ssyncset.done $0x0  }
0x83: {  	s30 =	sor.u32 s30, s31;
	[sflag:s21] =	ssyncadd.s32 $0xFFFFC000  }
0x84: {  	v2 =	vld [tilespmem:s30+$0x170]  }
0x85: {  	v3 =	vld [tilespmem:s30+$0x4170]  }
0x86: {  	v4 =	vld [tilespmem:s30+$0x100]  }
0x87: {  	v5 =	vld [tilespmem:s30+$0x4100]  }
0x88: {  	v6 =	vld [tilespmem:s30+$0x110]  }
0x89: {  	v7 =	vld [tilespmem:s30+$0x4110]  }
0x8a: {  	v8 =	vld [tilespmem:s30+$0x120]  }
0x8b: {  	v9 =	vld [tilespmem:s30+$0x4120]  }
0x8c: {  	v3 =	vadd.f32 v3, v2;
	v2 =	vld [tilespmem:s30+$0x130]  }
0x8d: {  	v5 =	vadd.f32 v5, v4;
	v4 =	vld [tilespmem:s30+$0x4130]  }
0x8e: {  	v7 =	vadd.f32 v7, v6;
	v6 =	vld [tilespmem:s30+$0x4140];
	[tilespmem:s30+$0x8170] =	vst v3  }
0x8f: {  	v3 =	vld [tilespmem:s30+$0x140];
	[tilespmem:s30+$0x8100] =	vst v5  }
0x90: {  	s31 =	simm.s32 $0x0;
	[tilespmem:s30+$0x8110] =	vst v7;
	v7 =	vadd.f32 v9, v8;
	v5 =	vld [tilespmem:s30+$0x150]  }
.LBB2_2:
0x91: {  	s12 =	sadd.s32 $0x8, s12;
	v8 =	vld [tilespmem:s30+$0x4150];
	s31 =	sadd.s32 $0x400, s31  }
0x92: {  	s1 =	sand.u32 $0x380, s12;
	s0 =	sand.u32 $0x3C00, s31;
	p0 =	slt.u32 s12, $0x3F8;
	[tilespmem:s30+$0x8120] =	vst v7;
	v2 =	vadd.f32 v4, v2;
	v4 =	vld [tilespmem:s30+$0x160]  }
0x93: {  	s0 =	sor.u32 s1, s0;
	v7 =	vld [tilespmem:s30+$0x4160]  }
0x94: {  	v9 =	vld [tilespmem:s0+$0x170];
	[tilespmem:s30+$0x8130] =	vst v2;
	v2 =	vadd.f32 v6, v3  }
0x95: {  	v3 =	vld [tilespmem:s0+$0x4170]  }
0x96: {  	v6 =	vld [tilespmem:s0+$0x100];
	[tilespmem:s30+$0x8140] =	vst v2;
	v2 =	vadd.f32 v8, v5  }
0x97: {  	v5 =	vld [tilespmem:s0+$0x4100]  }
0x98: {  	v8 =	vld [tilespmem:s0+$0x110];
	[tilespmem:s30+$0x8150] =	vst v2;
	v2 =	vadd.f32 v7, v4  }
0x99: {  	v7 =	vld [tilespmem:s0+$0x4110]  }
0x9a: {  	v10 =	vld [tilespmem:s0+$0x120];
	v3 =	vadd.f32 v3, v9;
	[tilespmem:s30+$0x8160] =	vst v2;
	s30 =	smov.u32 s0  }
0x9b: {  	v9 =	vld [tilespmem:s30+$0x4120]  }
.Ltmp0:
0x9c: {  	v5 =	vadd.f32 v5, v6;
	v2 =	vld [tilespmem:s30+$0x130];
	[tilespmem:s30+$0x8170] =	vst v3;
	(pc) =	sbr.rel @p0 .LBB2_2-.Ltmp0, $4  }
0x9d: {  	v4 =	vld [tilespmem:s30+$0x4130]  }
0x9e: {  	[tilespmem:s30+$0x8100] =	vst v5;
	v5 =	vadd.f32 v7, v8;
	v3 =	vld [tilespmem:s30+$0x140]  }
0x9f: {  	v6 =	vld [tilespmem:s30+$0x4140]  }
0xa0: {  	[tilespmem:s30+$0x8110] =	vst v5;
	v7 =	vadd.f32 v9, v10;
	v5 =	vld [tilespmem:s30+$0x150]  }
0xa1: {  	v8 =	vld [tilespmem:s30+$0x4150]  }
0xa2: {  	v9 =	vld [tilespmem:s30+$0x160]  }
0xa3: {  	v10 =	vld [tilespmem:s30+$0x4160];
	_ =	sdelay $0x1  }
0xa4: {  	v2 =	vadd.f32 v4, v2  }
0xa5: {  	[tilespmem:s30+$0x8120] =	vst v7;
	v3 =	vadd.f32 v6, v3  }
0xa6: {  	[tilespmem:s30+$0x8130] =	vst v2;
	v2 =	vadd.f32 v8, v5  }
0xa7: {  	[tilespmem:s30+$0x8140] =	vst v3;
	v3 =	vadd.f32 v10, v9  }
0xa8: {  	[tilespmem:s30+$0x8150] =	vst v2  }
0xa9: {  	[tilespmem:s30+$0x8160] =	vst v3  }
0xaa: {  	s30 =	simm.s32 $0x0;
	s0 =	rddreg [dreg:$0x5]  }
0xab: {  	[hbm4b:s0+s30] =	stream.linear.scatter [tilespmem:s22], [sflag:$0x5], $0x4000, $0x38;
	[tilespmem:$0x18100] =	vst v63  }
0xac: {  	v2 =	vld.msk [tilespmem:$0x10], $0xff;
	_ =	sdelay $0x4  }
0xad: {  	v3 =	vshll.u32 v2, $0x4  }
0xae: {  	v2 =	vand.u32 $0x7, v2;
	v3 =	vand.u32 $0xFFFFFF80, v3  }
0xaf: {  	v2 =	vor.u32 v2, v3  }
0xb0: {  	v2 =	vperm.xlane v2, v0;
	_ =	sdelay $0x1  }
0xb1: {  	v2 =	vadd.s32 v1, v2;
	_ =	sdelay $0x3  }
0xb2: {  	s12 =	simm.s32 $0x100  }
0xb3: {  	[tilespmem:s12], [sflag:$0x1] =	stream.indirect_vreg.gather [hbm4b:s3+s30], $0x80, v2, vm0, $0xb8;
	[tilespmem:$0x18100] =	vst v63  }
0xb4: {  	s1 =	simm.s32 $0x900  }
0xb5: {  	[tilespmem:s1], [sflag:$0x1] =	stream.indirect_vreg.gather [hbm4b:s6+s30], $0x80, v2, vm0, $0xb8;
	[tilespmem:$0x18100] =	vst v63  }
0xb6: {  	s12 =	simm.s32 $0x1100  }
0xb7: {  	[tilespmem:s12], [sflag:$0x1] =	stream.indirect_vreg.gather [hbm4b:s7+s30], $0x80, v2, vm0, $0xb8;
	[tilespmem:$0x18100] =	vst v63  }
0xb8: {  	s1 =	simm.s32 $0x1900  }
0xb9: {  	[tilespmem:s1], [sflag:$0x1] =	stream.indirect_vreg.gather [hbm4b:s8+s30], $0x80, v2, vm0, $0xb8;
	[tilespmem:$0x18100] =	vst v63  }
0xba: {  	s12 =	simm.s32 $0x2100  }
0xbb: {  	[tilespmem:s12], [sflag:$0x1] =	stream.indirect_vreg.gather [hbm4b:s9+s30], $0x80, v2, vm0, $0xb8;
	[tilespmem:$0x18100] =	vst v63  }
0xbc: {  	s1 =	simm.s32 $0x2900  }
0xbd: {  	[tilespmem:s1], [sflag:$0x1] =	stream.indirect_vreg.gather [hbm4b:s10+s30], $0x80, v2, vm0, $0xb8;
	[tilespmem:$0x18100] =	vst v63  }
0xbe: {  	s12 =	simm.s32 $0x3100  }
0xbf: {  	[tilespmem:s12], [sflag:$0x1] =	stream.indirect_vreg.gather [hbm4b:s11+s30], $0x80, v2, vm0, $0xb8;
	[tilespmem:$0x18100] =	vst v63  }
0xc0: {  	s1 =	simm.s32 $0x3900  }
0xc1: {  	[tilespmem:s1], [sflag:$0x1] =	stream.indirect_vreg.gather [hbm4b:s13+s30], $0x80, v2, vm0, $0xb8;
	[tilespmem:$0x18100] =	vst v63  }
0xc2: {  	v2 =	vld.msk [tilespmem:$0x90], $0xff;
	_ =	sdelay $0x4  }
0xc3: {  	v3 =	vshll.u32 v2, $0x4  }
0xc4: {  	v2 =	vand.u32 $0x7, v2;
	v3 =	vand.u32 $0xFFFFFF80, v3  }
0xc5: {  	v2 =	vor.u32 v2, v3  }
0xc6: {  	v2 =	vperm.xlane v2, v0;
	_ =	sdelay $0x1  }
0xc7: {  	v2 =	vadd.s32 v1, v2;
	_ =	sdelay $0x3  }
0xc8: {  	s12 =	simm.s32 $0x4100  }
0xc9: {  	[tilespmem:s12], [sflag:$0x2] =	stream.indirect_vreg.gather [hbm4b:s3+s30], $0x80, v2, vm0, $0xb8;
	[tilespmem:$0x18100] =	vst v63  }
0xca: {  	s1 =	simm.s32 $0x4900  }
0xcb: {  	[tilespmem:s1], [sflag:$0x2] =	stream.indirect_vreg.gather [hbm4b:s6+s30], $0x80, v2, vm0, $0xb8;
	[tilespmem:$0x18100] =	vst v63  }
0xcc: {  	s12 =	simm.s32 $0x5100  }
0xcd: {  	[tilespmem:s12], [sflag:$0x2] =	stream.indirect_vreg.gather [hbm4b:s7+s30], $0x80, v2, vm0, $0xb8;
	[tilespmem:$0x18100] =	vst v63  }
0xce: {  	s1 =	simm.s32 $0x5900  }
0xcf: {  	[tilespmem:s1], [sflag:$0x2] =	stream.indirect_vreg.gather [hbm4b:s8+s30], $0x80, v2, vm0, $0xb8;
	[tilespmem:$0x18100] =	vst v63  }
0xd0: {  	s12 =	simm.s32 $0x6100  }
0xd1: {  	[tilespmem:s12], [sflag:$0x2] =	stream.indirect_vreg.gather [hbm4b:s9+s30], $0x80, v2, vm0, $0xb8;
	[tilespmem:$0x18100] =	vst v63  }
0xd2: {  	s1 =	simm.s32 $0x6900  }
0xd3: {  	[tilespmem:s1], [sflag:$0x2] =	stream.indirect_vreg.gather [hbm4b:s10+s30], $0x80, v2, vm0, $0xb8;
	[tilespmem:$0x18100] =	vst v63  }
0xd4: {  	s12 =	simm.s32 $0x7100  }
0xd5: {  	[tilespmem:s12], [sflag:$0x2] =	stream.indirect_vreg.gather [hbm4b:s11+s30], $0x80, v2, vm0, $0xb8;
	[tilespmem:$0x18100] =	vst v63  }
0xd6: {  	s1 =	simm.s32 $0x7900  }
0xd7: {  	[tilespmem:s1], [sflag:$0x2] =	stream.indirect_vreg.gather [hbm4b:s13+s30], $0x80, v2, vm0, $0xb8;
	[tilespmem:$0x18100] =	vst v63  }
0xd8: {  	_ =	swait.ge [sflag:s23], $0x4000  }
0xd9: {  	[sflag:s23] =	ssyncset.done $0x0  }
0xda: {  	[sflag:s23] =	ssyncadd.s32 $0xFFFFC000  }
0xdb: {  	s31 =	simm.s32 $0x0;
	_ =	swait.ge [sflag:s24], $0x4000  }
0xdc: {  	s12 =	sand.u32 $0x380, s31;
	s1 =	sand.u32 $0x3C00, s30;
	[sflag:s24] =	ssyncset.done $0x0  }
0xdd: {  	s12 =	sor.u32 s12, s1;
	[sflag:s24] =	ssyncadd.s32 $0xFFFFC000  }
0xde: {  	v2 =	vld [tilespmem:s12+$0xC170]  }
0xdf: {  	v3 =	vld [tilespmem:s12+$0x10170]  }
0xe0: {  	v4 =	vld [tilespmem:s12+$0xC100]  }
0xe1: {  	v5 =	vld [tilespmem:s12+$0x10100]  }
0xe2: {  	v6 =	vld [tilespmem:s12+$0xC110]  }
0xe3: {  	v7 =	vld [tilespmem:s12+$0x10110]  }
0xe4: {  	v8 =	vld [tilespmem:s12+$0xC120]  }
0xe5: {  	v63 =	vld [tilespmem:s12+$0x10120]  }
0xe6: {  	v3 =	vadd.f32 v3, v2;
	v2 =	vld [tilespmem:s12+$0xC130]  }
0xe7: {  	v5 =	vadd.f32 v5, v4;
	v4 =	vld [tilespmem:s12+$0x10130]  }
0xe8: {  	v7 =	vadd.f32 v7, v6;
	v6 =	vld [tilespmem:s12+$0x10140];
	[tilespmem:s12+$0x14170] =	vst v3  }
0xe9: {  	v3 =	vld [tilespmem:s12+$0xC140];
	[tilespmem:s12+$0x14100] =	vst v5  }
0xea: {  	[tilespmem:s12+$0x14110] =	vst v7;
	v7 =	vadd.f32 v63, v8;
	v5 =	vld [tilespmem:s12+$0xC150]  }
.LBB2_4:
0xeb: {  	s31 =	sadd.s32 $0x8, s31;
	v8 =	vld [tilespmem:s12+$0x10150];
	s30 =	sadd.s32 $0x400, s30  }
0xec: {  	s0 =	sand.u32 $0x380, s31;
	s1 =	sand.u32 $0x3C00, s30;
	p0 =	slt.u32 s31, $0x3F8;
	[tilespmem:s12+$0x14120] =	vst v7;
	v2 =	vadd.f32 v4, v2;
	v4 =	vld [tilespmem:s12+$0xC160]  }
0xed: {  	s0 =	sor.u32 s0, s1;
	v7 =	vld [tilespmem:s12+$0x10160]  }
0xee: {  	v9 =	vld [tilespmem:s0+$0xC170];
	[tilespmem:s12+$0x14130] =	vst v2;
	v2 =	vadd.f32 v6, v3  }
0xef: {  	v3 =	vld [tilespmem:s0+$0x10170]  }
0xf0: {  	v6 =	vld [tilespmem:s0+$0xC100];
	[tilespmem:s12+$0x14140] =	vst v2;
	v2 =	vadd.f32 v8, v5  }
0xf1: {  	v5 =	vld [tilespmem:s0+$0x10100]  }
0xf2: {  	v8 =	vld [tilespmem:s0+$0xC110];
	[tilespmem:s12+$0x14150] =	vst v2;
	v2 =	vadd.f32 v7, v4  }
0xf3: {  	v7 =	vld [tilespmem:s0+$0x10110]  }
0xf4: {  	v10 =	vld [tilespmem:s0+$0xC120];
	v3 =	vadd.f32 v3, v9;
	[tilespmem:s12+$0x14160] =	vst v2;
	s12 =	smov.u32 s0  }
0xf5: {  	v9 =	vld [tilespmem:s12+$0x10120]  }
.Ltmp1:
0xf6: {  	v5 =	vadd.f32 v5, v6;
	v2 =	vld [tilespmem:s12+$0xC130];
	[tilespmem:s12+$0x14170] =	vst v3;
	(pc) =	sbr.rel @p0 .LBB2_4-.Ltmp1, $4  }
0xf7: {  	v4 =	vld [tilespmem:s12+$0x10130]  }
0xf8: {  	[tilespmem:s12+$0x14100] =	vst v5;
	v5 =	vadd.f32 v7, v8;
	v3 =	vld [tilespmem:s12+$0xC140]  }
0xf9: {  	v6 =	vld [tilespmem:s12+$0x10140]  }
0xfa: {  	[tilespmem:s12+$0x14110] =	vst v5;
	v7 =	vadd.f32 v9, v10;
	v5 =	vld [tilespmem:s12+$0xC150]  }
0xfb: {  	v8 =	vld [tilespmem:s12+$0x10150]  }
0xfc: {  	v9 =	vld [tilespmem:s12+$0xC160]  }
0xfd: {  	v10 =	vld [tilespmem:s12+$0x10160];
	_ =	sdelay $0x1  }
0xfe: {  	v2 =	vadd.f32 v4, v2  }
0xff: {  	[tilespmem:s12+$0x14120] =	vst v7;
	v3 =	vadd.f32 v6, v3  }
0x100: {  	[tilespmem:s12+$0x14130] =	vst v2;
	v2 =	vadd.f32 v8, v5  }
0x101: {  	[tilespmem:s12+$0x14140] =	vst v3;
	v3 =	vadd.f32 v10, v9  }
0x102: {  	[tilespmem:s12+$0x14150] =	vst v2  }
0x103: {  	[tilespmem:s12+$0x14160] =	vst v3  }
0x104: {  	s30 =	simm.s32 $0x0;
	s0 =	rddreg [dreg:$0x6]  }
0x105: {  	[hbm4b:s0+s30] =	stream.linear.scatter [tilespmem:s25], [sflag:$0x6], $0x4000, $0x38;
	[tilespmem:$0x18100] =	vst v63  }
0x106: {  	v2 =	vld.msk [tilespmem:$0x18], $0xff;
	_ =	sdelay $0x4  }
0x107: {  	v3 =	vshll.u32 v2, $0x4  }
0x108: {  	v2 =	vand.u32 $0x7, v2;
	v3 =	vand.u32 $0xFFFFFF80, v3  }
0x109: {  	v2 =	vor.u32 v2, v3  }
0x10a: {  	v2 =	vperm.xlane v2, v0;
	_ =	sdelay $0x1  }
0x10b: {  	v2 =	vadd.s32 v1, v2;
	_ =	sdelay $0x3  }
0x10c: {  	s12 =	simm.s32 $0xC100  }
0x10d: {  	[tilespmem:s12], [sflag:$0x3] =	stream.indirect_vreg.gather [hbm4b:s3+s30], $0x80, v2, vm0, $0xb8;
	[tilespmem:$0x18100] =	vst v63  }
0x10e: {  	s1 =	simm.s32 $0xC900  }
0x10f: {  	[tilespmem:s1], [sflag:$0x3] =	stream.indirect_vreg.gather [hbm4b:s6+s30], $0x80, v2, vm0, $0xb8;
	[tilespmem:$0x18100] =	vst v63  }
0x110: {  	s12 =	simm.s32 $0xD100  }
0x111: {  	[tilespmem:s12], [sflag:$0x3] =	stream.indirect_vreg.gather [hbm4b:s7+s30], $0x80, v2, vm0, $0xb8;
	[tilespmem:$0x18100] =	vst v63  }
0x112: {  	s1 =	simm.s32 $0xD900  }
0x113: {  	[tilespmem:s1], [sflag:$0x3] =	stream.indirect_vreg.gather [hbm4b:s8+s30], $0x80, v2, vm0, $0xb8;
	[tilespmem:$0x18100] =	vst v63  }
0x114: {  	s12 =	simm.s32 $0xE100  }
0x115: {  	[tilespmem:s12], [sflag:$0x3] =	stream.indirect_vreg.gather [hbm4b:s9+s30], $0x80, v2, vm0, $0xb8;
	[tilespmem:$0x18100] =	vst v63  }
0x116: {  	s1 =	simm.s32 $0xE900  }
0x117: {  	[tilespmem:s1], [sflag:$0x3] =	stream.indirect_vreg.gather [hbm4b:s10+s30], $0x80, v2, vm0, $0xb8;
	[tilespmem:$0x18100] =	vst v63  }
0x118: {  	s12 =	simm.s32 $0xF100  }
0x119: {  	[tilespmem:s12], [sflag:$0x3] =	stream.indirect_vreg.gather [hbm4b:s11+s30], $0x80, v2, vm0, $0xb8;
	[tilespmem:$0x18100] =	vst v63  }
0x11a: {  	s1 =	simm.s32 $0xF900  }
0x11b: {  	[tilespmem:s1], [sflag:$0x3] =	stream.indirect_vreg.gather [hbm4b:s13+s30], $0x80, v2, vm0, $0xb8;
	[tilespmem:$0x18100] =	vst v63  }
0x11c: {  	v2 =	vld.msk [tilespmem:$0x98], $0xff;
	_ =	sdelay $0x4  }
0x11d: {  	v3 =	vshll.u32 v2, $0x4  }
0x11e: {  	v2 =	vand.u32 $0x7, v2;
	v3 =	vand.u32 $0xFFFFFF80, v3  }
0x11f: {  	v2 =	vor.u32 v2, v3  }
0x120: {  	v2 =	vperm.xlane v2, v0;
	_ =	sdelay $0x1  }
0x121: {  	v2 =	vadd.s32 v1, v2;
	_ =	sdelay $0x4  }
0x122: {  	[tilespmem:s4], [sflag:$0x4] =	stream.indirect_vreg.gather [hbm4b:s3+s30], $0x80, v2, vm0, $0xb8;
	[tilespmem:$0x18100] =	vst v63  }
0x123: {  	_ = 	snop  }
0x124: {  	[tilespmem:s5], [sflag:$0x4] =	stream.indirect_vreg.gather [hbm4b:s6+s30], $0x80, v2, vm0, $0xb8;
	[tilespmem:$0x18100] =	vst v63  }
0x125: {  	_ = 	snop  }
0x126: {  	[tilespmem:s14], [sflag:$0x4] =	stream.indirect_vreg.gather [hbm4b:s7+s30], $0x80, v2, vm0, $0xb8;
	[tilespmem:$0x18100] =	vst v63  }
0x127: {  	_ = 	snop  }
0x128: {  	[tilespmem:s15], [sflag:$0x4] =	stream.indirect_vreg.gather [hbm4b:s8+s30], $0x80, v2, vm0, $0xb8;
	[tilespmem:$0x18100] =	vst v63  }
0x129: {  	_ = 	snop  }
0x12a: {  	[tilespmem:s16], [sflag:$0x4] =	stream.indirect_vreg.gather [hbm4b:s9+s30], $0x80, v2, vm0, $0xb8;
	[tilespmem:$0x18100] =	vst v63  }
0x12b: {  	_ = 	snop  }
0x12c: {  	[tilespmem:s17], [sflag:$0x4] =	stream.indirect_vreg.gather [hbm4b:s10+s30], $0x80, v2, vm0, $0xb8;
	[tilespmem:$0x18100] =	vst v63  }
0x12d: {  	_ = 	snop  }
0x12e: {  	[tilespmem:s18], [sflag:$0x4] =	stream.indirect_vreg.gather [hbm4b:s11+s30], $0x80, v2, vm0, $0xb8;
	[tilespmem:$0x18100] =	vst v63  }
0x12f: {  	_ = 	snop  }
0x130: {  	[tilespmem:s19], [sflag:$0x4] =	stream.indirect_vreg.gather [hbm4b:s13+s30], $0x80, v2, vm0, $0xb8;
	[tilespmem:$0x18100] =	vst v63  }
0x131: {  	_ =	swait.ge [sflag:s20], $0x4000  }
0x132: {  	[sflag:s20] =	ssyncset.done $0x0  }
0x133: {  	[sflag:s20] =	ssyncadd.s32 $0xFFFFC000  }
0x134: {  	_ =	swait.ge [sflag:s21], $0x4000  }
0x135: {  	[sflag:s21] =	ssyncset.done $0x0  }
0x136: {  	[sflag:s21] =	ssyncadd.s32 $0xFFFFC000  }
0x137: {  	s31 =	simm.s32 $0x0;
	_ =	swait.ge [sflag:s26], $0x4000  }
0x138: {  	s12 =	sand.u32 $0x380, s31;
	s1 =	sand.u32 $0x3C00, s30;
	[sflag:s26] =	ssyncset.done $0x0  }
0x139: {  	s12 =	sor.u32 s12, s1;
	[sflag:s26] =	ssyncadd.s32 $0xFFFFC000  }
0x13a: {  	v2 =	vld [tilespmem:s12+$0x170]  }
0x13b: {  	v3 =	vld [tilespmem:s12+$0x4170]  }
0x13c: {  	v4 =	vld [tilespmem:s12+$0x100]  }
0x13d: {  	v5 =	vld [tilespmem:s12+$0x4100]  }
0x13e: {  	v6 =	vld [tilespmem:s12+$0x110]  }
0x13f: {  	v7 =	vld [tilespmem:s12+$0x4110]  }
0x140: {  	v8 =	vld [tilespmem:s12+$0x120]  }
0x141: {  	v63 =	vld [tilespmem:s12+$0x4120]  }
0x142: {  	v3 =	vadd.f32 v3, v2;
	v2 =	vld [tilespmem:s12+$0x130]  }
0x143: {  	v5 =	vadd.f32 v5, v4;
	v4 =	vld [tilespmem:s12+$0x4130]  }
0x144: {  	v7 =	vadd.f32 v7, v6;
	v6 =	vld [tilespmem:s12+$0x4140];
	[tilespmem:s12+$0x8170] =	vst v3  }
0x145: {  	v3 =	vld [tilespmem:s12+$0x140];
	[tilespmem:s12+$0x8100] =	vst v5  }
0x146: {  	[tilespmem:s12+$0x8110] =	vst v7;
	v7 =	vadd.f32 v63, v8;
	v5 =	vld [tilespmem:s12+$0x150]  }
.LBB2_6:
0x147: {  	s31 =	sadd.s32 $0x8, s31;
	v8 =	vld [tilespmem:s12+$0x4150];
	s30 =	sadd.s32 $0x400, s30  }
0x148: {  	s0 =	sand.u32 $0x380, s31;
	s1 =	sand.u32 $0x3C00, s30;
	p0 =	slt.u32 s31, $0x3F8;
	[tilespmem:s12+$0x8120] =	vst v7;
	v2 =	vadd.f32 v4, v2;
	v4 =	vld [tilespmem:s12+$0x160]  }
0x149: {  	s0 =	sor.u32 s0, s1;
	v7 =	vld [tilespmem:s12+$0x4160]  }
0x14a: {  	v9 =	vld [tilespmem:s0+$0x170];
	[tilespmem:s12+$0x8130] =	vst v2;
	v2 =	vadd.f32 v6, v3  }
0x14b: {  	v3 =	vld [tilespmem:s0+$0x4170]  }
0x14c: {  	v6 =	vld [tilespmem:s0+$0x100];
	[tilespmem:s12+$0x8140] =	vst v2;
	v2 =	vadd.f32 v8, v5  }
0x14d: {  	v5 =	vld [tilespmem:s0+$0x4100]  }
0x14e: {  	v8 =	vld [tilespmem:s0+$0x110];
	[tilespmem:s12+$0x8150] =	vst v2;
	v2 =	vadd.f32 v7, v4  }
0x14f: {  	v7 =	vld [tilespmem:s0+$0x4110]  }
0x150: {  	v10 =	vld [tilespmem:s0+$0x120];
	v3 =	vadd.f32 v3, v9;
	[tilespmem:s12+$0x8160] =	vst v2;
	s12 =	smov.u32 s0  }
0x151: {  	v9 =	vld [tilespmem:s12+$0x4120]  }
.Ltmp2:
0x152: {  	v5 =	vadd.f32 v5, v6;
	v2 =	vld [tilespmem:s12+$0x130];
	[tilespmem:s12+$0x8170] =	vst v3;
	(pc) =	sbr.rel @p0 .LBB2_6-.Ltmp2, $4  }
0x153: {  	v4 =	vld [tilespmem:s12+$0x4130]  }
0x154: {  	[tilespmem:s12+$0x8100] =	vst v5;
	v5 =	vadd.f32 v7, v8;
	v3 =	vld [tilespmem:s12+$0x140]  }
0x155: {  	v6 =	vld [tilespmem:s12+$0x4140]  }
0x156: {  	[tilespmem:s12+$0x8110] =	vst v5;
	v7 =	vadd.f32 v9, v10;
	v5 =	vld [tilespmem:s12+$0x150]  }
0x157: {  	v8 =	vld [tilespmem:s12+$0x4150]  }
0x158: {  	v9 =	vld [tilespmem:s12+$0x160]  }
0x159: {  	v10 =	vld [tilespmem:s12+$0x4160];
	_ =	sdelay $0x1  }
0x15a: {  	v2 =	vadd.f32 v4, v2  }
0x15b: {  	[tilespmem:s12+$0x8120] =	vst v7;
	v3 =	vadd.f32 v6, v3  }
0x15c: {  	[tilespmem:s12+$0x8130] =	vst v2;
	v2 =	vadd.f32 v8, v5  }
0x15d: {  	[tilespmem:s12+$0x8140] =	vst v3;
	v3 =	vadd.f32 v10, v9  }
0x15e: {  	[tilespmem:s12+$0x8150] =	vst v2  }
0x15f: {  	[tilespmem:s12+$0x8160] =	vst v3  }
0x160: {  	s30 =	simm.s32 $0x0;
	s0 =	rddreg [dreg:$0x7]  }
0x161: {  	[hbm4b:s0+s30] =	stream.linear.scatter [tilespmem:s22], [sflag:$0x5], $0x4000, $0x38;
	[tilespmem:$0x18100] =	vst v63  }
0x162: {  	v2 =	vld.msk [tilespmem:$0x20], $0xff;
	_ =	sdelay $0x4  }
0x163: {  	v3 =	vshll.u32 v2, $0x4  }
0x164: {  	v2 =	vand.u32 $0x7, v2;
	v3 =	vand.u32 $0xFFFFFF80, v3  }
0x165: {  	v2 =	vor.u32 v2, v3  }
0x166: {  	v2 =	vperm.xlane v2, v0;
	_ =	sdelay $0x1  }
0x167: {  	v2 =	vadd.s32 v1, v2;
	_ =	sdelay $0x3  }
0x168: {  	s12 =	simm.s32 $0x100  }
0x169: {  	[tilespmem:s12], [sflag:$0x1] =	stream.indirect_vreg.gather [hbm4b:s3+s30], $0x80, v2, vm0, $0xb8;
	[tilespmem:$0x18100] =	vst v63  }
0x16a: {  	s1 =	simm.s32 $0x900  }
0x16b: {  	[tilespmem:s1], [sflag:$0x1] =	stream.indirect_vreg.gather [hbm4b:s6+s30], $0x80, v2, vm0, $0xb8;
	[tilespmem:$0x18100] =	vst v63  }
0x16c: {  	s12 =	simm.s32 $0x1100  }
0x16d: {  	[tilespmem:s12], [sflag:$0x1] =	stream.indirect_vreg.gather [hbm4b:s7+s30], $0x80, v2, vm0, $0xb8;
	[tilespmem:$0x18100] =	vst v63  }
0x16e: {  	s1 =	simm.s32 $0x1900  }
0x16f: {  	[tilespmem:s1], [sflag:$0x1] =	stream.indirect_vreg.gather [hbm4b:s8+s30], $0x80, v2, vm0, $0xb8;
	[tilespmem:$0x18100] =	vst v63  }
0x170: {  	s12 =	simm.s32 $0x2100  }
0x171: {  	[tilespmem:s12], [sflag:$0x1] =	stream.indirect_vreg.gather [hbm4b:s9+s30], $0x80, v2, vm0, $0xb8;
	[tilespmem:$0x18100] =	vst v63  }
0x172: {  	s1 =	simm.s32 $0x2900  }
0x173: {  	[tilespmem:s1], [sflag:$0x1] =	stream.indirect_vreg.gather [hbm4b:s10+s30], $0x80, v2, vm0, $0xb8;
	[tilespmem:$0x18100] =	vst v63  }
0x174: {  	s12 =	simm.s32 $0x3100  }
0x175: {  	[tilespmem:s12], [sflag:$0x1] =	stream.indirect_vreg.gather [hbm4b:s11+s30], $0x80, v2, vm0, $0xb8;
	[tilespmem:$0x18100] =	vst v63  }
0x176: {  	s1 =	simm.s32 $0x3900  }
0x177: {  	[tilespmem:s1], [sflag:$0x1] =	stream.indirect_vreg.gather [hbm4b:s13+s30], $0x80, v2, vm0, $0xb8;
	[tilespmem:$0x18100] =	vst v63  }
0x178: {  	v2 =	vld.msk [tilespmem:$0xA0], $0xff;
	_ =	sdelay $0x4  }
0x179: {  	v3 =	vshll.u32 v2, $0x4  }
0x17a: {  	v2 =	vand.u32 $0x7, v2;
	v3 =	vand.u32 $0xFFFFFF80, v3  }
0x17b: {  	v2 =	vor.u32 v2, v3  }
0x17c: {  	v2 =	vperm.xlane v2, v0;
	_ =	sdelay $0x1  }
0x17d: {  	v2 =	vadd.s32 v1, v2;
	_ =	sdelay $0x3  }
0x17e: {  	s12 =	simm.s32 $0x4100  }
0x17f: {  	[tilespmem:s12], [sflag:$0x2] =	stream.indirect_vreg.gather [hbm4b:s3+s30], $0x80, v2, vm0, $0xb8;
	[tilespmem:$0x18100] =	vst v63  }
0x180: {  	s1 =	simm.s32 $0x4900  }
0x181: {  	[tilespmem:s1], [sflag:$0x2] =	stream.indirect_vreg.gather [hbm4b:s6+s30], $0x80, v2, vm0, $0xb8;
	[tilespmem:$0x18100] =	vst v63  }
0x182: {  	s12 =	simm.s32 $0x5100  }
0x183: {  	[tilespmem:s12], [sflag:$0x2] =	stream.indirect_vreg.gather [hbm4b:s7+s30], $0x80, v2, vm0, $0xb8;
	[tilespmem:$0x18100] =	vst v63  }
0x184: {  	s1 =	simm.s32 $0x5900  }
0x185: {  	[tilespmem:s1], [sflag:$0x2] =	stream.indirect_vreg.gather [hbm4b:s8+s30], $0x80, v2, vm0, $0xb8;
	[tilespmem:$0x18100] =	vst v63  }
0x186: {  	s12 =	simm.s32 $0x6100  }
0x187: {  	[tilespmem:s12], [sflag:$0x2] =	stream.indirect_vreg.gather [hbm4b:s9+s30], $0x80, v2, vm0, $0xb8;
	[tilespmem:$0x18100] =	vst v63  }
0x188: {  	s1 =	simm.s32 $0x6900  }
0x189: {  	[tilespmem:s1], [sflag:$0x2] =	stream.indirect_vreg.gather [hbm4b:s10+s30], $0x80, v2, vm0, $0xb8;
	[tilespmem:$0x18100] =	vst v63  }
0x18a: {  	s12 =	simm.s32 $0x7100  }
0x18b: {  	[tilespmem:s12], [sflag:$0x2] =	stream.indirect_vreg.gather [hbm4b:s11+s30], $0x80, v2, vm0, $0xb8;
	[tilespmem:$0x18100] =	vst v63  }
0x18c: {  	s1 =	simm.s32 $0x7900  }
0x18d: {  	[tilespmem:s1], [sflag:$0x2] =	stream.indirect_vreg.gather [hbm4b:s13+s30], $0x80, v2, vm0, $0xb8;
	[tilespmem:$0x18100] =	vst v63  }
0x18e: {  	_ =	swait.ge [sflag:s23], $0x4000  }
0x18f: {  	[sflag:s23] =	ssyncset.done $0x0  }
0x190: {  	[sflag:s23] =	ssyncadd.s32 $0xFFFFC000  }
0x191: {  	_ =	swait.ge [sflag:s24], $0x4000  }
0x192: {  	[sflag:s24] =	ssyncset.done $0x0  }
0x193: {  	[sflag:s24] =	ssyncadd.s32 $0xFFFFC000  }
0x194: {  	s31 =	simm.s32 $0x0;
	_ =	swait.ge [sflag:s28], $0x4000  }
0x195: {  	s12 =	sand.u32 $0x380, s31;
	s1 =	sand.u32 $0x3C00, s30;
	[sflag:s28] =	ssyncset.done $0x0  }
0x196: {  	s12 =	sor.u32 s12, s1;
	[sflag:s28] =	ssyncadd.s32 $0xFFFFC000  }
0x197: {  	v2 =	vld [tilespmem:s12+$0xC170]  }
0x198: {  	v3 =	vld [tilespmem:s12+$0x10170]  }
0x199: {  	v4 =	vld [tilespmem:s12+$0xC100]  }
0x19a: {  	v5 =	vld [tilespmem:s12+$0x10100]  }
0x19b: {  	v6 =	vld [tilespmem:s12+$0xC110]  }
0x19c: {  	v7 =	vld [tilespmem:s12+$0x10110]  }
0x19d: {  	v8 =	vld [tilespmem:s12+$0xC120]  }
0x19e: {  	v63 =	vld [tilespmem:s12+$0x10120]  }
0x19f: {  	v3 =	vadd.f32 v3, v2;
	v2 =	vld [tilespmem:s12+$0xC130]  }
0x1a0: {  	v5 =	vadd.f32 v5, v4;
	v4 =	vld [tilespmem:s12+$0x10130]  }
0x1a1: {  	v7 =	vadd.f32 v7, v6;
	v6 =	vld [tilespmem:s12+$0x10140];
	[tilespmem:s12+$0x14170] =	vst v3  }
0x1a2: {  	v3 =	vld [tilespmem:s12+$0xC140];
	[tilespmem:s12+$0x14100] =	vst v5  }
0x1a3: {  	[tilespmem:s12+$0x14110] =	vst v7;
	v7 =	vadd.f32 v63, v8;
	v5 =	vld [tilespmem:s12+$0xC150]  }
.LBB2_8:
0x1a4: {  	s31 =	sadd.s32 $0x8, s31;
	v8 =	vld [tilespmem:s12+$0x10150];
	s30 =	sadd.s32 $0x400, s30  }
0x1a5: {  	s0 =	sand.u32 $0x380, s31;
	s1 =	sand.u32 $0x3C00, s30;
	p0 =	slt.u32 s31, $0x3F8;
	[tilespmem:s12+$0x14120] =	vst v7;
	v2 =	vadd.f32 v4, v2;
	v4 =	vld [tilespmem:s12+$0xC160]  }
0x1a6: {  	s0 =	sor.u32 s0, s1;
	v7 =	vld [tilespmem:s12+$0x10160]  }
0x1a7: {  	v9 =	vld [tilespmem:s0+$0xC170];
	[tilespmem:s12+$0x14130] =	vst v2;
	v2 =	vadd.f32 v6, v3  }
0x1a8: {  	v3 =	vld [tilespmem:s0+$0x10170]  }
0x1a9: {  	v6 =	vld [tilespmem:s0+$0xC100];
	[tilespmem:s12+$0x14140] =	vst v2;
	v2 =	vadd.f32 v8, v5  }
0x1aa: {  	v5 =	vld [tilespmem:s0+$0x10100]  }
0x1ab: {  	v8 =	vld [tilespmem:s0+$0xC110];
	[tilespmem:s12+$0x14150] =	vst v2;
	v2 =	vadd.f32 v7, v4  }
0x1ac: {  	v7 =	vld [tilespmem:s0+$0x10110]  }
0x1ad: {  	v10 =	vld [tilespmem:s0+$0xC120];
	v3 =	vadd.f32 v3, v9;
	[tilespmem:s12+$0x14160] =	vst v2;
	s12 =	smov.u32 s0  }
0x1ae: {  	v9 =	vld [tilespmem:s12+$0x10120]  }
.Ltmp3:
0x1af: {  	v5 =	vadd.f32 v5, v6;
	v2 =	vld [tilespmem:s12+$0xC130];
	[tilespmem:s12+$0x14170] =	vst v3;
	(pc) =	sbr.rel @p0 .LBB2_8-.Ltmp3, $4  }
0x1b0: {  	v4 =	vld [tilespmem:s12+$0x10130]  }
0x1b1: {  	[tilespmem:s12+$0x14100] =	vst v5;
	v5 =	vadd.f32 v7, v8;
	v3 =	vld [tilespmem:s12+$0xC140]  }
0x1b2: {  	v6 =	vld [tilespmem:s12+$0x10140]  }
0x1b3: {  	[tilespmem:s12+$0x14110] =	vst v5;
	v7 =	vadd.f32 v9, v10;
	v5 =	vld [tilespmem:s12+$0xC150]  }
0x1b4: {  	v8 =	vld [tilespmem:s12+$0x10150]  }
0x1b5: {  	v9 =	vld [tilespmem:s12+$0xC160]  }
0x1b6: {  	v10 =	vld [tilespmem:s12+$0x10160];
	_ =	sdelay $0x1  }
0x1b7: {  	v2 =	vadd.f32 v4, v2  }
0x1b8: {  	[tilespmem:s12+$0x14120] =	vst v7;
	v3 =	vadd.f32 v6, v3  }
0x1b9: {  	[tilespmem:s12+$0x14130] =	vst v2;
	v2 =	vadd.f32 v8, v5  }
0x1ba: {  	[tilespmem:s12+$0x14140] =	vst v3;
	v3 =	vadd.f32 v10, v9  }
0x1bb: {  	[tilespmem:s12+$0x14150] =	vst v2  }
0x1bc: {  	[tilespmem:s12+$0x14160] =	vst v3  }
0x1bd: {  	s30 =	simm.s32 $0x0;
	s0 =	rddreg [dreg:$0x8]  }
0x1be: {  	[hbm4b:s0+s30] =	stream.linear.scatter [tilespmem:s25], [sflag:$0x6], $0x4000, $0x38;
	[tilespmem:$0x18100] =	vst v63  }
0x1bf: {  	v2 =	vld.msk [tilespmem:$0x28], $0xff;
	_ =	sdelay $0x4  }
0x1c0: {  	v3 =	vshll.u32 v2, $0x4  }
0x1c1: {  	v2 =	vand.u32 $0x7, v2;
	v3 =	vand.u32 $0xFFFFFF80, v3  }
0x1c2: {  	v2 =	vor.u32 v2, v3  }
0x1c3: {  	v2 =	vperm.xlane v2, v0;
	_ =	sdelay $0x1  }
0x1c4: {  	v2 =	vadd.s32 v1, v2;
	_ =	sdelay $0x3  }
0x1c5: {  	s12 =	simm.s32 $0xC100  }
0x1c6: {  	[tilespmem:s12], [sflag:$0x3] =	stream.indirect_vreg.gather [hbm4b:s3+s30], $0x80, v2, vm0, $0xb8;
	[tilespmem:$0x18100] =	vst v63  }
0x1c7: {  	s1 =	simm.s32 $0xC900  }
0x1c8: {  	[tilespmem:s1], [sflag:$0x3] =	stream.indirect_vreg.gather [hbm4b:s6+s30], $0x80, v2, vm0, $0xb8;
	[tilespmem:$0x18100] =	vst v63  }
0x1c9: {  	s12 =	simm.s32 $0xD100  }
0x1ca: {  	[tilespmem:s12], [sflag:$0x3] =	stream.indirect_vreg.gather [hbm4b:s7+s30], $0x80, v2, vm0, $0xb8;
	[tilespmem:$0x18100] =	vst v63  }
0x1cb: {  	s1 =	simm.s32 $0xD900  }
0x1cc: {  	[tilespmem:s1], [sflag:$0x3] =	stream.indirect_vreg.gather [hbm4b:s8+s30], $0x80, v2, vm0, $0xb8;
	[tilespmem:$0x18100] =	vst v63  }
0x1cd: {  	s12 =	simm.s32 $0xE100  }
0x1ce: {  	[tilespmem:s12], [sflag:$0x3] =	stream.indirect_vreg.gather [hbm4b:s9+s30], $0x80, v2, vm0, $0xb8;
	[tilespmem:$0x18100] =	vst v63  }
0x1cf: {  	s1 =	simm.s32 $0xE900  }
0x1d0: {  	[tilespmem:s1], [sflag:$0x3] =	stream.indirect_vreg.gather [hbm4b:s10+s30], $0x80, v2, vm0, $0xb8;
	[tilespmem:$0x18100] =	vst v63  }
0x1d1: {  	s12 =	simm.s32 $0xF100  }
0x1d2: {  	[tilespmem:s12], [sflag:$0x3] =	stream.indirect_vreg.gather [hbm4b:s11+s30], $0x80, v2, vm0, $0xb8;
	[tilespmem:$0x18100] =	vst v63  }
0x1d3: {  	s1 =	simm.s32 $0xF900  }
0x1d4: {  	[tilespmem:s1], [sflag:$0x3] =	stream.indirect_vreg.gather [hbm4b:s13+s30], $0x80, v2, vm0, $0xb8;
	[tilespmem:$0x18100] =	vst v63  }
0x1d5: {  	v2 =	vld.msk [tilespmem:$0xA8], $0xff;
	_ =	sdelay $0x4  }
0x1d6: {  	v3 =	vshll.u32 v2, $0x4  }
0x1d7: {  	v2 =	vand.u32 $0x7, v2;
	v3 =	vand.u32 $0xFFFFFF80, v3  }
0x1d8: {  	v2 =	vor.u32 v2, v3  }
0x1d9: {  	v2 =	vperm.xlane v2, v0;
	_ =	sdelay $0x1  }
0x1da: {  	v2 =	vadd.s32 v1, v2;
	_ =	sdelay $0x4  }
0x1db: {  	[tilespmem:s4], [sflag:$0x4] =	stream.indirect_vreg.gather [hbm4b:s3+s30], $0x80, v2, vm0, $0xb8;
	[tilespmem:$0x18100] =	vst v63  }
0x1dc: {  	_ = 	snop  }
0x1dd: {  	[tilespmem:s5], [sflag:$0x4] =	stream.indirect_vreg.gather [hbm4b:s6+s30], $0x80, v2, vm0, $0xb8;
	[tilespmem:$0x18100] =	vst v63  }
0x1de: {  	_ = 	snop  }
0x1df: {  	[tilespmem:s14], [sflag:$0x4] =	stream.indirect_vreg.gather [hbm4b:s7+s30], $0x80, v2, vm0, $0xb8;
	[tilespmem:$0x18100] =	vst v63  }
0x1e0: {  	_ = 	snop  }
0x1e1: {  	[tilespmem:s15], [sflag:$0x4] =	stream.indirect_vreg.gather [hbm4b:s8+s30], $0x80, v2, vm0, $0xb8;
	[tilespmem:$0x18100] =	vst v63  }
0x1e2: {  	_ = 	snop  }
0x1e3: {  	[tilespmem:s16], [sflag:$0x4] =	stream.indirect_vreg.gather [hbm4b:s9+s30], $0x80, v2, vm0, $0xb8;
	[tilespmem:$0x18100] =	vst v63  }
0x1e4: {  	_ = 	snop  }
0x1e5: {  	[tilespmem:s17], [sflag:$0x4] =	stream.indirect_vreg.gather [hbm4b:s10+s30], $0x80, v2, vm0, $0xb8;
	[tilespmem:$0x18100] =	vst v63  }
0x1e6: {  	_ = 	snop  }
0x1e7: {  	[tilespmem:s18], [sflag:$0x4] =	stream.indirect_vreg.gather [hbm4b:s11+s30], $0x80, v2, vm0, $0xb8;
	[tilespmem:$0x18100] =	vst v63  }
0x1e8: {  	_ = 	snop  }
0x1e9: {  	[tilespmem:s19], [sflag:$0x4] =	stream.indirect_vreg.gather [hbm4b:s13+s30], $0x80, v2, vm0, $0xb8;
	[tilespmem:$0x18100] =	vst v63  }
0x1ea: {  	_ =	swait.ge [sflag:s20], $0x4000  }
0x1eb: {  	[sflag:s20] =	ssyncset.done $0x0  }
0x1ec: {  	[sflag:s20] =	ssyncadd.s32 $0xFFFFC000  }
0x1ed: {  	_ =	swait.ge [sflag:s21], $0x4000  }
0x1ee: {  	[sflag:s21] =	ssyncset.done $0x0  }
0x1ef: {  	[sflag:s21] =	ssyncadd.s32 $0xFFFFC000  }
0x1f0: {  	s31 =	simm.s32 $0x0;
	_ =	swait.ge [sflag:s26], $0x4000  }
0x1f1: {  	s12 =	sand.u32 $0x380, s31;
	s1 =	sand.u32 $0x3C00, s30;
	[sflag:s26] =	ssyncset.done $0x0  }
0x1f2: {  	s12 =	sor.u32 s12, s1;
	[sflag:s26] =	ssyncadd.s32 $0xFFFFC000  }
0x1f3: {  	v2 =	vld [tilespmem:s12+$0x170]  }
0x1f4: {  	v3 =	vld [tilespmem:s12+$0x4170]  }
0x1f5: {  	v4 =	vld [tilespmem:s12+$0x100]  }
0x1f6: {  	v5 =	vld [tilespmem:s12+$0x4100]  }
0x1f7: {  	v6 =	vld [tilespmem:s12+$0x110]  }
0x1f8: {  	v7 =	vld [tilespmem:s12+$0x4110]  }
0x1f9: {  	v8 =	vld [tilespmem:s12+$0x120]  }
0x1fa: {  	v63 =	vld [tilespmem:s12+$0x4120]  }
0x1fb: {  	v3 =	vadd.f32 v3, v2;
	v2 =	vld [tilespmem:s12+$0x130]  }
0x1fc: {  	v5 =	vadd.f32 v5, v4;
	v4 =	vld [tilespmem:s12+$0x4130]  }
0x1fd: {  	v7 =	vadd.f32 v7, v6;
	v6 =	vld [tilespmem:s12+$0x4140];
	[tilespmem:s12+$0x8170] =	vst v3  }
0x1fe: {  	v3 =	vld [tilespmem:s12+$0x140];
	[tilespmem:s12+$0x8100] =	vst v5  }
0x1ff: {  	[tilespmem:s12+$0x8110] =	vst v7;
	v7 =	vadd.f32 v63, v8;
	v5 =	vld [tilespmem:s12+$0x150]  }
.LBB2_10:
0x200: {  	s31 =	sadd.s32 $0x8, s31;
	v8 =	vld [tilespmem:s12+$0x4150];
	s30 =	sadd.s32 $0x400, s30  }
0x201: {  	s0 =	sand.u32 $0x380, s31;
	s1 =	sand.u32 $0x3C00, s30;
	p0 =	slt.u32 s31, $0x3F8;
	[tilespmem:s12+$0x8120] =	vst v7;
	v2 =	vadd.f32 v4, v2;
	v4 =	vld [tilespmem:s12+$0x160]  }
0x202: {  	s0 =	sor.u32 s0, s1;
	v7 =	vld [tilespmem:s12+$0x4160]  }
0x203: {  	v9 =	vld [tilespmem:s0+$0x170];
	[tilespmem:s12+$0x8130] =	vst v2;
	v2 =	vadd.f32 v6, v3  }
0x204: {  	v3 =	vld [tilespmem:s0+$0x4170]  }
0x205: {  	v6 =	vld [tilespmem:s0+$0x100];
	[tilespmem:s12+$0x8140] =	vst v2;
	v2 =	vadd.f32 v8, v5  }
0x206: {  	v5 =	vld [tilespmem:s0+$0x4100]  }
0x207: {  	v8 =	vld [tilespmem:s0+$0x110];
	[tilespmem:s12+$0x8150] =	vst v2;
	v2 =	vadd.f32 v7, v4  }
0x208: {  	v7 =	vld [tilespmem:s0+$0x4110]  }
0x209: {  	v10 =	vld [tilespmem:s0+$0x120];
	v3 =	vadd.f32 v3, v9;
	[tilespmem:s12+$0x8160] =	vst v2;
	s12 =	smov.u32 s0  }
0x20a: {  	v9 =	vld [tilespmem:s12+$0x4120]  }
.Ltmp4:
0x20b: {  	v5 =	vadd.f32 v5, v6;
	v2 =	vld [tilespmem:s12+$0x130];
	[tilespmem:s12+$0x8170] =	vst v3;
	(pc) =	sbr.rel @p0 .LBB2_10-.Ltmp4, $4  }
0x20c: {  	v4 =	vld [tilespmem:s12+$0x4130]  }
0x20d: {  	[tilespmem:s12+$0x8100] =	vst v5;
	v5 =	vadd.f32 v7, v8;
	v3 =	vld [tilespmem:s12+$0x140]  }
0x20e: {  	v6 =	vld [tilespmem:s12+$0x4140]  }
0x20f: {  	[tilespmem:s12+$0x8110] =	vst v5;
	v7 =	vadd.f32 v9, v10;
	v5 =	vld [tilespmem:s12+$0x150]  }
0x210: {  	v8 =	vld [tilespmem:s12+$0x4150]  }
0x211: {  	v9 =	vld [tilespmem:s12+$0x160]  }
0x212: {  	v10 =	vld [tilespmem:s12+$0x4160];
	_ =	sdelay $0x1  }
0x213: {  	v2 =	vadd.f32 v4, v2  }
0x214: {  	[tilespmem:s12+$0x8120] =	vst v7;
	v3 =	vadd.f32 v6, v3  }
0x215: {  	[tilespmem:s12+$0x8130] =	vst v2;
	v2 =	vadd.f32 v8, v5  }
0x216: {  	[tilespmem:s12+$0x8140] =	vst v3;
	v3 =	vadd.f32 v10, v9  }
0x217: {  	[tilespmem:s12+$0x8150] =	vst v2  }
0x218: {  	[tilespmem:s12+$0x8160] =	vst v3  }
0x219: {  	s30 =	simm.s32 $0x0;
	s0 =	rddreg [dreg:$0x9]  }
0x21a: {  	[hbm4b:s0+s30] =	stream.linear.scatter [tilespmem:s22], [sflag:$0x5], $0x4000, $0x38;
	[tilespmem:$0x18100] =	vst v63  }
0x21b: {  	v2 =	vld.msk [tilespmem:$0x30], $0xff;
	_ =	sdelay $0x4  }
0x21c: {  	v3 =	vshll.u32 v2, $0x4  }
0x21d: {  	v2 =	vand.u32 $0x7, v2;
	v3 =	vand.u32 $0xFFFFFF80, v3  }
0x21e: {  	v2 =	vor.u32 v2, v3  }
0x21f: {  	v2 =	vperm.xlane v2, v0;
	_ =	sdelay $0x1  }
0x220: {  	v2 =	vadd.s32 v1, v2;
	_ =	sdelay $0x3  }
0x221: {  	s12 =	simm.s32 $0x100  }
0x222: {  	[tilespmem:s12], [sflag:$0x1] =	stream.indirect_vreg.gather [hbm4b:s3+s30], $0x80, v2, vm0, $0xb8;
	[tilespmem:$0x18100] =	vst v63  }
0x223: {  	s1 =	simm.s32 $0x900  }
0x224: {  	[tilespmem:s1], [sflag:$0x1] =	stream.indirect_vreg.gather [hbm4b:s6+s30], $0x80, v2, vm0, $0xb8;
	[tilespmem:$0x18100] =	vst v63  }
0x225: {  	s12 =	simm.s32 $0x1100  }
0x226: {  	[tilespmem:s12], [sflag:$0x1] =	stream.indirect_vreg.gather [hbm4b:s7+s30], $0x80, v2, vm0, $0xb8;
	[tilespmem:$0x18100] =	vst v63  }
0x227: {  	s1 =	simm.s32 $0x1900  }
0x228: {  	[tilespmem:s1], [sflag:$0x1] =	stream.indirect_vreg.gather [hbm4b:s8+s30], $0x80, v2, vm0, $0xb8;
	[tilespmem:$0x18100] =	vst v63  }
0x229: {  	s12 =	simm.s32 $0x2100  }
0x22a: {  	[tilespmem:s12], [sflag:$0x1] =	stream.indirect_vreg.gather [hbm4b:s9+s30], $0x80, v2, vm0, $0xb8;
	[tilespmem:$0x18100] =	vst v63  }
0x22b: {  	s1 =	simm.s32 $0x2900  }
0x22c: {  	[tilespmem:s1], [sflag:$0x1] =	stream.indirect_vreg.gather [hbm4b:s10+s30], $0x80, v2, vm0, $0xb8;
	[tilespmem:$0x18100] =	vst v63  }
0x22d: {  	s12 =	simm.s32 $0x3100  }
0x22e: {  	[tilespmem:s12], [sflag:$0x1] =	stream.indirect_vreg.gather [hbm4b:s11+s30], $0x80, v2, vm0, $0xb8;
	[tilespmem:$0x18100] =	vst v63  }
0x22f: {  	s1 =	simm.s32 $0x3900  }
0x230: {  	[tilespmem:s1], [sflag:$0x1] =	stream.indirect_vreg.gather [hbm4b:s13+s30], $0x80, v2, vm0, $0xb8;
	[tilespmem:$0x18100] =	vst v63  }
0x231: {  	v2 =	vld.msk [tilespmem:$0xB0], $0xff;
	_ =	sdelay $0x4  }
0x232: {  	v3 =	vshll.u32 v2, $0x4  }
0x233: {  	v2 =	vand.u32 $0x7, v2;
	v3 =	vand.u32 $0xFFFFFF80, v3  }
0x234: {  	v2 =	vor.u32 v2, v3  }
0x235: {  	v2 =	vperm.xlane v2, v0;
	_ =	sdelay $0x1  }
0x236: {  	v2 =	vadd.s32 v1, v2;
	_ =	sdelay $0x3  }
0x237: {  	s12 =	simm.s32 $0x4100  }
0x238: {  	[tilespmem:s12], [sflag:$0x2] =	stream.indirect_vreg.gather [hbm4b:s3+s30], $0x80, v2, vm0, $0xb8;
	[tilespmem:$0x18100] =	vst v63  }
0x239: {  	s1 =	simm.s32 $0x4900  }
0x23a: {  	[tilespmem:s1], [sflag:$0x2] =	stream.indirect_vreg.gather [hbm4b:s6+s30], $0x80, v2, vm0, $0xb8;
	[tilespmem:$0x18100] =	vst v63  }
0x23b: {  	s12 =	simm.s32 $0x5100  }
0x23c: {  	[tilespmem:s12], [sflag:$0x2] =	stream.indirect_vreg.gather [hbm4b:s7+s30], $0x80, v2, vm0, $0xb8;
	[tilespmem:$0x18100] =	vst v63  }
0x23d: {  	s1 =	simm.s32 $0x5900  }
0x23e: {  	[tilespmem:s1], [sflag:$0x2] =	stream.indirect_vreg.gather [hbm4b:s8+s30], $0x80, v2, vm0, $0xb8;
	[tilespmem:$0x18100] =	vst v63  }
0x23f: {  	s12 =	simm.s32 $0x6100  }
0x240: {  	[tilespmem:s12], [sflag:$0x2] =	stream.indirect_vreg.gather [hbm4b:s9+s30], $0x80, v2, vm0, $0xb8;
	[tilespmem:$0x18100] =	vst v63  }
0x241: {  	s1 =	simm.s32 $0x6900  }
0x242: {  	[tilespmem:s1], [sflag:$0x2] =	stream.indirect_vreg.gather [hbm4b:s10+s30], $0x80, v2, vm0, $0xb8;
	[tilespmem:$0x18100] =	vst v63  }
0x243: {  	s12 =	simm.s32 $0x7100  }
0x244: {  	[tilespmem:s12], [sflag:$0x2] =	stream.indirect_vreg.gather [hbm4b:s11+s30], $0x80, v2, vm0, $0xb8;
	[tilespmem:$0x18100] =	vst v63  }
0x245: {  	s1 =	simm.s32 $0x7900  }
0x246: {  	[tilespmem:s1], [sflag:$0x2] =	stream.indirect_vreg.gather [hbm4b:s13+s30], $0x80, v2, vm0, $0xb8;
	[tilespmem:$0x18100] =	vst v63  }
0x247: {  	_ =	swait.ge [sflag:s23], $0x4000  }
0x248: {  	[sflag:s23] =	ssyncset.done $0x0  }
0x249: {  	[sflag:s23] =	ssyncadd.s32 $0xFFFFC000  }
0x24a: {  	_ =	swait.ge [sflag:s24], $0x4000  }
0x24b: {  	[sflag:s24] =	ssyncset.done $0x0  }
0x24c: {  	[sflag:s24] =	ssyncadd.s32 $0xFFFFC000  }
0x24d: {  	s31 =	simm.s32 $0x0;
	_ =	swait.ge [sflag:s28], $0x4000  }
0x24e: {  	s12 =	sand.u32 $0x380, s31;
	s1 =	sand.u32 $0x3C00, s30;
	[sflag:s28] =	ssyncset.done $0x0  }
0x24f: {  	s12 =	sor.u32 s12, s1;
	[sflag:s28] =	ssyncadd.s32 $0xFFFFC000  }
0x250: {  	v2 =	vld [tilespmem:s12+$0xC170]  }
0x251: {  	v3 =	vld [tilespmem:s12+$0x10170]  }
0x252: {  	v4 =	vld [tilespmem:s12+$0xC100]  }
0x253: {  	v5 =	vld [tilespmem:s12+$0x10100]  }
0x254: {  	v6 =	vld [tilespmem:s12+$0xC110]  }
0x255: {  	v7 =	vld [tilespmem:s12+$0x10110]  }
0x256: {  	v8 =	vld [tilespmem:s12+$0xC120]  }
0x257: {  	v63 =	vld [tilespmem:s12+$0x10120]  }
0x258: {  	v3 =	vadd.f32 v3, v2;
	v2 =	vld [tilespmem:s12+$0xC130]  }
0x259: {  	v5 =	vadd.f32 v5, v4;
	v4 =	vld [tilespmem:s12+$0x10130]  }
0x25a: {  	v7 =	vadd.f32 v7, v6;
	v6 =	vld [tilespmem:s12+$0x10140];
	[tilespmem:s12+$0x14170] =	vst v3  }
0x25b: {  	v3 =	vld [tilespmem:s12+$0xC140];
	[tilespmem:s12+$0x14100] =	vst v5  }
0x25c: {  	[tilespmem:s12+$0x14110] =	vst v7;
	v7 =	vadd.f32 v63, v8;
	v5 =	vld [tilespmem:s12+$0xC150]  }
.LBB2_12:
0x25d: {  	s31 =	sadd.s32 $0x8, s31;
	v8 =	vld [tilespmem:s12+$0x10150];
	s30 =	sadd.s32 $0x400, s30  }
0x25e: {  	s0 =	sand.u32 $0x380, s31;
	s1 =	sand.u32 $0x3C00, s30;
	p0 =	slt.u32 s31, $0x3F8;
	[tilespmem:s12+$0x14120] =	vst v7;
	v2 =	vadd.f32 v4, v2;
	v4 =	vld [tilespmem:s12+$0xC160]  }
0x25f: {  	s0 =	sor.u32 s0, s1;
	v7 =	vld [tilespmem:s12+$0x10160]  }
0x260: {  	v9 =	vld [tilespmem:s0+$0xC170];
	[tilespmem:s12+$0x14130] =	vst v2;
	v2 =	vadd.f32 v6, v3  }
0x261: {  	v3 =	vld [tilespmem:s0+$0x10170]  }
0x262: {  	v6 =	vld [tilespmem:s0+$0xC100];
	[tilespmem:s12+$0x14140] =	vst v2;
	v2 =	vadd.f32 v8, v5  }
0x263: {  	v5 =	vld [tilespmem:s0+$0x10100]  }
0x264: {  	v8 =	vld [tilespmem:s0+$0xC110];
	[tilespmem:s12+$0x14150] =	vst v2;
	v2 =	vadd.f32 v7, v4  }
0x265: {  	v7 =	vld [tilespmem:s0+$0x10110]  }
0x266: {  	v10 =	vld [tilespmem:s0+$0xC120];
	v3 =	vadd.f32 v3, v9;
	[tilespmem:s12+$0x14160] =	vst v2;
	s12 =	smov.u32 s0  }
0x267: {  	v9 =	vld [tilespmem:s12+$0x10120]  }
.Ltmp5:
0x268: {  	v5 =	vadd.f32 v5, v6;
	v2 =	vld [tilespmem:s12+$0xC130];
	[tilespmem:s12+$0x14170] =	vst v3;
	(pc) =	sbr.rel @p0 .LBB2_12-.Ltmp5, $4  }
0x269: {  	v4 =	vld [tilespmem:s12+$0x10130]  }
0x26a: {  	[tilespmem:s12+$0x14100] =	vst v5;
	v5 =	vadd.f32 v7, v8;
	v3 =	vld [tilespmem:s12+$0xC140]  }
0x26b: {  	v6 =	vld [tilespmem:s12+$0x10140]  }
0x26c: {  	[tilespmem:s12+$0x14110] =	vst v5;
	v7 =	vadd.f32 v9, v10;
	v5 =	vld [tilespmem:s12+$0xC150]  }
0x26d: {  	v8 =	vld [tilespmem:s12+$0x10150]  }
0x26e: {  	v9 =	vld [tilespmem:s12+$0xC160]  }
0x26f: {  	v10 =	vld [tilespmem:s12+$0x10160];
	_ =	sdelay $0x1  }
0x270: {  	v2 =	vadd.f32 v4, v2  }
0x271: {  	[tilespmem:s12+$0x14120] =	vst v7;
	v3 =	vadd.f32 v6, v3  }
0x272: {  	[tilespmem:s12+$0x14130] =	vst v2;
	v2 =	vadd.f32 v8, v5  }
0x273: {  	[tilespmem:s12+$0x14140] =	vst v3;
	v3 =	vadd.f32 v10, v9  }
0x274: {  	[tilespmem:s12+$0x14150] =	vst v2  }
0x275: {  	[tilespmem:s12+$0x14160] =	vst v3  }
0x276: {  	s30 =	simm.s32 $0x0;
	s0 =	rddreg [dreg:$0xa]  }
0x277: {  	[hbm4b:s0+s30] =	stream.linear.scatter [tilespmem:s25], [sflag:$0x6], $0x4000, $0x38;
	[tilespmem:$0x18100] =	vst v63  }
0x278: {  	v2 =	vld.msk [tilespmem:$0x38], $0xff;
	_ =	sdelay $0x4  }
0x279: {  	v3 =	vshll.u32 v2, $0x4  }
0x27a: {  	v2 =	vand.u32 $0x7, v2;
	v3 =	vand.u32 $0xFFFFFF80, v3  }
0x27b: {  	v2 =	vor.u32 v2, v3  }
0x27c: {  	v2 =	vperm.xlane v2, v0;
	_ =	sdelay $0x1  }
0x27d: {  	v2 =	vadd.s32 v1, v2;
	_ =	sdelay $0x3  }
0x27e: {  	s12 =	simm.s32 $0xC100  }
0x27f: {  	[tilespmem:s12], [sflag:$0x3] =	stream.indirect_vreg.gather [hbm4b:s3+s30], $0x80, v2, vm0, $0xb8;
	[tilespmem:$0x18100] =	vst v63  }
0x280: {  	s1 =	simm.s32 $0xC900  }
0x281: {  	[tilespmem:s1], [sflag:$0x3] =	stream.indirect_vreg.gather [hbm4b:s6+s30], $0x80, v2, vm0, $0xb8;
	[tilespmem:$0x18100] =	vst v63  }
0x282: {  	s12 =	simm.s32 $0xD100  }
0x283: {  	[tilespmem:s12], [sflag:$0x3] =	stream.indirect_vreg.gather [hbm4b:s7+s30], $0x80, v2, vm0, $0xb8;
	[tilespmem:$0x18100] =	vst v63  }
0x284: {  	s1 =	simm.s32 $0xD900  }
0x285: {  	[tilespmem:s1], [sflag:$0x3] =	stream.indirect_vreg.gather [hbm4b:s8+s30], $0x80, v2, vm0, $0xb8;
	[tilespmem:$0x18100] =	vst v63  }
0x286: {  	s12 =	simm.s32 $0xE100  }
0x287: {  	[tilespmem:s12], [sflag:$0x3] =	stream.indirect_vreg.gather [hbm4b:s9+s30], $0x80, v2, vm0, $0xb8;
	[tilespmem:$0x18100] =	vst v63  }
0x288: {  	s1 =	simm.s32 $0xE900  }
0x289: {  	[tilespmem:s1], [sflag:$0x3] =	stream.indirect_vreg.gather [hbm4b:s10+s30], $0x80, v2, vm0, $0xb8;
	[tilespmem:$0x18100] =	vst v63  }
0x28a: {  	s12 =	simm.s32 $0xF100  }
0x28b: {  	[tilespmem:s12], [sflag:$0x3] =	stream.indirect_vreg.gather [hbm4b:s11+s30], $0x80, v2, vm0, $0xb8;
	[tilespmem:$0x18100] =	vst v63  }
0x28c: {  	s1 =	simm.s32 $0xF900  }
0x28d: {  	[tilespmem:s1], [sflag:$0x3] =	stream.indirect_vreg.gather [hbm4b:s13+s30], $0x80, v2, vm0, $0xb8;
	[tilespmem:$0x18100] =	vst v63  }
0x28e: {  	v2 =	vld.msk [tilespmem:$0xB8], $0xff;
	_ =	sdelay $0x4  }
0x28f: {  	v3 =	vshll.u32 v2, $0x4  }
0x290: {  	v2 =	vand.u32 $0x7, v2;
	v3 =	vand.u32 $0xFFFFFF80, v3  }
0x291: {  	v2 =	vor.u32 v2, v3  }
0x292: {  	v2 =	vperm.xlane v2, v0;
	_ =	sdelay $0x1  }
0x293: {  	v2 =	vadd.s32 v1, v2;
	_ =	sdelay $0x4  }
0x294: {  	[tilespmem:s4], [sflag:$0x4] =	stream.indirect_vreg.gather [hbm4b:s3+s30], $0x80, v2, vm0, $0xb8;
	[tilespmem:$0x18100] =	vst v63  }
0x295: {  	_ = 	snop  }
0x296: {  	[tilespmem:s5], [sflag:$0x4] =	stream.indirect_vreg.gather [hbm4b:s6+s30], $0x80, v2, vm0, $0xb8;
	[tilespmem:$0x18100] =	vst v63  }
0x297: {  	_ = 	snop  }
0x298: {  	[tilespmem:s14], [sflag:$0x4] =	stream.indirect_vreg.gather [hbm4b:s7+s30], $0x80, v2, vm0, $0xb8;
	[tilespmem:$0x18100] =	vst v63  }
0x299: {  	_ = 	snop  }
0x29a: {  	[tilespmem:s15], [sflag:$0x4] =	stream.indirect_vreg.gather [hbm4b:s8+s30], $0x80, v2, vm0, $0xb8;
	[tilespmem:$0x18100] =	vst v63  }
0x29b: {  	_ = 	snop  }
0x29c: {  	[tilespmem:s16], [sflag:$0x4] =	stream.indirect_vreg.gather [hbm4b:s9+s30], $0x80, v2, vm0, $0xb8;
	[tilespmem:$0x18100] =	vst v63  }
0x29d: {  	_ = 	snop  }
0x29e: {  	[tilespmem:s17], [sflag:$0x4] =	stream.indirect_vreg.gather [hbm4b:s10+s30], $0x80, v2, vm0, $0xb8;
	[tilespmem:$0x18100] =	vst v63  }
0x29f: {  	_ = 	snop  }
0x2a0: {  	[tilespmem:s18], [sflag:$0x4] =	stream.indirect_vreg.gather [hbm4b:s11+s30], $0x80, v2, vm0, $0xb8;
	[tilespmem:$0x18100] =	vst v63  }
0x2a1: {  	_ = 	snop  }
0x2a2: {  	[tilespmem:s19], [sflag:$0x4] =	stream.indirect_vreg.gather [hbm4b:s13+s30], $0x80, v2, vm0, $0xb8;
	[tilespmem:$0x18100] =	vst v63  }
0x2a3: {  	_ =	swait.ge [sflag:s20], $0x4000  }
0x2a4: {  	[sflag:s20] =	ssyncset.done $0x0  }
0x2a5: {  	[sflag:s20] =	ssyncadd.s32 $0xFFFFC000  }
0x2a6: {  	_ =	swait.ge [sflag:s21], $0x4000  }
0x2a7: {  	[sflag:s21] =	ssyncset.done $0x0  }
0x2a8: {  	[sflag:s21] =	ssyncadd.s32 $0xFFFFC000  }
0x2a9: {  	s31 =	simm.s32 $0x0;
	_ =	swait.ge [sflag:s26], $0x4000  }
0x2aa: {  	s12 =	sand.u32 $0x380, s31;
	s1 =	sand.u32 $0x3C00, s30;
	[sflag:s26] =	ssyncset.done $0x0  }
0x2ab: {  	s12 =	sor.u32 s12, s1;
	[sflag:s26] =	ssyncadd.s32 $0xFFFFC000  }
0x2ac: {  	v2 =	vld [tilespmem:s12+$0x170]  }
0x2ad: {  	v3 =	vld [tilespmem:s12+$0x4170]  }
0x2ae: {  	v4 =	vld [tilespmem:s12+$0x100]  }
0x2af: {  	v5 =	vld [tilespmem:s12+$0x4100]  }
0x2b0: {  	v6 =	vld [tilespmem:s12+$0x110]  }
0x2b1: {  	v7 =	vld [tilespmem:s12+$0x4110]  }
0x2b2: {  	v8 =	vld [tilespmem:s12+$0x120]  }
0x2b3: {  	v63 =	vld [tilespmem:s12+$0x4120]  }
0x2b4: {  	v3 =	vadd.f32 v3, v2;
	v2 =	vld [tilespmem:s12+$0x130]  }
0x2b5: {  	v5 =	vadd.f32 v5, v4;
	v4 =	vld [tilespmem:s12+$0x4130]  }
0x2b6: {  	v7 =	vadd.f32 v7, v6;
	v6 =	vld [tilespmem:s12+$0x4140];
	[tilespmem:s12+$0x8170] =	vst v3  }
0x2b7: {  	v3 =	vld [tilespmem:s12+$0x140];
	[tilespmem:s12+$0x8100] =	vst v5  }
0x2b8: {  	[tilespmem:s12+$0x8110] =	vst v7;
	v7 =	vadd.f32 v63, v8;
	v5 =	vld [tilespmem:s12+$0x150]  }
.LBB2_14:
0x2b9: {  	s31 =	sadd.s32 $0x8, s31;
	v8 =	vld [tilespmem:s12+$0x4150];
	s30 =	sadd.s32 $0x400, s30  }
0x2ba: {  	s0 =	sand.u32 $0x380, s31;
	s1 =	sand.u32 $0x3C00, s30;
	p0 =	slt.u32 s31, $0x3F8;
	[tilespmem:s12+$0x8120] =	vst v7;
	v2 =	vadd.f32 v4, v2;
	v4 =	vld [tilespmem:s12+$0x160]  }
0x2bb: {  	s0 =	sor.u32 s0, s1;
	v7 =	vld [tilespmem:s12+$0x4160]  }
0x2bc: {  	v9 =	vld [tilespmem:s0+$0x170];
	[tilespmem:s12+$0x8130] =	vst v2;
	v2 =	vadd.f32 v6, v3  }
0x2bd: {  	v3 =	vld [tilespmem:s0+$0x4170]  }
0x2be: {  	v6 =	vld [tilespmem:s0+$0x100];
	[tilespmem:s12+$0x8140] =	vst v2;
	v2 =	vadd.f32 v8, v5  }
0x2bf: {  	v5 =	vld [tilespmem:s0+$0x4100]  }
0x2c0: {  	v8 =	vld [tilespmem:s0+$0x110];
	[tilespmem:s12+$0x8150] =	vst v2;
	v2 =	vadd.f32 v7, v4  }
0x2c1: {  	v7 =	vld [tilespmem:s0+$0x4110]  }
0x2c2: {  	v10 =	vld [tilespmem:s0+$0x120];
	v3 =	vadd.f32 v3, v9;
	[tilespmem:s12+$0x8160] =	vst v2;
	s12 =	smov.u32 s0  }
0x2c3: {  	v9 =	vld [tilespmem:s12+$0x4120]  }
.Ltmp6:
0x2c4: {  	v5 =	vadd.f32 v5, v6;
	v2 =	vld [tilespmem:s12+$0x130];
	[tilespmem:s12+$0x8170] =	vst v3;
	(pc) =	sbr.rel @p0 .LBB2_14-.Ltmp6, $4  }
0x2c5: {  	v4 =	vld [tilespmem:s12+$0x4130]  }
0x2c6: {  	[tilespmem:s12+$0x8100] =	vst v5;
	v5 =	vadd.f32 v7, v8;
	v3 =	vld [tilespmem:s12+$0x140]  }
0x2c7: {  	v6 =	vld [tilespmem:s12+$0x4140]  }
0x2c8: {  	[tilespmem:s12+$0x8110] =	vst v5;
	v7 =	vadd.f32 v9, v10;
	v5 =	vld [tilespmem:s12+$0x150]  }
0x2c9: {  	v8 =	vld [tilespmem:s12+$0x4150]  }
0x2ca: {  	v9 =	vld [tilespmem:s12+$0x160]  }
0x2cb: {  	v10 =	vld [tilespmem:s12+$0x4160];
	_ =	sdelay $0x1  }
0x2cc: {  	v2 =	vadd.f32 v4, v2  }
0x2cd: {  	[tilespmem:s12+$0x8120] =	vst v7;
	v3 =	vadd.f32 v6, v3  }
0x2ce: {  	[tilespmem:s12+$0x8130] =	vst v2;
	v2 =	vadd.f32 v8, v5  }
0x2cf: {  	[tilespmem:s12+$0x8140] =	vst v3;
	v3 =	vadd.f32 v10, v9  }
0x2d0: {  	[tilespmem:s12+$0x8150] =	vst v2  }
0x2d1: {  	[tilespmem:s12+$0x8160] =	vst v3  }
0x2d2: {  	s30 =	simm.s32 $0x0;
	s0 =	rddreg [dreg:$0xb]  }
0x2d3: {  	[hbm4b:s0+s30] =	stream.linear.scatter [tilespmem:s22], [sflag:$0x5], $0x4000, $0x38;
	[tilespmem:$0x18100] =	vst v63  }
0x2d4: {  	v2 =	vld.msk [tilespmem:$0x40], $0xff;
	_ =	sdelay $0x4  }
0x2d5: {  	v3 =	vshll.u32 v2, $0x4  }
0x2d6: {  	v2 =	vand.u32 $0x7, v2;
	v3 =	vand.u32 $0xFFFFFF80, v3  }
0x2d7: {  	v2 =	vor.u32 v2, v3  }
0x2d8: {  	v2 =	vperm.xlane v2, v0;
	_ =	sdelay $0x1  }
0x2d9: {  	v2 =	vadd.s32 v1, v2;
	_ =	sdelay $0x3  }
0x2da: {  	s12 =	simm.s32 $0x100  }
0x2db: {  	[tilespmem:s12], [sflag:$0x1] =	stream.indirect_vreg.gather [hbm4b:s3+s30], $0x80, v2, vm0, $0xb8;
	[tilespmem:$0x18100] =	vst v63  }
0x2dc: {  	s1 =	simm.s32 $0x900  }
0x2dd: {  	[tilespmem:s1], [sflag:$0x1] =	stream.indirect_vreg.gather [hbm4b:s6+s30], $0x80, v2, vm0, $0xb8;
	[tilespmem:$0x18100] =	vst v63  }
0x2de: {  	s12 =	simm.s32 $0x1100  }
0x2df: {  	[tilespmem:s12], [sflag:$0x1] =	stream.indirect_vreg.gather [hbm4b:s7+s30], $0x80, v2, vm0, $0xb8;
	[tilespmem:$0x18100] =	vst v63  }
0x2e0: {  	s1 =	simm.s32 $0x1900  }
0x2e1: {  	[tilespmem:s1], [sflag:$0x1] =	stream.indirect_vreg.gather [hbm4b:s8+s30], $0x80, v2, vm0, $0xb8;
	[tilespmem:$0x18100] =	vst v63  }
0x2e2: {  	s12 =	simm.s32 $0x2100  }
0x2e3: {  	[tilespmem:s12], [sflag:$0x1] =	stream.indirect_vreg.gather [hbm4b:s9+s30], $0x80, v2, vm0, $0xb8;
	[tilespmem:$0x18100] =	vst v63  }
0x2e4: {  	s1 =	simm.s32 $0x2900  }
0x2e5: {  	[tilespmem:s1], [sflag:$0x1] =	stream.indirect_vreg.gather [hbm4b:s10+s30], $0x80, v2, vm0, $0xb8;
	[tilespmem:$0x18100] =	vst v63  }
0x2e6: {  	s12 =	simm.s32 $0x3100  }
0x2e7: {  	[tilespmem:s12], [sflag:$0x1] =	stream.indirect_vreg.gather [hbm4b:s11+s30], $0x80, v2, vm0, $0xb8;
	[tilespmem:$0x18100] =	vst v63  }
0x2e8: {  	s1 =	simm.s32 $0x3900  }
0x2e9: {  	[tilespmem:s1], [sflag:$0x1] =	stream.indirect_vreg.gather [hbm4b:s13+s30], $0x80, v2, vm0, $0xb8;
	[tilespmem:$0x18100] =	vst v63  }
0x2ea: {  	v2 =	vld.msk [tilespmem:$0xC0], $0xff;
	_ =	sdelay $0x4  }
0x2eb: {  	v3 =	vshll.u32 v2, $0x4  }
0x2ec: {  	v2 =	vand.u32 $0x7, v2;
	v3 =	vand.u32 $0xFFFFFF80, v3  }
0x2ed: {  	v2 =	vor.u32 v2, v3  }
0x2ee: {  	v2 =	vperm.xlane v2, v0;
	_ =	sdelay $0x1  }
0x2ef: {  	v2 =	vadd.s32 v1, v2;
	_ =	sdelay $0x3  }
0x2f0: {  	s12 =	simm.s32 $0x4100  }
0x2f1: {  	[tilespmem:s12], [sflag:$0x2] =	stream.indirect_vreg.gather [hbm4b:s3+s30], $0x80, v2, vm0, $0xb8;
	[tilespmem:$0x18100] =	vst v63  }
0x2f2: {  	s1 =	simm.s32 $0x4900  }
0x2f3: {  	[tilespmem:s1], [sflag:$0x2] =	stream.indirect_vreg.gather [hbm4b:s6+s30], $0x80, v2, vm0, $0xb8;
	[tilespmem:$0x18100] =	vst v63  }
0x2f4: {  	s12 =	simm.s32 $0x5100  }
0x2f5: {  	[tilespmem:s12], [sflag:$0x2] =	stream.indirect_vreg.gather [hbm4b:s7+s30], $0x80, v2, vm0, $0xb8;
	[tilespmem:$0x18100] =	vst v63  }
0x2f6: {  	s1 =	simm.s32 $0x5900  }
0x2f7: {  	[tilespmem:s1], [sflag:$0x2] =	stream.indirect_vreg.gather [hbm4b:s8+s30], $0x80, v2, vm0, $0xb8;
	[tilespmem:$0x18100] =	vst v63  }
0x2f8: {  	s12 =	simm.s32 $0x6100  }
0x2f9: {  	[tilespmem:s12], [sflag:$0x2] =	stream.indirect_vreg.gather [hbm4b:s9+s30], $0x80, v2, vm0, $0xb8;
	[tilespmem:$0x18100] =	vst v63  }
0x2fa: {  	s1 =	simm.s32 $0x6900  }
0x2fb: {  	[tilespmem:s1], [sflag:$0x2] =	stream.indirect_vreg.gather [hbm4b:s10+s30], $0x80, v2, vm0, $0xb8;
	[tilespmem:$0x18100] =	vst v63  }
0x2fc: {  	s12 =	simm.s32 $0x7100  }
0x2fd: {  	[tilespmem:s12], [sflag:$0x2] =	stream.indirect_vreg.gather [hbm4b:s11+s30], $0x80, v2, vm0, $0xb8;
	[tilespmem:$0x18100] =	vst v63  }
0x2fe: {  	s1 =	simm.s32 $0x7900  }
0x2ff: {  	[tilespmem:s1], [sflag:$0x2] =	stream.indirect_vreg.gather [hbm4b:s13+s30], $0x80, v2, vm0, $0xb8;
	[tilespmem:$0x18100] =	vst v63  }
0x300: {  	_ =	swait.ge [sflag:s23], $0x4000  }
0x301: {  	[sflag:s23] =	ssyncset.done $0x0  }
0x302: {  	[sflag:s23] =	ssyncadd.s32 $0xFFFFC000  }
0x303: {  	_ =	swait.ge [sflag:s24], $0x4000  }
0x304: {  	[sflag:s24] =	ssyncset.done $0x0  }
0x305: {  	[sflag:s24] =	ssyncadd.s32 $0xFFFFC000  }
0x306: {  	s31 =	simm.s32 $0x0;
	_ =	swait.ge [sflag:s28], $0x4000  }
0x307: {  	s12 =	sand.u32 $0x380, s31;
	s1 =	sand.u32 $0x3C00, s30;
	[sflag:s28] =	ssyncset.done $0x0  }
0x308: {  	s12 =	sor.u32 s12, s1;
	[sflag:s28] =	ssyncadd.s32 $0xFFFFC000  }
0x309: {  	v2 =	vld [tilespmem:s12+$0xC170]  }
0x30a: {  	v3 =	vld [tilespmem:s12+$0x10170]  }
0x30b: {  	v4 =	vld [tilespmem:s12+$0xC100]  }
0x30c: {  	v5 =	vld [tilespmem:s12+$0x10100]  }
0x30d: {  	v6 =	vld [tilespmem:s12+$0xC110]  }
0x30e: {  	v7 =	vld [tilespmem:s12+$0x10110]  }
0x30f: {  	v8 =	vld [tilespmem:s12+$0xC120]  }
0x310: {  	v63 =	vld [tilespmem:s12+$0x10120]  }
0x311: {  	v3 =	vadd.f32 v3, v2;
	v2 =	vld [tilespmem:s12+$0xC130]  }
0x312: {  	v5 =	vadd.f32 v5, v4;
	v4 =	vld [tilespmem:s12+$0x10130]  }
0x313: {  	v7 =	vadd.f32 v7, v6;
	v6 =	vld [tilespmem:s12+$0x10140];
	[tilespmem:s12+$0x14170] =	vst v3  }
0x314: {  	v3 =	vld [tilespmem:s12+$0xC140];
	[tilespmem:s12+$0x14100] =	vst v5  }
0x315: {  	[tilespmem:s12+$0x14110] =	vst v7;
	v7 =	vadd.f32 v63, v8;
	v5 =	vld [tilespmem:s12+$0xC150]  }
.LBB2_16:
0x316: {  	s31 =	sadd.s32 $0x8, s31;
	v8 =	vld [tilespmem:s12+$0x10150];
	s30 =	sadd.s32 $0x400, s30  }
0x317: {  	s0 =	sand.u32 $0x380, s31;
	s1 =	sand.u32 $0x3C00, s30;
	p0 =	slt.u32 s31, $0x3F8;
	[tilespmem:s12+$0x14120] =	vst v7;
	v2 =	vadd.f32 v4, v2;
	v4 =	vld [tilespmem:s12+$0xC160]  }
0x318: {  	s0 =	sor.u32 s0, s1;
	v7 =	vld [tilespmem:s12+$0x10160]  }
0x319: {  	v9 =	vld [tilespmem:s0+$0xC170];
	[tilespmem:s12+$0x14130] =	vst v2;
	v2 =	vadd.f32 v6, v3  }
0x31a: {  	v3 =	vld [tilespmem:s0+$0x10170]  }
0x31b: {  	v6 =	vld [tilespmem:s0+$0xC100];
	[tilespmem:s12+$0x14140] =	vst v2;
	v2 =	vadd.f32 v8, v5  }
0x31c: {  	v5 =	vld [tilespmem:s0+$0x10100]  }
0x31d: {  	v8 =	vld [tilespmem:s0+$0xC110];
	[tilespmem:s12+$0x14150] =	vst v2;
	v2 =	vadd.f32 v7, v4  }
0x31e: {  	v7 =	vld [tilespmem:s0+$0x10110]  }
0x31f: {  	v10 =	vld [tilespmem:s0+$0xC120];
	v3 =	vadd.f32 v3, v9;
	[tilespmem:s12+$0x14160] =	vst v2;
	s12 =	smov.u32 s0  }
0x320: {  	v9 =	vld [tilespmem:s12+$0x10120]  }
.Ltmp7:
0x321: {  	v5 =	vadd.f32 v5, v6;
	v2 =	vld [tilespmem:s12+$0xC130];
	[tilespmem:s12+$0x14170] =	vst v3;
	(pc) =	sbr.rel @p0 .LBB2_16-.Ltmp7, $4  }
0x322: {  	v4 =	vld [tilespmem:s12+$0x10130]  }
0x323: {  	[tilespmem:s12+$0x14100] =	vst v5;
	v5 =	vadd.f32 v7, v8;
	v3 =	vld [tilespmem:s12+$0xC140]  }
0x324: {  	v6 =	vld [tilespmem:s12+$0x10140]  }
0x325: {  	[tilespmem:s12+$0x14110] =	vst v5;
	v7 =	vadd.f32 v9, v10;
	v5 =	vld [tilespmem:s12+$0xC150]  }
0x326: {  	v8 =	vld [tilespmem:s12+$0x10150]  }
0x327: {  	v9 =	vld [tilespmem:s12+$0xC160]  }
0x328: {  	v10 =	vld [tilespmem:s12+$0x10160];
	_ =	sdelay $0x1  }
0x329: {  	v2 =	vadd.f32 v4, v2  }
0x32a: {  	[tilespmem:s12+$0x14120] =	vst v7;
	v3 =	vadd.f32 v6, v3  }
0x32b: {  	[tilespmem:s12+$0x14130] =	vst v2;
	v2 =	vadd.f32 v8, v5  }
0x32c: {  	[tilespmem:s12+$0x14140] =	vst v3;
	v3 =	vadd.f32 v10, v9  }
0x32d: {  	[tilespmem:s12+$0x14150] =	vst v2  }
0x32e: {  	[tilespmem:s12+$0x14160] =	vst v3  }
0x32f: {  	s30 =	simm.s32 $0x0;
	s0 =	rddreg [dreg:$0xc]  }
0x330: {  	[hbm4b:s0+s30] =	stream.linear.scatter [tilespmem:s25], [sflag:$0x6], $0x4000, $0x38;
	[tilespmem:$0x18100] =	vst v63  }
0x331: {  	v2 =	vld.msk [tilespmem:$0x48], $0xff;
	_ =	sdelay $0x4  }
0x332: {  	v3 =	vshll.u32 v2, $0x4  }
0x333: {  	v2 =	vand.u32 $0x7, v2;
	v3 =	vand.u32 $0xFFFFFF80, v3  }
0x334: {  	v2 =	vor.u32 v2, v3  }
0x335: {  	v2 =	vperm.xlane v2, v0;
	_ =	sdelay $0x1  }
0x336: {  	v2 =	vadd.s32 v1, v2;
	_ =	sdelay $0x3  }
0x337: {  	s12 =	simm.s32 $0xC100  }
0x338: {  	[tilespmem:s12], [sflag:$0x3] =	stream.indirect_vreg.gather [hbm4b:s3+s30], $0x80, v2, vm0, $0xb8;
	[tilespmem:$0x18100] =	vst v63  }
0x339: {  	s1 =	simm.s32 $0xC900  }
0x33a: {  	[tilespmem:s1], [sflag:$0x3] =	stream.indirect_vreg.gather [hbm4b:s6+s30], $0x80, v2, vm0, $0xb8;
	[tilespmem:$0x18100] =	vst v63  }
0x33b: {  	s12 =	simm.s32 $0xD100  }
0x33c: {  	[tilespmem:s12], [sflag:$0x3] =	stream.indirect_vreg.gather [hbm4b:s7+s30], $0x80, v2, vm0, $0xb8;
	[tilespmem:$0x18100] =	vst v63  }
0x33d: {  	s1 =	simm.s32 $0xD900  }
0x33e: {  	[tilespmem:s1], [sflag:$0x3] =	stream.indirect_vreg.gather [hbm4b:s8+s30], $0x80, v2, vm0, $0xb8;
	[tilespmem:$0x18100] =	vst v63  }
0x33f: {  	s12 =	simm.s32 $0xE100  }
0x340: {  	[tilespmem:s12], [sflag:$0x3] =	stream.indirect_vreg.gather [hbm4b:s9+s30], $0x80, v2, vm0, $0xb8;
	[tilespmem:$0x18100] =	vst v63  }
0x341: {  	s1 =	simm.s32 $0xE900  }
0x342: {  	[tilespmem:s1], [sflag:$0x3] =	stream.indirect_vreg.gather [hbm4b:s10+s30], $0x80, v2, vm0, $0xb8;
	[tilespmem:$0x18100] =	vst v63  }
0x343: {  	s12 =	simm.s32 $0xF100  }
0x344: {  	[tilespmem:s12], [sflag:$0x3] =	stream.indirect_vreg.gather [hbm4b:s11+s30], $0x80, v2, vm0, $0xb8;
	[tilespmem:$0x18100] =	vst v63  }
0x345: {  	s1 =	simm.s32 $0xF900  }
0x346: {  	[tilespmem:s1], [sflag:$0x3] =	stream.indirect_vreg.gather [hbm4b:s13+s30], $0x80, v2, vm0, $0xb8;
	[tilespmem:$0x18100] =	vst v63  }
0x347: {  	v2 =	vld.msk [tilespmem:$0xC8], $0xff;
	_ =	sdelay $0x4  }
0x348: {  	v3 =	vshll.u32 v2, $0x4  }
0x349: {  	v2 =	vand.u32 $0x7, v2;
	v3 =	vand.u32 $0xFFFFFF80, v3  }
0x34a: {  	v2 =	vor.u32 v2, v3  }
0x34b: {  	v2 =	vperm.xlane v2, v0;
	_ =	sdelay $0x1  }
0x34c: {  	v2 =	vadd.s32 v1, v2;
	_ =	sdelay $0x4  }
0x34d: {  	[tilespmem:s4], [sflag:$0x4] =	stream.indirect_vreg.gather [hbm4b:s3+s30], $0x80, v2, vm0, $0xb8;
	[tilespmem:$0x18100] =	vst v63  }
0x34e: {  	_ = 	snop  }
0x34f: {  	[tilespmem:s5], [sflag:$0x4] =	stream.indirect_vreg.gather [hbm4b:s6+s30], $0x80, v2, vm0, $0xb8;
	[tilespmem:$0x18100] =	vst v63  }
0x350: {  	_ = 	snop  }
0x351: {  	[tilespmem:s14], [sflag:$0x4] =	stream.indirect_vreg.gather [hbm4b:s7+s30], $0x80, v2, vm0, $0xb8;
	[tilespmem:$0x18100] =	vst v63  }
0x352: {  	_ = 	snop  }
0x353: {  	[tilespmem:s15], [sflag:$0x4] =	stream.indirect_vreg.gather [hbm4b:s8+s30], $0x80, v2, vm0, $0xb8;
	[tilespmem:$0x18100] =	vst v63  }
0x354: {  	_ = 	snop  }
0x355: {  	[tilespmem:s16], [sflag:$0x4] =	stream.indirect_vreg.gather [hbm4b:s9+s30], $0x80, v2, vm0, $0xb8;
	[tilespmem:$0x18100] =	vst v63  }
0x356: {  	_ = 	snop  }
0x357: {  	[tilespmem:s17], [sflag:$0x4] =	stream.indirect_vreg.gather [hbm4b:s10+s30], $0x80, v2, vm0, $0xb8;
	[tilespmem:$0x18100] =	vst v63  }
0x358: {  	_ = 	snop  }
0x359: {  	[tilespmem:s18], [sflag:$0x4] =	stream.indirect_vreg.gather [hbm4b:s11+s30], $0x80, v2, vm0, $0xb8;
	[tilespmem:$0x18100] =	vst v63  }
0x35a: {  	_ = 	snop  }
0x35b: {  	[tilespmem:s19], [sflag:$0x4] =	stream.indirect_vreg.gather [hbm4b:s13+s30], $0x80, v2, vm0, $0xb8;
	[tilespmem:$0x18100] =	vst v63  }
0x35c: {  	_ =	swait.ge [sflag:s20], $0x4000  }
0x35d: {  	[sflag:s20] =	ssyncset.done $0x0  }
0x35e: {  	[sflag:s20] =	ssyncadd.s32 $0xFFFFC000  }
0x35f: {  	_ =	swait.ge [sflag:s21], $0x4000  }
0x360: {  	[sflag:s21] =	ssyncset.done $0x0  }
0x361: {  	[sflag:s21] =	ssyncadd.s32 $0xFFFFC000  }
0x362: {  	s31 =	simm.s32 $0x0;
	_ =	swait.ge [sflag:s26], $0x4000  }
0x363: {  	s12 =	sand.u32 $0x380, s31;
	s1 =	sand.u32 $0x3C00, s30;
	[sflag:s26] =	ssyncset.done $0x0  }
0x364: {  	s12 =	sor.u32 s12, s1;
	[sflag:s26] =	ssyncadd.s32 $0xFFFFC000  }
0x365: {  	v2 =	vld [tilespmem:s12+$0x170]  }
0x366: {  	v3 =	vld [tilespmem:s12+$0x4170]  }
0x367: {  	v4 =	vld [tilespmem:s12+$0x100]  }
0x368: {  	v5 =	vld [tilespmem:s12+$0x4100]  }
0x369: {  	v6 =	vld [tilespmem:s12+$0x110]  }
0x36a: {  	v7 =	vld [tilespmem:s12+$0x4110]  }
0x36b: {  	v8 =	vld [tilespmem:s12+$0x120]  }
0x36c: {  	v63 =	vld [tilespmem:s12+$0x4120]  }
0x36d: {  	v3 =	vadd.f32 v3, v2;
	v2 =	vld [tilespmem:s12+$0x130]  }
0x36e: {  	v5 =	vadd.f32 v5, v4;
	v4 =	vld [tilespmem:s12+$0x4130]  }
0x36f: {  	v7 =	vadd.f32 v7, v6;
	v6 =	vld [tilespmem:s12+$0x4140];
	[tilespmem:s12+$0x8170] =	vst v3  }
0x370: {  	v3 =	vld [tilespmem:s12+$0x140];
	[tilespmem:s12+$0x8100] =	vst v5  }
0x371: {  	[tilespmem:s12+$0x8110] =	vst v7;
	v7 =	vadd.f32 v63, v8;
	v5 =	vld [tilespmem:s12+$0x150]  }
.LBB2_18:
0x372: {  	s31 =	sadd.s32 $0x8, s31;
	v8 =	vld [tilespmem:s12+$0x4150];
	s30 =	sadd.s32 $0x400, s30  }
0x373: {  	s0 =	sand.u32 $0x380, s31;
	s1 =	sand.u32 $0x3C00, s30;
	p0 =	slt.u32 s31, $0x3F8;
	[tilespmem:s12+$0x8120] =	vst v7;
	v2 =	vadd.f32 v4, v2;
	v4 =	vld [tilespmem:s12+$0x160]  }
0x374: {  	s0 =	sor.u32 s0, s1;
	v7 =	vld [tilespmem:s12+$0x4160]  }
0x375: {  	v9 =	vld [tilespmem:s0+$0x170];
	[tilespmem:s12+$0x8130] =	vst v2;
	v2 =	vadd.f32 v6, v3  }
0x376: {  	v3 =	vld [tilespmem:s0+$0x4170]  }
0x377: {  	v6 =	vld [tilespmem:s0+$0x100];
	[tilespmem:s12+$0x8140] =	vst v2;
	v2 =	vadd.f32 v8, v5  }
0x378: {  	v5 =	vld [tilespmem:s0+$0x4100]  }
0x379: {  	v8 =	vld [tilespmem:s0+$0x110];
	[tilespmem:s12+$0x8150] =	vst v2;
	v2 =	vadd.f32 v7, v4  }
0x37a: {  	v7 =	vld [tilespmem:s0+$0x4110]  }
0x37b: {  	v10 =	vld [tilespmem:s0+$0x120];
	v3 =	vadd.f32 v3, v9;
	[tilespmem:s12+$0x8160] =	vst v2;
	s12 =	smov.u32 s0  }
0x37c: {  	v9 =	vld [tilespmem:s12+$0x4120]  }
.Ltmp8:
0x37d: {  	v5 =	vadd.f32 v5, v6;
	v2 =	vld [tilespmem:s12+$0x130];
	[tilespmem:s12+$0x8170] =	vst v3;
	(pc) =	sbr.rel @p0 .LBB2_18-.Ltmp8, $4  }
0x37e: {  	v4 =	vld [tilespmem:s12+$0x4130]  }
0x37f: {  	[tilespmem:s12+$0x8100] =	vst v5;
	v5 =	vadd.f32 v7, v8;
	v3 =	vld [tilespmem:s12+$0x140]  }
0x380: {  	v6 =	vld [tilespmem:s12+$0x4140]  }
0x381: {  	[tilespmem:s12+$0x8110] =	vst v5;
	v7 =	vadd.f32 v9, v10;
	v5 =	vld [tilespmem:s12+$0x150]  }
0x382: {  	v8 =	vld [tilespmem:s12+$0x4150]  }
0x383: {  	v9 =	vld [tilespmem:s12+$0x160]  }
0x384: {  	v10 =	vld [tilespmem:s12+$0x4160];
	_ =	sdelay $0x1  }
0x385: {  	v2 =	vadd.f32 v4, v2  }
0x386: {  	[tilespmem:s12+$0x8120] =	vst v7;
	v3 =	vadd.f32 v6, v3  }
0x387: {  	[tilespmem:s12+$0x8130] =	vst v2;
	v2 =	vadd.f32 v8, v5  }
0x388: {  	[tilespmem:s12+$0x8140] =	vst v3;
	v3 =	vadd.f32 v10, v9  }
0x389: {  	[tilespmem:s12+$0x8150] =	vst v2  }
0x38a: {  	[tilespmem:s12+$0x8160] =	vst v3  }
0x38b: {  	s30 =	simm.s32 $0x0;
	s0 =	rddreg [dreg:$0xd]  }
0x38c: {  	[hbm4b:s0+s30] =	stream.linear.scatter [tilespmem:s22], [sflag:$0x5], $0x4000, $0x38;
	[tilespmem:$0x18100] =	vst v63  }
0x38d: {  	v2 =	vld.msk [tilespmem:$0x50], $0xff;
	_ =	sdelay $0x4  }
0x38e: {  	v3 =	vshll.u32 v2, $0x4  }
0x38f: {  	v2 =	vand.u32 $0x7, v2;
	v3 =	vand.u32 $0xFFFFFF80, v3  }
0x390: {  	v2 =	vor.u32 v2, v3  }
0x391: {  	v2 =	vperm.xlane v2, v0;
	_ =	sdelay $0x1  }
0x392: {  	v2 =	vadd.s32 v1, v2;
	_ =	sdelay $0x3  }
0x393: {  	s12 =	simm.s32 $0x100  }
0x394: {  	[tilespmem:s12], [sflag:$0x1] =	stream.indirect_vreg.gather [hbm4b:s3+s30], $0x80, v2, vm0, $0xb8;
	[tilespmem:$0x18100] =	vst v63  }
0x395: {  	s1 =	simm.s32 $0x900  }
0x396: {  	[tilespmem:s1], [sflag:$0x1] =	stream.indirect_vreg.gather [hbm4b:s6+s30], $0x80, v2, vm0, $0xb8;
	[tilespmem:$0x18100] =	vst v63  }
0x397: {  	s12 =	simm.s32 $0x1100  }
0x398: {  	[tilespmem:s12], [sflag:$0x1] =	stream.indirect_vreg.gather [hbm4b:s7+s30], $0x80, v2, vm0, $0xb8;
	[tilespmem:$0x18100] =	vst v63  }
0x399: {  	s1 =	simm.s32 $0x1900  }
0x39a: {  	[tilespmem:s1], [sflag:$0x1] =	stream.indirect_vreg.gather [hbm4b:s8+s30], $0x80, v2, vm0, $0xb8;
	[tilespmem:$0x18100] =	vst v63  }
0x39b: {  	s12 =	simm.s32 $0x2100  }
0x39c: {  	[tilespmem:s12], [sflag:$0x1] =	stream.indirect_vreg.gather [hbm4b:s9+s30], $0x80, v2, vm0, $0xb8;
	[tilespmem:$0x18100] =	vst v63  }
0x39d: {  	s1 =	simm.s32 $0x2900  }
0x39e: {  	[tilespmem:s1], [sflag:$0x1] =	stream.indirect_vreg.gather [hbm4b:s10+s30], $0x80, v2, vm0, $0xb8;
	[tilespmem:$0x18100] =	vst v63  }
0x39f: {  	s12 =	simm.s32 $0x3100  }
0x3a0: {  	[tilespmem:s12], [sflag:$0x1] =	stream.indirect_vreg.gather [hbm4b:s11+s30], $0x80, v2, vm0, $0xb8;
	[tilespmem:$0x18100] =	vst v63  }
0x3a1: {  	s1 =	simm.s32 $0x3900  }
0x3a2: {  	[tilespmem:s1], [sflag:$0x1] =	stream.indirect_vreg.gather [hbm4b:s13+s30], $0x80, v2, vm0, $0xb8;
	[tilespmem:$0x18100] =	vst v63  }
0x3a3: {  	v2 =	vld.msk [tilespmem:$0xD0], $0xff;
	_ =	sdelay $0x4  }
0x3a4: {  	v3 =	vshll.u32 v2, $0x4  }
0x3a5: {  	v2 =	vand.u32 $0x7, v2;
	v3 =	vand.u32 $0xFFFFFF80, v3  }
0x3a6: {  	v2 =	vor.u32 v2, v3  }
0x3a7: {  	v2 =	vperm.xlane v2, v0;
	_ =	sdelay $0x1  }
0x3a8: {  	v2 =	vadd.s32 v1, v2;
	_ =	sdelay $0x3  }
0x3a9: {  	s12 =	simm.s32 $0x4100  }
0x3aa: {  	[tilespmem:s12], [sflag:$0x2] =	stream.indirect_vreg.gather [hbm4b:s3+s30], $0x80, v2, vm0, $0xb8;
	[tilespmem:$0x18100] =	vst v63  }
0x3ab: {  	s1 =	simm.s32 $0x4900  }
0x3ac: {  	[tilespmem:s1], [sflag:$0x2] =	stream.indirect_vreg.gather [hbm4b:s6+s30], $0x80, v2, vm0, $0xb8;
	[tilespmem:$0x18100] =	vst v63  }
0x3ad: {  	s12 =	simm.s32 $0x5100  }
0x3ae: {  	[tilespmem:s12], [sflag:$0x2] =	stream.indirect_vreg.gather [hbm4b:s7+s30], $0x80, v2, vm0, $0xb8;
	[tilespmem:$0x18100] =	vst v63  }
0x3af: {  	s1 =	simm.s32 $0x5900  }
0x3b0: {  	[tilespmem:s1], [sflag:$0x2] =	stream.indirect_vreg.gather [hbm4b:s8+s30], $0x80, v2, vm0, $0xb8;
	[tilespmem:$0x18100] =	vst v63  }
0x3b1: {  	s12 =	simm.s32 $0x6100  }
0x3b2: {  	[tilespmem:s12], [sflag:$0x2] =	stream.indirect_vreg.gather [hbm4b:s9+s30], $0x80, v2, vm0, $0xb8;
	[tilespmem:$0x18100] =	vst v63  }
0x3b3: {  	s1 =	simm.s32 $0x6900  }
0x3b4: {  	[tilespmem:s1], [sflag:$0x2] =	stream.indirect_vreg.gather [hbm4b:s10+s30], $0x80, v2, vm0, $0xb8;
	[tilespmem:$0x18100] =	vst v63  }
0x3b5: {  	s12 =	simm.s32 $0x7100  }
0x3b6: {  	[tilespmem:s12], [sflag:$0x2] =	stream.indirect_vreg.gather [hbm4b:s11+s30], $0x80, v2, vm0, $0xb8;
	[tilespmem:$0x18100] =	vst v63  }
0x3b7: {  	s1 =	simm.s32 $0x7900  }
0x3b8: {  	[tilespmem:s1], [sflag:$0x2] =	stream.indirect_vreg.gather [hbm4b:s13+s30], $0x80, v2, vm0, $0xb8;
	[tilespmem:$0x18100] =	vst v63  }
0x3b9: {  	_ =	swait.ge [sflag:s23], $0x4000  }
0x3ba: {  	[sflag:s23] =	ssyncset.done $0x0  }
0x3bb: {  	[sflag:s23] =	ssyncadd.s32 $0xFFFFC000  }
0x3bc: {  	_ =	swait.ge [sflag:s24], $0x4000  }
0x3bd: {  	[sflag:s24] =	ssyncset.done $0x0  }
0x3be: {  	[sflag:s24] =	ssyncadd.s32 $0xFFFFC000  }
0x3bf: {  	s31 =	simm.s32 $0x0;
	_ =	swait.ge [sflag:s28], $0x4000  }
0x3c0: {  	s12 =	sand.u32 $0x380, s31;
	s1 =	sand.u32 $0x3C00, s30;
	[sflag:s28] =	ssyncset.done $0x0  }
0x3c1: {  	s12 =	sor.u32 s12, s1;
	[sflag:s28] =	ssyncadd.s32 $0xFFFFC000  }
0x3c2: {  	v2 =	vld [tilespmem:s12+$0xC170]  }
0x3c3: {  	v3 =	vld [tilespmem:s12+$0x10170]  }
0x3c4: {  	v4 =	vld [tilespmem:s12+$0xC100]  }
0x3c5: {  	v5 =	vld [tilespmem:s12+$0x10100]  }
0x3c6: {  	v6 =	vld [tilespmem:s12+$0xC110]  }
0x3c7: {  	v7 =	vld [tilespmem:s12+$0x10110]  }
0x3c8: {  	v8 =	vld [tilespmem:s12+$0xC120]  }
0x3c9: {  	v63 =	vld [tilespmem:s12+$0x10120]  }
0x3ca: {  	v3 =	vadd.f32 v3, v2;
	v2 =	vld [tilespmem:s12+$0xC130]  }
0x3cb: {  	v5 =	vadd.f32 v5, v4;
	v4 =	vld [tilespmem:s12+$0x10130]  }
0x3cc: {  	v7 =	vadd.f32 v7, v6;
	v6 =	vld [tilespmem:s12+$0x10140];
	[tilespmem:s12+$0x14170] =	vst v3  }
0x3cd: {  	v3 =	vld [tilespmem:s12+$0xC140];
	[tilespmem:s12+$0x14100] =	vst v5  }
0x3ce: {  	[tilespmem:s12+$0x14110] =	vst v7;
	v7 =	vadd.f32 v63, v8;
	v5 =	vld [tilespmem:s12+$0xC150]  }
.LBB2_20:
0x3cf: {  	s31 =	sadd.s32 $0x8, s31;
	v8 =	vld [tilespmem:s12+$0x10150];
	s30 =	sadd.s32 $0x400, s30  }
0x3d0: {  	s0 =	sand.u32 $0x380, s31;
	s1 =	sand.u32 $0x3C00, s30;
	p0 =	slt.u32 s31, $0x3F8;
	[tilespmem:s12+$0x14120] =	vst v7;
	v2 =	vadd.f32 v4, v2;
	v4 =	vld [tilespmem:s12+$0xC160]  }
0x3d1: {  	s0 =	sor.u32 s0, s1;
	v7 =	vld [tilespmem:s12+$0x10160]  }
0x3d2: {  	v9 =	vld [tilespmem:s0+$0xC170];
	[tilespmem:s12+$0x14130] =	vst v2;
	v2 =	vadd.f32 v6, v3  }
0x3d3: {  	v3 =	vld [tilespmem:s0+$0x10170]  }
0x3d4: {  	v6 =	vld [tilespmem:s0+$0xC100];
	[tilespmem:s12+$0x14140] =	vst v2;
	v2 =	vadd.f32 v8, v5  }
0x3d5: {  	v5 =	vld [tilespmem:s0+$0x10100]  }
0x3d6: {  	v8 =	vld [tilespmem:s0+$0xC110];
	[tilespmem:s12+$0x14150] =	vst v2;
	v2 =	vadd.f32 v7, v4  }
0x3d7: {  	v7 =	vld [tilespmem:s0+$0x10110]  }
0x3d8: {  	v10 =	vld [tilespmem:s0+$0xC120];
	v3 =	vadd.f32 v3, v9;
	[tilespmem:s12+$0x14160] =	vst v2;
	s12 =	smov.u32 s0  }
0x3d9: {  	v9 =	vld [tilespmem:s12+$0x10120]  }
.Ltmp9:
0x3da: {  	v5 =	vadd.f32 v5, v6;
	v2 =	vld [tilespmem:s12+$0xC130];
	[tilespmem:s12+$0x14170] =	vst v3;
	(pc) =	sbr.rel @p0 .LBB2_20-.Ltmp9, $4  }
0x3db: {  	v4 =	vld [tilespmem:s12+$0x10130]  }
0x3dc: {  	[tilespmem:s12+$0x14100] =	vst v5;
	v5 =	vadd.f32 v7, v8;
	v3 =	vld [tilespmem:s12+$0xC140]  }
0x3dd: {  	v6 =	vld [tilespmem:s12+$0x10140]  }
0x3de: {  	[tilespmem:s12+$0x14110] =	vst v5;
	v7 =	vadd.f32 v9, v10;
	v5 =	vld [tilespmem:s12+$0xC150]  }
0x3df: {  	v8 =	vld [tilespmem:s12+$0x10150]  }
0x3e0: {  	v9 =	vld [tilespmem:s12+$0xC160]  }
0x3e1: {  	v10 =	vld [tilespmem:s12+$0x10160];
	_ =	sdelay $0x1  }
0x3e2: {  	v2 =	vadd.f32 v4, v2  }
0x3e3: {  	[tilespmem:s12+$0x14120] =	vst v7;
	v3 =	vadd.f32 v6, v3  }
0x3e4: {  	[tilespmem:s12+$0x14130] =	vst v2;
	v2 =	vadd.f32 v8, v5  }
0x3e5: {  	[tilespmem:s12+$0x14140] =	vst v3;
	v3 =	vadd.f32 v10, v9  }
0x3e6: {  	[tilespmem:s12+$0x14150] =	vst v2  }
0x3e7: {  	[tilespmem:s12+$0x14160] =	vst v3  }
0x3e8: {  	s30 =	simm.s32 $0x0;
	s0 =	rddreg [dreg:$0xe]  }
0x3e9: {  	[hbm4b:s0+s30] =	stream.linear.scatter [tilespmem:s25], [sflag:$0x6], $0x4000, $0x38;
	[tilespmem:$0x18100] =	vst v63  }
0x3ea: {  	v2 =	vld.msk [tilespmem:$0x58], $0xff;
	_ =	sdelay $0x4  }
0x3eb: {  	v3 =	vshll.u32 v2, $0x4  }
0x3ec: {  	v2 =	vand.u32 $0x7, v2;
	v3 =	vand.u32 $0xFFFFFF80, v3  }
0x3ed: {  	v2 =	vor.u32 v2, v3  }
0x3ee: {  	v2 =	vperm.xlane v2, v0;
	_ =	sdelay $0x1  }
0x3ef: {  	v2 =	vadd.s32 v1, v2;
	_ =	sdelay $0x3  }
0x3f0: {  	s12 =	simm.s32 $0xC100  }
0x3f1: {  	[tilespmem:s12], [sflag:$0x3] =	stream.indirect_vreg.gather [hbm4b:s3+s30], $0x80, v2, vm0, $0xb8;
	[tilespmem:$0x18100] =	vst v63  }
0x3f2: {  	s1 =	simm.s32 $0xC900  }
0x3f3: {  	[tilespmem:s1], [sflag:$0x3] =	stream.indirect_vreg.gather [hbm4b:s6+s30], $0x80, v2, vm0, $0xb8;
	[tilespmem:$0x18100] =	vst v63  }
0x3f4: {  	s12 =	simm.s32 $0xD100  }
0x3f5: {  	[tilespmem:s12], [sflag:$0x3] =	stream.indirect_vreg.gather [hbm4b:s7+s30], $0x80, v2, vm0, $0xb8;
	[tilespmem:$0x18100] =	vst v63  }
0x3f6: {  	s1 =	simm.s32 $0xD900  }
0x3f7: {  	[tilespmem:s1], [sflag:$0x3] =	stream.indirect_vreg.gather [hbm4b:s8+s30], $0x80, v2, vm0, $0xb8;
	[tilespmem:$0x18100] =	vst v63  }
0x3f8: {  	s12 =	simm.s32 $0xE100  }
0x3f9: {  	[tilespmem:s12], [sflag:$0x3] =	stream.indirect_vreg.gather [hbm4b:s9+s30], $0x80, v2, vm0, $0xb8;
	[tilespmem:$0x18100] =	vst v63  }
0x3fa: {  	s1 =	simm.s32 $0xE900  }
0x3fb: {  	[tilespmem:s1], [sflag:$0x3] =	stream.indirect_vreg.gather [hbm4b:s10+s30], $0x80, v2, vm0, $0xb8;
	[tilespmem:$0x18100] =	vst v63  }
0x3fc: {  	s12 =	simm.s32 $0xF100  }
0x3fd: {  	[tilespmem:s12], [sflag:$0x3] =	stream.indirect_vreg.gather [hbm4b:s11+s30], $0x80, v2, vm0, $0xb8;
	[tilespmem:$0x18100] =	vst v63  }
0x3fe: {  	s1 =	simm.s32 $0xF900  }
0x3ff: {  	[tilespmem:s1], [sflag:$0x3] =	stream.indirect_vreg.gather [hbm4b:s13+s30], $0x80, v2, vm0, $0xb8;
	[tilespmem:$0x18100] =	vst v63  }
0x400: {  	v2 =	vld.msk [tilespmem:$0xD8], $0xff;
	_ =	sdelay $0x4  }
0x401: {  	v3 =	vshll.u32 v2, $0x4  }
0x402: {  	v2 =	vand.u32 $0x7, v2;
	v3 =	vand.u32 $0xFFFFFF80, v3  }
0x403: {  	v2 =	vor.u32 v2, v3  }
0x404: {  	v2 =	vperm.xlane v2, v0;
	_ =	sdelay $0x1  }
0x405: {  	v2 =	vadd.s32 v1, v2;
	_ =	sdelay $0x4  }
0x406: {  	[tilespmem:s4], [sflag:$0x4] =	stream.indirect_vreg.gather [hbm4b:s3+s30], $0x80, v2, vm0, $0xb8;
	[tilespmem:$0x18100] =	vst v63  }
0x407: {  	_ = 	snop  }
0x408: {  	[tilespmem:s5], [sflag:$0x4] =	stream.indirect_vreg.gather [hbm4b:s6+s30], $0x80, v2, vm0, $0xb8;
	[tilespmem:$0x18100] =	vst v63  }
0x409: {  	_ = 	snop  }
0x40a: {  	[tilespmem:s14], [sflag:$0x4] =	stream.indirect_vreg.gather [hbm4b:s7+s30], $0x80, v2, vm0, $0xb8;
	[tilespmem:$0x18100] =	vst v63  }
0x40b: {  	_ = 	snop  }
0x40c: {  	[tilespmem:s15], [sflag:$0x4] =	stream.indirect_vreg.gather [hbm4b:s8+s30], $0x80, v2, vm0, $0xb8;
	[tilespmem:$0x18100] =	vst v63  }
0x40d: {  	_ = 	snop  }
0x40e: {  	[tilespmem:s16], [sflag:$0x4] =	stream.indirect_vreg.gather [hbm4b:s9+s30], $0x80, v2, vm0, $0xb8;
	[tilespmem:$0x18100] =	vst v63  }
0x40f: {  	_ = 	snop  }
0x410: {  	[tilespmem:s17], [sflag:$0x4] =	stream.indirect_vreg.gather [hbm4b:s10+s30], $0x80, v2, vm0, $0xb8;
	[tilespmem:$0x18100] =	vst v63  }
0x411: {  	_ = 	snop  }
0x412: {  	[tilespmem:s18], [sflag:$0x4] =	stream.indirect_vreg.gather [hbm4b:s11+s30], $0x80, v2, vm0, $0xb8;
	[tilespmem:$0x18100] =	vst v63  }
0x413: {  	_ = 	snop  }
0x414: {  	[tilespmem:s19], [sflag:$0x4] =	stream.indirect_vreg.gather [hbm4b:s13+s30], $0x80, v2, vm0, $0xb8;
	[tilespmem:$0x18100] =	vst v63  }
0x415: {  	_ =	swait.ge [sflag:s20], $0x4000  }
0x416: {  	[sflag:s20] =	ssyncset.done $0x0  }
0x417: {  	[sflag:s20] =	ssyncadd.s32 $0xFFFFC000  }
0x418: {  	_ =	swait.ge [sflag:s21], $0x4000  }
0x419: {  	[sflag:s21] =	ssyncset.done $0x0  }
0x41a: {  	[sflag:s21] =	ssyncadd.s32 $0xFFFFC000  }
0x41b: {  	s31 =	simm.s32 $0x0;
	_ =	swait.ge [sflag:s26], $0x4000  }
0x41c: {  	s12 =	sand.u32 $0x380, s31;
	s1 =	sand.u32 $0x3C00, s30;
	[sflag:s26] =	ssyncset.done $0x0  }
0x41d: {  	s12 =	sor.u32 s12, s1;
	[sflag:s26] =	ssyncadd.s32 $0xFFFFC000  }
0x41e: {  	v2 =	vld [tilespmem:s12+$0x170]  }
0x41f: {  	v3 =	vld [tilespmem:s12+$0x4170]  }
0x420: {  	v4 =	vld [tilespmem:s12+$0x100]  }
0x421: {  	v5 =	vld [tilespmem:s12+$0x4100]  }
0x422: {  	v6 =	vld [tilespmem:s12+$0x110]  }
0x423: {  	v7 =	vld [tilespmem:s12+$0x4110]  }
0x424: {  	v8 =	vld [tilespmem:s12+$0x120]  }
0x425: {  	v63 =	vld [tilespmem:s12+$0x4120]  }
0x426: {  	v3 =	vadd.f32 v3, v2;
	v2 =	vld [tilespmem:s12+$0x130]  }
0x427: {  	v5 =	vadd.f32 v5, v4;
	v4 =	vld [tilespmem:s12+$0x4130]  }
0x428: {  	v7 =	vadd.f32 v7, v6;
	v6 =	vld [tilespmem:s12+$0x4140];
	[tilespmem:s12+$0x8170] =	vst v3  }
0x429: {  	v3 =	vld [tilespmem:s12+$0x140];
	[tilespmem:s12+$0x8100] =	vst v5  }
0x42a: {  	[tilespmem:s12+$0x8110] =	vst v7;
	v7 =	vadd.f32 v63, v8;
	v5 =	vld [tilespmem:s12+$0x150]  }
.LBB2_22:
0x42b: {  	s31 =	sadd.s32 $0x8, s31;
	v8 =	vld [tilespmem:s12+$0x4150];
	s30 =	sadd.s32 $0x400, s30  }
0x42c: {  	s0 =	sand.u32 $0x380, s31;
	s1 =	sand.u32 $0x3C00, s30;
	p0 =	slt.u32 s31, $0x3F8;
	[tilespmem:s12+$0x8120] =	vst v7;
	v2 =	vadd.f32 v4, v2;
	v4 =	vld [tilespmem:s12+$0x160]  }
0x42d: {  	s0 =	sor.u32 s0, s1;
	v7 =	vld [tilespmem:s12+$0x4160]  }
0x42e: {  	v9 =	vld [tilespmem:s0+$0x170];
	[tilespmem:s12+$0x8130] =	vst v2;
	v2 =	vadd.f32 v6, v3  }
0x42f: {  	v3 =	vld [tilespmem:s0+$0x4170]  }
0x430: {  	v6 =	vld [tilespmem:s0+$0x100];
	[tilespmem:s12+$0x8140] =	vst v2;
	v2 =	vadd.f32 v8, v5  }
0x431: {  	v5 =	vld [tilespmem:s0+$0x4100]  }
0x432: {  	v8 =	vld [tilespmem:s0+$0x110];
	[tilespmem:s12+$0x8150] =	vst v2;
	v2 =	vadd.f32 v7, v4  }
0x433: {  	v7 =	vld [tilespmem:s0+$0x4110]  }
0x434: {  	v10 =	vld [tilespmem:s0+$0x120];
	v3 =	vadd.f32 v3, v9;
	[tilespmem:s12+$0x8160] =	vst v2;
	s12 =	smov.u32 s0  }
0x435: {  	v9 =	vld [tilespmem:s12+$0x4120]  }
.Ltmp10:
0x436: {  	v5 =	vadd.f32 v5, v6;
	v2 =	vld [tilespmem:s12+$0x130];
	[tilespmem:s12+$0x8170] =	vst v3;
	(pc) =	sbr.rel @p0 .LBB2_22-.Ltmp10, $4  }
0x437: {  	v4 =	vld [tilespmem:s12+$0x4130]  }
0x438: {  	[tilespmem:s12+$0x8100] =	vst v5;
	v5 =	vadd.f32 v7, v8;
	v3 =	vld [tilespmem:s12+$0x140]  }
0x439: {  	v6 =	vld [tilespmem:s12+$0x4140]  }
0x43a: {  	[tilespmem:s12+$0x8110] =	vst v5;
	v7 =	vadd.f32 v9, v10;
	v5 =	vld [tilespmem:s12+$0x150]  }
0x43b: {  	v8 =	vld [tilespmem:s12+$0x4150]  }
0x43c: {  	v9 =	vld [tilespmem:s12+$0x160]  }
0x43d: {  	v10 =	vld [tilespmem:s12+$0x4160];
	_ =	sdelay $0x1  }
0x43e: {  	v2 =	vadd.f32 v4, v2  }
0x43f: {  	[tilespmem:s12+$0x8120] =	vst v7;
	v3 =	vadd.f32 v6, v3  }
0x440: {  	[tilespmem:s12+$0x8130] =	vst v2;
	v2 =	vadd.f32 v8, v5  }
0x441: {  	[tilespmem:s12+$0x8140] =	vst v3;
	v3 =	vadd.f32 v10, v9  }
0x442: {  	[tilespmem:s12+$0x8150] =	vst v2  }
0x443: {  	[tilespmem:s12+$0x8160] =	vst v3  }
0x444: {  	s30 =	simm.s32 $0x0;
	s0 =	rddreg [dreg:$0xf]  }
0x445: {  	[hbm4b:s0+s30] =	stream.linear.scatter [tilespmem:s22], [sflag:$0x5], $0x4000, $0x38;
	[tilespmem:$0x18100] =	vst v63  }
0x446: {  	v2 =	vld.msk [tilespmem:$0x60], $0xff;
	_ =	sdelay $0x4  }
0x447: {  	v3 =	vshll.u32 v2, $0x4  }
0x448: {  	v2 =	vand.u32 $0x7, v2;
	v3 =	vand.u32 $0xFFFFFF80, v3  }
0x449: {  	v2 =	vor.u32 v2, v3  }
0x44a: {  	v2 =	vperm.xlane v2, v0;
	_ =	sdelay $0x1  }
0x44b: {  	v2 =	vadd.s32 v1, v2;
	_ =	sdelay $0x3  }
0x44c: {  	s12 =	simm.s32 $0x100  }
0x44d: {  	[tilespmem:s12], [sflag:$0x1] =	stream.indirect_vreg.gather [hbm4b:s3+s30], $0x80, v2, vm0, $0xb8;
	[tilespmem:$0x18100] =	vst v63  }
0x44e: {  	s1 =	simm.s32 $0x900  }
0x44f: {  	[tilespmem:s1], [sflag:$0x1] =	stream.indirect_vreg.gather [hbm4b:s6+s30], $0x80, v2, vm0, $0xb8;
	[tilespmem:$0x18100] =	vst v63  }
0x450: {  	s12 =	simm.s32 $0x1100  }
0x451: {  	[tilespmem:s12], [sflag:$0x1] =	stream.indirect_vreg.gather [hbm4b:s7+s30], $0x80, v2, vm0, $0xb8;
	[tilespmem:$0x18100] =	vst v63  }
0x452: {  	s1 =	simm.s32 $0x1900  }
0x453: {  	[tilespmem:s1], [sflag:$0x1] =	stream.indirect_vreg.gather [hbm4b:s8+s30], $0x80, v2, vm0, $0xb8;
	[tilespmem:$0x18100] =	vst v63  }
0x454: {  	s12 =	simm.s32 $0x2100  }
0x455: {  	[tilespmem:s12], [sflag:$0x1] =	stream.indirect_vreg.gather [hbm4b:s9+s30], $0x80, v2, vm0, $0xb8;
	[tilespmem:$0x18100] =	vst v63  }
0x456: {  	s1 =	simm.s32 $0x2900  }
0x457: {  	[tilespmem:s1], [sflag:$0x1] =	stream.indirect_vreg.gather [hbm4b:s10+s30], $0x80, v2, vm0, $0xb8;
	[tilespmem:$0x18100] =	vst v63  }
0x458: {  	s12 =	simm.s32 $0x3100  }
0x459: {  	[tilespmem:s12], [sflag:$0x1] =	stream.indirect_vreg.gather [hbm4b:s11+s30], $0x80, v2, vm0, $0xb8;
	[tilespmem:$0x18100] =	vst v63  }
0x45a: {  	s1 =	simm.s32 $0x3900  }
0x45b: {  	[tilespmem:s1], [sflag:$0x1] =	stream.indirect_vreg.gather [hbm4b:s13+s30], $0x80, v2, vm0, $0xb8;
	[tilespmem:$0x18100] =	vst v63  }
0x45c: {  	v2 =	vld.msk [tilespmem:$0xE0], $0xff;
	_ =	sdelay $0x4  }
0x45d: {  	v3 =	vshll.u32 v2, $0x4  }
0x45e: {  	v2 =	vand.u32 $0x7, v2;
	v3 =	vand.u32 $0xFFFFFF80, v3  }
0x45f: {  	v2 =	vor.u32 v2, v3  }
0x460: {  	v2 =	vperm.xlane v2, v0;
	_ =	sdelay $0x1  }
0x461: {  	v2 =	vadd.s32 v1, v2;
	_ =	sdelay $0x3  }
0x462: {  	s12 =	simm.s32 $0x4100  }
0x463: {  	[tilespmem:s12], [sflag:$0x2] =	stream.indirect_vreg.gather [hbm4b:s3+s30], $0x80, v2, vm0, $0xb8;
	[tilespmem:$0x18100] =	vst v63  }
0x464: {  	s1 =	simm.s32 $0x4900  }
0x465: {  	[tilespmem:s1], [sflag:$0x2] =	stream.indirect_vreg.gather [hbm4b:s6+s30], $0x80, v2, vm0, $0xb8;
	[tilespmem:$0x18100] =	vst v63  }
0x466: {  	s12 =	simm.s32 $0x5100  }
0x467: {  	[tilespmem:s12], [sflag:$0x2] =	stream.indirect_vreg.gather [hbm4b:s7+s30], $0x80, v2, vm0, $0xb8;
	[tilespmem:$0x18100] =	vst v63  }
0x468: {  	s1 =	simm.s32 $0x5900  }
0x469: {  	[tilespmem:s1], [sflag:$0x2] =	stream.indirect_vreg.gather [hbm4b:s8+s30], $0x80, v2, vm0, $0xb8;
	[tilespmem:$0x18100] =	vst v63  }
0x46a: {  	s12 =	simm.s32 $0x6100  }
0x46b: {  	[tilespmem:s12], [sflag:$0x2] =	stream.indirect_vreg.gather [hbm4b:s9+s30], $0x80, v2, vm0, $0xb8;
	[tilespmem:$0x18100] =	vst v63  }
0x46c: {  	s1 =	simm.s32 $0x6900  }
0x46d: {  	[tilespmem:s1], [sflag:$0x2] =	stream.indirect_vreg.gather [hbm4b:s10+s30], $0x80, v2, vm0, $0xb8;
	[tilespmem:$0x18100] =	vst v63  }
0x46e: {  	s12 =	simm.s32 $0x7100  }
0x46f: {  	[tilespmem:s12], [sflag:$0x2] =	stream.indirect_vreg.gather [hbm4b:s11+s30], $0x80, v2, vm0, $0xb8;
	[tilespmem:$0x18100] =	vst v63  }
0x470: {  	s1 =	simm.s32 $0x7900  }
0x471: {  	[tilespmem:s1], [sflag:$0x2] =	stream.indirect_vreg.gather [hbm4b:s13+s30], $0x80, v2, vm0, $0xb8;
	[tilespmem:$0x18100] =	vst v63  }
0x472: {  	_ =	swait.ge [sflag:s23], $0x4000  }
0x473: {  	[sflag:s23] =	ssyncset.done $0x0  }
0x474: {  	[sflag:s23] =	ssyncadd.s32 $0xFFFFC000  }
0x475: {  	_ =	swait.ge [sflag:s24], $0x4000  }
0x476: {  	[sflag:s24] =	ssyncset.done $0x0  }
0x477: {  	[sflag:s24] =	ssyncadd.s32 $0xFFFFC000  }
0x478: {  	s31 =	simm.s32 $0x0;
	_ =	swait.ge [sflag:s28], $0x4000  }
0x479: {  	s12 =	sand.u32 $0x380, s31;
	s1 =	sand.u32 $0x3C00, s30;
	[sflag:s28] =	ssyncset.done $0x0  }
0x47a: {  	s12 =	sor.u32 s12, s1;
	[sflag:s28] =	ssyncadd.s32 $0xFFFFC000  }
0x47b: {  	v2 =	vld [tilespmem:s12+$0xC170]  }
0x47c: {  	v3 =	vld [tilespmem:s12+$0x10170]  }
0x47d: {  	v4 =	vld [tilespmem:s12+$0xC100]  }
0x47e: {  	v5 =	vld [tilespmem:s12+$0x10100]  }
0x47f: {  	v6 =	vld [tilespmem:s12+$0xC110]  }
0x480: {  	v7 =	vld [tilespmem:s12+$0x10110]  }
0x481: {  	v8 =	vld [tilespmem:s12+$0xC120]  }
0x482: {  	v63 =	vld [tilespmem:s12+$0x10120]  }
0x483: {  	v3 =	vadd.f32 v3, v2;
	v2 =	vld [tilespmem:s12+$0xC130]  }
0x484: {  	v5 =	vadd.f32 v5, v4;
	v4 =	vld [tilespmem:s12+$0x10130]  }
0x485: {  	v7 =	vadd.f32 v7, v6;
	v6 =	vld [tilespmem:s12+$0x10140];
	[tilespmem:s12+$0x14170] =	vst v3  }
0x486: {  	v3 =	vld [tilespmem:s12+$0xC140];
	[tilespmem:s12+$0x14100] =	vst v5  }
0x487: {  	[tilespmem:s12+$0x14110] =	vst v7;
	v7 =	vadd.f32 v63, v8;
	v5 =	vld [tilespmem:s12+$0xC150]  }
.LBB2_24:
0x488: {  	s31 =	sadd.s32 $0x8, s31;
	v8 =	vld [tilespmem:s12+$0x10150];
	s30 =	sadd.s32 $0x400, s30  }
0x489: {  	s0 =	sand.u32 $0x380, s31;
	s1 =	sand.u32 $0x3C00, s30;
	p0 =	slt.u32 s31, $0x3F8;
	[tilespmem:s12+$0x14120] =	vst v7;
	v2 =	vadd.f32 v4, v2;
	v4 =	vld [tilespmem:s12+$0xC160]  }
0x48a: {  	s0 =	sor.u32 s0, s1;
	v7 =	vld [tilespmem:s12+$0x10160]  }
0x48b: {  	v9 =	vld [tilespmem:s0+$0xC170];
	[tilespmem:s12+$0x14130] =	vst v2;
	v2 =	vadd.f32 v6, v3  }
0x48c: {  	v3 =	vld [tilespmem:s0+$0x10170]  }
0x48d: {  	v6 =	vld [tilespmem:s0+$0xC100];
	[tilespmem:s12+$0x14140] =	vst v2;
	v2 =	vadd.f32 v8, v5  }
0x48e: {  	v5 =	vld [tilespmem:s0+$0x10100]  }
0x48f: {  	v8 =	vld [tilespmem:s0+$0xC110];
	[tilespmem:s12+$0x14150] =	vst v2;
	v2 =	vadd.f32 v7, v4  }
0x490: {  	v7 =	vld [tilespmem:s0+$0x10110]  }
0x491: {  	v10 =	vld [tilespmem:s0+$0xC120];
	v3 =	vadd.f32 v3, v9;
	[tilespmem:s12+$0x14160] =	vst v2;
	s12 =	smov.u32 s0  }
0x492: {  	v9 =	vld [tilespmem:s12+$0x10120]  }
.Ltmp11:
0x493: {  	v5 =	vadd.f32 v5, v6;
	v2 =	vld [tilespmem:s12+$0xC130];
	[tilespmem:s12+$0x14170] =	vst v3;
	(pc) =	sbr.rel @p0 .LBB2_24-.Ltmp11, $4  }
0x494: {  	v4 =	vld [tilespmem:s12+$0x10130]  }
0x495: {  	[tilespmem:s12+$0x14100] =	vst v5;
	v5 =	vadd.f32 v7, v8;
	v3 =	vld [tilespmem:s12+$0xC140]  }
0x496: {  	v6 =	vld [tilespmem:s12+$0x10140]  }
0x497: {  	[tilespmem:s12+$0x14110] =	vst v5;
	v7 =	vadd.f32 v9, v10;
	v5 =	vld [tilespmem:s12+$0xC150]  }
0x498: {  	v8 =	vld [tilespmem:s12+$0x10150]  }
0x499: {  	v9 =	vld [tilespmem:s12+$0xC160]  }
0x49a: {  	v10 =	vld [tilespmem:s12+$0x10160];
	_ =	sdelay $0x1  }
0x49b: {  	v2 =	vadd.f32 v4, v2  }
0x49c: {  	[tilespmem:s12+$0x14120] =	vst v7;
	v3 =	vadd.f32 v6, v3  }
0x49d: {  	[tilespmem:s12+$0x14130] =	vst v2;
	v2 =	vadd.f32 v8, v5  }
0x49e: {  	[tilespmem:s12+$0x14140] =	vst v3;
	v3 =	vadd.f32 v10, v9  }
0x49f: {  	[tilespmem:s12+$0x14150] =	vst v2  }
0x4a0: {  	[tilespmem:s12+$0x14160] =	vst v3  }
0x4a1: {  	s30 =	simm.s32 $0x0;
	s0 =	rddreg [dreg:$0x10]  }
0x4a2: {  	[hbm4b:s0+s30] =	stream.linear.scatter [tilespmem:s25], [sflag:$0x6], $0x4000, $0x38;
	[tilespmem:$0x18100] =	vst v63  }
0x4a3: {  	v2 =	vld.msk [tilespmem:$0x68], $0xff;
	_ =	sdelay $0x4  }
0x4a4: {  	v3 =	vshll.u32 v2, $0x4  }
0x4a5: {  	v2 =	vand.u32 $0x7, v2;
	v3 =	vand.u32 $0xFFFFFF80, v3  }
0x4a6: {  	v2 =	vor.u32 v2, v3  }
0x4a7: {  	v2 =	vperm.xlane v2, v0;
	_ =	sdelay $0x1  }
0x4a8: {  	v2 =	vadd.s32 v1, v2;
	_ =	sdelay $0x3  }
0x4a9: {  	s12 =	simm.s32 $0xC100  }
0x4aa: {  	[tilespmem:s12], [sflag:$0x3] =	stream.indirect_vreg.gather [hbm4b:s3+s30], $0x80, v2, vm0, $0xb8;
	[tilespmem:$0x18100] =	vst v63  }
0x4ab: {  	s1 =	simm.s32 $0xC900  }
0x4ac: {  	[tilespmem:s1], [sflag:$0x3] =	stream.indirect_vreg.gather [hbm4b:s6+s30], $0x80, v2, vm0, $0xb8;
	[tilespmem:$0x18100] =	vst v63  }
0x4ad: {  	s12 =	simm.s32 $0xD100  }
0x4ae: {  	[tilespmem:s12], [sflag:$0x3] =	stream.indirect_vreg.gather [hbm4b:s7+s30], $0x80, v2, vm0, $0xb8;
	[tilespmem:$0x18100] =	vst v63  }
0x4af: {  	s1 =	simm.s32 $0xD900  }
0x4b0: {  	[tilespmem:s1], [sflag:$0x3] =	stream.indirect_vreg.gather [hbm4b:s8+s30], $0x80, v2, vm0, $0xb8;
	[tilespmem:$0x18100] =	vst v63  }
0x4b1: {  	s12 =	simm.s32 $0xE100  }
0x4b2: {  	[tilespmem:s12], [sflag:$0x3] =	stream.indirect_vreg.gather [hbm4b:s9+s30], $0x80, v2, vm0, $0xb8;
	[tilespmem:$0x18100] =	vst v63  }
0x4b3: {  	s1 =	simm.s32 $0xE900  }
0x4b4: {  	[tilespmem:s1], [sflag:$0x3] =	stream.indirect_vreg.gather [hbm4b:s10+s30], $0x80, v2, vm0, $0xb8;
	[tilespmem:$0x18100] =	vst v63  }
0x4b5: {  	s12 =	simm.s32 $0xF100  }
0x4b6: {  	[tilespmem:s12], [sflag:$0x3] =	stream.indirect_vreg.gather [hbm4b:s11+s30], $0x80, v2, vm0, $0xb8;
	[tilespmem:$0x18100] =	vst v63  }
0x4b7: {  	s1 =	simm.s32 $0xF900  }
0x4b8: {  	[tilespmem:s1], [sflag:$0x3] =	stream.indirect_vreg.gather [hbm4b:s13+s30], $0x80, v2, vm0, $0xb8;
	[tilespmem:$0x18100] =	vst v63  }
0x4b9: {  	v2 =	vld.msk [tilespmem:$0xE8], $0xff;
	_ =	sdelay $0x4  }
0x4ba: {  	v3 =	vshll.u32 v2, $0x4  }
0x4bb: {  	v2 =	vand.u32 $0x7, v2;
	v3 =	vand.u32 $0xFFFFFF80, v3  }
0x4bc: {  	v2 =	vor.u32 v2, v3  }
0x4bd: {  	v2 =	vperm.xlane v2, v0;
	_ =	sdelay $0x1  }
0x4be: {  	v2 =	vadd.s32 v1, v2;
	_ =	sdelay $0x4  }
0x4bf: {  	[tilespmem:s4], [sflag:$0x4] =	stream.indirect_vreg.gather [hbm4b:s3+s30], $0x80, v2, vm0, $0xb8;
	[tilespmem:$0x18100] =	vst v63  }
0x4c0: {  	_ = 	snop  }
0x4c1: {  	[tilespmem:s5], [sflag:$0x4] =	stream.indirect_vreg.gather [hbm4b:s6+s30], $0x80, v2, vm0, $0xb8;
	[tilespmem:$0x18100] =	vst v63  }
0x4c2: {  	_ = 	snop  }
0x4c3: {  	[tilespmem:s14], [sflag:$0x4] =	stream.indirect_vreg.gather [hbm4b:s7+s30], $0x80, v2, vm0, $0xb8;
	[tilespmem:$0x18100] =	vst v63  }
0x4c4: {  	_ = 	snop  }
0x4c5: {  	[tilespmem:s15], [sflag:$0x4] =	stream.indirect_vreg.gather [hbm4b:s8+s30], $0x80, v2, vm0, $0xb8;
	[tilespmem:$0x18100] =	vst v63  }
0x4c6: {  	_ = 	snop  }
0x4c7: {  	[tilespmem:s16], [sflag:$0x4] =	stream.indirect_vreg.gather [hbm4b:s9+s30], $0x80, v2, vm0, $0xb8;
	[tilespmem:$0x18100] =	vst v63  }
0x4c8: {  	_ = 	snop  }
0x4c9: {  	[tilespmem:s17], [sflag:$0x4] =	stream.indirect_vreg.gather [hbm4b:s10+s30], $0x80, v2, vm0, $0xb8;
	[tilespmem:$0x18100] =	vst v63  }
0x4ca: {  	_ = 	snop  }
0x4cb: {  	[tilespmem:s18], [sflag:$0x4] =	stream.indirect_vreg.gather [hbm4b:s11+s30], $0x80, v2, vm0, $0xb8;
	[tilespmem:$0x18100] =	vst v63  }
0x4cc: {  	_ = 	snop  }
0x4cd: {  	[tilespmem:s19], [sflag:$0x4] =	stream.indirect_vreg.gather [hbm4b:s13+s30], $0x80, v2, vm0, $0xb8;
	[tilespmem:$0x18100] =	vst v63  }
0x4ce: {  	_ =	swait.ge [sflag:s20], $0x4000  }
0x4cf: {  	[sflag:s20] =	ssyncset.done $0x0  }
0x4d0: {  	[sflag:s20] =	ssyncadd.s32 $0xFFFFC000  }
0x4d1: {  	_ =	swait.ge [sflag:s21], $0x4000  }
0x4d2: {  	[sflag:s21] =	ssyncset.done $0x0  }
0x4d3: {  	[sflag:s21] =	ssyncadd.s32 $0xFFFFC000  }
0x4d4: {  	s31 =	simm.s32 $0x0;
	_ =	swait.ge [sflag:s26], $0x4000  }
0x4d5: {  	s12 =	sand.u32 $0x380, s31;
	s1 =	sand.u32 $0x3C00, s30;
	[sflag:s26] =	ssyncset.done $0x0  }
0x4d6: {  	s12 =	sor.u32 s12, s1;
	[sflag:s26] =	ssyncadd.s32 $0xFFFFC000  }
0x4d7: {  	v2 =	vld [tilespmem:s12+$0x170]  }
0x4d8: {  	v3 =	vld [tilespmem:s12+$0x4170]  }
0x4d9: {  	v4 =	vld [tilespmem:s12+$0x100]  }
0x4da: {  	v5 =	vld [tilespmem:s12+$0x4100]  }
0x4db: {  	v6 =	vld [tilespmem:s12+$0x110]  }
0x4dc: {  	v7 =	vld [tilespmem:s12+$0x4110]  }
0x4dd: {  	v8 =	vld [tilespmem:s12+$0x120]  }
0x4de: {  	v63 =	vld [tilespmem:s12+$0x4120]  }
0x4df: {  	v3 =	vadd.f32 v3, v2;
	v2 =	vld [tilespmem:s12+$0x130]  }
0x4e0: {  	v5 =	vadd.f32 v5, v4;
	v4 =	vld [tilespmem:s12+$0x4130]  }
0x4e1: {  	v7 =	vadd.f32 v7, v6;
	v6 =	vld [tilespmem:s12+$0x4140];
	[tilespmem:s12+$0x8170] =	vst v3  }
0x4e2: {  	v3 =	vld [tilespmem:s12+$0x140];
	[tilespmem:s12+$0x8100] =	vst v5  }
0x4e3: {  	[tilespmem:s12+$0x8110] =	vst v7;
	v7 =	vadd.f32 v63, v8;
	v5 =	vld [tilespmem:s12+$0x150]  }
.LBB2_26:
0x4e4: {  	s31 =	sadd.s32 $0x8, s31;
	v8 =	vld [tilespmem:s12+$0x4150];
	s30 =	sadd.s32 $0x400, s30  }
0x4e5: {  	s0 =	sand.u32 $0x380, s31;
	s1 =	sand.u32 $0x3C00, s30;
	p0 =	slt.u32 s31, $0x3F8;
	[tilespmem:s12+$0x8120] =	vst v7;
	v2 =	vadd.f32 v4, v2;
	v4 =	vld [tilespmem:s12+$0x160]  }
0x4e6: {  	s0 =	sor.u32 s0, s1;
	v7 =	vld [tilespmem:s12+$0x4160]  }
0x4e7: {  	v9 =	vld [tilespmem:s0+$0x170];
	[tilespmem:s12+$0x8130] =	vst v2;
	v2 =	vadd.f32 v6, v3  }
0x4e8: {  	v3 =	vld [tilespmem:s0+$0x4170]  }
0x4e9: {  	v6 =	vld [tilespmem:s0+$0x100];
	[tilespmem:s12+$0x8140] =	vst v2;
	v2 =	vadd.f32 v8, v5  }
0x4ea: {  	v5 =	vld [tilespmem:s0+$0x4100]  }
0x4eb: {  	v8 =	vld [tilespmem:s0+$0x110];
	[tilespmem:s12+$0x8150] =	vst v2;
	v2 =	vadd.f32 v7, v4  }
0x4ec: {  	v7 =	vld [tilespmem:s0+$0x4110]  }
0x4ed: {  	v10 =	vld [tilespmem:s0+$0x120];
	v3 =	vadd.f32 v3, v9;
	[tilespmem:s12+$0x8160] =	vst v2;
	s12 =	smov.u32 s0  }
0x4ee: {  	v9 =	vld [tilespmem:s12+$0x4120]  }
.Ltmp12:
0x4ef: {  	v5 =	vadd.f32 v5, v6;
	v2 =	vld [tilespmem:s12+$0x130];
	[tilespmem:s12+$0x8170] =	vst v3;
	(pc) =	sbr.rel @p0 .LBB2_26-.Ltmp12, $4  }
0x4f0: {  	v4 =	vld [tilespmem:s12+$0x4130]  }
0x4f1: {  	[tilespmem:s12+$0x8100] =	vst v5;
	v5 =	vadd.f32 v7, v8;
	v3 =	vld [tilespmem:s12+$0x140]  }
0x4f2: {  	v6 =	vld [tilespmem:s12+$0x4140]  }
0x4f3: {  	[tilespmem:s12+$0x8110] =	vst v5;
	v7 =	vadd.f32 v9, v10;
	v5 =	vld [tilespmem:s12+$0x150]  }
0x4f4: {  	v8 =	vld [tilespmem:s12+$0x4150]  }
0x4f5: {  	v9 =	vld [tilespmem:s12+$0x160]  }
0x4f6: {  	v10 =	vld [tilespmem:s12+$0x4160];
	_ =	sdelay $0x1  }
0x4f7: {  	v2 =	vadd.f32 v4, v2  }
0x4f8: {  	[tilespmem:s12+$0x8120] =	vst v7;
	v3 =	vadd.f32 v6, v3  }
0x4f9: {  	[tilespmem:s12+$0x8130] =	vst v2;
	v2 =	vadd.f32 v8, v5  }
0x4fa: {  	[tilespmem:s12+$0x8140] =	vst v3;
	v3 =	vadd.f32 v10, v9  }
0x4fb: {  	[tilespmem:s12+$0x8150] =	vst v2  }
0x4fc: {  	[tilespmem:s12+$0x8160] =	vst v3  }
0x4fd: {  	s30 =	simm.s32 $0x0;
	s0 =	rddreg [dreg:$0x12]  }
0x4fe: {  	[hbm4b:s0+s30] =	stream.linear.scatter [tilespmem:s22], [sflag:$0x5], $0x4000, $0x38;
	[tilespmem:$0x18100] =	vst v63  }
0x4ff: {  	v2 =	vld.msk [tilespmem:$0x70], $0xff;
	_ =	sdelay $0x4  }
0x500: {  	v3 =	vshll.u32 v2, $0x4  }
0x501: {  	v2 =	vand.u32 $0x7, v2;
	v3 =	vand.u32 $0xFFFFFF80, v3  }
0x502: {  	v2 =	vor.u32 v2, v3  }
0x503: {  	v2 =	vperm.xlane v2, v0;
	_ =	sdelay $0x1  }
0x504: {  	v2 =	vadd.s32 v1, v2;
	_ =	sdelay $0x3  }
0x505: {  	s12 =	simm.s32 $0x100  }
0x506: {  	[tilespmem:s12], [sflag:$0x1] =	stream.indirect_vreg.gather [hbm4b:s3+s30], $0x80, v2, vm0, $0xb8;
	[tilespmem:$0x18100] =	vst v63  }
0x507: {  	s1 =	simm.s32 $0x900  }
0x508: {  	[tilespmem:s1], [sflag:$0x1] =	stream.indirect_vreg.gather [hbm4b:s6+s30], $0x80, v2, vm0, $0xb8;
	[tilespmem:$0x18100] =	vst v63  }
0x509: {  	s12 =	simm.s32 $0x1100  }
0x50a: {  	[tilespmem:s12], [sflag:$0x1] =	stream.indirect_vreg.gather [hbm4b:s7+s30], $0x80, v2, vm0, $0xb8;
	[tilespmem:$0x18100] =	vst v63  }
0x50b: {  	s1 =	simm.s32 $0x1900  }
0x50c: {  	[tilespmem:s1], [sflag:$0x1] =	stream.indirect_vreg.gather [hbm4b:s8+s30], $0x80, v2, vm0, $0xb8;
	[tilespmem:$0x18100] =	vst v63  }
0x50d: {  	s12 =	simm.s32 $0x2100  }
0x50e: {  	[tilespmem:s12], [sflag:$0x1] =	stream.indirect_vreg.gather [hbm4b:s9+s30], $0x80, v2, vm0, $0xb8;
	[tilespmem:$0x18100] =	vst v63  }
0x50f: {  	s1 =	simm.s32 $0x2900  }
0x510: {  	[tilespmem:s1], [sflag:$0x1] =	stream.indirect_vreg.gather [hbm4b:s10+s30], $0x80, v2, vm0, $0xb8;
	[tilespmem:$0x18100] =	vst v63  }
0x511: {  	s12 =	simm.s32 $0x3100  }
0x512: {  	[tilespmem:s12], [sflag:$0x1] =	stream.indirect_vreg.gather [hbm4b:s11+s30], $0x80, v2, vm0, $0xb8;
	[tilespmem:$0x18100] =	vst v63  }
0x513: {  	s1 =	simm.s32 $0x3900  }
0x514: {  	[tilespmem:s1], [sflag:$0x1] =	stream.indirect_vreg.gather [hbm4b:s13+s30], $0x80, v2, vm0, $0xb8;
	[tilespmem:$0x18100] =	vst v63  }
0x515: {  	v2 =	vld.msk [tilespmem:$0xF0], $0xff;
	_ =	sdelay $0x4  }
0x516: {  	v3 =	vshll.u32 v2, $0x4  }
0x517: {  	v2 =	vand.u32 $0x7, v2;
	v3 =	vand.u32 $0xFFFFFF80, v3  }
0x518: {  	v2 =	vor.u32 v2, v3  }
0x519: {  	v2 =	vperm.xlane v2, v0;
	_ =	sdelay $0x1  }
0x51a: {  	v2 =	vadd.s32 v1, v2;
	_ =	sdelay $0x3  }
0x51b: {  	s12 =	simm.s32 $0x4100  }
0x51c: {  	[tilespmem:s12], [sflag:$0x2] =	stream.indirect_vreg.gather [hbm4b:s3+s30], $0x80, v2, vm0, $0xb8;
	[tilespmem:$0x18100] =	vst v63  }
0x51d: {  	s1 =	simm.s32 $0x4900  }
0x51e: {  	[tilespmem:s1], [sflag:$0x2] =	stream.indirect_vreg.gather [hbm4b:s6+s30], $0x80, v2, vm0, $0xb8;
	[tilespmem:$0x18100] =	vst v63  }
0x51f: {  	s12 =	simm.s32 $0x5100  }
0x520: {  	[tilespmem:s12], [sflag:$0x2] =	stream.indirect_vreg.gather [hbm4b:s7+s30], $0x80, v2, vm0, $0xb8;
	[tilespmem:$0x18100] =	vst v63  }
0x521: {  	s1 =	simm.s32 $0x5900  }
0x522: {  	[tilespmem:s1], [sflag:$0x2] =	stream.indirect_vreg.gather [hbm4b:s8+s30], $0x80, v2, vm0, $0xb8;
	[tilespmem:$0x18100] =	vst v63  }
0x523: {  	s12 =	simm.s32 $0x6100  }
0x524: {  	[tilespmem:s12], [sflag:$0x2] =	stream.indirect_vreg.gather [hbm4b:s9+s30], $0x80, v2, vm0, $0xb8;
	[tilespmem:$0x18100] =	vst v63  }
0x525: {  	s1 =	simm.s32 $0x6900  }
0x526: {  	[tilespmem:s1], [sflag:$0x2] =	stream.indirect_vreg.gather [hbm4b:s10+s30], $0x80, v2, vm0, $0xb8;
	[tilespmem:$0x18100] =	vst v63  }
0x527: {  	s12 =	simm.s32 $0x7100  }
0x528: {  	[tilespmem:s12], [sflag:$0x2] =	stream.indirect_vreg.gather [hbm4b:s11+s30], $0x80, v2, vm0, $0xb8;
	[tilespmem:$0x18100] =	vst v63  }
0x529: {  	s1 =	simm.s32 $0x7900  }
0x52a: {  	[tilespmem:s1], [sflag:$0x2] =	stream.indirect_vreg.gather [hbm4b:s13+s30], $0x80, v2, vm0, $0xb8;
	[tilespmem:$0x18100] =	vst v63  }
0x52b: {  	_ =	swait.ge [sflag:s23], $0x4000  }
0x52c: {  	[sflag:s23] =	ssyncset.done $0x0  }
0x52d: {  	[sflag:s23] =	ssyncadd.s32 $0xFFFFC000  }
0x52e: {  	_ =	swait.ge [sflag:s24], $0x4000  }
0x52f: {  	[sflag:s24] =	ssyncset.done $0x0  }
0x530: {  	[sflag:s24] =	ssyncadd.s32 $0xFFFFC000  }
0x531: {  	s31 =	simm.s32 $0x0;
	_ =	swait.ge [sflag:s28], $0x4000  }
0x532: {  	s12 =	sand.u32 $0x380, s31;
	s1 =	sand.u32 $0x3C00, s30;
	[sflag:s28] =	ssyncset.done $0x0  }
0x533: {  	s12 =	sor.u32 s12, s1;
	[sflag:s28] =	ssyncadd.s32 $0xFFFFC000  }
0x534: {  	v2 =	vld [tilespmem:s12+$0xC170]  }
0x535: {  	v3 =	vld [tilespmem:s12+$0x10170]  }
0x536: {  	v4 =	vld [tilespmem:s12+$0xC100]  }
0x537: {  	v5 =	vld [tilespmem:s12+$0x10100]  }
0x538: {  	v6 =	vld [tilespmem:s12+$0xC110]  }
0x539: {  	v7 =	vld [tilespmem:s12+$0x10110]  }
0x53a: {  	v8 =	vld [tilespmem:s12+$0xC120]  }
0x53b: {  	v63 =	vld [tilespmem:s12+$0x10120]  }
0x53c: {  	v3 =	vadd.f32 v3, v2;
	v2 =	vld [tilespmem:s12+$0xC130]  }
0x53d: {  	v5 =	vadd.f32 v5, v4;
	v4 =	vld [tilespmem:s12+$0x10130]  }
0x53e: {  	v7 =	vadd.f32 v7, v6;
	v6 =	vld [tilespmem:s12+$0x10140];
	[tilespmem:s12+$0x14170] =	vst v3  }
0x53f: {  	v3 =	vld [tilespmem:s12+$0xC140];
	[tilespmem:s12+$0x14100] =	vst v5  }
0x540: {  	[tilespmem:s12+$0x14110] =	vst v7;
	v7 =	vadd.f32 v63, v8;
	v5 =	vld [tilespmem:s12+$0xC150]  }
.LBB2_28:
0x541: {  	s31 =	sadd.s32 $0x8, s31;
	v8 =	vld [tilespmem:s12+$0x10150];
	s30 =	sadd.s32 $0x400, s30  }
0x542: {  	s0 =	sand.u32 $0x380, s31;
	s1 =	sand.u32 $0x3C00, s30;
	p0 =	slt.u32 s31, $0x3F8;
	[tilespmem:s12+$0x14120] =	vst v7;
	v2 =	vadd.f32 v4, v2;
	v4 =	vld [tilespmem:s12+$0xC160]  }
0x543: {  	s0 =	sor.u32 s0, s1;
	v7 =	vld [tilespmem:s12+$0x10160]  }
0x544: {  	v9 =	vld [tilespmem:s0+$0xC170];
	[tilespmem:s12+$0x14130] =	vst v2;
	v2 =	vadd.f32 v6, v3  }
0x545: {  	v3 =	vld [tilespmem:s0+$0x10170]  }
0x546: {  	v6 =	vld [tilespmem:s0+$0xC100];
	[tilespmem:s12+$0x14140] =	vst v2;
	v2 =	vadd.f32 v8, v5  }
0x547: {  	v5 =	vld [tilespmem:s0+$0x10100]  }
0x548: {  	v8 =	vld [tilespmem:s0+$0xC110];
	[tilespmem:s12+$0x14150] =	vst v2;
	v2 =	vadd.f32 v7, v4  }
0x549: {  	v7 =	vld [tilespmem:s0+$0x10110]  }
0x54a: {  	v10 =	vld [tilespmem:s0+$0xC120];
	v3 =	vadd.f32 v3, v9;
	[tilespmem:s12+$0x14160] =	vst v2;
	s12 =	smov.u32 s0  }
0x54b: {  	v9 =	vld [tilespmem:s12+$0x10120]  }
.Ltmp13:
0x54c: {  	v5 =	vadd.f32 v5, v6;
	v2 =	vld [tilespmem:s12+$0xC130];
	[tilespmem:s12+$0x14170] =	vst v3;
	(pc) =	sbr.rel @p0 .LBB2_28-.Ltmp13, $4  }
0x54d: {  	v4 =	vld [tilespmem:s12+$0x10130]  }
0x54e: {  	[tilespmem:s12+$0x14100] =	vst v5;
	v5 =	vadd.f32 v7, v8;
	v3 =	vld [tilespmem:s12+$0xC140]  }
0x54f: {  	v6 =	vld [tilespmem:s12+$0x10140]  }
0x550: {  	[tilespmem:s12+$0x14110] =	vst v5;
	v7 =	vadd.f32 v9, v10;
	v5 =	vld [tilespmem:s12+$0xC150]  }
0x551: {  	v8 =	vld [tilespmem:s12+$0x10150]  }
0x552: {  	v9 =	vld [tilespmem:s12+$0xC160]  }
0x553: {  	v10 =	vld [tilespmem:s12+$0x10160];
	_ =	sdelay $0x1  }
0x554: {  	v2 =	vadd.f32 v4, v2  }
0x555: {  	[tilespmem:s12+$0x14120] =	vst v7;
	v3 =	vadd.f32 v6, v3  }
0x556: {  	[tilespmem:s12+$0x14130] =	vst v2;
	v2 =	vadd.f32 v8, v5  }
0x557: {  	[tilespmem:s12+$0x14140] =	vst v3;
	v3 =	vadd.f32 v10, v9  }
0x558: {  	[tilespmem:s12+$0x14150] =	vst v2  }
0x559: {  	[tilespmem:s12+$0x14160] =	vst v3  }
0x55a: {  	s30 =	simm.s32 $0x0;
	s0 =	rddreg [dreg:$0x13]  }
0x55b: {  	[hbm4b:s0+s30] =	stream.linear.scatter [tilespmem:s25], [sflag:$0x6], $0x4000, $0x38;
	[tilespmem:$0x18100] =	vst v63  }
0x55c: {  	v2 =	vld.msk [tilespmem:$0x78], $0xff;
	_ =	sdelay $0x4  }
0x55d: {  	v3 =	vshll.u32 v2, $0x4  }
0x55e: {  	v2 =	vand.u32 $0x7, v2;
	v3 =	vand.u32 $0xFFFFFF80, v3  }
0x55f: {  	v2 =	vor.u32 v2, v3  }
0x560: {  	v2 =	vperm.xlane v2, v0;
	_ =	sdelay $0x1  }
0x561: {  	v2 =	vadd.s32 v1, v2;
	_ =	sdelay $0x3  }
0x562: {  	s12 =	simm.s32 $0xC100  }
0x563: {  	[tilespmem:s12], [sflag:$0x3] =	stream.indirect_vreg.gather [hbm4b:s3+s30], $0x80, v2, vm0, $0xb8;
	[tilespmem:$0x18100] =	vst v63  }
0x564: {  	s1 =	simm.s32 $0xC900  }
0x565: {  	[tilespmem:s1], [sflag:$0x3] =	stream.indirect_vreg.gather [hbm4b:s6+s30], $0x80, v2, vm0, $0xb8;
	[tilespmem:$0x18100] =	vst v63  }
0x566: {  	s12 =	simm.s32 $0xD100  }
0x567: {  	[tilespmem:s12], [sflag:$0x3] =	stream.indirect_vreg.gather [hbm4b:s7+s30], $0x80, v2, vm0, $0xb8;
	[tilespmem:$0x18100] =	vst v63  }
0x568: {  	s1 =	simm.s32 $0xD900  }
0x569: {  	[tilespmem:s1], [sflag:$0x3] =	stream.indirect_vreg.gather [hbm4b:s8+s30], $0x80, v2, vm0, $0xb8;
	[tilespmem:$0x18100] =	vst v63  }
0x56a: {  	s12 =	simm.s32 $0xE100  }
0x56b: {  	[tilespmem:s12], [sflag:$0x3] =	stream.indirect_vreg.gather [hbm4b:s9+s30], $0x80, v2, vm0, $0xb8;
	[tilespmem:$0x18100] =	vst v63  }
0x56c: {  	s1 =	simm.s32 $0xE900  }
0x56d: {  	[tilespmem:s1], [sflag:$0x3] =	stream.indirect_vreg.gather [hbm4b:s10+s30], $0x80, v2, vm0, $0xb8;
	[tilespmem:$0x18100] =	vst v63  }
0x56e: {  	s12 =	simm.s32 $0xF100  }
0x56f: {  	[tilespmem:s12], [sflag:$0x3] =	stream.indirect_vreg.gather [hbm4b:s11+s30], $0x80, v2, vm0, $0xb8;
	[tilespmem:$0x18100] =	vst v63  }
0x570: {  	s1 =	simm.s32 $0xF900  }
0x571: {  	[tilespmem:s1], [sflag:$0x3] =	stream.indirect_vreg.gather [hbm4b:s13+s30], $0x80, v2, vm0, $0xb8;
	[tilespmem:$0x18100] =	vst v63  }
0x572: {  	v2 =	vld.msk [tilespmem:$0xF8], $0xff;
	_ =	sdelay $0x4  }
0x573: {  	v3 =	vshll.u32 v2, $0x4  }
0x574: {  	v2 =	vand.u32 $0x7, v2;
	v3 =	vand.u32 $0xFFFFFF80, v3  }
0x575: {  	v2 =	vor.u32 v2, v3  }
0x576: {  	v2 =	vperm.xlane v2, v0;
	_ =	sdelay $0x1  }
0x577: {  	v2 =	vadd.s32 v1, v2;
	_ =	sdelay $0x4  }
0x578: {  	[tilespmem:s4], [sflag:$0x4] =	stream.indirect_vreg.gather [hbm4b:s3+s30], $0x80, v2, vm0, $0xb8;
	[tilespmem:$0x18100] =	vst v63  }
0x579: {  	_ = 	snop  }
0x57a: {  	[tilespmem:s5], [sflag:$0x4] =	stream.indirect_vreg.gather [hbm4b:s6+s30], $0x80, v2, vm0, $0xb8;
	[tilespmem:$0x18100] =	vst v63  }
0x57b: {  	_ = 	snop  }
0x57c: {  	[tilespmem:s14], [sflag:$0x4] =	stream.indirect_vreg.gather [hbm4b:s7+s30], $0x80, v2, vm0, $0xb8;
	[tilespmem:$0x18100] =	vst v63  }
0x57d: {  	_ = 	snop  }
0x57e: {  	[tilespmem:s15], [sflag:$0x4] =	stream.indirect_vreg.gather [hbm4b:s8+s30], $0x80, v2, vm0, $0xb8;
	[tilespmem:$0x18100] =	vst v63  }
0x57f: {  	_ = 	snop  }
0x580: {  	[tilespmem:s16], [sflag:$0x4] =	stream.indirect_vreg.gather [hbm4b:s9+s30], $0x80, v2, vm0, $0xb8;
	[tilespmem:$0x18100] =	vst v63  }
0x581: {  	_ = 	snop  }
0x582: {  	[tilespmem:s17], [sflag:$0x4] =	stream.indirect_vreg.gather [hbm4b:s10+s30], $0x80, v2, vm0, $0xb8;
	[tilespmem:$0x18100] =	vst v63  }
0x583: {  	_ = 	snop  }
0x584: {  	[tilespmem:s18], [sflag:$0x4] =	stream.indirect_vreg.gather [hbm4b:s11+s30], $0x80, v2, vm0, $0xb8;
	[tilespmem:$0x18100] =	vst v63  }
0x585: {  	_ = 	snop  }
0x586: {  	[tilespmem:s19], [sflag:$0x4] =	stream.indirect_vreg.gather [hbm4b:s13+s30], $0x80, v2, vm0, $0xb8;
	[tilespmem:$0x18100] =	vst v63  }
0x587: {  	_ =	swait.ge [sflag:s20], $0x4000  }
0x588: {  	[sflag:s20] =	ssyncset.done $0x0  }
0x589: {  	[sflag:s20] =	ssyncadd.s32 $0xFFFFC000  }
0x58a: {  	_ =	swait.ge [sflag:s21], $0x4000  }
0x58b: {  	[sflag:s21] =	ssyncset.done $0x0  }
0x58c: {  	[sflag:s21] =	ssyncadd.s32 $0xFFFFC000  }
0x58d: {  	s31 =	simm.s32 $0x0;
	_ =	swait.ge [sflag:s26], $0x4000  }
0x58e: {  	s12 =	sand.u32 $0x380, s31;
	s1 =	sand.u32 $0x3C00, s30;
	[sflag:s26] =	ssyncset.done $0x0  }
0x58f: {  	s12 =	sor.u32 s12, s1;
	[sflag:s26] =	ssyncadd.s32 $0xFFFFC000  }
0x590: {  	v2 =	vld [tilespmem:s12+$0x170]  }
0x591: {  	v3 =	vld [tilespmem:s12+$0x4170]  }
0x592: {  	v4 =	vld [tilespmem:s12+$0x100]  }
0x593: {  	v5 =	vld [tilespmem:s12+$0x4100]  }
0x594: {  	v6 =	vld [tilespmem:s12+$0x110]  }
0x595: {  	v7 =	vld [tilespmem:s12+$0x4110]  }
0x596: {  	v8 =	vld [tilespmem:s12+$0x120]  }
0x597: {  	v63 =	vld [tilespmem:s12+$0x4120]  }
0x598: {  	v3 =	vadd.f32 v3, v2;
	v2 =	vld [tilespmem:s12+$0x130]  }
0x599: {  	v5 =	vadd.f32 v5, v4;
	v4 =	vld [tilespmem:s12+$0x4130]  }
0x59a: {  	v7 =	vadd.f32 v7, v6;
	v6 =	vld [tilespmem:s12+$0x4140];
	[tilespmem:s12+$0x8170] =	vst v3  }
0x59b: {  	v3 =	vld [tilespmem:s12+$0x140];
	[tilespmem:s12+$0x8100] =	vst v5  }
0x59c: {  	[tilespmem:s12+$0x8110] =	vst v7;
	v7 =	vadd.f32 v63, v8;
	v5 =	vld [tilespmem:s12+$0x150]  }
.LBB2_30:
0x59d: {  	s31 =	sadd.s32 $0x8, s31;
	v8 =	vld [tilespmem:s12+$0x4150];
	s30 =	sadd.s32 $0x400, s30  }
0x59e: {  	s0 =	sand.u32 $0x380, s31;
	s1 =	sand.u32 $0x3C00, s30;
	p0 =	slt.u32 s31, $0x3F8;
	[tilespmem:s12+$0x8120] =	vst v7;
	v2 =	vadd.f32 v4, v2;
	v4 =	vld [tilespmem:s12+$0x160]  }
0x59f: {  	s0 =	sor.u32 s0, s1;
	v7 =	vld [tilespmem:s12+$0x4160]  }
0x5a0: {  	v9 =	vld [tilespmem:s0+$0x170];
	[tilespmem:s12+$0x8130] =	vst v2;
	v2 =	vadd.f32 v6, v3  }
0x5a1: {  	v3 =	vld [tilespmem:s0+$0x4170]  }
0x5a2: {  	v6 =	vld [tilespmem:s0+$0x100];
	[tilespmem:s12+$0x8140] =	vst v2;
	v2 =	vadd.f32 v8, v5  }
0x5a3: {  	v5 =	vld [tilespmem:s0+$0x4100]  }
0x5a4: {  	v8 =	vld [tilespmem:s0+$0x110];
	[tilespmem:s12+$0x8150] =	vst v2;
	v2 =	vadd.f32 v7, v4  }
0x5a5: {  	v7 =	vld [tilespmem:s0+$0x4110]  }
0x5a6: {  	v10 =	vld [tilespmem:s0+$0x120];
	v3 =	vadd.f32 v3, v9;
	[tilespmem:s12+$0x8160] =	vst v2;
	s12 =	smov.u32 s0  }
0x5a7: {  	v9 =	vld [tilespmem:s12+$0x4120]  }
.Ltmp14:
0x5a8: {  	v5 =	vadd.f32 v5, v6;
	v2 =	vld [tilespmem:s12+$0x130];
	[tilespmem:s12+$0x8170] =	vst v3;
	(pc) =	sbr.rel @p0 .LBB2_30-.Ltmp14, $4  }
0x5a9: {  	v4 =	vld [tilespmem:s12+$0x4130]  }
0x5aa: {  	[tilespmem:s12+$0x8100] =	vst v5;
	v5 =	vadd.f32 v7, v8;
	v3 =	vld [tilespmem:s12+$0x140]  }
0x5ab: {  	v6 =	vld [tilespmem:s12+$0x4140]  }
0x5ac: {  	[tilespmem:s12+$0x8110] =	vst v5;
	v7 =	vadd.f32 v9, v10;
	v5 =	vld [tilespmem:s12+$0x150]  }
0x5ad: {  	v8 =	vld [tilespmem:s12+$0x4150]  }
0x5ae: {  	v9 =	vld [tilespmem:s12+$0x160]  }
0x5af: {  	v10 =	vld [tilespmem:s12+$0x4160];
	_ =	sdelay $0x1  }
0x5b0: {  	v2 =	vadd.f32 v4, v2  }
0x5b1: {  	[tilespmem:s12+$0x8120] =	vst v7;
	v3 =	vadd.f32 v6, v3  }
0x5b2: {  	[tilespmem:s12+$0x8130] =	vst v2;
	v2 =	vadd.f32 v8, v5  }
0x5b3: {  	[tilespmem:s12+$0x8140] =	vst v3;
	v3 =	vadd.f32 v10, v9  }
0x5b4: {  	[tilespmem:s12+$0x8150] =	vst v2  }
0x5b5: {  	[tilespmem:s12+$0x8160] =	vst v3  }
0x5b6: {  	s30 =	simm.s32 $0x0;
	s0 =	rddreg [dreg:$0x14]  }
0x5b7: {  	[hbm4b:s0+s30] =	stream.linear.scatter [tilespmem:s22], [sflag:$0x5], $0x4000, $0x38;
	[tilespmem:$0x18100] =	vst v63  }
0x5b8: {  	_ =	swait.ge [sflag:s23], $0x4000  }
0x5b9: {  	[sflag:s23] =	ssyncset.done $0x0  }
0x5ba: {  	[sflag:s23] =	ssyncadd.s32 $0xFFFFC000  }
0x5bb: {  	_ =	swait.ge [sflag:s24], $0x4000  }
0x5bc: {  	[sflag:s24] =	ssyncset.done $0x0  }
0x5bd: {  	[sflag:s24] =	ssyncadd.s32 $0xFFFFC000  }
0x5be: {  	s31 =	simm.s32 $0x0;
	_ =	swait.ge [sflag:s28], $0x4000  }
0x5bf: {  	s1 =	sand.u32 $0x3C00, s30;
	s12 =	sand.u32 $0x380, s31;
	[sflag:s28] =	ssyncset.done $0x0  }
0x5c0: {  	s12 =	sor.u32 s12, s1;
	[sflag:s28] =	ssyncadd.s32 $0xFFFFC000  }
0x5c1: {  	v2 =	vld [tilespmem:s12+$0xC170]  }
0x5c2: {  	v3 =	vld [tilespmem:s12+$0x10170]  }
0x5c3: {  	v4 =	vld [tilespmem:s12+$0xC100]  }
0x5c4: {  	v5 =	vld [tilespmem:s12+$0x10100]  }
0x5c5: {  	v6 =	vld [tilespmem:s12+$0xC110]  }
0x5c6: {  	v7 =	vld [tilespmem:s12+$0x10110]  }
0x5c7: {  	v8 =	vld [tilespmem:s12+$0xC120]  }
0x5c8: {  	v63 =	vld [tilespmem:s12+$0x10120]  }
0x5c9: {  	v3 =	vadd.f32 v3, v2;
	v2 =	vld [tilespmem:s12+$0xC130]  }
0x5ca: {  	v5 =	vadd.f32 v5, v4;
	v4 =	vld [tilespmem:s12+$0x10130]  }
0x5cb: {  	v7 =	vadd.f32 v7, v6;
	v6 =	vld [tilespmem:s12+$0x10140];
	[tilespmem:s12+$0x14170] =	vst v3  }
0x5cc: {  	v3 =	vld [tilespmem:s12+$0xC140];
	[tilespmem:s12+$0x14100] =	vst v5  }
0x5cd: {  	[tilespmem:s12+$0x14110] =	vst v7;
	v7 =	vadd.f32 v63, v8;
	v5 =	vld [tilespmem:s12+$0xC150]  }
.LBB2_32:
0x5ce: {  	s31 =	sadd.s32 $0x8, s31;
	v8 =	vld [tilespmem:s12+$0x10150];
	s30 =	sadd.s32 $0x400, s30  }
0x5cf: {  	s0 =	sand.u32 $0x380, s31;
	s1 =	sand.u32 $0x3C00, s30;
	p0 =	slt.u32 s31, $0x3F8;
	[tilespmem:s12+$0x14120] =	vst v7;
	v2 =	vadd.f32 v4, v2;
	v4 =	vld [tilespmem:s12+$0xC160]  }
0x5d0: {  	s0 =	sor.u32 s0, s1;
	v7 =	vld [tilespmem:s12+$0x10160]  }
0x5d1: {  	v9 =	vld [tilespmem:s0+$0xC170];
	[tilespmem:s12+$0x14130] =	vst v2;
	v2 =	vadd.f32 v6, v3  }
0x5d2: {  	v3 =	vld [tilespmem:s0+$0x10170]  }
0x5d3: {  	v6 =	vld [tilespmem:s0+$0xC100];
	[tilespmem:s12+$0x14140] =	vst v2;
	v2 =	vadd.f32 v8, v5  }
0x5d4: {  	v5 =	vld [tilespmem:s0+$0x10100]  }
0x5d5: {  	v8 =	vld [tilespmem:s0+$0xC110];
	[tilespmem:s12+$0x14150] =	vst v2;
	v2 =	vadd.f32 v7, v4  }
0x5d6: {  	v7 =	vld [tilespmem:s0+$0x10110]  }
0x5d7: {  	v10 =	vld [tilespmem:s0+$0xC120];
	v3 =	vadd.f32 v3, v9;
	[tilespmem:s12+$0x14160] =	vst v2;
	s12 =	smov.u32 s0  }
0x5d8: {  	v9 =	vld [tilespmem:s12+$0x10120]  }
.Ltmp15:
0x5d9: {  	v5 =	vadd.f32 v5, v6;
	v2 =	vld [tilespmem:s12+$0xC130];
	[tilespmem:s12+$0x14170] =	vst v3;
	(pc) =	sbr.rel @p0 .LBB2_32-.Ltmp15, $4  }
0x5da: {  	v4 =	vld [tilespmem:s12+$0x10130]  }
0x5db: {  	[tilespmem:s12+$0x14100] =	vst v5;
	v5 =	vadd.f32 v7, v8;
	v3 =	vld [tilespmem:s12+$0xC140]  }
0x5dc: {  	v6 =	vld [tilespmem:s12+$0x10140]  }
0x5dd: {  	[tilespmem:s12+$0x14110] =	vst v5;
	v7 =	vadd.f32 v9, v10;
	v5 =	vld [tilespmem:s12+$0xC150]  }
0x5de: {  	v8 =	vld [tilespmem:s12+$0x10150]  }
0x5df: {  	v9 =	vld [tilespmem:s12+$0xC160]  }
0x5e0: {  	v10 =	vld [tilespmem:s12+$0x10160];
	_ =	sdelay $0x1  }
0x5e1: {  	v2 =	vadd.f32 v4, v2  }
0x5e2: {  	[tilespmem:s12+$0x14120] =	vst v7;
	v3 =	vadd.f32 v6, v3  }
0x5e3: {  	[tilespmem:s12+$0x14130] =	vst v2;
	v2 =	vadd.f32 v8, v5  }
0x5e4: {  	[tilespmem:s12+$0x14140] =	vst v3;
	v3 =	vadd.f32 v10, v9  }
0x5e5: {  	[tilespmem:s12+$0x14150] =	vst v2  }
0x5e6: {  	[tilespmem:s12+$0x14160] =	vst v3  }
0x5e7: {  	s0 =	rddreg [dreg:$0x15]  }
0x5e8: {  	[hbm4b:s0+s2] =	stream.linear.scatter [tilespmem:s25], [sflag:$0x6], $0x4000, $0x38;
	[tilespmem:$0x18100] =	vst v63  }
0x5e9: {  	_ =	swait.ge [sflag:s26], $0x4000  }
0x5ea: {  	[sflag:s26] =	ssyncset.done $0x0  }
0x5eb: {  	[sflag:s26] =	ssyncadd.s32 $0xFFFFC000  }
0x5ec: {  	_ =	swait.ge [sflag:s28], $0x4000  }
0x5ed: {  	s29 =	sadd.s32 $0x1, s29;
	s31 =	rddreg [dreg:$0x11]  }
0x5ee: {  	p0 =	sne.s32 s29, s31  }
.Ltmp16:
0x5ef: {  	_ = 	snop;
	(pc) =	sbr.rel @p0 .LBB2_1-.Ltmp16, $3  }
0x5f0: {  	_ =	sdelay $0x1  }
0x5f1: {  	[sflag:s28] =	ssyncset.done $0x0  }
0x5f2: {  	[sflag:s28] =	ssyncadd.s32 $0xFFFFC000  }
0x5f3: {  	_ =	sfence.sel $0x180000  }
0x5f4: {  	[bflag:$0x0] =	sbarrier.arrive $0xFFFF  }
0x5f5: {  	_ =	strace $0x9000004D  }
0x5f6: {  	s0 =	stileid.u32;
	[bflag:$0x2] =	sbarrier.arrive $0xFFFF  }
0x5f7: {  	p0 =	sne.s32 s0, $0x0;
	s0 =	rddreg [dreg:$0x2]  }
0x5f8: {  	s0 =	sadd.s32 @!p0 $0x100000, s0  }
0x5f9: {  	[sflag:s0] =	ssyncadd.tile.s32 @!p0 $0x1;
	_ =	shalt  }
.Lfunc_end2:
_tile_overlayer_lowered:
.L_overlay_start_2:
0x5fa: {  	(tag) =	ssettag $0x2  }
0x5fb: {  	s0 =	rddreg [dreg:$0x0];
	s2 =	stileid.u32  }
0x5fc: {  	s1 =	rddreg [dreg:$0x1];
	p0 =	sne.s32 s2, $0x0  }
0x5fd: {  	s3 =	rddreg [dreg:$0x2];
	[bflag:$0x3] =	sbarrier.arrive $0xFFFF;
	s2 =	simm.s32 @!p0 $0x1C07  }
0x5fe: {  	[timem:s3], [sflag:s2] =	dma.local @!p0 [hbm:s0], s1  }
0x5ff: {  	s0 =	simm.s32 @!p0 $0x7  }
0x600: {  	_ =	swait.ge @!p0 [sflag:s0], s1  }
0x601: {  	s1 =	ssub.s32 @!p0 $0x0, s1;
	[sflag:s0] =	ssyncset.done @!p0 $0x0  }
0x602: {  	[sflag:s0] =	ssyncadd.s32 @!p0 s1  }
0x603: {  	[bflag:$0x3] =	sbarrier.arrive $0xFFFF  }
0x604: {  	_ =	shalt  }

</sc_bundles>
